<compile_context>
chip_gen: v7x
topology: tpu7x:2x2x1
jax: 0.10.2.dev20260603
libtpu: 0.0.44.dev20260713+nightly
codegen_flags: <defaults>
</compile_context>

<pallas_src>
import functools

import jax
import jax.numpy as jnp
from jax import lax
from jax.experimental import pallas as pl
from jax.experimental.pallas import tpu as pltpu
from jax.experimental.pallas import tpu_sc as plsc

_N = 10000
_E = 320000
_F = 128
_G = 64

_NCORES = 2
_NSUB = 16
_NTILES = _NCORES * _NSUB
_CH = 128
_K0 = 108
_K1 = 49
_IB = 45
_TRASH = _N
_RPT = 624
_REM = _N - _RPT * _NSUB
_ZR = 16


def _sc_aggregate(h, idx0, idx1):
  mesh = plsc.VectorSubcoreMesh(core_axis_name="c", subcore_axis_name="s")

  @functools.partial(
      pl.kernel,
      out_type=jax.ShapeDtypeStruct((_NCORES, _N, _F), jnp.float32),
      mesh=mesh,
      scratch_types=[
          pltpu.VMEM((_IB, 2, _CH), jnp.int32),
          pltpu.VMEM((_CH, _F), jnp.float32),
          pltpu.VMEM((_CH, _F), jnp.float32),
          pltpu.VMEM((_ZR, _F), jnp.float32),
          pltpu.VMEM_SHARED((_N + 8, _F), jnp.float32),
          pltpu.SemaphoreType.DMA,
          pltpu.SemaphoreType.DMA,
      ],
  )
  def agg(h_hbm, idx0_hbm, idx1_hbm, out_hbm, ibuf, bufa, bufb, zbuf, part,
          gsa, gsb):
    cid = lax.axis_index("c")
    sid = lax.axis_index("s")
    tid = cid * _NSUB + sid
    zvec = jnp.zeros((16,), jnp.float32)

    def zrow(i, carry):
      for j in range(_F // 16):
        zbuf[i, pl.ds(j * 16, 16)] = zvec
      return carry

    lax.fori_loop(0, _ZR, zrow, 0)

    def zcopy(j, carry):
      pltpu.sync_copy(zbuf, part.at[pl.ds(sid * _RPT + j * _ZR, _ZR)])
      return carry

    lax.fori_loop(0, _RPT // _ZR, zcopy, 0)
    @pl.when(sid == 0)
    def _():
      pltpu.sync_copy(zbuf.at[pl.ds(0, _REM)],
                      part.at[pl.ds(_RPT * _NSUB, _REM)])
    plsc.subcore_barrier()

    def fire(k, buf, sem):
      pltpu.async_copy(h_hbm.at[ibuf.at[k, 0]], buf, sem)

    def drain(k, buf, sem):
      pltpu.make_async_copy(h_hbm.at[ibuf.at[k, 0]], buf, sem).wait()

    def scat(k, buf):
      pltpu.sync_copy(buf, part.at[ibuf.at[k, 1]], add=True)

    def run_block(idx_hbm, base, n):
      pltpu.sync_copy(idx_hbm.at[sid, pl.ds(base, n)], ibuf.at[pl.ds(0, n)])
      fire(0, bufa, gsa)

      def pair(i, carry):
        k = 2 * i
        fire(k + 1, bufb, gsb)
        drain(k, bufa, gsa)
        scat(k, bufa)
        fire(k + 2, bufa, gsa)
        drain(k + 1, bufb, gsb)
        scat(k + 1, bufb)
        return carry

      m = (n - 1) // 2
      lax.fori_loop(0, m, pair, 0)
      if n % 2 == 1:
        drain(n - 1, bufa, gsa)
        scat(n - 1, bufa)
      else:
        fire(n - 1, bufb, gsb)
        drain(n - 2, bufa, gsa)
        scat(n - 2, bufa)
        drain(n - 1, bufb, gsb)
        scat(n - 1, bufb)

    def run_core(idx_hbm, k):
      for base in range(0, k, _IB):
        run_block(idx_hbm, base, min(_IB, k - base))

    @pl.when(cid == 0)
    def _():
      run_core(idx0_hbm, _K0)

    @pl.when(cid == 1)
    def _():
      run_core(idx1_hbm, _K1)
    plsc.subcore_barrier()
    pltpu.sync_copy(part.at[pl.ds(sid * _RPT, _RPT)],
                    out_hbm.at[cid, pl.ds(sid * _RPT, _RPT)])
    @pl.when(sid == 0)
    def _():
      pltpu.sync_copy(part.at[pl.ds(_RPT * _NSUB, _REM)],
                      out_hbm.at[cid, pl.ds(_RPT * _NSUB, _REM)])

  return agg(h, idx0, idx1)


def _tc_layer(h, parts, W1, b1, W2, b2, g, bt):

  def body(h_ref, p_ref, w1_ref, b1_ref, w2_ref, b2_ref, g_ref, bt_ref, o_ref):
    h2 = h_ref[...] + p_ref[0] + p_ref[1]
    z = jnp.dot(h2, w1_ref[...], preferred_element_type=jnp.float32) + b1_ref[...]
    z = jnp.maximum(z, 0.0)
    z = jnp.dot(z, w2_ref[...], preferred_element_type=jnp.float32) + b2_ref[...]
    mean = jnp.mean(z, axis=0, keepdims=True)
    d = z - mean
    var = jnp.mean(d * d, axis=0, keepdims=True)
    scale = g_ref[...] * lax.rsqrt(var + 1e-5)
    o_ref[...] = jnp.maximum(d * scale + bt_ref[...], 0.0)

  return pl.pallas_call(
      body,
      out_shape=jax.ShapeDtypeStruct((_N, _F), jnp.float32),
  )(h, parts, W1, b1.reshape(1, _F), W2, b2.reshape(1, _F),
    g.reshape(1, _F), bt.reshape(1, _F))


def _tc_final(h, parts, W1, b1, W2, b2, g, bt, batch_idx, Wp, bp):

  def body(h_ref, p_ref, w1_ref, b1_ref, w2_ref, b2_ref, g_ref, bt_ref,
           bi_ref, wp_ref, bp_ref, o_ref):
    h2 = h_ref[...] + p_ref[0] + p_ref[1]
    z = jnp.dot(h2, w1_ref[...], preferred_element_type=jnp.float32) + b1_ref[...]
    z = jnp.maximum(z, 0.0)
    z = jnp.dot(z, w2_ref[...], preferred_element_type=jnp.float32) + b2_ref[...]
    mean = jnp.mean(z, axis=0, keepdims=True)
    d = z - mean
    var = jnp.mean(d * d, axis=0, keepdims=True)
    scale = g_ref[...] * lax.rsqrt(var + 1e-5)
    z = jnp.maximum(d * scale + bt_ref[...], 0.0)
    onehot = (bi_ref[...] == lax.broadcasted_iota(jnp.int32, (1, _G), 1)
              ).astype(jnp.float32)
    sums = lax.dot_general(onehot, z, (((0,), (0,)), ((), ())),
                           preferred_element_type=jnp.float32)
    cnts = jnp.sum(onehot, axis=0, keepdims=True)
    pooled = sums * (1.0 / jnp.maximum(cnts, 1.0)).T
    out = jnp.dot(pooled, wp_ref[...], preferred_element_type=jnp.float32)
    o_ref[...] = jnp.maximum(out + bp_ref[...], 0.0)

  return pl.pallas_call(
      body,
      out_shape=jax.ShapeDtypeStruct((_G, _G), jnp.float32),
  )(h, parts, W1, b1.reshape(1, _F), W2, b2.reshape(1, _F),
    g.reshape(1, _F), bt.reshape(1, _F), batch_idx.reshape(_N, 1),
    Wp, bp.reshape(1, _G))


def kernel(x, edge_index, batch_idx, W1_0, b1_0, W2_0, b2_0, g_0, bt_0,
           W1_1, b1_1, W2_1, b2_1, g_1, bt_1, W1_2, b1_2, W2_2, b2_2, g_2,
           bt_2, Wp, bp):
  src = edge_index[0]
  dst = edge_index[1]
  e0 = _NSUB * _K0 * _CH
  cap1 = _NSUB * _K1 * _CH
  pad = e0 + cap1 - _E

  def mk(v, fill, k, lo, hi, padn):
    vv = jnp.concatenate([v[lo:hi], jnp.full((padn,), fill, jnp.int32)]) \
        if padn else v[lo:hi]
    return vv.reshape(_NSUB, k, _CH)

  idx0 = jnp.stack([mk(src, 0, _K0, 0, e0, 0),
                    mk(dst, _TRASH, _K0, 0, e0, 0)], axis=2)
  idx1 = jnp.stack([mk(src, 0, _K1, e0, _E, pad),
                    mk(dst, _TRASH, _K1, e0, _E, pad)], axis=2)

  h = x
  parts = _sc_aggregate(h, idx0, idx1)
  h = _tc_layer(h, parts, W1_0, b1_0, W2_0, b2_0, g_0, bt_0)
  parts = _sc_aggregate(h, idx0, idx1)
  h = _tc_layer(h, parts, W1_1, b1_1, W2_1, b2_1, g_1, bt_1)
  parts = _sc_aggregate(h, idx0, idx1)
  return _tc_final(h, parts, W1_2, b1_2, W2_2, b2_2, g_2, bt_2,
                   batch_idx, Wp, bp)

# --- scband reference (transcript-rebuilt; emitter-appended) ---
"""Pipeline reference for scband-ginmodel-2190433321023 (READ-ONLY COPY).

The authoritative reference and input builder live on the scoring server;
editing this copy changes nothing except your own understanding.
"""

import jax, jax.numpy as jnp
import numpy as np

N = 10000
E = 320000
F = 128
H = 128
G = 64
EMB = 64

def setup_inputs(seed: int = 0):
    key = jax.random.key(seed)
    ks = jax.random.split(key, 32)
    inp = {}
    inp["x"] = jax.random.normal(ks[0], (N, F), dtype=jnp.float32)
    inp["edge_index"] = jax.random.randint(ks[1], (2, E), 0, N, dtype=jnp.int32)
    inp["batch_idx"] = jnp.sort(jax.random.randint(ks[2], (N,), 0, G, dtype=jnp.int32))
    dims = [F, H, H, H]
    k = 3
    for i in range(3):
        din, dout = dims[i], dims[i + 1]
        inp[f"W1_{i}"] = jax.random.normal(ks[k], (din, dout), dtype=jnp.float32) * 0.05
        k += 1
        inp[f"b1_{i}"] = jnp.zeros((dout,), dtype=jnp.float32)
        inp[f"W2_{i}"] = jax.random.normal(ks[k], (dout, dout), dtype=jnp.float32) * 0.05
        k += 1
        inp[f"b2_{i}"] = jnp.zeros((dout,), dtype=jnp.float32)
        inp[f"g_{i}"] = jnp.ones((dout,), dtype=jnp.float32)
        inp[f"bt_{i}"] = jnp.zeros((dout,), dtype=jnp.float32)
    inp["Wp"] = jax.random.normal(ks[k], (H, EMB), dtype=jnp.float32) * 0.05
    inp["bp"] = jnp.zeros((EMB,), dtype=jnp.float32)
    return inp

def _gin_block(h, src, dst, W1, b1, W2, b2, g, bt):
    # GINConv with eps=0: mlp((1+eps)*x + sum_{j in N(i)} x_j)
    agg = jnp.zeros_like(h).at[dst].add(h[src])
    h2 = h + agg
    h2 = jnp.maximum(h2 @ W1 + b1, 0.0) @ W2 + b2
    # BatchNorm (batch statistics, affine)
    mean = jnp.mean(h2, axis=0)
    var = jnp.var(h2, axis=0)
    h2 = (h2 - mean) / jnp.sqrt(var + 1e-5) * g + bt
    # ReLU (dropout is identity in deterministic/eval reference)
    return jnp.maximum(h2, 0.0)

def reference(x, edge_index, batch_idx, W1_0, b1_0, W2_0, b2_0, g_0, bt_0, W1_1, b1_1, W2_1, b2_1, g_1, bt_1, W1_2, b1_2, W2_2, b2_2, g_2, bt_2, Wp, bp):
    src = edge_index[0]
    dst = edge_index[1]
    h = _gin_block(x, src, dst, W1_0, b1_0, W2_0, b2_0, g_0, bt_0)
    h = _gin_block(h, src, dst, W1_1, b1_1, W2_1, b2_1, g_1, bt_1)
    h = _gin_block(h, src, dst, W1_2, b1_2, W2_2, b2_2, g_2, bt_2)
    sums = jax.ops.segment_sum(h, batch_idx, num_segments=G)
    cnts = jax.ops.segment_sum(jnp.ones((h.shape[0],), dtype=h.dtype), batch_idx, num_segments=G)
    pooled = sums / jnp.maximum(cnts, 1.0)[:, None]
    return jnp.maximum(pooled @ Wp + bp, 0.0)

if __name__ == "__main__":
    import jax
    _d = setup_inputs()
    print(jax.jit(kernel)(*tuple(_d.values())))

</pallas_src>

<mosaic_0001>
#map = affine_map<(d0, d1) -> (0, 0)>
#map1 = affine_map<(d0, d1) -> (0, 0, 0, 0)>
#map2 = affine_map<(d0, d1) -> (0, 0, 0)>
module attributes {stable_mosaic.version = 14 : i64} {
  func.func @agg(%arg0: i32, %arg1: i32, %arg2: memref<10000x128xf32, #tpu.memory_space<hbm>>, %arg3: memref<16x108x2x128xi32, #tpu.memory_space<hbm>>, %arg4: memref<16x49x2x128xi32, #tpu.memory_space<hbm>>, %arg5: memref<2x10000x128xf32, #tpu.memory_space<hbm>>, %arg6: memref<45x2x128xi32, #tpu.memory_space<vmem>>, %arg7: memref<128x128xf32, #tpu.memory_space<vmem>>, %arg8: memref<128x128xf32, #tpu.memory_space<vmem>>, %arg9: memref<16x128xf32, #tpu.memory_space<vmem>>, %arg10: memref<10008x128xf32, #tpu.memory_space<vmem_shared>>, %arg11: memref<!tpu.dma_semaphore, #tpu.memory_space<semaphore_mem>>, %arg12: memref<!tpu.dma_semaphore, #tpu.memory_space<semaphore_mem>>) attributes {dimension_semantics = [#tpu.dimension_semantics<core_parallel>, #tpu.dimension_semantics<subcore_parallel>], iteration_bounds = array<i64: 2, 16>, scalar_prefetch = 0 : i64, scratch_operands = 7 : i64, tpu.core_type = #tpu.core_type<sc_vector_subcore>, window_params = [{transform_indices = #map}, {transform_indices = #map1}, {transform_indices = #map1}, {transform_indices = #map2}]} {
    %mul3A = arith.constant 16 : i32
    %mul3A_0 = arith.muli %arg0, %mul3A : i32
    %add3A = arith.addi %mul3A_0, %arg1 : i32
    %broadcast_in_dim3A = arith.constant 0.000000e+00 : f32
    %broadcast_in_dim3A_1 = vector.broadcast %broadcast_in_dim3A : f32 to vector<16xf32>
    %scan3A = arith.constant 0 : i32
    %scan3A_2 = arith.constant 0 : i32
    %scan3A_3 = arith.constant 16 : i32
    %scan3A_4 = arith.addi %scan3A_2, %scan3A_3 : i32
    %scan3A_5 = arith.constant 1 : i32
    scf.for %scan3A_35 = %scan3A_2 to %scan3A_4 step %scan3A_5  : i32 {
      %swap3A = arith.index_cast %scan3A_35 : i32 to index
      %swap3A_36 = arith.constant 0 : index
      %swap3A_37 = tpu.vector_load %arg9[%swap3A, %swap3A_36] {strides = array<i32>} : memref<16x128xf32, #tpu.memory_space<vmem>>, vector<1x16xf32>,
      %swap3A_38 = vector.shape_cast %swap3A_37 : vector<1x16xf32> to vector<16xf32>
      %swap3A_39 = vector.shape_cast %broadcast_in_dim3A_1 : vector<16xf32> to vector<1x16xf32>
      tpu.vector_store %arg9[%swap3A, %swap3A_36], %swap3A_39 {strides = array<i32>} : memref<16x128xf32, #tpu.memory_space<vmem>>, vector<1x16xf32>,
      %swap3A_40 = arith.index_cast %scan3A_35 : i32 to index
      %swap3A_41 = arith.constant 16 : index
      %swap3A_42 = tpu.vector_load %arg9[%swap3A_40, %swap3A_41] {strides = array<i32>} : memref<16x128xf32, #tpu.memory_space<vmem>>, vector<1x16xf32>,
      %swap3A_43 = vector.shape_cast %swap3A_42 : vector<1x16xf32> to vector<16xf32>
      %swap3A_44 = vector.shape_cast %broadcast_in_dim3A_1 : vector<16xf32> to vector<1x16xf32>
      tpu.vector_store %arg9[%swap3A_40, %swap3A_41], %swap3A_44 {strides = array<i32>} : memref<16x128xf32, #tpu.memory_space<vmem>>, vector<1x16xf32>,
      %swap3A_45 = arith.index_cast %scan3A_35 : i32 to index
      %swap3A_46 = arith.constant 32 : index
      %swap3A_47 = tpu.vector_load %arg9[%swap3A_45, %swap3A_46] {strides = array<i32>} : memref<16x128xf32, #tpu.memory_space<vmem>>, vector<1x16xf32>,
      %swap3A_48 = vector.shape_cast %swap3A_47 : vector<1x16xf32> to vector<16xf32>
      %swap3A_49 = vector.shape_cast %broadcast_in_dim3A_1 : vector<16xf32> to vector<1x16xf32>
      tpu.vector_store %arg9[%swap3A_45, %swap3A_46], %swap3A_49 {strides = array<i32>} : memref<16x128xf32, #tpu.memory_space<vmem>>, vector<1x16xf32>,
      %swap3A_50 = arith.index_cast %scan3A_35 : i32 to index
      %swap3A_51 = arith.constant 48 : index
      %swap3A_52 = tpu.vector_load %arg9[%swap3A_50, %swap3A_51] {strides = array<i32>} : memref<16x128xf32, #tpu.memory_space<vmem>>, vector<1x16xf32>,
      %swap3A_53 = vector.shape_cast %swap3A_52 : vector<1x16xf32> to vector<16xf32>
      %swap3A_54 = vector.shape_cast %broadcast_in_dim3A_1 : vector<16xf32> to vector<1x16xf32>
      tpu.vector_store %arg9[%swap3A_50, %swap3A_51], %swap3A_54 {strides = array<i32>} : memref<16x128xf32, #tpu.memory_space<vmem>>, vector<1x16xf32>,
      %swap3A_55 = arith.index_cast %scan3A_35 : i32 to index
      %swap3A_56 = arith.constant 64 : index
      %swap3A_57 = tpu.vector_load %arg9[%swap3A_55, %swap3A_56] {strides = array<i32>} : memref<16x128xf32, #tpu.memory_space<vmem>>, vector<1x16xf32>,
      %swap3A_58 = vector.shape_cast %swap3A_57 : vector<1x16xf32> to vector<16xf32>
      %swap3A_59 = vector.shape_cast %broadcast_in_dim3A_1 : vector<16xf32> to vector<1x16xf32>
      tpu.vector_store %arg9[%swap3A_55, %swap3A_56], %swap3A_59 {strides = array<i32>} : memref<16x128xf32, #tpu.memory_space<vmem>>, vector<1x16xf32>,
      %swap3A_60 = arith.index_cast %scan3A_35 : i32 to index
      %swap3A_61 = arith.constant 80 : index
      %swap3A_62 = tpu.vector_load %arg9[%swap3A_60, %swap3A_61] {strides = array<i32>} : memref<16x128xf32, #tpu.memory_space<vmem>>, vector<1x16xf32>,
      %swap3A_63 = vector.shape_cast %swap3A_62 : vector<1x16xf32> to vector<16xf32>
      %swap3A_64 = vector.shape_cast %broadcast_in_dim3A_1 : vector<16xf32> to vector<1x16xf32>
      tpu.vector_store %arg9[%swap3A_60, %swap3A_61], %swap3A_64 {strides = array<i32>} : memref<16x128xf32, #tpu.memory_space<vmem>>, vector<1x16xf32>,
      %swap3A_65 = arith.index_cast %scan3A_35 : i32 to index
      %swap3A_66 = arith.constant 96 : index
      %swap3A_67 = tpu.vector_load %arg9[%swap3A_65, %swap3A_66] {strides = array<i32>} : memref<16x128xf32, #tpu.memory_space<vmem>>, vector<1x16xf32>,
      %swap3A_68 = vector.shape_cast %swap3A_67 : vector<1x16xf32> to vector<16xf32>
      %swap3A_69 = vector.shape_cast %broadcast_in_dim3A_1 : vector<16xf32> to vector<1x16xf32>
      tpu.vector_store %arg9[%swap3A_65, %swap3A_66], %swap3A_69 {strides = array<i32>} : memref<16x128xf32, #tpu.memory_space<vmem>>, vector<1x16xf32>,
      %swap3A_70 = arith.index_cast %scan3A_35 : i32 to index
      %swap3A_71 = arith.constant 112 : index
      %swap3A_72 = tpu.vector_load %arg9[%swap3A_70, %swap3A_71] {strides = array<i32>} : memref<16x128xf32, #tpu.memory_space<vmem>>, vector<1x16xf32>,
      %swap3A_73 = vector.shape_cast %swap3A_72 : vector<1x16xf32> to vector<16xf32>
      %swap3A_74 = vector.shape_cast %broadcast_in_dim3A_1 : vector<16xf32> to vector<1x16xf32>
      tpu.vector_store %arg9[%swap3A_70, %swap3A_71], %swap3A_74 {strides = array<i32>} : memref<16x128xf32, #tpu.memory_space<vmem>>, vector<1x16xf32>,
    }
    %scan3A_6 = arith.constant 16 : i32
    %scan3A_7 = arith.constant 0 : i32
    %scan3A_8 = arith.constant 0 : i32
    %scan3A_9 = arith.constant 39 : i32
    %scan3A_10 = arith.addi %scan3A_8, %scan3A_9 : i32
    %scan3A_11 = arith.constant 1 : i32
    scf.for %scan3A_35 = %scan3A_8 to %scan3A_10 step %scan3A_11  : i32 {
      %mul3A_36 = arith.constant 624 : i32
      %mul3A_37 = arith.muli %arg1, %mul3A_36 : i32
      %mul3A_38 = arith.constant 16 : i32
      %mul3A_39 = arith.muli %scan3A_35, %mul3A_38 : i32
      %add3A_40 = arith.addi %mul3A_37, %mul3A_39 : i32
      "tpu.region"() ({
        %run_scoped3A = tpu.sem_alloc : memref<!tpu.dma_semaphore, #tpu.memory_space<semaphore_mem>>
        %dma_start3A = arith.constant 0 : i32
        %dma_start3A_41 = tpu.memref_slice %arg10[%add3A_40, %dma_start3A] : memref<10008x128xf32, #tpu.memory_space<vmem_shared>> -> memref<16x128xf32, #tpu.memory_space<vmem_shared>>
        %dma_start3A_42 = arith.constant 0 : i32
        %dma_start3A_43 = tpu.memref_slice %arg10[%add3A_40, %dma_start3A_42] : memref<10008x128xf32, #tpu.memory_space<vmem_shared>> -> memref<16x128xf32, #tpu.memory_space<vmem_shared>>
        tpu.enqueue_dma source(%arg9 : memref<16x128xf32, #tpu.memory_space<vmem>>) target(%dma_start3A_43 : memref<16x128xf32, #tpu.memory_space<vmem_shared>>) target_semaphore(%run_scoped3A : memref<!tpu.dma_semaphore, #tpu.memory_space<semaphore_mem>>)
        %dma_wait3A = arith.constant 0 : i32
        %dma_wait3A_44 = tpu.memref_slice %arg10[%add3A_40, %dma_wait3A] : memref<10008x128xf32, #tpu.memory_space<vmem_shared>> -> memref<16x128xf32, #tpu.memory_space<vmem_shared>>
        %dma_wait3A_45 = arith.constant 0 : i32
        %dma_wait3A_46 = tpu.memref_slice %arg10[%add3A_40, %dma_wait3A_45] : memref<10008x128xf32, #tpu.memory_space<vmem_shared>> -> memref<16x128xf32, #tpu.memory_space<vmem_shared>>
        tpu.wait_dma2 semaphore(%run_scoped3A : memref<!tpu.dma_semaphore, #tpu.memory_space<semaphore_mem>>) src(%arg9 : memref<16x128xf32, #tpu.memory_space<vmem>>) dst(%dma_wait3A_46 : memref<16x128xf32, #tpu.memory_space<vmem_shared>>)
        tpu.yield
      }) : () -> ()
    }
    %scan3A_12 = arith.constant 39 : i32
    %eq3A = arith.constant 0 : i32
    %eq3A_13 = arith.cmpi eq, %arg1, %eq3A : i32
    %convert_element_type3A = arith.extui %eq3A_13 : i1 to i32
    %cond3A = arith.constant 0 : i32
    %cond3A_14 = arith.cmpi ne, %convert_element_type3A, %cond3A : i32
    scf.if %cond3A_14 {
      "tpu.region"() ({
        %run_scoped3A = tpu.sem_alloc : memref<!tpu.dma_semaphore, #tpu.memory_space<semaphore_mem>>
        %dma_start3A = arith.constant 0 : i32
        %dma_start3A_35 = arith.constant 0 : i32
        %dma_start3A_36 = tpu.memref_slice %arg9[%dma_start3A, %dma_start3A_35] : memref<16x128xf32, #tpu.memory_space<vmem>> -> memref<16x128xf32, #tpu.memory_space<vmem>>
        %dma_start3A_37 = arith.constant 9984 : i32
        %dma_start3A_38 = arith.constant 0 : i32
        %dma_start3A_39 = tpu.memref_slice %arg10[%dma_start3A_37, %dma_start3A_38] : memref<10008x128xf32, #tpu.memory_space<vmem_shared>> -> memref<16x128xf32, #tpu.memory_space<vmem_shared>>
        %dma_start3A_40 = arith.constant 9984 : i32
        %dma_start3A_41 = arith.constant 0 : i32
        %dma_start3A_42 = tpu.memref_slice %arg10[%dma_start3A_40, %dma_start3A_41] : memref<10008x128xf32, #tpu.memory_space<vmem_shared>> -> memref<16x128xf32, #tpu.memory_space<vmem_shared>>
        %dma_start3A_43 = arith.constant 0 : i32
        %dma_start3A_44 = arith.constant 0 : i32
        %dma_start3A_45 = tpu.memref_slice %arg9[%dma_start3A_43, %dma_start3A_44] : memref<16x128xf32, #tpu.memory_space<vmem>> -> memref<16x128xf32, #tpu.memory_space<vmem>>
        tpu.enqueue_dma source(%dma_start3A_45 : memref<16x128xf32, #tpu.memory_space<vmem>>) target(%dma_start3A_42 : memref<16x128xf32, #tpu.memory_space<vmem_shared>>) target_semaphore(%run_scoped3A : memref<!tpu.dma_semaphore, #tpu.memory_space<semaphore_mem>>)
        %dma_wait3A = arith.constant 0 : i32
        %dma_wait3A_46 = arith.constant 0 : i32
        %dma_wait3A_47 = tpu.memref_slice %arg9[%dma_wait3A, %dma_wait3A_46] : memref<16x128xf32, #tpu.memory_space<vmem>> -> memref<16x128xf32, #tpu.memory_space<vmem>>
        %dma_wait3A_48 = arith.constant 9984 : i32
        %dma_wait3A_49 = arith.constant 0 : i32
        %dma_wait3A_50 = tpu.memref_slice %arg10[%dma_wait3A_48, %dma_wait3A_49] : memref<10008x128xf32, #tpu.memory_space<vmem_shared>> -> memref<16x128xf32, #tpu.memory_space<vmem_shared>>
        %dma_wait3A_51 = arith.constant 9984 : i32
        %dma_wait3A_52 = arith.constant 0 : i32
        %dma_wait3A_53 = tpu.memref_slice %arg10[%dma_wait3A_51, %dma_wait3A_52] : memref<10008x128xf32, #tpu.memory_space<vmem_shared>> -> memref<16x128xf32, #tpu.memory_space<vmem_shared>>
        %dma_wait3A_54 = arith.constant 0 : i32
        %dma_wait3A_55 = arith.constant 0 : i32
        %dma_wait3A_56 = tpu.memref_slice %arg9[%dma_wait3A_54, %dma_wait3A_55] : memref<16x128xf32, #tpu.memory_space<vmem>> -> memref<16x128xf32, #tpu.memory_space<vmem>>
        tpu.wait_dma2 semaphore(%run_scoped3A : memref<!tpu.dma_semaphore, #tpu.memory_space<semaphore_mem>>) src(%dma_wait3A_56 : memref<16x128xf32, #tpu.memory_space<vmem>>) dst(%dma_wait3A_53 : memref<16x128xf32, #tpu.memory_space<vmem_shared>>)
        tpu.yield
      }) : () -> ()
    } else {
    }
    %barrier3A = arith.constant 0 : index
    tpu.barrier barrier_id(%barrier3A)
    %eq3A_15 = arith.constant 0 : i32
    %eq3A_16 = arith.cmpi eq, %arg0, %eq3A_15 : i32
    %convert_element_type3A_17 = arith.extui %eq3A_16 : i1 to i32
    %cond3A_18 = arith.constant 0 : i32
    %cond3A_19 = arith.cmpi ne, %convert_element_type3A_17, %cond3A_18 : i32
    scf.if %cond3A_19 {
      "tpu.region"() ({
        %run_scoped3A_122 = tpu.sem_alloc : memref<!tpu.dma_semaphore, #tpu.memory_space<semaphore_mem>>
        %dma_start3A_123 = arith.constant 0 : i32
        %dma_start3A_124 = arith.constant 0 : i32
        %dma_start3A_125 = arith.constant 0 : i32
        %dma_start3A_126 = tpu.memref_slice %arg6[%dma_start3A_123, %dma_start3A_124, %dma_start3A_125] : memref<45x2x128xi32, #tpu.memory_space<vmem>> -> memref<45x2x128xi32, #tpu.memory_space<vmem>>
        %dma_start3A_127 = arith.constant 0 : i32
        %dma_start3A_128 = arith.constant 0 : i32
        %dma_start3A_129 = arith.constant 0 : i32
        %dma_start3A_130 = tpu.memref_slice %arg3[%arg1, %dma_start3A_127, %dma_start3A_128, %dma_start3A_129] : memref<16x108x2x128xi32, #tpu.memory_space<hbm>> -> memref<1x45x2x128xi32, #tpu.memory_space<hbm>>
        %dma_start3A_131 = tpu.memref_squeeze %dma_start3A_130 : memref<1x45x2x128xi32, #tpu.memory_space<hbm>> -> memref<45x2x128xi32, #tpu.memory_space<hbm>>
        %dma_start3A_132 = arith.constant 0 : i32
        %dma_start3A_133 = arith.constant 0 : i32
        %dma_start3A_134 = arith.constant 0 : i32
        %dma_start3A_135 = tpu.memref_slice %arg6[%dma_start3A_132, %dma_start3A_133, %dma_start3A_134] : memref<45x2x128xi32, #tpu.memory_space<vmem>> -> memref<45x2x128xi32, #tpu.memory_space<vmem>>
        %dma_start3A_136 = arith.constant 0 : i32
        %dma_start3A_137 = arith.constant 0 : i32
        %dma_start3A_138 = arith.constant 0 : i32
        %dma_start3A_139 = tpu.memref_slice %arg3[%arg1, %dma_start3A_136, %dma_start3A_137, %dma_start3A_138] : memref<16x108x2x128xi32, #tpu.memory_space<hbm>> -> memref<1x45x2x128xi32, #tpu.memory_space<hbm>>
        %dma_start3A_140 = tpu.memref_squeeze %dma_start3A_139 : memref<1x45x2x128xi32, #tpu.memory_space<hbm>> -> memref<45x2x128xi32, #tpu.memory_space<hbm>>
        tpu.enqueue_dma source(%dma_start3A_140 : memref<45x2x128xi32, #tpu.memory_space<hbm>>) target(%dma_start3A_135 : memref<45x2x128xi32, #tpu.memory_space<vmem>>) target_semaphore(%run_scoped3A_122 : memref<!tpu.dma_semaphore, #tpu.memory_space<semaphore_mem>>)
        %dma_wait3A_141 = arith.constant 0 : i32
        %dma_wait3A_142 = arith.constant 0 : i32
        %dma_wait3A_143 = arith.constant 0 : i32
        %dma_wait3A_144 = tpu.memref_slice %arg6[%dma_wait3A_141, %dma_wait3A_142, %dma_wait3A_143] : memref<45x2x128xi32, #tpu.memory_space<vmem>> -> memref<45x2x128xi32, #tpu.memory_space<vmem>>
        %dma_wait3A_145 = arith.constant 0 : i32
        %dma_wait3A_146 = arith.constant 0 : i32
        %dma_wait3A_147 = arith.constant 0 : i32
        %dma_wait3A_148 = tpu.memref_slice %arg3[%arg1, %dma_wait3A_145, %dma_wait3A_146, %dma_wait3A_147] : memref<16x108x2x128xi32, #tpu.memory_space<hbm>> -> memref<1x45x2x128xi32, #tpu.memory_space<hbm>>
        %dma_wait3A_149 = tpu.memref_squeeze %dma_wait3A_148 : memref<1x45x2x128xi32, #tpu.memory_space<hbm>> -> memref<45x2x128xi32, #tpu.memory_space<hbm>>
        %dma_wait3A_150 = arith.constant 0 : i32
        %dma_wait3A_151 = arith.constant 0 : i32
        %dma_wait3A_152 = arith.constant 0 : i32
        %dma_wait3A_153 = tpu.memref_slice %arg6[%dma_wait3A_150, %dma_wait3A_151, %dma_wait3A_152] : memref<45x2x128xi32, #tpu.memory_space<vmem>> -> memref<45x2x128xi32, #tpu.memory_space<vmem>>
        %dma_wait3A_154 = arith.constant 0 : i32
        %dma_wait3A_155 = arith.constant 0 : i32
        %dma_wait3A_156 = arith.constant 0 : i32
        %dma_wait3A_157 = tpu.memref_slice %arg3[%arg1, %dma_wait3A_154, %dma_wait3A_155, %dma_wait3A_156] : memref<16x108x2x128xi32, #tpu.memory_space<hbm>> -> memref<1x45x2x128xi32, #tpu.memory_space<hbm>>
        %dma_wait3A_158 = tpu.memref_squeeze %dma_wait3A_157 : memref<1x45x2x128xi32, #tpu.memory_space<hbm>> -> memref<45x2x128xi32, #tpu.memory_space<hbm>>
        tpu.wait_dma2 semaphore(%run_scoped3A_122 : memref<!tpu.dma_semaphore, #tpu.memory_space<semaphore_mem>>) src(%dma_wait3A_158 : memref<45x2x128xi32, #tpu.memory_space<hbm>>) dst(%dma_wait3A_153 : memref<45x2x128xi32, #tpu.memory_space<vmem>>)
        tpu.yield
      }) : () -> ()
      %dma_start3A = arith.constant 0 : i32
      %dma_start3A_35 = arith.constant 0 : i32
      %dma_start3A_36 = arith.constant 0 : i32
      %dma_start3A_37 = tpu.memref_slice %arg6[%dma_start3A, %dma_start3A_35, %dma_start3A_36] : memref<45x2x128xi32, #tpu.memory_space<vmem>> -> memref<1x1x128xi32, #tpu.memory_space<vmem>>
      %dma_start3A_38 = tpu.memref_squeeze %dma_start3A_37 : memref<1x1x128xi32, #tpu.memory_space<vmem>> -> memref<128xi32, #tpu.memory_space<vmem>>
      %dma_start3A_39 = arith.constant 0 : i32
      %dma_start3A_40 = arith.constant 0 : i32
      %dma_start3A_41 = tpu.memref_slice %arg2[%dma_start3A_39, %dma_start3A_40] : memref<10000x128xf32, #tpu.memory_space<hbm>> -> memref<10000x128xf32, #tpu.memory_space<hbm>>
      tpu.enqueue_indirect_dma source(%dma_start3A_41 : memref<10000x128xf32, #tpu.memory_space<hbm>>) target(%arg7 : memref<128x128xf32, #tpu.memory_space<vmem>>) offsets(%dma_start3A_38 : memref<128xi32, #tpu.memory_space<vmem>>) semaphore(%arg11 : memref<!tpu.dma_semaphore, #tpu.memory_space<semaphore_mem>>)
      %scan3A_42 = arith.constant 0 : i32
      %scan3A_43 = arith.constant 0 : i32
      %scan3A_44 = arith.constant 22 : i32
      %scan3A_45 = arith.addi %scan3A_43, %scan3A_44 : i32
      %scan3A_46 = arith.constant 1 : i32
      scf.for %scan3A_122 = %scan3A_43 to %scan3A_45 step %scan3A_46  : i32 {
        %mul3A_123 = arith.constant 2 : i32
        %mul3A_124 = arith.muli %mul3A_123, %scan3A_122 : i32
        %add3A_125 = arith.constant 1 : i32
        %add3A_126 = arith.addi %mul3A_124, %add3A_125 : i32
        %dma_start3A_127 = arith.constant 0 : i32
        %dma_start3A_128 = arith.constant 0 : i32
        %dma_start3A_129 = tpu.memref_slice %arg6[%add3A_126, %dma_start3A_127, %dma_start3A_128] : memref<45x2x128xi32, #tpu.memory_space<vmem>> -> memref<1x1x128xi32, #tpu.memory_space<vmem>>
        %dma_start3A_130 = tpu.memref_squeeze %dma_start3A_129 : memref<1x1x128xi32, #tpu.memory_space<vmem>> -> memref<128xi32, #tpu.memory_space<vmem>>
        %dma_start3A_131 = arith.constant 0 : i32
        %dma_start3A_132 = arith.constant 0 : i32
        %dma_start3A_133 = tpu.memref_slice %arg2[%dma_start3A_131, %dma_start3A_132] : memref<10000x128xf32, #tpu.memory_space<hbm>> -> memref<10000x128xf32, #tpu.memory_space<hbm>>
        tpu.enqueue_indirect_dma source(%dma_start3A_133 : memref<10000x128xf32, #tpu.memory_space<hbm>>) target(%arg8 : memref<128x128xf32, #tpu.memory_space<vmem>>) offsets(%dma_start3A_130 : memref<128xi32, #tpu.memory_space<vmem>>) semaphore(%arg12 : memref<!tpu.dma_semaphore, #tpu.memory_space<semaphore_mem>>)
        %dma_wait3A_134 = arith.constant 0 : i32
        %dma_wait3A_135 = arith.constant 0 : i32
        %dma_wait3A_136 = tpu.memref_slice %arg6[%mul3A_124, %dma_wait3A_134, %dma_wait3A_135] : memref<45x2x128xi32, #tpu.memory_space<vmem>> -> memref<1x1x128xi32, #tpu.memory_space<vmem>>
        %dma_wait3A_137 = tpu.memref_squeeze %dma_wait3A_136 : memref<1x1x128xi32, #tpu.memory_space<vmem>> -> memref<128xi32, #tpu.memory_space<vmem>>
        %dma_wait3A_138 = arith.constant 0 : i32
        %dma_wait3A_139 = arith.constant 0 : i32
        %dma_wait3A_140 = tpu.memref_slice %arg2[%dma_wait3A_138, %dma_wait3A_139] : memref<10000x128xf32, #tpu.memory_space<hbm>> -> memref<10000x128xf32, #tpu.memory_space<hbm>>
        tpu.wait_indirect_dma semaphore(%arg11 : memref<!tpu.dma_semaphore, #tpu.memory_space<semaphore_mem>>) src(%dma_wait3A_140 : memref<10000x128xf32, #tpu.memory_space<hbm>>) dst(%arg7 : memref<128x128xf32, #tpu.memory_space<vmem>>)
        %run_scoped3A_141 = arith.constant 1 : i32
        "tpu.region"() ({
          %run_scoped3A_163 = tpu.sem_alloc : memref<!tpu.dma_semaphore, #tpu.memory_space<semaphore_mem>>
          %dma_start3A_164 = arith.constant 0 : i32
          %dma_start3A_165 = tpu.memref_slice %arg6[%mul3A_124, %run_scoped3A_141, %dma_start3A_164] : memref<45x2x128xi32, #tpu.memory_space<vmem>> -> memref<1x1x128xi32, #tpu.memory_space<vmem>>
          %dma_start3A_166 = tpu.memref_squeeze %dma_start3A_165 : memref<1x1x128xi32, #tpu.memory_space<vmem>> -> memref<128xi32, #tpu.memory_space<vmem>>
          %dma_start3A_167 = arith.constant 0 : i32
          %dma_start3A_168 = arith.constant 0 : i32
          %dma_start3A_169 = tpu.memref_slice %arg10[%dma_start3A_167, %dma_start3A_168] : memref<10008x128xf32, #tpu.memory_space<vmem_shared>> -> memref<10008x128xf32, #tpu.memory_space<vmem_shared>>
          tpu.enqueue_indirect_dma source(%arg7 : memref<128x128xf32, #tpu.memory_space<vmem>>) target(%dma_start3A_169 : memref<10008x128xf32, #tpu.memory_space<vmem_shared>>) offsets(%dma_start3A_166 : memref<128xi32, #tpu.memory_space<vmem>>) semaphore(%run_scoped3A_163 : memref<!tpu.dma_semaphore, #tpu.memory_space<semaphore_mem>>) {add = true}
          %dma_wait3A_170 = arith.constant 0 : i32
          %dma_wait3A_171 = tpu.memref_slice %arg6[%mul3A_124, %run_scoped3A_141, %dma_wait3A_170] : memref<45x2x128xi32, #tpu.memory_space<vmem>> -> memref<1x1x128xi32, #tpu.memory_space<vmem>>
          %dma_wait3A_172 = tpu.memref_squeeze %dma_wait3A_171 : memref<1x1x128xi32, #tpu.memory_space<vmem>> -> memref<128xi32, #tpu.memory_space<vmem>>
          %dma_wait3A_173 = arith.constant 0 : i32
          %dma_wait3A_174 = arith.constant 0 : i32
          %dma_wait3A_175 = tpu.memref_slice %arg10[%dma_wait3A_173, %dma_wait3A_174] : memref<10008x128xf32, #tpu.memory_space<vmem_shared>> -> memref<10008x128xf32, #tpu.memory_space<vmem_shared>>
          tpu.wait_indirect_dma semaphore(%run_scoped3A_163 : memref<!tpu.dma_semaphore, #tpu.memory_space<semaphore_mem>>) src(%arg7 : memref<128x128xf32, #tpu.memory_space<vmem>>) dst(%dma_wait3A_175 : memref<10008x128xf32, #tpu.memory_space<vmem_shared>>)
          tpu.yield
        }) : () -> ()
        %add3A_142 = arith.constant 2 : i32
        %add3A_143 = arith.addi %mul3A_124, %add3A_142 : i32
        %dma_start3A_144 = arith.constant 0 : i32
        %dma_start3A_145 = arith.constant 0 : i32
        %dma_start3A_146 = tpu.memref_slice %arg6[%add3A_143, %dma_start3A_144, %dma_start3A_145] : memref<45x2x128xi32, #tpu.memory_space<vmem>> -> memref<1x1x128xi32, #tpu.memory_space<vmem>>
        %dma_start3A_147 = tpu.memref_squeeze %dma_start3A_146 : memref<1x1x128xi32, #tpu.memory_space<vmem>> -> memref<128xi32, #tpu.memory_space<vmem>>
        %dma_start3A_148 = arith.constant 0 : i32
        %dma_start3A_149 = arith.constant 0 : i32
        %dma_start3A_150 = tpu.memref_slice %arg2[%dma_start3A_148, %dma_start3A_149] : memref<10000x128xf32, #tpu.memory_space<hbm>> -> memref<10000x128xf32, #tpu.memory_space<hbm>>
        tpu.enqueue_indirect_dma source(%dma_start3A_150 : memref<10000x128xf32, #tpu.memory_space<hbm>>) target(%arg7 : memref<128x128xf32, #tpu.memory_space<vmem>>) offsets(%dma_start3A_147 : memref<128xi32, #tpu.memory_space<vmem>>) semaphore(%arg11 : memref<!tpu.dma_semaphore, #tpu.memory_space<semaphore_mem>>)
        %add3A_151 = arith.constant 1 : i32
        %add3A_152 = arith.addi %mul3A_124, %add3A_151 : i32
        %dma_wait3A_153 = arith.constant 0 : i32
        %dma_wait3A_154 = arith.constant 0 : i32
        %dma_wait3A_155 = tpu.memref_slice %arg6[%add3A_152, %dma_wait3A_153, %dma_wait3A_154] : memref<45x2x128xi32, #tpu.memory_space<vmem>> -> memref<1x1x128xi32, #tpu.memory_space<vmem>>
        %dma_wait3A_156 = tpu.memref_squeeze %dma_wait3A_155 : memref<1x1x128xi32, #tpu.memory_space<vmem>> -> memref<128xi32, #tpu.memory_space<vmem>>
        %dma_wait3A_157 = arith.constant 0 : i32
        %dma_wait3A_158 = arith.constant 0 : i32
        %dma_wait3A_159 = tpu.memref_slice %arg2[%dma_wait3A_157, %dma_wait3A_158] : memref<10000x128xf32, #tpu.memory_space<hbm>> -> memref<10000x128xf32, #tpu.memory_space<hbm>>
        tpu.wait_indirect_dma semaphore(%arg12 : memref<!tpu.dma_semaphore, #tpu.memory_space<semaphore_mem>>) src(%dma_wait3A_159 : memref<10000x128xf32, #tpu.memory_space<hbm>>) dst(%arg8 : memref<128x128xf32, #tpu.memory_space<vmem>>)
        %add3A_160 = arith.constant 1 : i32
        %add3A_161 = arith.addi %mul3A_124, %add3A_160 : i32
        %run_scoped3A_162 = arith.constant 1 : i32
        "tpu.region"() ({
          %run_scoped3A_163 = tpu.sem_alloc : memref<!tpu.dma_semaphore, #tpu.memory_space<semaphore_mem>>
          %dma_start3A_164 = arith.constant 0 : i32
          %dma_start3A_165 = tpu.memref_slice %arg6[%add3A_161, %run_scoped3A_162, %dma_start3A_164] : memref<45x2x128xi32, #tpu.memory_space<vmem>> -> memref<1x1x128xi32, #tpu.memory_space<vmem>>
          %dma_start3A_166 = tpu.memref_squeeze %dma_start3A_165 : memref<1x1x128xi32, #tpu.memory_space<vmem>> -> memref<128xi32, #tpu.memory_space<vmem>>
          %dma_start3A_167 = arith.constant 0 : i32
          %dma_start3A_168 = arith.constant 0 : i32
          %dma_start3A_169 = tpu.memref_slice %arg10[%dma_start3A_167, %dma_start3A_168] : memref<10008x128xf32, #tpu.memory_space<vmem_shared>> -> memref<10008x128xf32, #tpu.memory_space<vmem_shared>>
          tpu.enqueue_indirect_dma source(%arg8 : memref<128x128xf32, #tpu.memory_space<vmem>>) target(%dma_start3A_169 : memref<10008x128xf32, #tpu.memory_space<vmem_shared>>) offsets(%dma_start3A_166 : memref<128xi32, #tpu.memory_space<vmem>>) semaphore(%run_scoped3A_163 : memref<!tpu.dma_semaphore, #tpu.memory_space<semaphore_mem>>) {add = true}
          %dma_wait3A_170 = arith.constant 0 : i32
          %dma_wait3A_171 = tpu.memref_slice %arg6[%add3A_161, %run_scoped3A_162, %dma_wait3A_170] : memref<45x2x128xi32, #tpu.memory_space<vmem>> -> memref<1x1x128xi32, #tpu.memory_space<vmem>>
          %dma_wait3A_172 = tpu.memref_squeeze %dma_wait3A_171 : memref<1x1x128xi32, #tpu.memory_space<vmem>> -> memref<128xi32, #tpu.memory_space<vmem>>
          %dma_wait3A_173 = arith.constant 0 : i32
          %dma_wait3A_174 = arith.constant 0 : i32
          %dma_wait3A_175 = tpu.memref_slice %arg10[%dma_wait3A_173, %dma_wait3A_174] : memref<10008x128xf32, #tpu.memory_space<vmem_shared>> -> memref<10008x128xf32, #tpu.memory_space<vmem_shared>>
          tpu.wait_indirect_dma semaphore(%run_scoped3A_163 : memref<!tpu.dma_semaphore, #tpu.memory_space<semaphore_mem>>) src(%arg8 : memref<128x128xf32, #tpu.memory_space<vmem>>) dst(%dma_wait3A_175 : memref<10008x128xf32, #tpu.memory_space<vmem_shared>>)
          tpu.yield
        }) : () -> ()
      }
      %scan3A_47 = arith.constant 22 : i32
      %dma_wait3A = arith.constant 44 : i32
      %dma_wait3A_48 = arith.constant 0 : i32
      %dma_wait3A_49 = arith.constant 0 : i32
      %dma_wait3A_50 = tpu.memref_slice %arg6[%dma_wait3A, %dma_wait3A_48, %dma_wait3A_49] : memref<45x2x128xi32, #tpu.memory_space<vmem>> -> memref<1x1x128xi32, #tpu.memory_space<vmem>>
      %dma_wait3A_51 = tpu.memref_squeeze %dma_wait3A_50 : memref<1x1x128xi32, #tpu.memory_space<vmem>> -> memref<128xi32, #tpu.memory_space<vmem>>
      %dma_wait3A_52 = arith.constant 0 : i32
      %dma_wait3A_53 = arith.constant 0 : i32
      %dma_wait3A_54 = tpu.memref_slice %arg2[%dma_wait3A_52, %dma_wait3A_53] : memref<10000x128xf32, #tpu.memory_space<hbm>> -> memref<10000x128xf32, #tpu.memory_space<hbm>>
      tpu.wait_indirect_dma semaphore(%arg11 : memref<!tpu.dma_semaphore, #tpu.memory_space<semaphore_mem>>) src(%dma_wait3A_54 : memref<10000x128xf32, #tpu.memory_space<hbm>>) dst(%arg7 : memref<128x128xf32, #tpu.memory_space<vmem>>)
      %run_scoped3A = arith.constant 44 : i32
      %run_scoped3A_55 = arith.constant 1 : i32
      "tpu.region"() ({
        %run_scoped3A_122 = tpu.sem_alloc : memref<!tpu.dma_semaphore, #tpu.memory_space<semaphore_mem>>
        %dma_start3A_123 = arith.constant 0 : i32
        %dma_start3A_124 = tpu.memref_slice %arg6[%run_scoped3A, %run_scoped3A_55, %dma_start3A_123] : memref<45x2x128xi32, #tpu.memory_space<vmem>> -> memref<1x1x128xi32, #tpu.memory_space<vmem>>
        %dma_start3A_125 = tpu.memref_squeeze %dma_start3A_124 : memref<1x1x128xi32, #tpu.memory_space<vmem>> -> memref<128xi32, #tpu.memory_space<vmem>>
        %dma_start3A_126 = arith.constant 0 : i32
        %dma_start3A_127 = arith.constant 0 : i32
        %dma_start3A_128 = tpu.memref_slice %arg10[%dma_start3A_126, %dma_start3A_127] : memref<10008x128xf32, #tpu.memory_space<vmem_shared>> -> memref<10008x128xf32, #tpu.memory_space<vmem_shared>>
        tpu.enqueue_indirect_dma source(%arg7 : memref<128x128xf32, #tpu.memory_space<vmem>>) target(%dma_start3A_128 : memref<10008x128xf32, #tpu.memory_space<vmem_shared>>) offsets(%dma_start3A_125 : memref<128xi32, #tpu.memory_space<vmem>>) semaphore(%run_scoped3A_122 : memref<!tpu.dma_semaphore, #tpu.memory_space<semaphore_mem>>) {add = true}
        %dma_wait3A_129 = arith.constant 0 : i32
        %dma_wait3A_130 = tpu.memref_slice %arg6[%run_scoped3A, %run_scoped3A_55, %dma_wait3A_129] : memref<45x2x128xi32, #tpu.memory_space<vmem>> -> memref<1x1x128xi32, #tpu.memory_space<vmem>>
        %dma_wait3A_131 = tpu.memref_squeeze %dma_wait3A_130 : memref<1x1x128xi32, #tpu.memory_space<vmem>> -> memref<128xi32, #tpu.memory_space<vmem>>
        %dma_wait3A_132 = arith.constant 0 : i32
        %dma_wait3A_133 = arith.constant 0 : i32
        %dma_wait3A_134 = tpu.memref_slice %arg10[%dma_wait3A_132, %dma_wait3A_133] : memref<10008x128xf32, #tpu.memory_space<vmem_shared>> -> memref<10008x128xf32, #tpu.memory_space<vmem_shared>>
        tpu.wait_indirect_dma semaphore(%run_scoped3A_122 : memref<!tpu.dma_semaphore, #tpu.memory_space<semaphore_mem>>) src(%arg7 : memref<128x128xf32, #tpu.memory_space<vmem>>) dst(%dma_wait3A_134 : memref<10008x128xf32, #tpu.memory_space<vmem_shared>>)
        tpu.yield
      }) : () -> ()
      "tpu.region"() ({
        %run_scoped3A_122 = tpu.sem_alloc : memref<!tpu.dma_semaphore, #tpu.memory_space<semaphore_mem>>
        %dma_start3A_123 = arith.constant 0 : i32
        %dma_start3A_124 = arith.constant 0 : i32
        %dma_start3A_125 = arith.constant 0 : i32
        %dma_start3A_126 = tpu.memref_slice %arg6[%dma_start3A_123, %dma_start3A_124, %dma_start3A_125] : memref<45x2x128xi32, #tpu.memory_space<vmem>> -> memref<45x2x128xi32, #tpu.memory_space<vmem>>
        %dma_start3A_127 = arith.constant 45 : i32
        %dma_start3A_128 = arith.constant 0 : i32
        %dma_start3A_129 = arith.constant 0 : i32
        %dma_start3A_130 = tpu.memref_slice %arg3[%arg1, %dma_start3A_127, %dma_start3A_128, %dma_start3A_129] : memref<16x108x2x128xi32, #tpu.memory_space<hbm>> -> memref<1x45x2x128xi32, #tpu.memory_space<hbm>>
        %dma_start3A_131 = tpu.memref_squeeze %dma_start3A_130 : memref<1x45x2x128xi32, #tpu.memory_space<hbm>> -> memref<45x2x128xi32, #tpu.memory_space<hbm>>
        %dma_start3A_132 = arith.constant 0 : i32
        %dma_start3A_133 = arith.constant 0 : i32
        %dma_start3A_134 = arith.constant 0 : i32
        %dma_start3A_135 = tpu.memref_slice %arg6[%dma_start3A_132, %dma_start3A_133, %dma_start3A_134] : memref<45x2x128xi32, #tpu.memory_space<vmem>> -> memref<45x2x128xi32, #tpu.memory_space<vmem>>
        %dma_start3A_136 = arith.constant 45 : i32
        %dma_start3A_137 = arith.constant 0 : i32
        %dma_start3A_138 = arith.constant 0 : i32
        %dma_start3A_139 = tpu.memref_slice %arg3[%arg1, %dma_start3A_136, %dma_start3A_137, %dma_start3A_138] : memref<16x108x2x128xi32, #tpu.memory_space<hbm>> -> memref<1x45x2x128xi32, #tpu.memory_space<hbm>>
        %dma_start3A_140 = tpu.memref_squeeze %dma_start3A_139 : memref<1x45x2x128xi32, #tpu.memory_space<hbm>> -> memref<45x2x128xi32, #tpu.memory_space<hbm>>
        tpu.enqueue_dma source(%dma_start3A_140 : memref<45x2x128xi32, #tpu.memory_space<hbm>>) target(%dma_start3A_135 : memref<45x2x128xi32, #tpu.memory_space<vmem>>) target_semaphore(%run_scoped3A_122 : memref<!tpu.dma_semaphore, #tpu.memory_space<semaphore_mem>>)
        %dma_wait3A_141 = arith.constant 0 : i32
        %dma_wait3A_142 = arith.constant 0 : i32
        %dma_wait3A_143 = arith.constant 0 : i32
        %dma_wait3A_144 = tpu.memref_slice %arg6[%dma_wait3A_141, %dma_wait3A_142, %dma_wait3A_143] : memref<45x2x128xi32, #tpu.memory_space<vmem>> -> memref<45x2x128xi32, #tpu.memory_space<vmem>>
        %dma_wait3A_145 = arith.constant 45 : i32
        %dma_wait3A_146 = arith.constant 0 : i32
        %dma_wait3A_147 = arith.constant 0 : i32
        %dma_wait3A_148 = tpu.memref_slice %arg3[%arg1, %dma_wait3A_145, %dma_wait3A_146, %dma_wait3A_147] : memref<16x108x2x128xi32, #tpu.memory_space<hbm>> -> memref<1x45x2x128xi32, #tpu.memory_space<hbm>>
        %dma_wait3A_149 = tpu.memref_squeeze %dma_wait3A_148 : memref<1x45x2x128xi32, #tpu.memory_space<hbm>> -> memref<45x2x128xi32, #tpu.memory_space<hbm>>
        %dma_wait3A_150 = arith.constant 0 : i32
        %dma_wait3A_151 = arith.constant 0 : i32
        %dma_wait3A_152 = arith.constant 0 : i32
        %dma_wait3A_153 = tpu.memref_slice %arg6[%dma_wait3A_150, %dma_wait3A_151, %dma_wait3A_152] : memref<45x2x128xi32, #tpu.memory_space<vmem>> -> memref<45x2x128xi32, #tpu.memory_space<vmem>>
        %dma_wait3A_154 = arith.constant 45 : i32
        %dma_wait3A_155 = arith.constant 0 : i32
        %dma_wait3A_156 = arith.constant 0 : i32
        %dma_wait3A_157 = tpu.memref_slice %arg3[%arg1, %dma_wait3A_154, %dma_wait3A_155, %dma_wait3A_156] : memref<16x108x2x128xi32, #tpu.memory_space<hbm>> -> memref<1x45x2x128xi32, #tpu.memory_space<hbm>>
        %dma_wait3A_158 = tpu.memref_squeeze %dma_wait3A_157 : memref<1x45x2x128xi32, #tpu.memory_space<hbm>> -> memref<45x2x128xi32, #tpu.memory_space<hbm>>
        tpu.wait_dma2 semaphore(%run_scoped3A_122 : memref<!tpu.dma_semaphore, #tpu.memory_space<semaphore_mem>>) src(%dma_wait3A_158 : memref<45x2x128xi32, #tpu.memory_space<hbm>>) dst(%dma_wait3A_153 : memref<45x2x128xi32, #tpu.memory_space<vmem>>)
        tpu.yield
      }) : () -> ()
      %dma_start3A_56 = arith.constant 0 : i32
      %dma_start3A_57 = arith.constant 0 : i32
      %dma_start3A_58 = arith.constant 0 : i32
      %dma_start3A_59 = tpu.memref_slice %arg6[%dma_start3A_56, %dma_start3A_57, %dma_start3A_58] : memref<45x2x128xi32, #tpu.memory_space<vmem>> -> memref<1x1x128xi32, #tpu.memory_space<vmem>>
      %dma_start3A_60 = tpu.memref_squeeze %dma_start3A_59 : memref<1x1x128xi32, #tpu.memory_space<vmem>> -> memref<128xi32, #tpu.memory_space<vmem>>
      %dma_start3A_61 = arith.constant 0 : i32
      %dma_start3A_62 = arith.constant 0 : i32
      %dma_start3A_63 = tpu.memref_slice %arg2[%dma_start3A_61, %dma_start3A_62] : memref<10000x128xf32, #tpu.memory_space<hbm>> -> memref<10000x128xf32, #tpu.memory_space<hbm>>
      tpu.enqueue_indirect_dma source(%dma_start3A_63 : memref<10000x128xf32, #tpu.memory_space<hbm>>) target(%arg7 : memref<128x128xf32, #tpu.memory_space<vmem>>) offsets(%dma_start3A_60 : memref<128xi32, #tpu.memory_space<vmem>>) semaphore(%arg11 : memref<!tpu.dma_semaphore, #tpu.memory_space<semaphore_mem>>)
      %scan3A_64 = arith.constant 0 : i32
      %scan3A_65 = arith.constant 0 : i32
      %scan3A_66 = arith.constant 22 : i32
      %scan3A_67 = arith.addi %scan3A_65, %scan3A_66 : i32
      %scan3A_68 = arith.constant 1 : i32
      scf.for %scan3A_122 = %scan3A_65 to %scan3A_67 step %scan3A_68  : i32 {
        %mul3A_123 = arith.constant 2 : i32
        %mul3A_124 = arith.muli %mul3A_123, %scan3A_122 : i32
        %add3A_125 = arith.constant 1 : i32
        %add3A_126 = arith.addi %mul3A_124, %add3A_125 : i32
        %dma_start3A_127 = arith.constant 0 : i32
        %dma_start3A_128 = arith.constant 0 : i32
        %dma_start3A_129 = tpu.memref_slice %arg6[%add3A_126, %dma_start3A_127, %dma_start3A_128] : memref<45x2x128xi32, #tpu.memory_space<vmem>> -> memref<1x1x128xi32, #tpu.memory_space<vmem>>
        %dma_start3A_130 = tpu.memref_squeeze %dma_start3A_129 : memref<1x1x128xi32, #tpu.memory_space<vmem>> -> memref<128xi32, #tpu.memory_space<vmem>>
        %dma_start3A_131 = arith.constant 0 : i32
        %dma_start3A_132 = arith.constant 0 : i32
        %dma_start3A_133 = tpu.memref_slice %arg2[%dma_start3A_131, %dma_start3A_132] : memref<10000x128xf32, #tpu.memory_space<hbm>> -> memref<10000x128xf32, #tpu.memory_space<hbm>>
        tpu.enqueue_indirect_dma source(%dma_start3A_133 : memref<10000x128xf32, #tpu.memory_space<hbm>>) target(%arg8 : memref<128x128xf32, #tpu.memory_space<vmem>>) offsets(%dma_start3A_130 : memref<128xi32, #tpu.memory_space<vmem>>) semaphore(%arg12 : memref<!tpu.dma_semaphore, #tpu.memory_space<semaphore_mem>>)
        %dma_wait3A_134 = arith.constant 0 : i32
        %dma_wait3A_135 = arith.constant 0 : i32
        %dma_wait3A_136 = tpu.memref_slice %arg6[%mul3A_124, %dma_wait3A_134, %dma_wait3A_135] : memref<45x2x128xi32, #tpu.memory_space<vmem>> -> memref<1x1x128xi32, #tpu.memory_space<vmem>>
        %dma_wait3A_137 = tpu.memref_squeeze %dma_wait3A_136 : memref<1x1x128xi32, #tpu.memory_space<vmem>> -> memref<128xi32, #tpu.memory_space<vmem>>
        %dma_wait3A_138 = arith.constant 0 : i32
        %dma_wait3A_139 = arith.constant 0 : i32
        %dma_wait3A_140 = tpu.memref_slice %arg2[%dma_wait3A_138, %dma_wait3A_139] : memref<10000x128xf32, #tpu.memory_space<hbm>> -> memref<10000x128xf32, #tpu.memory_space<hbm>>
        tpu.wait_indirect_dma semaphore(%arg11 : memref<!tpu.dma_semaphore, #tpu.memory_space<semaphore_mem>>) src(%dma_wait3A_140 : memref<10000x128xf32, #tpu.memory_space<hbm>>) dst(%arg7 : memref<128x128xf32, #tpu.memory_space<vmem>>)
        %run_scoped3A_141 = arith.constant 1 : i32
        "tpu.region"() ({
          %run_scoped3A_163 = tpu.sem_alloc : memref<!tpu.dma_semaphore, #tpu.memory_space<semaphore_mem>>
          %dma_start3A_164 = arith.constant 0 : i32
          %dma_start3A_165 = tpu.memref_slice %arg6[%mul3A_124, %run_scoped3A_141, %dma_start3A_164] : memref<45x2x128xi32, #tpu.memory_space<vmem>> -> memref<1x1x128xi32, #tpu.memory_space<vmem>>
          %dma_start3A_166 = tpu.memref_squeeze %dma_start3A_165 : memref<1x1x128xi32, #tpu.memory_space<vmem>> -> memref<128xi32, #tpu.memory_space<vmem>>
          %dma_start3A_167 = arith.constant 0 : i32
          %dma_start3A_168 = arith.constant 0 : i32
          %dma_start3A_169 = tpu.memref_slice %arg10[%dma_start3A_167, %dma_start3A_168] : memref<10008x128xf32, #tpu.memory_space<vmem_shared>> -> memref<10008x128xf32, #tpu.memory_space<vmem_shared>>
          tpu.enqueue_indirect_dma source(%arg7 : memref<128x128xf32, #tpu.memory_space<vmem>>) target(%dma_start3A_169 : memref<10008x128xf32, #tpu.memory_space<vmem_shared>>) offsets(%dma_start3A_166 : memref<128xi32, #tpu.memory_space<vmem>>) semaphore(%run_scoped3A_163 : memref<!tpu.dma_semaphore, #tpu.memory_space<semaphore_mem>>) {add = true}
          %dma_wait3A_170 = arith.constant 0 : i32
          %dma_wait3A_171 = tpu.memref_slice %arg6[%mul3A_124, %run_scoped3A_141, %dma_wait3A_170] : memref<45x2x128xi32, #tpu.memory_space<vmem>> -> memref<1x1x128xi32, #tpu.memory_space<vmem>>
          %dma_wait3A_172 = tpu.memref_squeeze %dma_wait3A_171 : memref<1x1x128xi32, #tpu.memory_space<vmem>> -> memref<128xi32, #tpu.memory_space<vmem>>
          %dma_wait3A_173 = arith.constant 0 : i32
          %dma_wait3A_174 = arith.constant 0 : i32
          %dma_wait3A_175 = tpu.memref_slice %arg10[%dma_wait3A_173, %dma_wait3A_174] : memref<10008x128xf32, #tpu.memory_space<vmem_shared>> -> memref<10008x128xf32, #tpu.memory_space<vmem_shared>>
          tpu.wait_indirect_dma semaphore(%run_scoped3A_163 : memref<!tpu.dma_semaphore, #tpu.memory_space<semaphore_mem>>) src(%arg7 : memref<128x128xf32, #tpu.memory_space<vmem>>) dst(%dma_wait3A_175 : memref<10008x128xf32, #tpu.memory_space<vmem_shared>>)
          tpu.yield
        }) : () -> ()
        %add3A_142 = arith.constant 2 : i32
        %add3A_143 = arith.addi %mul3A_124, %add3A_142 : i32
        %dma_start3A_144 = arith.constant 0 : i32
        %dma_start3A_145 = arith.constant 0 : i32
        %dma_start3A_146 = tpu.memref_slice %arg6[%add3A_143, %dma_start3A_144, %dma_start3A_145] : memref<45x2x128xi32, #tpu.memory_space<vmem>> -> memref<1x1x128xi32, #tpu.memory_space<vmem>>
        %dma_start3A_147 = tpu.memref_squeeze %dma_start3A_146 : memref<1x1x128xi32, #tpu.memory_space<vmem>> -> memref<128xi32, #tpu.memory_space<vmem>>
        %dma_start3A_148 = arith.constant 0 : i32
        %dma_start3A_149 = arith.constant 0 : i32
        %dma_start3A_150 = tpu.memref_slice %arg2[%dma_start3A_148, %dma_start3A_149] : memref<10000x128xf32, #tpu.memory_space<hbm>> -> memref<10000x128xf32, #tpu.memory_space<hbm>>
        tpu.enqueue_indirect_dma source(%dma_start3A_150 : memref<10000x128xf32, #tpu.memory_space<hbm>>) target(%arg7 : memref<128x128xf32, #tpu.memory_space<vmem>>) offsets(%dma_start3A_147 : memref<128xi32, #tpu.memory_space<vmem>>) semaphore(%arg11 : memref<!tpu.dma_semaphore, #tpu.memory_space<semaphore_mem>>)
        %add3A_151 = arith.constant 1 : i32
        %add3A_152 = arith.addi %mul3A_124, %add3A_151 : i32
        %dma_wait3A_153 = arith.constant 0 : i32
        %dma_wait3A_154 = arith.constant 0 : i32
        %dma_wait3A_155 = tpu.memref_slice %arg6[%add3A_152, %dma_wait3A_153, %dma_wait3A_154] : memref<45x2x128xi32, #tpu.memory_space<vmem>> -> memref<1x1x128xi32, #tpu.memory_space<vmem>>
        %dma_wait3A_156 = tpu.memref_squeeze %dma_wait3A_155 : memref<1x1x128xi32, #tpu.memory_space<vmem>> -> memref<128xi32, #tpu.memory_space<vmem>>
        %dma_wait3A_157 = arith.constant 0 : i32
        %dma_wait3A_158 = arith.constant 0 : i32
        %dma_wait3A_159 = tpu.memref_slice %arg2[%dma_wait3A_157, %dma_wait3A_158] : memref<10000x128xf32, #tpu.memory_space<hbm>> -> memref<10000x128xf32, #tpu.memory_space<hbm>>
        tpu.wait_indirect_dma semaphore(%arg12 : memref<!tpu.dma_semaphore, #tpu.memory_space<semaphore_mem>>) src(%dma_wait3A_159 : memref<10000x128xf32, #tpu.memory_space<hbm>>) dst(%arg8 : memref<128x128xf32, #tpu.memory_space<vmem>>)
        %add3A_160 = arith.constant 1 : i32
        %add3A_161 = arith.addi %mul3A_124, %add3A_160 : i32
        %run_scoped3A_162 = arith.constant 1 : i32
        "tpu.region"() ({
          %run_scoped3A_163 = tpu.sem_alloc : memref<!tpu.dma_semaphore, #tpu.memory_space<semaphore_mem>>
          %dma_start3A_164 = arith.constant 0 : i32
          %dma_start3A_165 = tpu.memref_slice %arg6[%add3A_161, %run_scoped3A_162, %dma_start3A_164] : memref<45x2x128xi32, #tpu.memory_space<vmem>> -> memref<1x1x128xi32, #tpu.memory_space<vmem>>
          %dma_start3A_166 = tpu.memref_squeeze %dma_start3A_165 : memref<1x1x128xi32, #tpu.memory_space<vmem>> -> memref<128xi32, #tpu.memory_space<vmem>>
          %dma_start3A_167 = arith.constant 0 : i32
          %dma_start3A_168 = arith.constant 0 : i32
          %dma_start3A_169 = tpu.memref_slice %arg10[%dma_start3A_167, %dma_start3A_168] : memref<10008x128xf32, #tpu.memory_space<vmem_shared>> -> memref<10008x128xf32, #tpu.memory_space<vmem_shared>>
          tpu.enqueue_indirect_dma source(%arg8 : memref<128x128xf32, #tpu.memory_space<vmem>>) target(%dma_start3A_169 : memref<10008x128xf32, #tpu.memory_space<vmem_shared>>) offsets(%dma_start3A_166 : memref<128xi32, #tpu.memory_space<vmem>>) semaphore(%run_scoped3A_163 : memref<!tpu.dma_semaphore, #tpu.memory_space<semaphore_mem>>) {add = true}
          %dma_wait3A_170 = arith.constant 0 : i32
          %dma_wait3A_171 = tpu.memref_slice %arg6[%add3A_161, %run_scoped3A_162, %dma_wait3A_170] : memref<45x2x128xi32, #tpu.memory_space<vmem>> -> memref<1x1x128xi32, #tpu.memory_space<vmem>>
          %dma_wait3A_172 = tpu.memref_squeeze %dma_wait3A_171 : memref<1x1x128xi32, #tpu.memory_space<vmem>> -> memref<128xi32, #tpu.memory_space<vmem>>
          %dma_wait3A_173 = arith.constant 0 : i32
          %dma_wait3A_174 = arith.constant 0 : i32
          %dma_wait3A_175 = tpu.memref_slice %arg10[%dma_wait3A_173, %dma_wait3A_174] : memref<10008x128xf32, #tpu.memory_space<vmem_shared>> -> memref<10008x128xf32, #tpu.memory_space<vmem_shared>>
          tpu.wait_indirect_dma semaphore(%run_scoped3A_163 : memref<!tpu.dma_semaphore, #tpu.memory_space<semaphore_mem>>) src(%arg8 : memref<128x128xf32, #tpu.memory_space<vmem>>) dst(%dma_wait3A_175 : memref<10008x128xf32, #tpu.memory_space<vmem_shared>>)
          tpu.yield
        }) : () -> ()
      }
      %scan3A_69 = arith.constant 22 : i32
      %dma_wait3A_70 = arith.constant 44 : i32
      %dma_wait3A_71 = arith.constant 0 : i32
      %dma_wait3A_72 = arith.constant 0 : i32
      %dma_wait3A_73 = tpu.memref_slice %arg6[%dma_wait3A_70, %dma_wait3A_71, %dma_wait3A_72] : memref<45x2x128xi32, #tpu.memory_space<vmem>> -> memref<1x1x128xi32, #tpu.memory_space<vmem>>
      %dma_wait3A_74 = tpu.memref_squeeze %dma_wait3A_73 : memref<1x1x128xi32, #tpu.memory_space<vmem>> -> memref<128xi32, #tpu.memory_space<vmem>>
      %dma_wait3A_75 = arith.constant 0 : i32
      %dma_wait3A_76 = arith.constant 0 : i32
      %dma_wait3A_77 = tpu.memref_slice %arg2[%dma_wait3A_75, %dma_wait3A_76] : memref<10000x128xf32, #tpu.memory_space<hbm>> -> memref<10000x128xf32, #tpu.memory_space<hbm>>
      tpu.wait_indirect_dma semaphore(%arg11 : memref<!tpu.dma_semaphore, #tpu.memory_space<semaphore_mem>>) src(%dma_wait3A_77 : memref<10000x128xf32, #tpu.memory_space<hbm>>) dst(%arg7 : memref<128x128xf32, #tpu.memory_space<vmem>>)
      %run_scoped3A_78 = arith.constant 44 : i32
      %run_scoped3A_79 = arith.constant 1 : i32
      "tpu.region"() ({
        %run_scoped3A_122 = tpu.sem_alloc : memref<!tpu.dma_semaphore, #tpu.memory_space<semaphore_mem>>
        %dma_start3A_123 = arith.constant 0 : i32
        %dma_start3A_124 = tpu.memref_slice %arg6[%run_scoped3A_78, %run_scoped3A_79, %dma_start3A_123] : memref<45x2x128xi32, #tpu.memory_space<vmem>> -> memref<1x1x128xi32, #tpu.memory_space<vmem>>
        %dma_start3A_125 = tpu.memref_squeeze %dma_start3A_124 : memref<1x1x128xi32, #tpu.memory_space<vmem>> -> memref<128xi32, #tpu.memory_space<vmem>>
        %dma_start3A_126 = arith.constant 0 : i32
        %dma_start3A_127 = arith.constant 0 : i32
        %dma_start3A_128 = tpu.memref_slice %arg10[%dma_start3A_126, %dma_start3A_127] : memref<10008x128xf32, #tpu.memory_space<vmem_shared>> -> memref<10008x128xf32, #tpu.memory_space<vmem_shared>>
        tpu.enqueue_indirect_dma source(%arg7 : memref<128x128xf32, #tpu.memory_space<vmem>>) target(%dma_start3A_128 : memref<10008x128xf32, #tpu.memory_space<vmem_shared>>) offsets(%dma_start3A_125 : memref<128xi32, #tpu.memory_space<vmem>>) semaphore(%run_scoped3A_122 : memref<!tpu.dma_semaphore, #tpu.memory_space<semaphore_mem>>) {add = true}
        %dma_wait3A_129 = arith.constant 0 : i32
        %dma_wait3A_130 = tpu.memref_slice %arg6[%run_scoped3A_78, %run_scoped3A_79, %dma_wait3A_129] : memref<45x2x128xi32, #tpu.memory_space<vmem>> -> memref<1x1x128xi32, #tpu.memory_space<vmem>>
        %dma_wait3A_131 = tpu.memref_squeeze %dma_wait3A_130 : memref<1x1x128xi32, #tpu.memory_space<vmem>> -> memref<128xi32, #tpu.memory_space<vmem>>
        %dma_wait3A_132 = arith.constant 0 : i32
        %dma_wait3A_133 = arith.constant 0 : i32
        %dma_wait3A_134 = tpu.memref_slice %arg10[%dma_wait3A_132, %dma_wait3A_133] : memref<10008x128xf32, #tpu.memory_space<vmem_shared>> -> memref<10008x128xf32, #tpu.memory_space<vmem_shared>>
        tpu.wait_indirect_dma semaphore(%run_scoped3A_122 : memref<!tpu.dma_semaphore, #tpu.memory_space<semaphore_mem>>) src(%arg7 : memref<128x128xf32, #tpu.memory_space<vmem>>) dst(%dma_wait3A_134 : memref<10008x128xf32, #tpu.memory_space<vmem_shared>>)
        tpu.yield
      }) : () -> ()
      "tpu.region"() ({
        %run_scoped3A_122 = tpu.sem_alloc : memref<!tpu.dma_semaphore, #tpu.memory_space<semaphore_mem>>
        %dma_start3A_123 = arith.constant 0 : i32
        %dma_start3A_124 = arith.constant 0 : i32
        %dma_start3A_125 = arith.constant 0 : i32
        %dma_start3A_126 = tpu.memref_slice %arg6[%dma_start3A_123, %dma_start3A_124, %dma_start3A_125] : memref<45x2x128xi32, #tpu.memory_space<vmem>> -> memref<18x2x128xi32, #tpu.memory_space<vmem>>
        %dma_start3A_127 = arith.constant 90 : i32
        %dma_start3A_128 = arith.constant 0 : i32
        %dma_start3A_129 = arith.constant 0 : i32
        %dma_start3A_130 = tpu.memref_slice %arg3[%arg1, %dma_start3A_127, %dma_start3A_128, %dma_start3A_129] : memref<16x108x2x128xi32, #tpu.memory_space<hbm>> -> memref<1x18x2x128xi32, #tpu.memory_space<hbm>>
        %dma_start3A_131 = tpu.memref_squeeze %dma_start3A_130 : memref<1x18x2x128xi32, #tpu.memory_space<hbm>> -> memref<18x2x128xi32, #tpu.memory_space<hbm>>
        %dma_start3A_132 = arith.constant 0 : i32
        %dma_start3A_133 = arith.constant 0 : i32
        %dma_start3A_134 = arith.constant 0 : i32
        %dma_start3A_135 = tpu.memref_slice %arg6[%dma_start3A_132, %dma_start3A_133, %dma_start3A_134] : memref<45x2x128xi32, #tpu.memory_space<vmem>> -> memref<18x2x128xi32, #tpu.memory_space<vmem>>
        %dma_start3A_136 = arith.constant 90 : i32
        %dma_start3A_137 = arith.constant 0 : i32
        %dma_start3A_138 = arith.constant 0 : i32
        %dma_start3A_139 = tpu.memref_slice %arg3[%arg1, %dma_start3A_136, %dma_start3A_137, %dma_start3A_138] : memref<16x108x2x128xi32, #tpu.memory_space<hbm>> -> memref<1x18x2x128xi32, #tpu.memory_space<hbm>>
        %dma_start3A_140 = tpu.memref_squeeze %dma_start3A_139 : memref<1x18x2x128xi32, #tpu.memory_space<hbm>> -> memref<18x2x128xi32, #tpu.memory_space<hbm>>
        tpu.enqueue_dma source(%dma_start3A_140 : memref<18x2x128xi32, #tpu.memory_space<hbm>>) target(%dma_start3A_135 : memref<18x2x128xi32, #tpu.memory_space<vmem>>) target_semaphore(%run_scoped3A_122 : memref<!tpu.dma_semaphore, #tpu.memory_space<semaphore_mem>>)
        %dma_wait3A_141 = arith.constant 0 : i32
        %dma_wait3A_142 = arith.constant 0 : i32
        %dma_wait3A_143 = arith.constant 0 : i32
        %dma_wait3A_144 = tpu.memref_slice %arg6[%dma_wait3A_141, %dma_wait3A_142, %dma_wait3A_143] : memref<45x2x128xi32, #tpu.memory_space<vmem>> -> memref<18x2x128xi32, #tpu.memory_space<vmem>>
        %dma_wait3A_145 = arith.constant 90 : i32
        %dma_wait3A_146 = arith.constant 0 : i32
        %dma_wait3A_147 = arith.constant 0 : i32
        %dma_wait3A_148 = tpu.memref_slice %arg3[%arg1, %dma_wait3A_145, %dma_wait3A_146, %dma_wait3A_147] : memref<16x108x2x128xi32, #tpu.memory_space<hbm>> -> memref<1x18x2x128xi32, #tpu.memory_space<hbm>>
        %dma_wait3A_149 = tpu.memref_squeeze %dma_wait3A_148 : memref<1x18x2x128xi32, #tpu.memory_space<hbm>> -> memref<18x2x128xi32, #tpu.memory_space<hbm>>
        %dma_wait3A_150 = arith.constant 0 : i32
        %dma_wait3A_151 = arith.constant 0 : i32
        %dma_wait3A_152 = arith.constant 0 : i32
        %dma_wait3A_153 = tpu.memref_slice %arg6[%dma_wait3A_150, %dma_wait3A_151, %dma_wait3A_152] : memref<45x2x128xi32, #tpu.memory_space<vmem>> -> memref<18x2x128xi32, #tpu.memory_space<vmem>>
        %dma_wait3A_154 = arith.constant 90 : i32
        %dma_wait3A_155 = arith.constant 0 : i32
        %dma_wait3A_156 = arith.constant 0 : i32
        %dma_wait3A_157 = tpu.memref_slice %arg3[%arg1, %dma_wait3A_154, %dma_wait3A_155, %dma_wait3A_156] : memref<16x108x2x128xi32, #tpu.memory_space<hbm>> -> memref<1x18x2x128xi32, #tpu.memory_space<hbm>>
        %dma_wait3A_158 = tpu.memref_squeeze %dma_wait3A_157 : memref<1x18x2x128xi32, #tpu.memory_space<hbm>> -> memref<18x2x128xi32, #tpu.memory_space<hbm>>
        tpu.wait_dma2 semaphore(%run_scoped3A_122 : memref<!tpu.dma_semaphore, #tpu.memory_space<semaphore_mem>>) src(%dma_wait3A_158 : memref<18x2x128xi32, #tpu.memory_space<hbm>>) dst(%dma_wait3A_153 : memref<18x2x128xi32, #tpu.memory_space<vmem>>)
        tpu.yield
      }) : () -> ()
      %dma_start3A_80 = arith.constant 0 : i32
      %dma_start3A_81 = arith.constant 0 : i32
      %dma_start3A_82 = arith.constant 0 : i32
      %dma_start3A_83 = tpu.memref_slice %arg6[%dma_start3A_80, %dma_start3A_81, %dma_start3A_82] : memref<45x2x128xi32, #tpu.memory_space<vmem>> -> memref<1x1x128xi32, #tpu.memory_space<vmem>>
      %dma_start3A_84 = tpu.memref_squeeze %dma_start3A_83 : memref<1x1x128xi32, #tpu.memory_space<vmem>> -> memref<128xi32, #tpu.memory_space<vmem>>
      %dma_start3A_85 = arith.constant 0 : i32
      %dma_start3A_86 = arith.constant 0 : i32
      %dma_start3A_87 = tpu.memref_slice %arg2[%dma_start3A_85, %dma_start3A_86] : memref<10000x128xf32, #tpu.memory_space<hbm>> -> memref<10000x128xf32, #tpu.memory_space<hbm>>
      tpu.enqueue_indirect_dma source(%dma_start3A_87 : memref<10000x128xf32, #tpu.memory_space<hbm>>) target(%arg7 : memref<128x128xf32, #tpu.memory_space<vmem>>) offsets(%dma_start3A_84 : memref<128xi32, #tpu.memory_space<vmem>>) semaphore(%arg11 : memref<!tpu.dma_semaphore, #tpu.memory_space<semaphore_mem>>)
      %scan3A_88 = arith.constant 0 : i32
      %scan3A_89 = arith.constant 0 : i32
      %scan3A_90 = arith.constant 8 : i32
      %scan3A_91 = arith.addi %scan3A_89, %scan3A_90 : i32
      %scan3A_92 = arith.constant 1 : i32
      scf.for %scan3A_122 = %scan3A_89 to %scan3A_91 step %scan3A_92  : i32 {
        %mul3A_123 = arith.constant 2 : i32
        %mul3A_124 = arith.muli %mul3A_123, %scan3A_122 : i32
        %add3A_125 = arith.constant 1 : i32
        %add3A_126 = arith.addi %mul3A_124, %add3A_125 : i32
        %dma_start3A_127 = arith.constant 0 : i32
        %dma_start3A_128 = arith.constant 0 : i32
        %dma_start3A_129 = tpu.memref_slice %arg6[%add3A_126, %dma_start3A_127, %dma_start3A_128] : memref<45x2x128xi32, #tpu.memory_space<vmem>> -> memref<1x1x128xi32, #tpu.memory_space<vmem>>
        %dma_start3A_130 = tpu.memref_squeeze %dma_start3A_129 : memref<1x1x128xi32, #tpu.memory_space<vmem>> -> memref<128xi32, #tpu.memory_space<vmem>>
        %dma_start3A_131 = arith.constant 0 : i32
        %dma_start3A_132 = arith.constant 0 : i32
        %dma_start3A_133 = tpu.memref_slice %arg2[%dma_start3A_131, %dma_start3A_132] : memref<10000x128xf32, #tpu.memory_space<hbm>> -> memref<10000x128xf32, #tpu.memory_space<hbm>>
        tpu.enqueue_indirect_dma source(%dma_start3A_133 : memref<10000x128xf32, #tpu.memory_space<hbm>>) target(%arg8 : memref<128x128xf32, #tpu.memory_space<vmem>>) offsets(%dma_start3A_130 : memref<128xi32, #tpu.memory_space<vmem>>) semaphore(%arg12 : memref<!tpu.dma_semaphore, #tpu.memory_space<semaphore_mem>>)
        %dma_wait3A_134 = arith.constant 0 : i32
        %dma_wait3A_135 = arith.constant 0 : i32
        %dma_wait3A_136 = tpu.memref_slice %arg6[%mul3A_124, %dma_wait3A_134, %dma_wait3A_135] : memref<45x2x128xi32, #tpu.memory_space<vmem>> -> memref<1x1x128xi32, #tpu.memory_space<vmem>>
        %dma_wait3A_137 = tpu.memref_squeeze %dma_wait3A_136 : memref<1x1x128xi32, #tpu.memory_space<vmem>> -> memref<128xi32, #tpu.memory_space<vmem>>
        %dma_wait3A_138 = arith.constant 0 : i32
        %dma_wait3A_139 = arith.constant 0 : i32
        %dma_wait3A_140 = tpu.memref_slice %arg2[%dma_wait3A_138, %dma_wait3A_139] : memref<10000x128xf32, #tpu.memory_space<hbm>> -> memref<10000x128xf32, #tpu.memory_space<hbm>>
        tpu.wait_indirect_dma semaphore(%arg11 : memref<!tpu.dma_semaphore, #tpu.memory_space<semaphore_mem>>) src(%dma_wait3A_140 : memref<10000x128xf32, #tpu.memory_space<hbm>>) dst(%arg7 : memref<128x128xf32, #tpu.memory_space<vmem>>)
        %run_scoped3A_141 = arith.constant 1 : i32
        "tpu.region"() ({
          %run_scoped3A_163 = tpu.sem_alloc : memref<!tpu.dma_semaphore, #tpu.memory_space<semaphore_mem>>
          %dma_start3A_164 = arith.constant 0 : i32
          %dma_start3A_165 = tpu.memref_slice %arg6[%mul3A_124, %run_scoped3A_141, %dma_start3A_164] : memref<45x2x128xi32, #tpu.memory_space<vmem>> -> memref<1x1x128xi32, #tpu.memory_space<vmem>>
          %dma_start3A_166 = tpu.memref_squeeze %dma_start3A_165 : memref<1x1x128xi32, #tpu.memory_space<vmem>> -> memref<128xi32, #tpu.memory_space<vmem>>
          %dma_start3A_167 = arith.constant 0 : i32
          %dma_start3A_168 = arith.constant 0 : i32
          %dma_start3A_169 = tpu.memref_slice %arg10[%dma_start3A_167, %dma_start3A_168] : memref<10008x128xf32, #tpu.memory_space<vmem_shared>> -> memref<10008x128xf32, #tpu.memory_space<vmem_shared>>
          tpu.enqueue_indirect_dma source(%arg7 : memref<128x128xf32, #tpu.memory_space<vmem>>) target(%dma_start3A_169 : memref<10008x128xf32, #tpu.memory_space<vmem_shared>>) offsets(%dma_start3A_166 : memref<128xi32, #tpu.memory_space<vmem>>) semaphore(%run_scoped3A_163 : memref<!tpu.dma_semaphore, #tpu.memory_space<semaphore_mem>>) {add = true}
          %dma_wait3A_170 = arith.constant 0 : i32
          %dma_wait3A_171 = tpu.memref_slice %arg6[%mul3A_124, %run_scoped3A_141, %dma_wait3A_170] : memref<45x2x128xi32, #tpu.memory_space<vmem>> -> memref<1x1x128xi32, #tpu.memory_space<vmem>>
          %dma_wait3A_172 = tpu.memref_squeeze %dma_wait3A_171 : memref<1x1x128xi32, #tpu.memory_space<vmem>> -> memref<128xi32, #tpu.memory_space<vmem>>
          %dma_wait3A_173 = arith.constant 0 : i32
          %dma_wait3A_174 = arith.constant 0 : i32
          %dma_wait3A_175 = tpu.memref_slice %arg10[%dma_wait3A_173, %dma_wait3A_174] : memref<10008x128xf32, #tpu.memory_space<vmem_shared>> -> memref<10008x128xf32, #tpu.memory_space<vmem_shared>>
          tpu.wait_indirect_dma semaphore(%run_scoped3A_163 : memref<!tpu.dma_semaphore, #tpu.memory_space<semaphore_mem>>) src(%arg7 : memref<128x128xf32, #tpu.memory_space<vmem>>) dst(%dma_wait3A_175 : memref<10008x128xf32, #tpu.memory_space<vmem_shared>>)
          tpu.yield
        }) : () -> ()
        %add3A_142 = arith.constant 2 : i32
        %add3A_143 = arith.addi %mul3A_124, %add3A_142 : i32
        %dma_start3A_144 = arith.constant 0 : i32
        %dma_start3A_145 = arith.constant 0 : i32
        %dma_start3A_146 = tpu.memref_slice %arg6[%add3A_143, %dma_start3A_144, %dma_start3A_145] : memref<45x2x128xi32, #tpu.memory_space<vmem>> -> memref<1x1x128xi32, #tpu.memory_space<vmem>>
        %dma_start3A_147 = tpu.memref_squeeze %dma_start3A_146 : memref<1x1x128xi32, #tpu.memory_space<vmem>> -> memref<128xi32, #tpu.memory_space<vmem>>
        %dma_start3A_148 = arith.constant 0 : i32
        %dma_start3A_149 = arith.constant 0 : i32
        %dma_start3A_150 = tpu.memref_slice %arg2[%dma_start3A_148, %dma_start3A_149] : memref<10000x128xf32, #tpu.memory_space<hbm>> -> memref<10000x128xf32, #tpu.memory_space<hbm>>
        tpu.enqueue_indirect_dma source(%dma_start3A_150 : memref<10000x128xf32, #tpu.memory_space<hbm>>) target(%arg7 : memref<128x128xf32, #tpu.memory_space<vmem>>) offsets(%dma_start3A_147 : memref<128xi32, #tpu.memory_space<vmem>>) semaphore(%arg11 : memref<!tpu.dma_semaphore, #tpu.memory_space<semaphore_mem>>)
        %add3A_151 = arith.constant 1 : i32
        %add3A_152 = arith.addi %mul3A_124, %add3A_151 : i32
        %dma_wait3A_153 = arith.constant 0 : i32
        %dma_wait3A_154 = arith.constant 0 : i32
        %dma_wait3A_155 = tpu.memref_slice %arg6[%add3A_152, %dma_wait3A_153, %dma_wait3A_154] : memref<45x2x128xi32, #tpu.memory_space<vmem>> -> memref<1x1x128xi32, #tpu.memory_space<vmem>>
        %dma_wait3A_156 = tpu.memref_squeeze %dma_wait3A_155 : memref<1x1x128xi32, #tpu.memory_space<vmem>> -> memref<128xi32, #tpu.memory_space<vmem>>
        %dma_wait3A_157 = arith.constant 0 : i32
        %dma_wait3A_158 = arith.constant 0 : i32
        %dma_wait3A_159 = tpu.memref_slice %arg2[%dma_wait3A_157, %dma_wait3A_158] : memref<10000x128xf32, #tpu.memory_space<hbm>> -> memref<10000x128xf32, #tpu.memory_space<hbm>>
        tpu.wait_indirect_dma semaphore(%arg12 : memref<!tpu.dma_semaphore, #tpu.memory_space<semaphore_mem>>) src(%dma_wait3A_159 : memref<10000x128xf32, #tpu.memory_space<hbm>>) dst(%arg8 : memref<128x128xf32, #tpu.memory_space<vmem>>)
        %add3A_160 = arith.constant 1 : i32
        %add3A_161 = arith.addi %mul3A_124, %add3A_160 : i32
        %run_scoped3A_162 = arith.constant 1 : i32
        "tpu.region"() ({
          %run_scoped3A_163 = tpu.sem_alloc : memref<!tpu.dma_semaphore, #tpu.memory_space<semaphore_mem>>
          %dma_start3A_164 = arith.constant 0 : i32
          %dma_start3A_165 = tpu.memref_slice %arg6[%add3A_161, %run_scoped3A_162, %dma_start3A_164] : memref<45x2x128xi32, #tpu.memory_space<vmem>> -> memref<1x1x128xi32, #tpu.memory_space<vmem>>
          %dma_start3A_166 = tpu.memref_squeeze %dma_start3A_165 : memref<1x1x128xi32, #tpu.memory_space<vmem>> -> memref<128xi32, #tpu.memory_space<vmem>>
          %dma_start3A_167 = arith.constant 0 : i32
          %dma_start3A_168 = arith.constant 0 : i32
          %dma_start3A_169 = tpu.memref_slice %arg10[%dma_start3A_167, %dma_start3A_168] : memref<10008x128xf32, #tpu.memory_space<vmem_shared>> -> memref<10008x128xf32, #tpu.memory_space<vmem_shared>>
          tpu.enqueue_indirect_dma source(%arg8 : memref<128x128xf32, #tpu.memory_space<vmem>>) target(%dma_start3A_169 : memref<10008x128xf32, #tpu.memory_space<vmem_shared>>) offsets(%dma_start3A_166 : memref<128xi32, #tpu.memory_space<vmem>>) semaphore(%run_scoped3A_163 : memref<!tpu.dma_semaphore, #tpu.memory_space<semaphore_mem>>) {add = true}
          %dma_wait3A_170 = arith.constant 0 : i32
          %dma_wait3A_171 = tpu.memref_slice %arg6[%add3A_161, %run_scoped3A_162, %dma_wait3A_170] : memref<45x2x128xi32, #tpu.memory_space<vmem>> -> memref<1x1x128xi32, #tpu.memory_space<vmem>>
          %dma_wait3A_172 = tpu.memref_squeeze %dma_wait3A_171 : memref<1x1x128xi32, #tpu.memory_space<vmem>> -> memref<128xi32, #tpu.memory_space<vmem>>
          %dma_wait3A_173 = arith.constant 0 : i32
          %dma_wait3A_174 = arith.constant 0 : i32
          %dma_wait3A_175 = tpu.memref_slice %arg10[%dma_wait3A_173, %dma_wait3A_174] : memref<10008x128xf32, #tpu.memory_space<vmem_shared>> -> memref<10008x128xf32, #tpu.memory_space<vmem_shared>>
          tpu.wait_indirect_dma semaphore(%run_scoped3A_163 : memref<!tpu.dma_semaphore, #tpu.memory_space<semaphore_mem>>) src(%arg8 : memref<128x128xf32, #tpu.memory_space<vmem>>) dst(%dma_wait3A_175 : memref<10008x128xf32, #tpu.memory_space<vmem_shared>>)
          tpu.yield
        }) : () -> ()
      }
      %scan3A_93 = arith.constant 8 : i32
      %dma_start3A_94 = arith.constant 17 : i32
      %dma_start3A_95 = arith.constant 0 : i32
      %dma_start3A_96 = arith.constant 0 : i32
      %dma_start3A_97 = tpu.memref_slice %arg6[%dma_start3A_94, %dma_start3A_95, %dma_start3A_96] : memref<45x2x128xi32, #tpu.memory_space<vmem>> -> memref<1x1x128xi32, #tpu.memory_space<vmem>>
      %dma_start3A_98 = tpu.memref_squeeze %dma_start3A_97 : memref<1x1x128xi32, #tpu.memory_space<vmem>> -> memref<128xi32, #tpu.memory_space<vmem>>
      %dma_start3A_99 = arith.constant 0 : i32
      %dma_start3A_100 = arith.constant 0 : i32
      %dma_start3A_101 = tpu.memref_slice %arg2[%dma_start3A_99, %dma_start3A_100] : memref<10000x128xf32, #tpu.memory_space<hbm>> -> memref<10000x128xf32, #tpu.memory_space<hbm>>
      tpu.enqueue_indirect_dma source(%dma_start3A_101 : memref<10000x128xf32, #tpu.memory_space<hbm>>) target(%arg8 : memref<128x128xf32, #tpu.memory_space<vmem>>) offsets(%dma_start3A_98 : memref<128xi32, #tpu.memory_space<vmem>>) semaphore(%arg12 : memref<!tpu.dma_semaphore, #tpu.memory_space<semaphore_mem>>)
      %dma_wait3A_102 = arith.constant 16 : i32
      %dma_wait3A_103 = arith.constant 0 : i32
      %dma_wait3A_104 = arith.constant 0 : i32
      %dma_wait3A_105 = tpu.memref_slice %arg6[%dma_wait3A_102, %dma_wait3A_103, %dma_wait3A_104] : memref<45x2x128xi32, #tpu.memory_space<vmem>> -> memref<1x1x128xi32, #tpu.memory_space<vmem>>
      %dma_wait3A_106 = tpu.memref_squeeze %dma_wait3A_105 : memref<1x1x128xi32, #tpu.memory_space<vmem>> -> memref<128xi32, #tpu.memory_space<vmem>>
      %dma_wait3A_107 = arith.constant 0 : i32
      %dma_wait3A_108 = arith.constant 0 : i32
      %dma_wait3A_109 = tpu.memref_slice %arg2[%dma_wait3A_107, %dma_wait3A_108] : memref<10000x128xf32, #tpu.memory_space<hbm>> -> memref<10000x128xf32, #tpu.memory_space<hbm>>
      tpu.wait_indirect_dma semaphore(%arg11 : memref<!tpu.dma_semaphore, #tpu.memory_space<semaphore_mem>>) src(%dma_wait3A_109 : memref<10000x128xf32, #tpu.memory_space<hbm>>) dst(%arg7 : memref<128x128xf32, #tpu.memory_space<vmem>>)
      %run_scoped3A_110 = arith.constant 16 : i32
      %run_scoped3A_111 = arith.constant 1 : i32
      "tpu.region"() ({
        %run_scoped3A_122 = tpu.sem_alloc : memref<!tpu.dma_semaphore, #tpu.memory_space<semaphore_mem>>
        %dma_start3A_123 = arith.constant 0 : i32
        %dma_start3A_124 = tpu.memref_slice %arg6[%run_scoped3A_110, %run_scoped3A_111, %dma_start3A_123] : memref<45x2x128xi32, #tpu.memory_space<vmem>> -> memref<1x1x128xi32, #tpu.memory_space<vmem>>
        %dma_start3A_125 = tpu.memref_squeeze %dma_start3A_124 : memref<1x1x128xi32, #tpu.memory_space<vmem>> -> memref<128xi32, #tpu.memory_space<vmem>>
        %dma_start3A_126 = arith.constant 0 : i32
        %dma_start3A_127 = arith.constant 0 : i32
        %dma_start3A_128 = tpu.memref_slice %arg10[%dma_start3A_126, %dma_start3A_127] : memref<10008x128xf32, #tpu.memory_space<vmem_shared>> -> memref<10008x128xf32, #tpu.memory_space<vmem_shared>>
        tpu.enqueue_indirect_dma source(%arg7 : memref<128x128xf32, #tpu.memory_space<vmem>>) target(%dma_start3A_128 : memref<10008x128xf32, #tpu.memory_space<vmem_shared>>) offsets(%dma_start3A_125 : memref<128xi32, #tpu.memory_space<vmem>>) semaphore(%run_scoped3A_122 : memref<!tpu.dma_semaphore, #tpu.memory_space<semaphore_mem>>) {add = true}
        %dma_wait3A_129 = arith.constant 0 : i32
        %dma_wait3A_130 = tpu.memref_slice %arg6[%run_scoped3A_110, %run_scoped3A_111, %dma_wait3A_129] : memref<45x2x128xi32, #tpu.memory_space<vmem>> -> memref<1x1x128xi32, #tpu.memory_space<vmem>>
        %dma_wait3A_131 = tpu.memref_squeeze %dma_wait3A_130 : memref<1x1x128xi32, #tpu.memory_space<vmem>> -> memref<128xi32, #tpu.memory_space<vmem>>
        %dma_wait3A_132 = arith.constant 0 : i32
        %dma_wait3A_133 = arith.constant 0 : i32
        %dma_wait3A_134 = tpu.memref_slice %arg10[%dma_wait3A_132, %dma_wait3A_133] : memref<10008x128xf32, #tpu.memory_space<vmem_shared>> -> memref<10008x128xf32, #tpu.memory_space<vmem_shared>>
        tpu.wait_indirect_dma semaphore(%run_scoped3A_122 : memref<!tpu.dma_semaphore, #tpu.memory_space<semaphore_mem>>) src(%arg7 : memref<128x128xf32, #tpu.memory_space<vmem>>) dst(%dma_wait3A_134 : memref<10008x128xf32, #tpu.memory_space<vmem_shared>>)
        tpu.yield
      }) : () -> ()
      %dma_wait3A_112 = arith.constant 17 : i32
      %dma_wait3A_113 = arith.constant 0 : i32
      %dma_wait3A_114 = arith.constant 0 : i32
      %dma_wait3A_115 = tpu.memref_slice %arg6[%dma_wait3A_112, %dma_wait3A_113, %dma_wait3A_114] : memref<45x2x128xi32, #tpu.memory_space<vmem>> -> memref<1x1x128xi32, #tpu.memory_space<vmem>>
      %dma_wait3A_116 = tpu.memref_squeeze %dma_wait3A_115 : memref<1x1x128xi32, #tpu.memory_space<vmem>> -> memref<128xi32, #tpu.memory_space<vmem>>
      %dma_wait3A_117 = arith.constant 0 : i32
      %dma_wait3A_118 = arith.constant 0 : i32
      %dma_wait3A_119 = tpu.memref_slice %arg2[%dma_wait3A_117, %dma_wait3A_118] : memref<10000x128xf32, #tpu.memory_space<hbm>> -> memref<10000x128xf32, #tpu.memory_space<hbm>>
      tpu.wait_indirect_dma semaphore(%arg12 : memref<!tpu.dma_semaphore, #tpu.memory_space<semaphore_mem>>) src(%dma_wait3A_119 : memref<10000x128xf32, #tpu.memory_space<hbm>>) dst(%arg8 : memref<128x128xf32, #tpu.memory_space<vmem>>)
      %run_scoped3A_120 = arith.constant 17 : i32
      %run_scoped3A_121 = arith.constant 1 : i32
      "tpu.region"() ({
        %run_scoped3A_122 = tpu.sem_alloc : memref<!tpu.dma_semaphore, #tpu.memory_space<semaphore_mem>>
        %dma_start3A_123 = arith.constant 0 : i32
        %dma_start3A_124 = tpu.memref_slice %arg6[%run_scoped3A_120, %run_scoped3A_121, %dma_start3A_123] : memref<45x2x128xi32, #tpu.memory_space<vmem>> -> memref<1x1x128xi32, #tpu.memory_space<vmem>>
        %dma_start3A_125 = tpu.memref_squeeze %dma_start3A_124 : memref<1x1x128xi32, #tpu.memory_space<vmem>> -> memref<128xi32, #tpu.memory_space<vmem>>
        %dma_start3A_126 = arith.constant 0 : i32
        %dma_start3A_127 = arith.constant 0 : i32
        %dma_start3A_128 = tpu.memref_slice %arg10[%dma_start3A_126, %dma_start3A_127] : memref<10008x128xf32, #tpu.memory_space<vmem_shared>> -> memref<10008x128xf32, #tpu.memory_space<vmem_shared>>
        tpu.enqueue_indirect_dma source(%arg8 : memref<128x128xf32, #tpu.memory_space<vmem>>) target(%dma_start3A_128 : memref<10008x128xf32, #tpu.memory_space<vmem_shared>>) offsets(%dma_start3A_125 : memref<128xi32, #tpu.memory_space<vmem>>) semaphore(%run_scoped3A_122 : memref<!tpu.dma_semaphore, #tpu.memory_space<semaphore_mem>>) {add = true}
        %dma_wait3A_129 = arith.constant 0 : i32
        %dma_wait3A_130 = tpu.memref_slice %arg6[%run_scoped3A_120, %run_scoped3A_121, %dma_wait3A_129] : memref<45x2x128xi32, #tpu.memory_space<vmem>> -> memref<1x1x128xi32, #tpu.memory_space<vmem>>
        %dma_wait3A_131 = tpu.memref_squeeze %dma_wait3A_130 : memref<1x1x128xi32, #tpu.memory_space<vmem>> -> memref<128xi32, #tpu.memory_space<vmem>>
        %dma_wait3A_132 = arith.constant 0 : i32
        %dma_wait3A_133 = arith.constant 0 : i32
        %dma_wait3A_134 = tpu.memref_slice %arg10[%dma_wait3A_132, %dma_wait3A_133] : memref<10008x128xf32, #tpu.memory_space<vmem_shared>> -> memref<10008x128xf32, #tpu.memory_space<vmem_shared>>
        tpu.wait_indirect_dma semaphore(%run_scoped3A_122 : memref<!tpu.dma_semaphore, #tpu.memory_space<semaphore_mem>>) src(%arg8 : memref<128x128xf32, #tpu.memory_space<vmem>>) dst(%dma_wait3A_134 : memref<10008x128xf32, #tpu.memory_space<vmem_shared>>)
        tpu.yield
      }) : () -> ()
    } else {
    }
    %eq3A_20 = arith.constant 1 : i32
    %eq3A_21 = arith.cmpi eq, %arg0, %eq3A_20 : i32
    %convert_element_type3A_22 = arith.extui %eq3A_21 : i1 to i32
    %cond3A_23 = arith.constant 0 : i32
    %cond3A_24 = arith.cmpi ne, %convert_element_type3A_22, %cond3A_23 : i32
    scf.if %cond3A_24 {
      "tpu.region"() ({
        %run_scoped3A_135 = tpu.sem_alloc : memref<!tpu.dma_semaphore, #tpu.memory_space<semaphore_mem>>
        %dma_start3A_136 = arith.constant 0 : i32
        %dma_start3A_137 = arith.constant 0 : i32
        %dma_start3A_138 = arith.constant 0 : i32
        %dma_start3A_139 = tpu.memref_slice %arg6[%dma_start3A_136, %dma_start3A_137, %dma_start3A_138] : memref<45x2x128xi32, #tpu.memory_space<vmem>> -> memref<45x2x128xi32, #tpu.memory_space<vmem>>
        %dma_start3A_140 = arith.constant 0 : i32
        %dma_start3A_141 = arith.constant 0 : i32
        %dma_start3A_142 = arith.constant 0 : i32
        %dma_start3A_143 = tpu.memref_slice %arg4[%arg1, %dma_start3A_140, %dma_start3A_141, %dma_start3A_142] : memref<16x49x2x128xi32, #tpu.memory_space<hbm>> -> memref<1x45x2x128xi32, #tpu.memory_space<hbm>>
        %dma_start3A_144 = tpu.memref_squeeze %dma_start3A_143 : memref<1x45x2x128xi32, #tpu.memory_space<hbm>> -> memref<45x2x128xi32, #tpu.memory_space<hbm>>
        %dma_start3A_145 = arith.constant 0 : i32
        %dma_start3A_146 = arith.constant 0 : i32
        %dma_start3A_147 = arith.constant 0 : i32
        %dma_start3A_148 = tpu.memref_slice %arg6[%dma_start3A_145, %dma_start3A_146, %dma_start3A_147] : memref<45x2x128xi32, #tpu.memory_space<vmem>> -> memref<45x2x128xi32, #tpu.memory_space<vmem>>
        %dma_start3A_149 = arith.constant 0 : i32
        %dma_start3A_150 = arith.constant 0 : i32
        %dma_start3A_151 = arith.constant 0 : i32
        %dma_start3A_152 = tpu.memref_slice %arg4[%arg1, %dma_start3A_149, %dma_start3A_150, %dma_start3A_151] : memref<16x49x2x128xi32, #tpu.memory_space<hbm>> -> memref<1x45x2x128xi32, #tpu.memory_space<hbm>>
        %dma_start3A_153 = tpu.memref_squeeze %dma_start3A_152 : memref<1x45x2x128xi32, #tpu.memory_space<hbm>> -> memref<45x2x128xi32, #tpu.memory_space<hbm>>
        tpu.enqueue_dma source(%dma_start3A_153 : memref<45x2x128xi32, #tpu.memory_space<hbm>>) target(%dma_start3A_148 : memref<45x2x128xi32, #tpu.memory_space<vmem>>) target_semaphore(%run_scoped3A_135 : memref<!tpu.dma_semaphore, #tpu.memory_space<semaphore_mem>>)
        %dma_wait3A_154 = arith.constant 0 : i32
        %dma_wait3A_155 = arith.constant 0 : i32
        %dma_wait3A_156 = arith.constant 0 : i32
        %dma_wait3A_157 = tpu.memref_slice %arg6[%dma_wait3A_154, %dma_wait3A_155, %dma_wait3A_156] : memref<45x2x128xi32, #tpu.memory_space<vmem>> -> memref<45x2x128xi32, #tpu.memory_space<vmem>>
        %dma_wait3A_158 = arith.constant 0 : i32
        %dma_wait3A_159 = arith.constant 0 : i32
        %dma_wait3A_160 = arith.constant 0 : i32
        %dma_wait3A_161 = tpu.memref_slice %arg4[%arg1, %dma_wait3A_158, %dma_wait3A_159, %dma_wait3A_160] : memref<16x49x2x128xi32, #tpu.memory_space<hbm>> -> memref<1x45x2x128xi32, #tpu.memory_space<hbm>>
        %dma_wait3A_162 = tpu.memref_squeeze %dma_wait3A_161 : memref<1x45x2x128xi32, #tpu.memory_space<hbm>> -> memref<45x2x128xi32, #tpu.memory_space<hbm>>
        %dma_wait3A_163 = arith.constant 0 : i32
        %dma_wait3A_164 = arith.constant 0 : i32
        %dma_wait3A_165 = arith.constant 0 : i32
        %dma_wait3A_166 = tpu.memref_slice %arg6[%dma_wait3A_163, %dma_wait3A_164, %dma_wait3A_165] : memref<45x2x128xi32, #tpu.memory_space<vmem>> -> memref<45x2x128xi32, #tpu.memory_space<vmem>>
        %dma_wait3A_167 = arith.constant 0 : i32
        %dma_wait3A_168 = arith.constant 0 : i32
        %dma_wait3A_169 = arith.constant 0 : i32
        %dma_wait3A_170 = tpu.memref_slice %arg4[%arg1, %dma_wait3A_167, %dma_wait3A_168, %dma_wait3A_169] : memref<16x49x2x128xi32, #tpu.memory_space<hbm>> -> memref<1x45x2x128xi32, #tpu.memory_space<hbm>>
        %dma_wait3A_171 = tpu.memref_squeeze %dma_wait3A_170 : memref<1x45x2x128xi32, #tpu.memory_space<hbm>> -> memref<45x2x128xi32, #tpu.memory_space<hbm>>
        tpu.wait_dma2 semaphore(%run_scoped3A_135 : memref<!tpu.dma_semaphore, #tpu.memory_space<semaphore_mem>>) src(%dma_wait3A_171 : memref<45x2x128xi32, #tpu.memory_space<hbm>>) dst(%dma_wait3A_166 : memref<45x2x128xi32, #tpu.memory_space<vmem>>)
        tpu.yield
      }) : () -> ()
      %dma_start3A = arith.constant 0 : i32
      %dma_start3A_35 = arith.constant 0 : i32
      %dma_start3A_36 = arith.constant 0 : i32
      %dma_start3A_37 = tpu.memref_slice %arg6[%dma_start3A, %dma_start3A_35, %dma_start3A_36] : memref<45x2x128xi32, #tpu.memory_space<vmem>> -> memref<1x1x128xi32, #tpu.memory_space<vmem>>
      %dma_start3A_38 = tpu.memref_squeeze %dma_start3A_37 : memref<1x1x128xi32, #tpu.memory_space<vmem>> -> memref<128xi32, #tpu.memory_space<vmem>>
      %dma_start3A_39 = arith.constant 0 : i32
      %dma_start3A_40 = arith.constant 0 : i32
      %dma_start3A_41 = tpu.memref_slice %arg2[%dma_start3A_39, %dma_start3A_40] : memref<10000x128xf32, #tpu.memory_space<hbm>> -> memref<10000x128xf32, #tpu.memory_space<hbm>>
      tpu.enqueue_indirect_dma source(%dma_start3A_41 : memref<10000x128xf32, #tpu.memory_space<hbm>>) target(%arg7 : memref<128x128xf32, #tpu.memory_space<vmem>>) offsets(%dma_start3A_38 : memref<128xi32, #tpu.memory_space<vmem>>) semaphore(%arg11 : memref<!tpu.dma_semaphore, #tpu.memory_space<semaphore_mem>>)
      %scan3A_42 = arith.constant 0 : i32
      %scan3A_43 = arith.constant 0 : i32
      %scan3A_44 = arith.constant 22 : i32
      %scan3A_45 = arith.addi %scan3A_43, %scan3A_44 : i32
      %scan3A_46 = arith.constant 1 : i32
      scf.for %scan3A_135 = %scan3A_43 to %scan3A_45 step %scan3A_46  : i32 {
        %mul3A_136 = arith.constant 2 : i32
        %mul3A_137 = arith.muli %mul3A_136, %scan3A_135 : i32
        %add3A_138 = arith.constant 1 : i32
        %add3A_139 = arith.addi %mul3A_137, %add3A_138 : i32
        %dma_start3A_140 = arith.constant 0 : i32
        %dma_start3A_141 = arith.constant 0 : i32
        %dma_start3A_142 = tpu.memref_slice %arg6[%add3A_139, %dma_start3A_140, %dma_start3A_141] : memref<45x2x128xi32, #tpu.memory_space<vmem>> -> memref<1x1x128xi32, #tpu.memory_space<vmem>>
        %dma_start3A_143 = tpu.memref_squeeze %dma_start3A_142 : memref<1x1x128xi32, #tpu.memory_space<vmem>> -> memref<128xi32, #tpu.memory_space<vmem>>
        %dma_start3A_144 = arith.constant 0 : i32
        %dma_start3A_145 = arith.constant 0 : i32
        %dma_start3A_146 = tpu.memref_slice %arg2[%dma_start3A_144, %dma_start3A_145] : memref<10000x128xf32, #tpu.memory_space<hbm>> -> memref<10000x128xf32, #tpu.memory_space<hbm>>
        tpu.enqueue_indirect_dma source(%dma_start3A_146 : memref<10000x128xf32, #tpu.memory_space<hbm>>) target(%arg8 : memref<128x128xf32, #tpu.memory_space<vmem>>) offsets(%dma_start3A_143 : memref<128xi32, #tpu.memory_space<vmem>>) semaphore(%arg12 : memref<!tpu.dma_semaphore, #tpu.memory_space<semaphore_mem>>)
        %dma_wait3A_147 = arith.constant 0 : i32
        %dma_wait3A_148 = arith.constant 0 : i32
        %dma_wait3A_149 = tpu.memref_slice %arg6[%mul3A_137, %dma_wait3A_147, %dma_wait3A_148] : memref<45x2x128xi32, #tpu.memory_space<vmem>> -> memref<1x1x128xi32, #tpu.memory_space<vmem>>
        %dma_wait3A_150 = tpu.memref_squeeze %dma_wait3A_149 : memref<1x1x128xi32, #tpu.memory_space<vmem>> -> memref<128xi32, #tpu.memory_space<vmem>>
        %dma_wait3A_151 = arith.constant 0 : i32
        %dma_wait3A_152 = arith.constant 0 : i32
        %dma_wait3A_153 = tpu.memref_slice %arg2[%dma_wait3A_151, %dma_wait3A_152] : memref<10000x128xf32, #tpu.memory_space<hbm>> -> memref<10000x128xf32, #tpu.memory_space<hbm>>
        tpu.wait_indirect_dma semaphore(%arg11 : memref<!tpu.dma_semaphore, #tpu.memory_space<semaphore_mem>>) src(%dma_wait3A_153 : memref<10000x128xf32, #tpu.memory_space<hbm>>) dst(%arg7 : memref<128x128xf32, #tpu.memory_space<vmem>>)
        %run_scoped3A_154 = arith.constant 1 : i32
        "tpu.region"() ({
          %run_scoped3A_176 = tpu.sem_alloc : memref<!tpu.dma_semaphore, #tpu.memory_space<semaphore_mem>>
          %dma_start3A_177 = arith.constant 0 : i32
          %dma_start3A_178 = tpu.memref_slice %arg6[%mul3A_137, %run_scoped3A_154, %dma_start3A_177] : memref<45x2x128xi32, #tpu.memory_space<vmem>> -> memref<1x1x128xi32, #tpu.memory_space<vmem>>
          %dma_start3A_179 = tpu.memref_squeeze %dma_start3A_178 : memref<1x1x128xi32, #tpu.memory_space<vmem>> -> memref<128xi32, #tpu.memory_space<vmem>>
          %dma_start3A_180 = arith.constant 0 : i32
          %dma_start3A_181 = arith.constant 0 : i32
          %dma_start3A_182 = tpu.memref_slice %arg10[%dma_start3A_180, %dma_start3A_181] : memref<10008x128xf32, #tpu.memory_space<vmem_shared>> -> memref<10008x128xf32, #tpu.memory_space<vmem_shared>>
          tpu.enqueue_indirect_dma source(%arg7 : memref<128x128xf32, #tpu.memory_space<vmem>>) target(%dma_start3A_182 : memref<10008x128xf32, #tpu.memory_space<vmem_shared>>) offsets(%dma_start3A_179 : memref<128xi32, #tpu.memory_space<vmem>>) semaphore(%run_scoped3A_176 : memref<!tpu.dma_semaphore, #tpu.memory_space<semaphore_mem>>) {add = true}
          %dma_wait3A_183 = arith.constant 0 : i32
          %dma_wait3A_184 = tpu.memref_slice %arg6[%mul3A_137, %run_scoped3A_154, %dma_wait3A_183] : memref<45x2x128xi32, #tpu.memory_space<vmem>> -> memref<1x1x128xi32, #tpu.memory_space<vmem>>
          %dma_wait3A_185 = tpu.memref_squeeze %dma_wait3A_184 : memref<1x1x128xi32, #tpu.memory_space<vmem>> -> memref<128xi32, #tpu.memory_space<vmem>>
          %dma_wait3A_186 = arith.constant 0 : i32
          %dma_wait3A_187 = arith.constant 0 : i32
          %dma_wait3A_188 = tpu.memref_slice %arg10[%dma_wait3A_186, %dma_wait3A_187] : memref<10008x128xf32, #tpu.memory_space<vmem_shared>> -> memref<10008x128xf32, #tpu.memory_space<vmem_shared>>
          tpu.wait_indirect_dma semaphore(%run_scoped3A_176 : memref<!tpu.dma_semaphore, #tpu.memory_space<semaphore_mem>>) src(%arg7 : memref<128x128xf32, #tpu.memory_space<vmem>>) dst(%dma_wait3A_188 : memref<10008x128xf32, #tpu.memory_space<vmem_shared>>)
          tpu.yield
        }) : () -> ()
        %add3A_155 = arith.constant 2 : i32
        %add3A_156 = arith.addi %mul3A_137, %add3A_155 : i32
        %dma_start3A_157 = arith.constant 0 : i32
        %dma_start3A_158 = arith.constant 0 : i32
        %dma_start3A_159 = tpu.memref_slice %arg6[%add3A_156, %dma_start3A_157, %dma_start3A_158] : memref<45x2x128xi32, #tpu.memory_space<vmem>> -> memref<1x1x128xi32, #tpu.memory_space<vmem>>
        %dma_start3A_160 = tpu.memref_squeeze %dma_start3A_159 : memref<1x1x128xi32, #tpu.memory_space<vmem>> -> memref<128xi32, #tpu.memory_space<vmem>>
        %dma_start3A_161 = arith.constant 0 : i32
        %dma_start3A_162 = arith.constant 0 : i32
        %dma_start3A_163 = tpu.memref_slice %arg2[%dma_start3A_161, %dma_start3A_162] : memref<10000x128xf32, #tpu.memory_space<hbm>> -> memref<10000x128xf32, #tpu.memory_space<hbm>>
        tpu.enqueue_indirect_dma source(%dma_start3A_163 : memref<10000x128xf32, #tpu.memory_space<hbm>>) target(%arg7 : memref<128x128xf32, #tpu.memory_space<vmem>>) offsets(%dma_start3A_160 : memref<128xi32, #tpu.memory_space<vmem>>) semaphore(%arg11 : memref<!tpu.dma_semaphore, #tpu.memory_space<semaphore_mem>>)
        %add3A_164 = arith.constant 1 : i32
        %add3A_165 = arith.addi %mul3A_137, %add3A_164 : i32
        %dma_wait3A_166 = arith.constant 0 : i32
        %dma_wait3A_167 = arith.constant 0 : i32
        %dma_wait3A_168 = tpu.memref_slice %arg6[%add3A_165, %dma_wait3A_166, %dma_wait3A_167] : memref<45x2x128xi32, #tpu.memory_space<vmem>> -> memref<1x1x128xi32, #tpu.memory_space<vmem>>
        %dma_wait3A_169 = tpu.memref_squeeze %dma_wait3A_168 : memref<1x1x128xi32, #tpu.memory_space<vmem>> -> memref<128xi32, #tpu.memory_space<vmem>>
        %dma_wait3A_170 = arith.constant 0 : i32
        %dma_wait3A_171 = arith.constant 0 : i32
        %dma_wait3A_172 = tpu.memref_slice %arg2[%dma_wait3A_170, %dma_wait3A_171] : memref<10000x128xf32, #tpu.memory_space<hbm>> -> memref<10000x128xf32, #tpu.memory_space<hbm>>
        tpu.wait_indirect_dma semaphore(%arg12 : memref<!tpu.dma_semaphore, #tpu.memory_space<semaphore_mem>>) src(%dma_wait3A_172 : memref<10000x128xf32, #tpu.memory_space<hbm>>) dst(%arg8 : memref<128x128xf32, #tpu.memory_space<vmem>>)
        %add3A_173 = arith.constant 1 : i32
        %add3A_174 = arith.addi %mul3A_137, %add3A_173 : i32
        %run_scoped3A_175 = arith.constant 1 : i32
        "tpu.region"() ({
          %run_scoped3A_176 = tpu.sem_alloc : memref<!tpu.dma_semaphore, #tpu.memory_space<semaphore_mem>>
          %dma_start3A_177 = arith.constant 0 : i32
          %dma_start3A_178 = tpu.memref_slice %arg6[%add3A_174, %run_scoped3A_175, %dma_start3A_177] : memref<45x2x128xi32, #tpu.memory_space<vmem>> -> memref<1x1x128xi32, #tpu.memory_space<vmem>>
          %dma_start3A_179 = tpu.memref_squeeze %dma_start3A_178 : memref<1x1x128xi32, #tpu.memory_space<vmem>> -> memref<128xi32, #tpu.memory_space<vmem>>
          %dma_start3A_180 = arith.constant 0 : i32
          %dma_start3A_181 = arith.constant 0 : i32
          %dma_start3A_182 = tpu.memref_slice %arg10[%dma_start3A_180, %dma_start3A_181] : memref<10008x128xf32, #tpu.memory_space<vmem_shared>> -> memref<10008x128xf32, #tpu.memory_space<vmem_shared>>
          tpu.enqueue_indirect_dma source(%arg8 : memref<128x128xf32, #tpu.memory_space<vmem>>) target(%dma_start3A_182 : memref<10008x128xf32, #tpu.memory_space<vmem_shared>>) offsets(%dma_start3A_179 : memref<128xi32, #tpu.memory_space<vmem>>) semaphore(%run_scoped3A_176 : memref<!tpu.dma_semaphore, #tpu.memory_space<semaphore_mem>>) {add = true}
          %dma_wait3A_183 = arith.constant 0 : i32
          %dma_wait3A_184 = tpu.memref_slice %arg6[%add3A_174, %run_scoped3A_175, %dma_wait3A_183] : memref<45x2x128xi32, #tpu.memory_space<vmem>> -> memref<1x1x128xi32, #tpu.memory_space<vmem>>
          %dma_wait3A_185 = tpu.memref_squeeze %dma_wait3A_184 : memref<1x1x128xi32, #tpu.memory_space<vmem>> -> memref<128xi32, #tpu.memory_space<vmem>>
          %dma_wait3A_186 = arith.constant 0 : i32
          %dma_wait3A_187 = arith.constant 0 : i32
          %dma_wait3A_188 = tpu.memref_slice %arg10[%dma_wait3A_186, %dma_wait3A_187] : memref<10008x128xf32, #tpu.memory_space<vmem_shared>> -> memref<10008x128xf32, #tpu.memory_space<vmem_shared>>
          tpu.wait_indirect_dma semaphore(%run_scoped3A_176 : memref<!tpu.dma_semaphore, #tpu.memory_space<semaphore_mem>>) src(%arg8 : memref<128x128xf32, #tpu.memory_space<vmem>>) dst(%dma_wait3A_188 : memref<10008x128xf32, #tpu.memory_space<vmem_shared>>)
          tpu.yield
        }) : () -> ()
      }
      %scan3A_47 = arith.constant 22 : i32
      %dma_wait3A = arith.constant 44 : i32
      %dma_wait3A_48 = arith.constant 0 : i32
      %dma_wait3A_49 = arith.constant 0 : i32
      %dma_wait3A_50 = tpu.memref_slice %arg6[%dma_wait3A, %dma_wait3A_48, %dma_wait3A_49] : memref<45x2x128xi32, #tpu.memory_space<vmem>> -> memref<1x1x128xi32, #tpu.memory_space<vmem>>
      %dma_wait3A_51 = tpu.memref_squeeze %dma_wait3A_50 : memref<1x1x128xi32, #tpu.memory_space<vmem>> -> memref<128xi32, #tpu.memory_space<vmem>>
      %dma_wait3A_52 = arith.constant 0 : i32
      %dma_wait3A_53 = arith.constant 0 : i32
      %dma_wait3A_54 = tpu.memref_slice %arg2[%dma_wait3A_52, %dma_wait3A_53] : memref<10000x128xf32, #tpu.memory_space<hbm>> -> memref<10000x128xf32, #tpu.memory_space<hbm>>
      tpu.wait_indirect_dma semaphore(%arg11 : memref<!tpu.dma_semaphore, #tpu.memory_space<semaphore_mem>>) src(%dma_wait3A_54 : memref<10000x128xf32, #tpu.memory_space<hbm>>) dst(%arg7 : memref<128x128xf32, #tpu.memory_space<vmem>>)
      %run_scoped3A = arith.constant 44 : i32
      %run_scoped3A_55 = arith.constant 1 : i32
      "tpu.region"() ({
        %run_scoped3A_135 = tpu.sem_alloc : memref<!tpu.dma_semaphore, #tpu.memory_space<semaphore_mem>>
        %dma_start3A_136 = arith.constant 0 : i32
        %dma_start3A_137 = tpu.memref_slice %arg6[%run_scoped3A, %run_scoped3A_55, %dma_start3A_136] : memref<45x2x128xi32, #tpu.memory_space<vmem>> -> memref<1x1x128xi32, #tpu.memory_space<vmem>>
        %dma_start3A_138 = tpu.memref_squeeze %dma_start3A_137 : memref<1x1x128xi32, #tpu.memory_space<vmem>> -> memref<128xi32, #tpu.memory_space<vmem>>
        %dma_start3A_139 = arith.constant 0 : i32
        %dma_start3A_140 = arith.constant 0 : i32
        %dma_start3A_141 = tpu.memref_slice %arg10[%dma_start3A_139, %dma_start3A_140] : memref<10008x128xf32, #tpu.memory_space<vmem_shared>> -> memref<10008x128xf32, #tpu.memory_space<vmem_shared>>
        tpu.enqueue_indirect_dma source(%arg7 : memref<128x128xf32, #tpu.memory_space<vmem>>) target(%dma_start3A_141 : memref<10008x128xf32, #tpu.memory_space<vmem_shared>>) offsets(%dma_start3A_138 : memref<128xi32, #tpu.memory_space<vmem>>) semaphore(%run_scoped3A_135 : memref<!tpu.dma_semaphore, #tpu.memory_space<semaphore_mem>>) {add = true}
        %dma_wait3A_142 = arith.constant 0 : i32
        %dma_wait3A_143 = tpu.memref_slice %arg6[%run_scoped3A, %run_scoped3A_55, %dma_wait3A_142] : memref<45x2x128xi32, #tpu.memory_space<vmem>> -> memref<1x1x128xi32, #tpu.memory_space<vmem>>
        %dma_wait3A_144 = tpu.memref_squeeze %dma_wait3A_143 : memref<1x1x128xi32, #tpu.memory_space<vmem>> -> memref<128xi32, #tpu.memory_space<vmem>>
        %dma_wait3A_145 = arith.constant 0 : i32
        %dma_wait3A_146 = arith.constant 0 : i32
        %dma_wait3A_147 = tpu.memref_slice %arg10[%dma_wait3A_145, %dma_wait3A_146] : memref<10008x128xf32, #tpu.memory_space<vmem_shared>> -> memref<10008x128xf32, #tpu.memory_space<vmem_shared>>
        tpu.wait_indirect_dma semaphore(%run_scoped3A_135 : memref<!tpu.dma_semaphore, #tpu.memory_space<semaphore_mem>>) src(%arg7 : memref<128x128xf32, #tpu.memory_space<vmem>>) dst(%dma_wait3A_147 : memref<10008x128xf32, #tpu.memory_space<vmem_shared>>)
        tpu.yield
      }) : () -> ()
      "tpu.region"() ({
        %run_scoped3A_135 = tpu.sem_alloc : memref<!tpu.dma_semaphore, #tpu.memory_space<semaphore_mem>>
        %dma_start3A_136 = arith.constant 0 : i32
        %dma_start3A_137 = arith.constant 0 : i32
        %dma_start3A_138 = arith.constant 0 : i32
        %dma_start3A_139 = tpu.memref_slice %arg6[%dma_start3A_136, %dma_start3A_137, %dma_start3A_138] : memref<45x2x128xi32, #tpu.memory_space<vmem>> -> memref<4x2x128xi32, #tpu.memory_space<vmem>>
        %dma_start3A_140 = arith.constant 45 : i32
        %dma_start3A_141 = arith.constant 0 : i32
        %dma_start3A_142 = arith.constant 0 : i32
        %dma_start3A_143 = tpu.memref_slice %arg4[%arg1, %dma_start3A_140, %dma_start3A_141, %dma_start3A_142] : memref<16x49x2x128xi32, #tpu.memory_space<hbm>> -> memref<1x4x2x128xi32, #tpu.memory_space<hbm>>
        %dma_start3A_144 = tpu.memref_squeeze %dma_start3A_143 : memref<1x4x2x128xi32, #tpu.memory_space<hbm>> -> memref<4x2x128xi32, #tpu.memory_space<hbm>>
        %dma_start3A_145 = arith.constant 0 : i32
        %dma_start3A_146 = arith.constant 0 : i32
        %dma_start3A_147 = arith.constant 0 : i32
        %dma_start3A_148 = tpu.memref_slice %arg6[%dma_start3A_145, %dma_start3A_146, %dma_start3A_147] : memref<45x2x128xi32, #tpu.memory_space<vmem>> -> memref<4x2x128xi32, #tpu.memory_space<vmem>>
        %dma_start3A_149 = arith.constant 45 : i32
        %dma_start3A_150 = arith.constant 0 : i32
        %dma_start3A_151 = arith.constant 0 : i32
        %dma_start3A_152 = tpu.memref_slice %arg4[%arg1, %dma_start3A_149, %dma_start3A_150, %dma_start3A_151] : memref<16x49x2x128xi32, #tpu.memory_space<hbm>> -> memref<1x4x2x128xi32, #tpu.memory_space<hbm>>
        %dma_start3A_153 = tpu.memref_squeeze %dma_start3A_152 : memref<1x4x2x128xi32, #tpu.memory_space<hbm>> -> memref<4x2x128xi32, #tpu.memory_space<hbm>>
        tpu.enqueue_dma source(%dma_start3A_153 : memref<4x2x128xi32, #tpu.memory_space<hbm>>) target(%dma_start3A_148 : memref<4x2x128xi32, #tpu.memory_space<vmem>>) target_semaphore(%run_scoped3A_135 : memref<!tpu.dma_semaphore, #tpu.memory_space<semaphore_mem>>)
        %dma_wait3A_154 = arith.constant 0 : i32
        %dma_wait3A_155 = arith.constant 0 : i32
        %dma_wait3A_156 = arith.constant 0 : i32
        %dma_wait3A_157 = tpu.memref_slice %arg6[%dma_wait3A_154, %dma_wait3A_155, %dma_wait3A_156] : memref<45x2x128xi32, #tpu.memory_space<vmem>> -> memref<4x2x128xi32, #tpu.memory_space<vmem>>
        %dma_wait3A_158 = arith.constant 45 : i32
        %dma_wait3A_159 = arith.constant 0 : i32
        %dma_wait3A_160 = arith.constant 0 : i32
        %dma_wait3A_161 = tpu.memref_slice %arg4[%arg1, %dma_wait3A_158, %dma_wait3A_159, %dma_wait3A_160] : memref<16x49x2x128xi32, #tpu.memory_space<hbm>> -> memref<1x4x2x128xi32, #tpu.memory_space<hbm>>
        %dma_wait3A_162 = tpu.memref_squeeze %dma_wait3A_161 : memref<1x4x2x128xi32, #tpu.memory_space<hbm>> -> memref<4x2x128xi32, #tpu.memory_space<hbm>>
        %dma_wait3A_163 = arith.constant 0 : i32
        %dma_wait3A_164 = arith.constant 0 : i32
        %dma_wait3A_165 = arith.constant 0 : i32
        %dma_wait3A_166 = tpu.memref_slice %arg6[%dma_wait3A_163, %dma_wait3A_164, %dma_wait3A_165] : memref<45x2x128xi32, #tpu.memory_space<vmem>> -> memref<4x2x128xi32, #tpu.memory_space<vmem>>
        %dma_wait3A_167 = arith.constant 45 : i32
        %dma_wait3A_168 = arith.constant 0 : i32
        %dma_wait3A_169 = arith.constant 0 : i32
        %dma_wait3A_170 = tpu.memref_slice %arg4[%arg1, %dma_wait3A_167, %dma_wait3A_168, %dma_wait3A_169] : memref<16x49x2x128xi32, #tpu.memory_space<hbm>> -> memref<1x4x2x128xi32, #tpu.memory_space<hbm>>
        %dma_wait3A_171 = tpu.memref_squeeze %dma_wait3A_170 : memref<1x4x2x128xi32, #tpu.memory_space<hbm>> -> memref<4x2x128xi32, #tpu.memory_space<hbm>>
        tpu.wait_dma2 semaphore(%run_scoped3A_135 : memref<!tpu.dma_semaphore, #tpu.memory_space<semaphore_mem>>) src(%dma_wait3A_171 : memref<4x2x128xi32, #tpu.memory_space<hbm>>) dst(%dma_wait3A_166 : memref<4x2x128xi32, #tpu.memory_space<vmem>>)
        tpu.yield
      }) : () -> ()
      %dma_start3A_56 = arith.constant 0 : i32
      %dma_start3A_57 = arith.constant 0 : i32
      %dma_start3A_58 = arith.constant 0 : i32
      %dma_start3A_59 = tpu.memref_slice %arg6[%dma_start3A_56, %dma_start3A_57, %dma_start3A_58] : memref<45x2x128xi32, #tpu.memory_space<vmem>> -> memref<1x1x128xi32, #tpu.memory_space<vmem>>
      %dma_start3A_60 = tpu.memref_squeeze %dma_start3A_59 : memref<1x1x128xi32, #tpu.memory_space<vmem>> -> memref<128xi32, #tpu.memory_space<vmem>>
      %dma_start3A_61 = arith.constant 0 : i32
      %dma_start3A_62 = arith.constant 0 : i32
      %dma_start3A_63 = tpu.memref_slice %arg2[%dma_start3A_61, %dma_start3A_62] : memref<10000x128xf32, #tpu.memory_space<hbm>> -> memref<10000x128xf32, #tpu.memory_space<hbm>>
      tpu.enqueue_indirect_dma source(%dma_start3A_63 : memref<10000x128xf32, #tpu.memory_space<hbm>>) target(%arg7 : memref<128x128xf32, #tpu.memory_space<vmem>>) offsets(%dma_start3A_60 : memref<128xi32, #tpu.memory_space<vmem>>) semaphore(%arg11 : memref<!tpu.dma_semaphore, #tpu.memory_space<semaphore_mem>>)
      %scan3A_64 = arith.constant 0 : i32
      %scan3A_65 = arith.constant 0 : i32
      %mul3A_66 = arith.constant 2 : i32
      %mul3A_67 = arith.muli %mul3A_66, %scan3A_65 : i32
      %add3A_68 = arith.constant 1 : i32
      %add3A_69 = arith.addi %mul3A_67, %add3A_68 : i32
      %dma_start3A_70 = arith.constant 0 : i32
      %dma_start3A_71 = arith.constant 0 : i32
      %dma_start3A_72 = tpu.memref_slice %arg6[%add3A_69, %dma_start3A_70, %dma_start3A_71] : memref<45x2x128xi32, #tpu.memory_space<vmem>> -> memref<1x1x128xi32, #tpu.memory_space<vmem>>
      %dma_start3A_73 = tpu.memref_squeeze %dma_start3A_72 : memref<1x1x128xi32, #tpu.memory_space<vmem>> -> memref<128xi32, #tpu.memory_space<vmem>>
      %dma_start3A_74 = arith.constant 0 : i32
      %dma_start3A_75 = arith.constant 0 : i32
      %dma_start3A_76 = tpu.memref_slice %arg2[%dma_start3A_74, %dma_start3A_75] : memref<10000x128xf32, #tpu.memory_space<hbm>> -> memref<10000x128xf32, #tpu.memory_space<hbm>>
      tpu.enqueue_indirect_dma source(%dma_start3A_76 : memref<10000x128xf32, #tpu.memory_space<hbm>>) target(%arg8 : memref<128x128xf32, #tpu.memory_space<vmem>>) offsets(%dma_start3A_73 : memref<128xi32, #tpu.memory_space<vmem>>) semaphore(%arg12 : memref<!tpu.dma_semaphore, #tpu.memory_space<semaphore_mem>>)
      %dma_wait3A_77 = arith.constant 0 : i32
      %dma_wait3A_78 = arith.constant 0 : i32
      %dma_wait3A_79 = tpu.memref_slice %arg6[%mul3A_67, %dma_wait3A_77, %dma_wait3A_78] : memref<45x2x128xi32, #tpu.memory_space<vmem>> -> memref<1x1x128xi32, #tpu.memory_space<vmem>>
      %dma_wait3A_80 = tpu.memref_squeeze %dma_wait3A_79 : memref<1x1x128xi32, #tpu.memory_space<vmem>> -> memref<128xi32, #tpu.memory_space<vmem>>
      %dma_wait3A_81 = arith.constant 0 : i32
      %dma_wait3A_82 = arith.constant 0 : i32
      %dma_wait3A_83 = tpu.memref_slice %arg2[%dma_wait3A_81, %dma_wait3A_82] : memref<10000x128xf32, #tpu.memory_space<hbm>> -> memref<10000x128xf32, #tpu.memory_space<hbm>>
      tpu.wait_indirect_dma semaphore(%arg11 : memref<!tpu.dma_semaphore, #tpu.memory_space<semaphore_mem>>) src(%dma_wait3A_83 : memref<10000x128xf32, #tpu.memory_space<hbm>>) dst(%arg7 : memref<128x128xf32, #tpu.memory_space<vmem>>)
      %run_scoped3A_84 = arith.constant 1 : i32
      "tpu.region"() ({
        %run_scoped3A_135 = tpu.sem_alloc : memref<!tpu.dma_semaphore, #tpu.memory_space<semaphore_mem>>
        %dma_start3A_136 = arith.constant 0 : i32
        %dma_start3A_137 = tpu.memref_slice %arg6[%mul3A_67, %run_scoped3A_84, %dma_start3A_136] : memref<45x2x128xi32, #tpu.memory_space<vmem>> -> memref<1x1x128xi32, #tpu.memory_space<vmem>>
        %dma_start3A_138 = tpu.memref_squeeze %dma_start3A_137 : memref<1x1x128xi32, #tpu.memory_space<vmem>> -> memref<128xi32, #tpu.memory_space<vmem>>
        %dma_start3A_139 = arith.constant 0 : i32
        %dma_start3A_140 = arith.constant 0 : i32
        %dma_start3A_141 = tpu.memref_slice %arg10[%dma_start3A_139, %dma_start3A_140] : memref<10008x128xf32, #tpu.memory_space<vmem_shared>> -> memref<10008x128xf32, #tpu.memory_space<vmem_shared>>
        tpu.enqueue_indirect_dma source(%arg7 : memref<128x128xf32, #tpu.memory_space<vmem>>) target(%dma_start3A_141 : memref<10008x128xf32, #tpu.memory_space<vmem_shared>>) offsets(%dma_start3A_138 : memref<128xi32, #tpu.memory_space<vmem>>) semaphore(%run_scoped3A_135 : memref<!tpu.dma_semaphore, #tpu.memory_space<semaphore_mem>>) {add = true}
        %dma_wait3A_142 = arith.constant 0 : i32
        %dma_wait3A_143 = tpu.memref_slice %arg6[%mul3A_67, %run_scoped3A_84, %dma_wait3A_142] : memref<45x2x128xi32, #tpu.memory_space<vmem>> -> memref<1x1x128xi32, #tpu.memory_space<vmem>>
        %dma_wait3A_144 = tpu.memref_squeeze %dma_wait3A_143 : memref<1x1x128xi32, #tpu.memory_space<vmem>> -> memref<128xi32, #tpu.memory_space<vmem>>
        %dma_wait3A_145 = arith.constant 0 : i32
        %dma_wait3A_146 = arith.constant 0 : i32
        %dma_wait3A_147 = tpu.memref_slice %arg10[%dma_wait3A_145, %dma_wait3A_146] : memref<10008x128xf32, #tpu.memory_space<vmem_shared>> -> memref<10008x128xf32, #tpu.memory_space<vmem_shared>>
        tpu.wait_indirect_dma semaphore(%run_scoped3A_135 : memref<!tpu.dma_semaphore, #tpu.memory_space<semaphore_mem>>) src(%arg7 : memref<128x128xf32, #tpu.memory_space<vmem>>) dst(%dma_wait3A_147 : memref<10008x128xf32, #tpu.memory_space<vmem_shared>>)
        tpu.yield
      }) : () -> ()
      %add3A_85 = arith.constant 2 : i32
      %add3A_86 = arith.addi %mul3A_67, %add3A_85 : i32
      %dma_start3A_87 = arith.constant 0 : i32
      %dma_start3A_88 = arith.constant 0 : i32
      %dma_start3A_89 = tpu.memref_slice %arg6[%add3A_86, %dma_start3A_87, %dma_start3A_88] : memref<45x2x128xi32, #tpu.memory_space<vmem>> -> memref<1x1x128xi32, #tpu.memory_space<vmem>>
      %dma_start3A_90 = tpu.memref_squeeze %dma_start3A_89 : memref<1x1x128xi32, #tpu.memory_space<vmem>> -> memref<128xi32, #tpu.memory_space<vmem>>
      %dma_start3A_91 = arith.constant 0 : i32
      %dma_start3A_92 = arith.constant 0 : i32
      %dma_start3A_93 = tpu.memref_slice %arg2[%dma_start3A_91, %dma_start3A_92] : memref<10000x128xf32, #tpu.memory_space<hbm>> -> memref<10000x128xf32, #tpu.memory_space<hbm>>
      tpu.enqueue_indirect_dma source(%dma_start3A_93 : memref<10000x128xf32, #tpu.memory_space<hbm>>) target(%arg7 : memref<128x128xf32, #tpu.memory_space<vmem>>) offsets(%dma_start3A_90 : memref<128xi32, #tpu.memory_space<vmem>>) semaphore(%arg11 : memref<!tpu.dma_semaphore, #tpu.memory_space<semaphore_mem>>)
      %add3A_94 = arith.constant 1 : i32
      %add3A_95 = arith.addi %mul3A_67, %add3A_94 : i32
      %dma_wait3A_96 = arith.constant 0 : i32
      %dma_wait3A_97 = arith.constant 0 : i32
      %dma_wait3A_98 = tpu.memref_slice %arg6[%add3A_95, %dma_wait3A_96, %dma_wait3A_97] : memref<45x2x128xi32, #tpu.memory_space<vmem>> -> memref<1x1x128xi32, #tpu.memory_space<vmem>>
      %dma_wait3A_99 = tpu.memref_squeeze %dma_wait3A_98 : memref<1x1x128xi32, #tpu.memory_space<vmem>> -> memref<128xi32, #tpu.memory_space<vmem>>
      %dma_wait3A_100 = arith.constant 0 : i32
      %dma_wait3A_101 = arith.constant 0 : i32
      %dma_wait3A_102 = tpu.memref_slice %arg2[%dma_wait3A_100, %dma_wait3A_101] : memref<10000x128xf32, #tpu.memory_space<hbm>> -> memref<10000x128xf32, #tpu.memory_space<hbm>>
      tpu.wait_indirect_dma semaphore(%arg12 : memref<!tpu.dma_semaphore, #tpu.memory_space<semaphore_mem>>) src(%dma_wait3A_102 : memref<10000x128xf32, #tpu.memory_space<hbm>>) dst(%arg8 : memref<128x128xf32, #tpu.memory_space<vmem>>)
      %add3A_103 = arith.constant 1 : i32
      %add3A_104 = arith.addi %mul3A_67, %add3A_103 : i32
      %run_scoped3A_105 = arith.constant 1 : i32
      "tpu.region"() ({
        %run_scoped3A_135 = tpu.sem_alloc : memref<!tpu.dma_semaphore, #tpu.memory_space<semaphore_mem>>
        %dma_start3A_136 = arith.constant 0 : i32
        %dma_start3A_137 = tpu.memref_slice %arg6[%add3A_104, %run_scoped3A_105, %dma_start3A_136] : memref<45x2x128xi32, #tpu.memory_space<vmem>> -> memref<1x1x128xi32, #tpu.memory_space<vmem>>
        %dma_start3A_138 = tpu.memref_squeeze %dma_start3A_137 : memref<1x1x128xi32, #tpu.memory_space<vmem>> -> memref<128xi32, #tpu.memory_space<vmem>>
        %dma_start3A_139 = arith.constant 0 : i32
        %dma_start3A_140 = arith.constant 0 : i32
        %dma_start3A_141 = tpu.memref_slice %arg10[%dma_start3A_139, %dma_start3A_140] : memref<10008x128xf32, #tpu.memory_space<vmem_shared>> -> memref<10008x128xf32, #tpu.memory_space<vmem_shared>>
        tpu.enqueue_indirect_dma source(%arg8 : memref<128x128xf32, #tpu.memory_space<vmem>>) target(%dma_start3A_141 : memref<10008x128xf32, #tpu.memory_space<vmem_shared>>) offsets(%dma_start3A_138 : memref<128xi32, #tpu.memory_space<vmem>>) semaphore(%run_scoped3A_135 : memref<!tpu.dma_semaphore, #tpu.memory_space<semaphore_mem>>) {add = true}
        %dma_wait3A_142 = arith.constant 0 : i32
        %dma_wait3A_143 = tpu.memref_slice %arg6[%add3A_104, %run_scoped3A_105, %dma_wait3A_142] : memref<45x2x128xi32, #tpu.memory_space<vmem>> -> memref<1x1x128xi32, #tpu.memory_space<vmem>>
        %dma_wait3A_144 = tpu.memref_squeeze %dma_wait3A_143 : memref<1x1x128xi32, #tpu.memory_space<vmem>> -> memref<128xi32, #tpu.memory_space<vmem>>
        %dma_wait3A_145 = arith.constant 0 : i32
        %dma_wait3A_146 = arith.constant 0 : i32
        %dma_wait3A_147 = tpu.memref_slice %arg10[%dma_wait3A_145, %dma_wait3A_146] : memref<10008x128xf32, #tpu.memory_space<vmem_shared>> -> memref<10008x128xf32, #tpu.memory_space<vmem_shared>>
        tpu.wait_indirect_dma semaphore(%run_scoped3A_135 : memref<!tpu.dma_semaphore, #tpu.memory_space<semaphore_mem>>) src(%arg8 : memref<128x128xf32, #tpu.memory_space<vmem>>) dst(%dma_wait3A_147 : memref<10008x128xf32, #tpu.memory_space<vmem_shared>>)
        tpu.yield
      }) : () -> ()
      %scan3A_106 = arith.constant 1 : i32
      %dma_start3A_107 = arith.constant 3 : i32
      %dma_start3A_108 = arith.constant 0 : i32
      %dma_start3A_109 = arith.constant 0 : i32
      %dma_start3A_110 = tpu.memref_slice %arg6[%dma_start3A_107, %dma_start3A_108, %dma_start3A_109] : memref<45x2x128xi32, #tpu.memory_space<vmem>> -> memref<1x1x128xi32, #tpu.memory_space<vmem>>
      %dma_start3A_111 = tpu.memref_squeeze %dma_start3A_110 : memref<1x1x128xi32, #tpu.memory_space<vmem>> -> memref<128xi32, #tpu.memory_space<vmem>>
      %dma_start3A_112 = arith.constant 0 : i32
      %dma_start3A_113 = arith.constant 0 : i32
      %dma_start3A_114 = tpu.memref_slice %arg2[%dma_start3A_112, %dma_start3A_113] : memref<10000x128xf32, #tpu.memory_space<hbm>> -> memref<10000x128xf32, #tpu.memory_space<hbm>>
      tpu.enqueue_indirect_dma source(%dma_start3A_114 : memref<10000x128xf32, #tpu.memory_space<hbm>>) target(%arg8 : memref<128x128xf32, #tpu.memory_space<vmem>>) offsets(%dma_start3A_111 : memref<128xi32, #tpu.memory_space<vmem>>) semaphore(%arg12 : memref<!tpu.dma_semaphore, #tpu.memory_space<semaphore_mem>>)
      %dma_wait3A_115 = arith.constant 2 : i32
      %dma_wait3A_116 = arith.constant 0 : i32
      %dma_wait3A_117 = arith.constant 0 : i32
      %dma_wait3A_118 = tpu.memref_slice %arg6[%dma_wait3A_115, %dma_wait3A_116, %dma_wait3A_117] : memref<45x2x128xi32, #tpu.memory_space<vmem>> -> memref<1x1x128xi32, #tpu.memory_space<vmem>>
      %dma_wait3A_119 = tpu.memref_squeeze %dma_wait3A_118 : memref<1x1x128xi32, #tpu.memory_space<vmem>> -> memref<128xi32, #tpu.memory_space<vmem>>
      %dma_wait3A_120 = arith.constant 0 : i32
      %dma_wait3A_121 = arith.constant 0 : i32
      %dma_wait3A_122 = tpu.memref_slice %arg2[%dma_wait3A_120, %dma_wait3A_121] : memref<10000x128xf32, #tpu.memory_space<hbm>> -> memref<10000x128xf32, #tpu.memory_space<hbm>>
      tpu.wait_indirect_dma semaphore(%arg11 : memref<!tpu.dma_semaphore, #tpu.memory_space<semaphore_mem>>) src(%dma_wait3A_122 : memref<10000x128xf32, #tpu.memory_space<hbm>>) dst(%arg7 : memref<128x128xf32, #tpu.memory_space<vmem>>)
      %run_scoped3A_123 = arith.constant 2 : i32
      %run_scoped3A_124 = arith.constant 1 : i32
      "tpu.region"() ({
        %run_scoped3A_135 = tpu.sem_alloc : memref<!tpu.dma_semaphore, #tpu.memory_space<semaphore_mem>>
        %dma_start3A_136 = arith.constant 0 : i32
        %dma_start3A_137 = tpu.memref_slice %arg6[%run_scoped3A_123, %run_scoped3A_124, %dma_start3A_136] : memref<45x2x128xi32, #tpu.memory_space<vmem>> -> memref<1x1x128xi32, #tpu.memory_space<vmem>>
        %dma_start3A_138 = tpu.memref_squeeze %dma_start3A_137 : memref<1x1x128xi32, #tpu.memory_space<vmem>> -> memref<128xi32, #tpu.memory_space<vmem>>
        %dma_start3A_139 = arith.constant 0 : i32
        %dma_start3A_140 = arith.constant 0 : i32
        %dma_start3A_141 = tpu.memref_slice %arg10[%dma_start3A_139, %dma_start3A_140] : memref<10008x128xf32, #tpu.memory_space<vmem_shared>> -> memref<10008x128xf32, #tpu.memory_space<vmem_shared>>
        tpu.enqueue_indirect_dma source(%arg7 : memref<128x128xf32, #tpu.memory_space<vmem>>) target(%dma_start3A_141 : memref<10008x128xf32, #tpu.memory_space<vmem_shared>>) offsets(%dma_start3A_138 : memref<128xi32, #tpu.memory_space<vmem>>) semaphore(%run_scoped3A_135 : memref<!tpu.dma_semaphore, #tpu.memory_space<semaphore_mem>>) {add = true}
        %dma_wait3A_142 = arith.constant 0 : i32
        %dma_wait3A_143 = tpu.memref_slice %arg6[%run_scoped3A_123, %run_scoped3A_124, %dma_wait3A_142] : memref<45x2x128xi32, #tpu.memory_space<vmem>> -> memref<1x1x128xi32, #tpu.memory_space<vmem>>
        %dma_wait3A_144 = tpu.memref_squeeze %dma_wait3A_143 : memref<1x1x128xi32, #tpu.memory_space<vmem>> -> memref<128xi32, #tpu.memory_space<vmem>>
        %dma_wait3A_145 = arith.constant 0 : i32
        %dma_wait3A_146 = arith.constant 0 : i32
        %dma_wait3A_147 = tpu.memref_slice %arg10[%dma_wait3A_145, %dma_wait3A_146] : memref<10008x128xf32, #tpu.memory_space<vmem_shared>> -> memref<10008x128xf32, #tpu.memory_space<vmem_shared>>
        tpu.wait_indirect_dma semaphore(%run_scoped3A_135 : memref<!tpu.dma_semaphore, #tpu.memory_space<semaphore_mem>>) src(%arg7 : memref<128x128xf32, #tpu.memory_space<vmem>>) dst(%dma_wait3A_147 : memref<10008x128xf32, #tpu.memory_space<vmem_shared>>)
        tpu.yield
      }) : () -> ()
      %dma_wait3A_125 = arith.constant 3 : i32
      %dma_wait3A_126 = arith.constant 0 : i32
      %dma_wait3A_127 = arith.constant 0 : i32
      %dma_wait3A_128 = tpu.memref_slice %arg6[%dma_wait3A_125, %dma_wait3A_126, %dma_wait3A_127] : memref<45x2x128xi32, #tpu.memory_space<vmem>> -> memref<1x1x128xi32, #tpu.memory_space<vmem>>
      %dma_wait3A_129 = tpu.memref_squeeze %dma_wait3A_128 : memref<1x1x128xi32, #tpu.memory_space<vmem>> -> memref<128xi32, #tpu.memory_space<vmem>>
      %dma_wait3A_130 = arith.constant 0 : i32
      %dma_wait3A_131 = arith.constant 0 : i32
      %dma_wait3A_132 = tpu.memref_slice %arg2[%dma_wait3A_130, %dma_wait3A_131] : memref<10000x128xf32, #tpu.memory_space<hbm>> -> memref<10000x128xf32, #tpu.memory_space<hbm>>
      tpu.wait_indirect_dma semaphore(%arg12 : memref<!tpu.dma_semaphore, #tpu.memory_space<semaphore_mem>>) src(%dma_wait3A_132 : memref<10000x128xf32, #tpu.memory_space<hbm>>) dst(%arg8 : memref<128x128xf32, #tpu.memory_space<vmem>>)
      %run_scoped3A_133 = arith.constant 3 : i32
      %run_scoped3A_134 = arith.constant 1 : i32
      "tpu.region"() ({
        %run_scoped3A_135 = tpu.sem_alloc : memref<!tpu.dma_semaphore, #tpu.memory_space<semaphore_mem>>
        %dma_start3A_136 = arith.constant 0 : i32
        %dma_start3A_137 = tpu.memref_slice %arg6[%run_scoped3A_133, %run_scoped3A_134, %dma_start3A_136] : memref<45x2x128xi32, #tpu.memory_space<vmem>> -> memref<1x1x128xi32, #tpu.memory_space<vmem>>
        %dma_start3A_138 = tpu.memref_squeeze %dma_start3A_137 : memref<1x1x128xi32, #tpu.memory_space<vmem>> -> memref<128xi32, #tpu.memory_space<vmem>>
        %dma_start3A_139 = arith.constant 0 : i32
        %dma_start3A_140 = arith.constant 0 : i32
        %dma_start3A_141 = tpu.memref_slice %arg10[%dma_start3A_139, %dma_start3A_140] : memref<10008x128xf32, #tpu.memory_space<vmem_shared>> -> memref<10008x128xf32, #tpu.memory_space<vmem_shared>>
        tpu.enqueue_indirect_dma source(%arg8 : memref<128x128xf32, #tpu.memory_space<vmem>>) target(%dma_start3A_141 : memref<10008x128xf32, #tpu.memory_space<vmem_shared>>) offsets(%dma_start3A_138 : memref<128xi32, #tpu.memory_space<vmem>>) semaphore(%run_scoped3A_135 : memref<!tpu.dma_semaphore, #tpu.memory_space<semaphore_mem>>) {add = true}
        %dma_wait3A_142 = arith.constant 0 : i32
        %dma_wait3A_143 = tpu.memref_slice %arg6[%run_scoped3A_133, %run_scoped3A_134, %dma_wait3A_142] : memref<45x2x128xi32, #tpu.memory_space<vmem>> -> memref<1x1x128xi32, #tpu.memory_space<vmem>>
        %dma_wait3A_144 = tpu.memref_squeeze %dma_wait3A_143 : memref<1x1x128xi32, #tpu.memory_space<vmem>> -> memref<128xi32, #tpu.memory_space<vmem>>
        %dma_wait3A_145 = arith.constant 0 : i32
        %dma_wait3A_146 = arith.constant 0 : i32
        %dma_wait3A_147 = tpu.memref_slice %arg10[%dma_wait3A_145, %dma_wait3A_146] : memref<10008x128xf32, #tpu.memory_space<vmem_shared>> -> memref<10008x128xf32, #tpu.memory_space<vmem_shared>>
        tpu.wait_indirect_dma semaphore(%run_scoped3A_135 : memref<!tpu.dma_semaphore, #tpu.memory_space<semaphore_mem>>) src(%arg8 : memref<128x128xf32, #tpu.memory_space<vmem>>) dst(%dma_wait3A_147 : memref<10008x128xf32, #tpu.memory_space<vmem_shared>>)
        tpu.yield
      }) : () -> ()
    } else {
    }
    %barrier3A_25 = arith.constant 0 : index
    tpu.barrier barrier_id(%barrier3A_25)
    %mul3A_26 = arith.constant 624 : i32
    %mul3A_27 = arith.muli %arg1, %mul3A_26 : i32
    %mul3A_28 = arith.constant 624 : i32
    %mul3A_29 = arith.muli %arg1, %mul3A_28 : i32
    "tpu.region"() ({
      %run_scoped3A = tpu.sem_alloc : memref<!tpu.dma_semaphore, #tpu.memory_space<semaphore_mem>>
      %dma_start3A = arith.constant 0 : i32
      %dma_start3A_35 = tpu.memref_slice %arg5[%arg0, %mul3A_29, %dma_start3A] : memref<2x10000x128xf32, #tpu.memory_space<hbm>> -> memref<1x624x128xf32, #tpu.memory_space<hbm>>
      %dma_start3A_36 = tpu.memref_squeeze %dma_start3A_35 : memref<1x624x128xf32, #tpu.memory_space<hbm>> -> memref<624x128xf32, #tpu.memory_space<hbm>>
      %dma_start3A_37 = arith.constant 0 : i32
      %dma_start3A_38 = tpu.memref_slice %arg10[%mul3A_27, %dma_start3A_37] : memref<10008x128xf32, #tpu.memory_space<vmem_shared>> -> memref<624x128xf32, #tpu.memory_space<vmem_shared>>
      tpu.enqueue_dma source(%dma_start3A_38 : memref<624x128xf32, #tpu.memory_space<vmem_shared>>) target(%dma_start3A_36 : memref<624x128xf32, #tpu.memory_space<hbm>>) target_semaphore(%run_scoped3A : memref<!tpu.dma_semaphore, #tpu.memory_space<semaphore_mem>>)
      %dma_wait3A = arith.constant 0 : i32
      %dma_wait3A_39 = tpu.memref_slice %arg5[%arg0, %mul3A_29, %dma_wait3A] : memref<2x10000x128xf32, #tpu.memory_space<hbm>> -> memref<1x624x128xf32, #tpu.memory_space<hbm>>
      %dma_wait3A_40 = tpu.memref_squeeze %dma_wait3A_39 : memref<1x624x128xf32, #tpu.memory_space<hbm>> -> memref<624x128xf32, #tpu.memory_space<hbm>>
      %dma_wait3A_41 = arith.constant 0 : i32
      %dma_wait3A_42 = tpu.memref_slice %arg10[%mul3A_27, %dma_wait3A_41] : memref<10008x128xf32, #tpu.memory_space<vmem_shared>> -> memref<624x128xf32, #tpu.memory_space<vmem_shared>>
      tpu.wait_dma2 semaphore(%run_scoped3A : memref<!tpu.dma_semaphore, #tpu.memory_space<semaphore_mem>>) src(%dma_wait3A_42 : memref<624x128xf32, #tpu.memory_space<vmem_shared>>) dst(%dma_wait3A_40 : memref<624x128xf32, #tpu.memory_space<hbm>>)
      tpu.yield
    }) : () -> ()
    %eq3A_30 = arith.constant 0 : i32
    %eq3A_31 = arith.cmpi eq, %arg1, %eq3A_30 : i32
    %convert_element_type3A_32 = arith.extui %eq3A_31 : i1 to i32
    %cond3A_33 = arith.constant 0 : i32
    %cond3A_34 = arith.cmpi ne, %convert_element_type3A_32, %cond3A_33 : i32
    scf.if %cond3A_34 {
      "tpu.region"() ({
        %run_scoped3A = tpu.sem_alloc : memref<!tpu.dma_semaphore, #tpu.memory_space<semaphore_mem>>
        %dma_start3A = arith.constant 9984 : i32
        %dma_start3A_35 = arith.constant 0 : i32
        %dma_start3A_36 = tpu.memref_slice %arg5[%arg0, %dma_start3A, %dma_start3A_35] : memref<2x10000x128xf32, #tpu.memory_space<hbm>> -> memref<1x16x128xf32, #tpu.memory_space<hbm>>
        %dma_start3A_37 = tpu.memref_squeeze %dma_start3A_36 : memref<1x16x128xf32, #tpu.memory_space<hbm>> -> memref<16x128xf32, #tpu.memory_space<hbm>>
        %dma_start3A_38 = arith.constant 9984 : i32
        %dma_start3A_39 = arith.constant 0 : i32
        %dma_start3A_40 = tpu.memref_slice %arg10[%dma_start3A_38, %dma_start3A_39] : memref<10008x128xf32, #tpu.memory_space<vmem_shared>> -> memref<16x128xf32, #tpu.memory_space<vmem_shared>>
        tpu.enqueue_dma source(%dma_start3A_40 : memref<16x128xf32, #tpu.memory_space<vmem_shared>>) target(%dma_start3A_37 : memref<16x128xf32, #tpu.memory_space<hbm>>) target_semaphore(%run_scoped3A : memref<!tpu.dma_semaphore, #tpu.memory_space<semaphore_mem>>)
        %dma_wait3A = arith.constant 9984 : i32
        %dma_wait3A_41 = arith.constant 0 : i32
        %dma_wait3A_42 = tpu.memref_slice %arg5[%arg0, %dma_wait3A, %dma_wait3A_41] : memref<2x10000x128xf32, #tpu.memory_space<hbm>> -> memref<1x16x128xf32, #tpu.memory_space<hbm>>
        %dma_wait3A_43 = tpu.memref_squeeze %dma_wait3A_42 : memref<1x16x128xf32, #tpu.memory_space<hbm>> -> memref<16x128xf32, #tpu.memory_space<hbm>>
        %dma_wait3A_44 = arith.constant 9984 : i32
        %dma_wait3A_45 = arith.constant 0 : i32
        %dma_wait3A_46 = tpu.memref_slice %arg10[%dma_wait3A_44, %dma_wait3A_45] : memref<10008x128xf32, #tpu.memory_space<vmem_shared>> -> memref<16x128xf32, #tpu.memory_space<vmem_shared>>
        tpu.wait_dma2 semaphore(%run_scoped3A : memref<!tpu.dma_semaphore, #tpu.memory_space<semaphore_mem>>) src(%dma_wait3A_46 : memref<16x128xf32, #tpu.memory_space<vmem_shared>>) dst(%dma_wait3A_43 : memref<16x128xf32, #tpu.memory_space<hbm>>)
        tpu.yield
      }) : () -> ()
    } else {
    }
    return
  }
}

#map = affine_map<(d0, d1) -> (0, 0)>
#map1 = affine_map<(d0, d1) -> (0, 0, 0, 0)>
#map2 = affine_map<(d0, d1) -> (0, 0, 0)>
module attributes {stable_mosaic.version = 14 : i64} {
  func.func @agg(%arg0: i32, %arg1: i32, %arg2: memref<10000x128xf32, #tpu.memory_space<hbm>>, %arg3: memref<16x108x2x128xi32, #tpu.memory_space<hbm>>, %arg4: memref<16x49x2x128xi32, #tpu.memory_space<hbm>>, %arg5: memref<2x10000x128xf32, #tpu.memory_space<hbm>>, %arg6: memref<45x2x128xi32, #tpu.memory_space<vmem>>, %arg7: memref<128x128xf32, #tpu.memory_space<vmem>>, %arg8: memref<128x128xf32, #tpu.memory_space<vmem>>, %arg9: memref<16x128xf32, #tpu.memory_space<vmem>>, %arg10: memref<10008x128xf32, #tpu.memory_space<vmem_shared>>, %arg11: memref<!tpu.dma_semaphore, #tpu.memory_space<semaphore_mem>>, %arg12: memref<!tpu.dma_semaphore, #tpu.memory_space<semaphore_mem>>) attributes {dimension_semantics = [#tpu.dimension_semantics<core_parallel>, #tpu.dimension_semantics<subcore_parallel>], iteration_bounds = array<i64: 2, 16>, scalar_prefetch = 0 : i64, scratch_operands = 7 : i64, tpu.core_type = #tpu.core_type<sc_vector_subcore>, window_params = [{transform_indices = #map}, {transform_indices = #map1}, {transform_indices = #map1}, {transform_indices = #map2}]} {
    %mul3A = arith.constant 16 : i32
    %mul3A_0 = arith.muli %arg0, %mul3A : i32
    %add3A = arith.addi %mul3A_0, %arg1 : i32
    %broadcast_in_dim3A = arith.constant 0.000000e+00 : f32
    %broadcast_in_dim3A_1 = vector.broadcast %broadcast_in_dim3A : f32 to vector<16xf32>
    %scan3A = arith.constant 0 : i32
    %scan3A_2 = arith.constant 0 : i32
    %scan3A_3 = arith.constant 16 : i32
    %scan3A_4 = arith.addi %scan3A_2, %scan3A_3 : i32
    %scan3A_5 = arith.constant 1 : i32
    scf.for %scan3A_35 = %scan3A_2 to %scan3A_4 step %scan3A_5  : i32 {
      %swap3A = arith.index_cast %scan3A_35 : i32 to index
      %swap3A_36 = arith.constant 0 : index
      %swap3A_37 = tpu.vector_load %arg9[%swap3A, %swap3A_36] {strides = array<i32>} : memref<16x128xf32, #tpu.memory_space<vmem>>, vector<1x16xf32>,
      %swap3A_38 = vector.shape_cast %swap3A_37 : vector<1x16xf32> to vector<16xf32>
      %swap3A_39 = vector.shape_cast %broadcast_in_dim3A_1 : vector<16xf32> to vector<1x16xf32>
      tpu.vector_store %arg9[%swap3A, %swap3A_36], %swap3A_39 {strides = array<i32>} : memref<16x128xf32, #tpu.memory_space<vmem>>, vector<1x16xf32>,
      %swap3A_40 = arith.index_cast %scan3A_35 : i32 to index
      %swap3A_41 = arith.constant 16 : index
      %swap3A_42 = tpu.vector_load %arg9[%swap3A_40, %swap3A_41] {strides = array<i32>} : memref<16x128xf32, #tpu.memory_space<vmem>>, vector<1x16xf32>,
      %swap3A_43 = vector.shape_cast %swap3A_42 : vector<1x16xf32> to vector<16xf32>
      %swap3A_44 = vector.shape_cast %broadcast_in_dim3A_1 : vector<16xf32> to vector<1x16xf32>
      tpu.vector_store %arg9[%swap3A_40, %swap3A_41], %swap3A_44 {strides = array<i32>} : memref<16x128xf32, #tpu.memory_space<vmem>>, vector<1x16xf32>,
      %swap3A_45 = arith.index_cast %scan3A_35 : i32 to index
      %swap3A_46 = arith.constant 32 : index
      %swap3A_47 = tpu.vector_load %arg9[%swap3A_45, %swap3A_46] {strides = array<i32>} : memref<16x128xf32, #tpu.memory_space<vmem>>, vector<1x16xf32>,
      %swap3A_48 = vector.shape_cast %swap3A_47 : vector<1x16xf32> to vector<16xf32>
      %swap3A_49 = vector.shape_cast %broadcast_in_dim3A_1 : vector<16xf32> to vector<1x16xf32>
      tpu.vector_store %arg9[%swap3A_45, %swap3A_46], %swap3A_49 {strides = array<i32>} : memref<16x128xf32, #tpu.memory_space<vmem>>, vector<1x16xf32>,
      %swap3A_50 = arith.index_cast %scan3A_35 : i32 to index
      %swap3A_51 = arith.constant 48 : index
      %swap3A_52 = tpu.vector_load %arg9[%swap3A_50, %swap3A_51] {strides = array<i32>} : memref<16x128xf32, #tpu.memory_space<vmem>>, vector<1x16xf32>,
      %swap3A_53 = vector.shape_cast %swap3A_52 : vector<1x16xf32> to vector<16xf32>
      %swap3A_54 = vector.shape_cast %broadcast_in_dim3A_1 : vector<16xf32> to vector<1x16xf32>
      tpu.vector_store %arg9[%swap3A_50, %swap3A_51], %swap3A_54 {strides = array<i32>} : memref<16x128xf32, #tpu.memory_space<vmem>>, vector<1x16xf32>,
      %swap3A_55 = arith.index_cast %scan3A_35 : i32 to index
      %swap3A_56 = arith.constant 64 : index
      %swap3A_57 = tpu.vector_load %arg9[%swap3A_55, %swap3A_56] {strides = array<i32>} : memref<16x128xf32, #tpu.memory_space<vmem>>, vector<1x16xf32>,
      %swap3A_58 = vector.shape_cast %swap3A_57 : vector<1x16xf32> to vector<16xf32>
      %swap3A_59 = vector.shape_cast %broadcast_in_dim3A_1 : vector<16xf32> to vector<1x16xf32>
      tpu.vector_store %arg9[%swap3A_55, %swap3A_56], %swap3A_59 {strides = array<i32>} : memref<16x128xf32, #tpu.memory_space<vmem>>, vector<1x16xf32>,
      %swap3A_60 = arith.index_cast %scan3A_35 : i32 to index
      %swap3A_61 = arith.constant 80 : index
      %swap3A_62 = tpu.vector_load %arg9[%swap3A_60, %swap3A_61] {strides = array<i32>} : memref<16x128xf32, #tpu.memory_space<vmem>>, vector<1x16xf32>,
      %swap3A_63 = vector.shape_cast %swap3A_62 : vector<1x16xf32> to vector<16xf32>
      %swap3A_64 = vector.shape_cast %broadcast_in_dim3A_1 : vector<16xf32> to vector<1x16xf32>
      tpu.vector_store %arg9[%swap3A_60, %swap3A_61], %swap3A_64 {strides = array<i32>} : memref<16x128xf32, #tpu.memory_space<vmem>>, vector<1x16xf32>,
      %swap3A_65 = arith.index_cast %scan3A_35 : i32 to index
      %swap3A_66 = arith.constant 96 : index
      %swap3A_67 = tpu.vector_load %arg9[%swap3A_65, %swap3A_66] {strides = array<i32>} : memref<16x128xf32, #tpu.memory_space<vmem>>, vector<1x16xf32>,
      %swap3A_68 = vector.shape_cast %swap3A_67 : vector<1x16xf32> to vector<16xf32>
      %swap3A_69 = vector.shape_cast %broadcast_in_dim3A_1 : vector<16xf32> to vector<1x16xf32>
      tpu.vector_store %arg9[%swap3A_65, %swap3A_66], %swap3A_69 {strides = array<i32>} : memref<16x128xf32, #tpu.memory_space<vmem>>, vector<1x16xf32>,
      %swap3A_70 = arith.index_cast %scan3A_35 : i32 to index
      %swap3A_71 = arith.constant 112 : index
      %swap3A_72 = tpu.vector_load %arg9[%swap3A_70, %swap3A_71] {strides = array<i32>} : memref<16x128xf32, #tpu.memory_space<vmem>>, vector<1x16xf32>,
      %swap3A_73 = vector.shape_cast %swap3A_72 : vector<1x16xf32> to vector<16xf32>
      %swap3A_74 = vector.shape_cast %broadcast_in_dim3A_1 : vector<16xf32> to vector<1x16xf32>
      tpu.vector_store %arg9[%swap3A_70, %swap3A_71], %swap3A_74 {strides = array<i32>} : memref<16x128xf32, #tpu.memory_space<vmem>>, vector<1x16xf32>,
    }
    %scan3A_6 = arith.constant 16 : i32
    %scan3A_7 = arith.constant 0 : i32
    %scan3A_8 = arith.constant 0 : i32
    %scan3A_9 = arith.constant 39 : i32
    %scan3A_10 = arith.addi %scan3A_8, %scan3A_9 : i32
    %scan3A_11 = arith.constant 1 : i32
    scf.for %scan3A_35 = %scan3A_8 to %scan3A_10 step %scan3A_11  : i32 {
      %mul3A_36 = arith.constant 624 : i32
      %mul3A_37 = arith.muli %arg1, %mul3A_36 : i32
      %mul3A_38 = arith.constant 16 : i32
      %mul3A_39 = arith.muli %scan3A_35, %mul3A_38 : i32
      %add3A_40 = arith.addi %mul3A_37, %mul3A_39 : i32
      "tpu.region"() ({
        %run_scoped3A = tpu.sem_alloc : memref<!tpu.dma_semaphore, #tpu.memory_space<semaphore_mem>>
        %dma_start3A = arith.constant 0 : i32
        %dma_start3A_41 = tpu.memref_slice %arg10[%add3A_40, %dma_start3A] : memref<10008x128xf32, #tpu.memory_space<vmem_shared>> -> memref<16x128xf32, #tpu.memory_space<vmem_shared>>
        %dma_start3A_42 = arith.constant 0 : i32
        %dma_start3A_43 = tpu.memref_slice %arg10[%add3A_40, %dma_start3A_42] : memref<10008x128xf32, #tpu.memory_space<vmem_shared>> -> memref<16x128xf32, #tpu.memory_space<vmem_shared>>
        tpu.enqueue_dma source(%arg9 : memref<16x128xf32, #tpu.memory_space<vmem>>) target(%dma_start3A_43 : memref<16x128xf32, #tpu.memory_space<vmem_shared>>) target_semaphore(%run_scoped3A : memref<!tpu.dma_semaphore, #tpu.memory_space<semaphore_mem>>)
        %dma_wait3A = arith.constant 0 : i32
        %dma_wait3A_44 = tpu.memref_slice %arg10[%add3A_40, %dma_wait3A] : memref<10008x128xf32, #tpu.memory_space<vmem_shared>> -> memref<16x128xf32, #tpu.memory_space<vmem_shared>>
        %dma_wait3A_45 = arith.constant 0 : i32
        %dma_wait3A_46 = tpu.memref_slice %arg10[%add3A_40, %dma_wait3A_45] : memref<10008x128xf32, #tpu.memory_space<vmem_shared>> -> memref<16x128xf32, #tpu.memory_space<vmem_shared>>
        tpu.wait_dma2 semaphore(%run_scoped3A : memref<!tpu.dma_semaphore, #tpu.memory_space<semaphore_mem>>) src(%arg9 : memref<16x128xf32, #tpu.memory_space<vmem>>) dst(%dma_wait3A_46 : memref<16x128xf32, #tpu.memory_space<vmem_shared>>)
        tpu.yield
      }) : () -> ()
    }
    %scan3A_12 = arith.constant 39 : i32
    %eq3A = arith.constant 0 : i32
    %eq3A_13 = arith.cmpi eq, %arg1, %eq3A : i32
    %convert_element_type3A = arith.extui %eq3A_13 : i1 to i32
    %cond3A = arith.constant 0 : i32
    %cond3A_14 = arith.cmpi ne, %convert_element_type3A, %cond3A : i32
    scf.if %cond3A_14 {
      "tpu.region"() ({
        %run_scoped3A = tpu.sem_alloc : memref<!tpu.dma_semaphore, #tpu.memory_space<semaphore_mem>>
        %dma_start3A = arith.constant 0 : i32
        %dma_start3A_35 = arith.constant 0 : i32
        %dma_start3A_36 = tpu.memref_slice %arg9[%dma_start3A, %dma_start3A_35] : memref<16x128xf32, #tpu.memory_space<vmem>> -> memref<16x128xf32, #tpu.memory_space<vmem>>
        %dma_start3A_37 = arith.constant 9984 : i32
        %dma_start3A_38 = arith.constant 0 : i32
        %dma_start3A_39 = tpu.memref_slice %arg10[%dma_start3A_37, %dma_start3A_38] : memref<10008x128xf32, #tpu.memory_space<vmem_shared>> -> memref<16x128xf32, #tpu.memory_space<vmem_shared>>
        %dma_start3A_40 = arith.constant 9984 : i32
        %dma_start3A_41 = arith.constant 0 : i32
        %dma_start3A_42 = tpu.memref_slice %arg10[%dma_start3A_40, %dma_start3A_41] : memref<10008x128xf32, #tpu.memory_space<vmem_shared>> -> memref<16x128xf32, #tpu.memory_space<vmem_shared>>
        %dma_start3A_43 = arith.constant 0 : i32
        %dma_start3A_44 = arith.constant 0 : i32
        %dma_start3A_45 = tpu.memref_slice %arg9[%dma_start3A_43, %dma_start3A_44] : memref<16x128xf32, #tpu.memory_space<vmem>> -> memref<16x128xf32, #tpu.memory_space<vmem>>
        tpu.enqueue_dma source(%dma_start3A_45 : memref<16x128xf32, #tpu.memory_space<vmem>>) target(%dma_start3A_42 : memref<16x128xf32, #tpu.memory_space<vmem_shared>>) target_semaphore(%run_scoped3A : memref<!tpu.dma_semaphore, #tpu.memory_space<semaphore_mem>>)
        %dma_wait3A = arith.constant 0 : i32
        %dma_wait3A_46 = arith.constant 0 : i32
        %dma_wait3A_47 = tpu.memref_slice %arg9[%dma_wait3A, %dma_wait3A_46] : memref<16x128xf32, #tpu.memory_space<vmem>> -> memref<16x128xf32, #tpu.memory_space<vmem>>
        %dma_wait3A_48 = arith.constant 9984 : i32
        %dma_wait3A_49 = arith.constant 0 : i32
        %dma_wait3A_50 = tpu.memref_slice %arg10[%dma_wait3A_48, %dma_wait3A_49] : memref<10008x128xf32, #tpu.memory_space<vmem_shared>> -> memref<16x128xf32, #tpu.memory_space<vmem_shared>>
        %dma_wait3A_51 = arith.constant 9984 : i32
        %dma_wait3A_52 = arith.constant 0 : i32
        %dma_wait3A_53 = tpu.memref_slice %arg10[%dma_wait3A_51, %dma_wait3A_52] : memref<10008x128xf32, #tpu.memory_space<vmem_shared>> -> memref<16x128xf32, #tpu.memory_space<vmem_shared>>
        %dma_wait3A_54 = arith.constant 0 : i32
        %dma_wait3A_55 = arith.constant 0 : i32
        %dma_wait3A_56 = tpu.memref_slice %arg9[%dma_wait3A_54, %dma_wait3A_55] : memref<16x128xf32, #tpu.memory_space<vmem>> -> memref<16x128xf32, #tpu.memory_space<vmem>>
        tpu.wait_dma2 semaphore(%run_scoped3A : memref<!tpu.dma_semaphore, #tpu.memory_space<semaphore_mem>>) src(%dma_wait3A_56 : memref<16x128xf32, #tpu.memory_space<vmem>>) dst(%dma_wait3A_53 : memref<16x128xf32, #tpu.memory_space<vmem_shared>>)
        tpu.yield
      }) : () -> ()
    } else {
    }
    %barrier3A = arith.constant 0 : index
    tpu.barrier barrier_id(%barrier3A)
    %eq3A_15 = arith.constant 0 : i32
    %eq3A_16 = arith.cmpi eq, %arg0, %eq3A_15 : i32
    %convert_element_type3A_17 = arith.extui %eq3A_16 : i1 to i32
    %cond3A_18 = arith.constant 0 : i32
    %cond3A_19 = arith.cmpi ne, %convert_element_type3A_17, %cond3A_18 : i32
    scf.if %cond3A_19 {
      "tpu.region"() ({
        %run_scoped3A_122 = tpu.sem_alloc : memref<!tpu.dma_semaphore, #tpu.memory_space<semaphore_mem>>
        %dma_start3A_123 = arith.constant 0 : i32
        %dma_start3A_124 = arith.constant 0 : i32
        %dma_start3A_125 = arith.constant 0 : i32
        %dma_start3A_126 = tpu.memref_slice %arg6[%dma_start3A_123, %dma_start3A_124, %dma_start3A_125] : memref<45x2x128xi32, #tpu.memory_space<vmem>> -> memref<45x2x128xi32, #tpu.memory_space<vmem>>
        %dma_start3A_127 = arith.constant 0 : i32
        %dma_start3A_128 = arith.constant 0 : i32
        %dma_start3A_129 = arith.constant 0 : i32
        %dma_start3A_130 = tpu.memref_slice %arg3[%arg1, %dma_start3A_127, %dma_start3A_128, %dma_start3A_129] : memref<16x108x2x128xi32, #tpu.memory_space<hbm>> -> memref<1x45x2x128xi32, #tpu.memory_space<hbm>>
        %dma_start3A_131 = tpu.memref_squeeze %dma_start3A_130 : memref<1x45x2x128xi32, #tpu.memory_space<hbm>> -> memref<45x2x128xi32, #tpu.memory_space<hbm>>
        %dma_start3A_132 = arith.constant 0 : i32
        %dma_start3A_133 = arith.constant 0 : i32
        %dma_start3A_134 = arith.constant 0 : i32
        %dma_start3A_135 = tpu.memref_slice %arg6[%dma_start3A_132, %dma_start3A_133, %dma_start3A_134] : memref<45x2x128xi32, #tpu.memory_space<vmem>> -> memref<45x2x128xi32, #tpu.memory_space<vmem>>
        %dma_start3A_136 = arith.constant 0 : i32
        %dma_start3A_137 = arith.constant 0 : i32
        %dma_start3A_138 = arith.constant 0 : i32
        %dma_start3A_139 = tpu.memref_slice %arg3[%arg1, %dma_start3A_136, %dma_start3A_137, %dma_start3A_138] : memref<16x108x2x128xi32, #tpu.memory_space<hbm>> -> memref<1x45x2x128xi32, #tpu.memory_space<hbm>>
        %dma_start3A_140 = tpu.memref_squeeze %dma_start3A_139 : memref<1x45x2x128xi32, #tpu.memory_space<hbm>> -> memref<45x2x128xi32, #tpu.memory_space<hbm>>
        tpu.enqueue_dma source(%dma_start3A_140 : memref<45x2x128xi32, #tpu.memory_space<hbm>>) target(%dma_start3A_135 : memref<45x2x128xi32, #tpu.memory_space<vmem>>) target_semaphore(%run_scoped3A_122 : memref<!tpu.dma_semaphore, #tpu.memory_space<semaphore_mem>>)
        %dma_wait3A_141 = arith.constant 0 : i32
        %dma_wait3A_142 = arith.constant 0 : i32
        %dma_wait3A_143 = arith.constant 0 : i32
        %dma_wait3A_144 = tpu.memref_slice %arg6[%dma_wait3A_141, %dma_wait3A_142, %dma_wait3A_143] : memref<45x2x128xi32, #tpu.memory_space<vmem>> -> memref<45x2x128xi32, #tpu.memory_space<vmem>>
        %dma_wait3A_145 = arith.constant 0 : i32
        %dma_wait3A_146 = arith.constant 0 : i32
        %dma_wait3A_147 = arith.constant 0 : i32
        %dma_wait3A_148 = tpu.memref_slice %arg3[%arg1, %dma_wait3A_145, %dma_wait3A_146, %dma_wait3A_147] : memref<16x108x2x128xi32, #tpu.memory_space<hbm>> -> memref<1x45x2x128xi32, #tpu.memory_space<hbm>>
        %dma_wait3A_149 = tpu.memref_squeeze %dma_wait3A_148 : memref<1x45x2x128xi32, #tpu.memory_space<hbm>> -> memref<45x2x128xi32, #tpu.memory_space<hbm>>
        %dma_wait3A_150 = arith.constant 0 : i32
        %dma_wait3A_151 = arith.constant 0 : i32
        %dma_wait3A_152 = arith.constant 0 : i32
        %dma_wait3A_153 = tpu.memref_slice %arg6[%dma_wait3A_150, %dma_wait3A_151, %dma_wait3A_152] : memref<45x2x128xi32, #tpu.memory_space<vmem>> -> memref<45x2x128xi32, #tpu.memory_space<vmem>>
        %dma_wait3A_154 = arith.constant 0 : i32
        %dma_wait3A_155 = arith.constant 0 : i32
        %dma_wait3A_156 = arith.constant 0 : i32
        %dma_wait3A_157 = tpu.memref_slice %arg3[%arg1, %dma_wait3A_154, %dma_wait3A_155, %dma_wait3A_156] : memref<16x108x2x128xi32, #tpu.memory_space<hbm>> -> memref<1x45x2x128xi32, #tpu.memory_space<hbm>>
        %dma_wait3A_158 = tpu.memref_squeeze %dma_wait3A_157 : memref<1x45x2x128xi32, #tpu.memory_space<hbm>> -> memref<45x2x128xi32, #tpu.memory_space<hbm>>
        tpu.wait_dma2 semaphore(%run_scoped3A_122 : memref<!tpu.dma_semaphore, #tpu.memory_space<semaphore_mem>>) src(%dma_wait3A_158 : memref<45x2x128xi32, #tpu.memory_space<hbm>>) dst(%dma_wait3A_153 : memref<45x2x128xi32, #tpu.memory_space<vmem>>)
        tpu.yield
      }) : () -> ()
      %dma_start3A = arith.constant 0 : i32
      %dma_start3A_35 = arith.constant 0 : i32
      %dma_start3A_36 = arith.constant 0 : i32
      %dma_start3A_37 = tpu.memref_slice %arg6[%dma_start3A, %dma_start3A_35, %dma_start3A_36] : memref<45x2x128xi32, #tpu.memory_space<vmem>> -> memref<1x1x128xi32, #tpu.memory_space<vmem>>
      %dma_start3A_38 = tpu.memref_squeeze %dma_start3A_37 : memref<1x1x128xi32, #tpu.memory_space<vmem>> -> memref<128xi32, #tpu.memory_space<vmem>>
      %dma_start3A_39 = arith.constant 0 : i32
      %dma_start3A_40 = arith.constant 0 : i32
      %dma_start3A_41 = tpu.memref_slice %arg2[%dma_start3A_39, %dma_start3A_40] : memref<10000x128xf32, #tpu.memory_space<hbm>> -> memref<10000x128xf32, #tpu.memory_space<hbm>>
      tpu.enqueue_indirect_dma source(%dma_start3A_41 : memref<10000x128xf32, #tpu.memory_space<hbm>>) target(%arg7 : memref<128x128xf32, #tpu.memory_space<vmem>>) offsets(%dma_start3A_38 : memref<128xi32, #tpu.memory_space<vmem>>) semaphore(%arg11 : memref<!tpu.dma_semaphore, #tpu.memory_space<semaphore_mem>>)
      %scan3A_42 = arith.constant 0 : i32
      %scan3A_43 = arith.constant 0 : i32
      %scan3A_44 = arith.constant 22 : i32
      %scan3A_45 = arith.addi %scan3A_43, %scan3A_44 : i32
      %scan3A_46 = arith.constant 1 : i32
      scf.for %scan3A_122 = %scan3A_43 to %scan3A_45 step %scan3A_46  : i32 {
        %mul3A_123 = arith.constant 2 : i32
        %mul3A_124 = arith.muli %mul3A_123, %scan3A_122 : i32
        %add3A_125 = arith.constant 1 : i32
        %add3A_126 = arith.addi %mul3A_124, %add3A_125 : i32
        %dma_start3A_127 = arith.constant 0 : i32
        %dma_start3A_128 = arith.constant 0 : i32
        %dma_start3A_129 = tpu.memref_slice %arg6[%add3A_126, %dma_start3A_127, %dma_start3A_128] : memref<45x2x128xi32, #tpu.memory_space<vmem>> -> memref<1x1x128xi32, #tpu.memory_space<vmem>>
        %dma_start3A_130 = tpu.memref_squeeze %dma_start3A_129 : memref<1x1x128xi32, #tpu.memory_space<vmem>> -> memref<128xi32, #tpu.memory_space<vmem>>
        %dma_start3A_131 = arith.constant 0 : i32
        %dma_start3A_132 = arith.constant 0 : i32
        %dma_start3A_133 = tpu.memref_slice %arg2[%dma_start3A_131, %dma_start3A_132] : memref<10000x128xf32, #tpu.memory_space<hbm>> -> memref<10000x128xf32, #tpu.memory_space<hbm>>
        tpu.enqueue_indirect_dma source(%dma_start3A_133 : memref<10000x128xf32, #tpu.memory_space<hbm>>) target(%arg8 : memref<128x128xf32, #tpu.memory_space<vmem>>) offsets(%dma_start3A_130 : memref<128xi32, #tpu.memory_space<vmem>>) semaphore(%arg12 : memref<!tpu.dma_semaphore, #tpu.memory_space<semaphore_mem>>)
        %dma_wait3A_134 = arith.constant 0 : i32
        %dma_wait3A_135 = arith.constant 0 : i32
        %dma_wait3A_136 = tpu.memref_slice %arg6[%mul3A_124, %dma_wait3A_134, %dma_wait3A_135] : memref<45x2x128xi32, #tpu.memory_space<vmem>> -> memref<1x1x128xi32, #tpu.memory_space<vmem>>
        %dma_wait3A_137 = tpu.memref_squeeze %dma_wait3A_136 : memref<1x1x128xi32, #tpu.memory_space<vmem>> -> memref<128xi32, #tpu.memory_space<vmem>>
        %dma_wait3A_138 = arith.constant 0 : i32
        %dma_wait3A_139 = arith.constant 0 : i32
        %dma_wait3A_140 = tpu.memref_slice %arg2[%dma_wait3A_138, %dma_wait3A_139] : memref<10000x128xf32, #tpu.memory_space<hbm>> -> memref<10000x128xf32, #tpu.memory_space<hbm>>
        tpu.wait_indirect_dma semaphore(%arg11 : memref<!tpu.dma_semaphore, #tpu.memory_space<semaphore_mem>>) src(%dma_wait3A_140 : memref<10000x128xf32, #tpu.memory_space<hbm>>) dst(%arg7 : memref<128x128xf32, #tpu.memory_space<vmem>>)
        %run_scoped3A_141 = arith.constant 1 : i32
        "tpu.region"() ({
          %run_scoped3A_163 = tpu.sem_alloc : memref<!tpu.dma_semaphore, #tpu.memory_space<semaphore_mem>>
          %dma_start3A_164 = arith.constant 0 : i32
          %dma_start3A_165 = tpu.memref_slice %arg6[%mul3A_124, %run_scoped3A_141, %dma_start3A_164] : memref<45x2x128xi32, #tpu.memory_space<vmem>> -> memref<1x1x128xi32, #tpu.memory_space<vmem>>
          %dma_start3A_166 = tpu.memref_squeeze %dma_start3A_165 : memref<1x1x128xi32, #tpu.memory_space<vmem>> -> memref<128xi32, #tpu.memory_space<vmem>>
          %dma_start3A_167 = arith.constant 0 : i32
          %dma_start3A_168 = arith.constant 0 : i32
          %dma_start3A_169 = tpu.memref_slice %arg10[%dma_start3A_167, %dma_start3A_168] : memref<10008x128xf32, #tpu.memory_space<vmem_shared>> -> memref<10008x128xf32, #tpu.memory_space<vmem_shared>>
          tpu.enqueue_indirect_dma source(%arg7 : memref<128x128xf32, #tpu.memory_space<vmem>>) target(%dma_start3A_169 : memref<10008x128xf32, #tpu.memory_space<vmem_shared>>) offsets(%dma_start3A_166 : memref<128xi32, #tpu.memory_space<vmem>>) semaphore(%run_scoped3A_163 : memref<!tpu.dma_semaphore, #tpu.memory_space<semaphore_mem>>) {add = true}
          %dma_wait3A_170 = arith.constant 0 : i32
          %dma_wait3A_171 = tpu.memref_slice %arg6[%mul3A_124, %run_scoped3A_141, %dma_wait3A_170] : memref<45x2x128xi32, #tpu.memory_space<vmem>> -> memref<1x1x128xi32, #tpu.memory_space<vmem>>
          %dma_wait3A_172 = tpu.memref_squeeze %dma_wait3A_171 : memref<1x1x128xi32, #tpu.memory_space<vmem>> -> memref<128xi32, #tpu.memory_space<vmem>>
          %dma_wait3A_173 = arith.constant 0 : i32
          %dma_wait3A_174 = arith.constant 0 : i32
          %dma_wait3A_175 = tpu.memref_slice %arg10[%dma_wait3A_173, %dma_wait3A_174] : memref<10008x128xf32, #tpu.memory_space<vmem_shared>> -> memref<10008x128xf32, #tpu.memory_space<vmem_shared>>
          tpu.wait_indirect_dma semaphore(%run_scoped3A_163 : memref<!tpu.dma_semaphore, #tpu.memory_space<semaphore_mem>>) src(%arg7 : memref<128x128xf32, #tpu.memory_space<vmem>>) dst(%dma_wait3A_175 : memref<10008x128xf32, #tpu.memory_space<vmem_shared>>)
          tpu.yield
        }) : () -> ()
        %add3A_142 = arith.constant 2 : i32
        %add3A_143 = arith.addi %mul3A_124, %add3A_142 : i32
        %dma_start3A_144 = arith.constant 0 : i32
        %dma_start3A_145 = arith.constant 0 : i32
        %dma_start3A_146 = tpu.memref_slice %arg6[%add3A_143, %dma_start3A_144, %dma_start3A_145] : memref<45x2x128xi32, #tpu.memory_space<vmem>> -> memref<1x1x128xi32, #tpu.memory_space<vmem>>
        %dma_start3A_147 = tpu.memref_squeeze %dma_start3A_146 : memref<1x1x128xi32, #tpu.memory_space<vmem>> -> memref<128xi32, #tpu.memory_space<vmem>>
        %dma_start3A_148 = arith.constant 0 : i32
        %dma_start3A_149 = arith.constant 0 : i32
        %dma_start3A_150 = tpu.memref_slice %arg2[%dma_start3A_148, %dma_start3A_149] : memref<10000x128xf32, #tpu.memory_space<hbm>> -> memref<10000x128xf32, #tpu.memory_space<hbm>>
        tpu.enqueue_indirect_dma source(%dma_start3A_150 : memref<10000x128xf32, #tpu.memory_space<hbm>>) target(%arg7 : memref<128x128xf32, #tpu.memory_space<vmem>>) offsets(%dma_start3A_147 : memref<128xi32, #tpu.memory_space<vmem>>) semaphore(%arg11 : memref<!tpu.dma_semaphore, #tpu.memory_space<semaphore_mem>>)
        %add3A_151 = arith.constant 1 : i32
        %add3A_152 = arith.addi %mul3A_124, %add3A_151 : i32
        %dma_wait3A_153 = arith.constant 0 : i32
        %dma_wait3A_154 = arith.constant 0 : i32
        %dma_wait3A_155 = tpu.memref_slice %arg6[%add3A_152, %dma_wait3A_153, %dma_wait3A_154] : memref<45x2x128xi32, #tpu.memory_space<vmem>> -> memref<1x1x128xi32, #tpu.memory_space<vmem>>
        %dma_wait3A_156 = tpu.memref_squeeze %dma_wait3A_155 : memref<1x1x128xi32, #tpu.memory_space<vmem>> -> memref<128xi32, #tpu.memory_space<vmem>>
        %dma_wait3A_157 = arith.constant 0 : i32
        %dma_wait3A_158 = arith.constant 0 : i32
        %dma_wait3A_159 = tpu.memref_slice %arg2[%dma_wait3A_157, %dma_wait3A_158] : memref<10000x128xf32, #tpu.memory_space<hbm>> -> memref<10000x128xf32, #tpu.memory_space<hbm>>
        tpu.wait_indirect_dma semaphore(%arg12 : memref<!tpu.dma_semaphore, #tpu.memory_space<semaphore_mem>>) src(%dma_wait3A_159 : memref<10000x128xf32, #tpu.memory_space<hbm>>) dst(%arg8 : memref<128x128xf32, #tpu.memory_space<vmem>>)
        %add3A_160 = arith.constant 1 : i32
        %add3A_161 = arith.addi %mul3A_124, %add3A_160 : i32
        %run_scoped3A_162 = arith.constant 1 : i32
        "tpu.region"() ({
          %run_scoped3A_163 = tpu.sem_alloc : memref<!tpu.dma_semaphore, #tpu.memory_space<semaphore_mem>>
          %dma_start3A_164 = arith.constant 0 : i32
          %dma_start3A_165 = tpu.memref_slice %arg6[%add3A_161, %run_scoped3A_162, %dma_start3A_164] : memref<45x2x128xi32, #tpu.memory_space<vmem>> -> memref<1x1x128xi32, #tpu.memory_space<vmem>>
          %dma_start3A_166 = tpu.memref_squeeze %dma_start3A_165 : memref<1x1x128xi32, #tpu.memory_space<vmem>> -> memref<128xi32, #tpu.memory_space<vmem>>
          %dma_start3A_167 = arith.constant 0 : i32
          %dma_start3A_168 = arith.constant 0 : i32
          %dma_start3A_169 = tpu.memref_slice %arg10[%dma_start3A_167, %dma_start3A_168] : memref<10008x128xf32, #tpu.memory_space<vmem_shared>> -> memref<10008x128xf32, #tpu.memory_space<vmem_shared>>
          tpu.enqueue_indirect_dma source(%arg8 : memref<128x128xf32, #tpu.memory_space<vmem>>) target(%dma_start3A_169 : memref<10008x128xf32, #tpu.memory_space<vmem_shared>>) offsets(%dma_start3A_166 : memref<128xi32, #tpu.memory_space<vmem>>) semaphore(%run_scoped3A_163 : memref<!tpu.dma_semaphore, #tpu.memory_space<semaphore_mem>>) {add = true}
          %dma_wait3A_170 = arith.constant 0 : i32
          %dma_wait3A_171 = tpu.memref_slice %arg6[%add3A_161, %run_scoped3A_162, %dma_wait3A_170] : memref<45x2x128xi32, #tpu.memory_space<vmem>> -> memref<1x1x128xi32, #tpu.memory_space<vmem>>
          %dma_wait3A_172 = tpu.memref_squeeze %dma_wait3A_171 : memref<1x1x128xi32, #tpu.memory_space<vmem>> -> memref<128xi32, #tpu.memory_space<vmem>>
          %dma_wait3A_173 = arith.constant 0 : i32
          %dma_wait3A_174 = arith.constant 0 : i32
          %dma_wait3A_175 = tpu.memref_slice %arg10[%dma_wait3A_173, %dma_wait3A_174] : memref<10008x128xf32, #tpu.memory_space<vmem_shared>> -> memref<10008x128xf32, #tpu.memory_space<vmem_shared>>
          tpu.wait_indirect_dma semaphore(%run_scoped3A_163 : memref<!tpu.dma_semaphore, #tpu.memory_space<semaphore_mem>>) src(%arg8 : memref<128x128xf32, #tpu.memory_space<vmem>>) dst(%dma_wait3A_175 : memref<10008x128xf32, #tpu.memory_space<vmem_shared>>)
          tpu.yield
        }) : () -> ()
      }
      %scan3A_47 = arith.constant 22 : i32
      %dma_wait3A = arith.constant 44 : i32
      %dma_wait3A_48 = arith.constant 0 : i32
      %dma_wait3A_49 = arith.constant 0 : i32
      %dma_wait3A_50 = tpu.memref_slice %arg6[%dma_wait3A, %dma_wait3A_48, %dma_wait3A_49] : memref<45x2x128xi32, #tpu.memory_space<vmem>> -> memref<1x1x128xi32, #tpu.memory_space<vmem>>
      %dma_wait3A_51 = tpu.memref_squeeze %dma_wait3A_50 : memref<1x1x128xi32, #tpu.memory_space<vmem>> -> memref<128xi32, #tpu.memory_space<vmem>>
      %dma_wait3A_52 = arith.constant 0 : i32
      %dma_wait3A_53 = arith.constant 0 : i32
      %dma_wait3A_54 = tpu.memref_slice %arg2[%dma_wait3A_52, %dma_wait3A_53] : memref<10000x128xf32, #tpu.memory_space<hbm>> -> memref<10000x128xf32, #tpu.memory_space<hbm>>
      tpu.wait_indirect_dma semaphore(%arg11 : memref<!tpu.dma_semaphore, #tpu.memory_space<semaphore_mem>>) src(%dma_wait3A_54 : memref<10000x128xf32, #tpu.memory_space<hbm>>) dst(%arg7 : memref<128x128xf32, #tpu.memory_space<vmem>>)
      %run_scoped3A = arith.constant 44 : i32
      %run_scoped3A_55 = arith.constant 1 : i32
      "tpu.region"() ({
        %run_scoped3A_122 = tpu.sem_alloc : memref<!tpu.dma_semaphore, #tpu.memory_space<semaphore_mem>>
        %dma_start3A_123 = arith.constant 0 : i32
        %dma_start3A_124 = tpu.memref_slice %arg6[%run_scoped3A, %run_scoped3A_55, %dma_start3A_123] : memref<45x2x128xi32, #tpu.memory_space<vmem>> -> memref<1x1x128xi32, #tpu.memory_space<vmem>>
        %dma_start3A_125 = tpu.memref_squeeze %dma_start3A_124 : memref<1x1x128xi32, #tpu.memory_space<vmem>> -> memref<128xi32, #tpu.memory_space<vmem>>
        %dma_start3A_126 = arith.constant 0 : i32
        %dma_start3A_127 = arith.constant 0 : i32
        %dma_start3A_128 = tpu.memref_slice %arg10[%dma_start3A_126, %dma_start3A_127] : memref<10008x128xf32, #tpu.memory_space<vmem_shared>> -> memref<10008x128xf32, #tpu.memory_space<vmem_shared>>
        tpu.enqueue_indirect_dma source(%arg7 : memref<128x128xf32, #tpu.memory_space<vmem>>) target(%dma_start3A_128 : memref<10008x128xf32, #tpu.memory_space<vmem_shared>>) offsets(%dma_start3A_125 : memref<128xi32, #tpu.memory_space<vmem>>) semaphore(%run_scoped3A_122 : memref<!tpu.dma_semaphore, #tpu.memory_space<semaphore_mem>>) {add = true}
        %dma_wait3A_129 = arith.constant 0 : i32
        %dma_wait3A_130 = tpu.memref_slice %arg6[%run_scoped3A, %run_scoped3A_55, %dma_wait3A_129] : memref<45x2x128xi32, #tpu.memory_space<vmem>> -> memref<1x1x128xi32, #tpu.memory_space<vmem>>
        %dma_wait3A_131 = tpu.memref_squeeze %dma_wait3A_130 : memref<1x1x128xi32, #tpu.memory_space<vmem>> -> memref<128xi32, #tpu.memory_space<vmem>>
        %dma_wait3A_132 = arith.constant 0 : i32
        %dma_wait3A_133 = arith.constant 0 : i32
        %dma_wait3A_134 = tpu.memref_slice %arg10[%dma_wait3A_132, %dma_wait3A_133] : memref<10008x128xf32, #tpu.memory_space<vmem_shared>> -> memref<10008x128xf32, #tpu.memory_space<vmem_shared>>
        tpu.wait_indirect_dma semaphore(%run_scoped3A_122 : memref<!tpu.dma_semaphore, #tpu.memory_space<semaphore_mem>>) src(%arg7 : memref<128x128xf32, #tpu.memory_space<vmem>>) dst(%dma_wait3A_134 : memref<10008x128xf32, #tpu.memory_space<vmem_shared>>)
        tpu.yield
      }) : () -> ()
      "tpu.region"() ({
        %run_scoped3A_122 = tpu.sem_alloc : memref<!tpu.dma_semaphore, #tpu.memory_space<semaphore_mem>>
        %dma_start3A_123 = arith.constant 0 : i32
        %dma_start3A_124 = arith.constant 0 : i32
        %dma_start3A_125 = arith.constant 0 : i32
        %dma_start3A_126 = tpu.memref_slice %arg6[%dma_start3A_123, %dma_start3A_124, %dma_start3A_125] : memref<45x2x128xi32, #tpu.memory_space<vmem>> -> memref<45x2x128xi32, #tpu.memory_space<vmem>>
        %dma_start3A_127 = arith.constant 45 : i32
        %dma_start3A_128 = arith.constant 0 : i32
        %dma_start3A_129 = arith.constant 0 : i32
        %dma_start3A_130 = tpu.memref_slice %arg3[%arg1, %dma_start3A_127, %dma_start3A_128, %dma_start3A_129] : memref<16x108x2x128xi32, #tpu.memory_space<hbm>> -> memref<1x45x2x128xi32, #tpu.memory_space<hbm>>
        %dma_start3A_131 = tpu.memref_squeeze %dma_start3A_130 : memref<1x45x2x128xi32, #tpu.memory_space<hbm>> -> memref<45x2x128xi32, #tpu.memory_space<hbm>>
        %dma_start3A_132 = arith.constant 0 : i32
        %dma_start3A_133 = arith.constant 0 : i32
        %dma_start3A_134 = arith.constant 0 : i32
        %dma_start3A_135 = tpu.memref_slice %arg6[%dma_start3A_132, %dma_start3A_133, %dma_start3A_134] : memref<45x2x128xi32, #tpu.memory_space<vmem>> -> memref<45x2x128xi32, #tpu.memory_space<vmem>>
        %dma_start3A_136 = arith.constant 45 : i32
        %dma_start3A_137 = arith.constant 0 : i32
        %dma_start3A_138 = arith.constant 0 : i32
        %dma_start3A_139 = tpu.memref_slice %arg3[%arg1, %dma_start3A_136, %dma_start3A_137, %dma_start3A_138] : memref<16x108x2x128xi32, #tpu.memory_space<hbm>> -> memref<1x45x2x128xi32, #tpu.memory_space<hbm>>
        %dma_start3A_140 = tpu.memref_squeeze %dma_start3A_139 : memref<1x45x2x128xi32, #tpu.memory_space<hbm>> -> memref<45x2x128xi32, #tpu.memory_space<hbm>>
        tpu.enqueue_dma source(%dma_start3A_140 : memref<45x2x128xi32, #tpu.memory_space<hbm>>) target(%dma_start3A_135 : memref<45x2x128xi32, #tpu.memory_space<vmem>>) target_semaphore(%run_scoped3A_122 : memref<!tpu.dma_semaphore, #tpu.memory_space<semaphore_mem>>)
        %dma_wait3A_141 = arith.constant 0 : i32
        %dma_wait3A_142 = arith.constant 0 : i32
        %dma_wait3A_143 = arith.constant 0 : i32
        %dma_wait3A_144 = tpu.memref_slice %arg6[%dma_wait3A_141, %dma_wait3A_142, %dma_wait3A_143] : memref<45x2x128xi32, #tpu.memory_space<vmem>> -> memref<45x2x128xi32, #tpu.memory_space<vmem>>
        %dma_wait3A_145 = arith.constant 45 : i32
        %dma_wait3A_146 = arith.constant 0 : i32
        %dma_wait3A_147 = arith.constant 0 : i32
        %dma_wait3A_148 = tpu.memref_slice %arg3[%arg1, %dma_wait3A_145, %dma_wait3A_146, %dma_wait3A_147] : memref<16x108x2x128xi32, #tpu.memory_space<hbm>> -> memref<1x45x2x128xi32, #tpu.memory_space<hbm>>
        %dma_wait3A_149 = tpu.memref_squeeze %dma_wait3A_148 : memref<1x45x2x128xi32, #tpu.memory_space<hbm>> -> memref<45x2x128xi32, #tpu.memory_space<hbm>>
        %dma_wait3A_150 = arith.constant 0 : i32
        %dma_wait3A_151 = arith.constant 0 : i32
        %dma_wait3A_152 = arith.constant 0 : i32
        %dma_wait3A_153 = tpu.memref_slice %arg6[%dma_wait3A_150, %dma_wait3A_151, %dma_wait3A_152] : memref<45x2x128xi32, #tpu.memory_space<vmem>> -> memref<45x2x128xi32, #tpu.memory_space<vmem>>
        %dma_wait3A_154 = arith.constant 45 : i32
        %dma_wait3A_155 = arith.constant 0 : i32
        %dma_wait3A_156 = arith.constant 0 : i32
        %dma_wait3A_157 = tpu.memref_slice %arg3[%arg1, %dma_wait3A_154, %dma_wait3A_155, %dma_wait3A_156] : memref<16x108x2x128xi32, #tpu.memory_space<hbm>> -> memref<1x45x2x128xi32, #tpu.memory_space<hbm>>
        %dma_wait3A_158 = tpu.memref_squeeze %dma_wait3A_157 : memref<1x45x2x128xi32, #tpu.memory_space<hbm>> -> memref<45x2x128xi32, #tpu.memory_space<hbm>>
        tpu.wait_dma2 semaphore(%run_scoped3A_122 : memref<!tpu.dma_semaphore, #tpu.memory_space<semaphore_mem>>) src(%dma_wait3A_158 : memref<45x2x128xi32, #tpu.memory_space<hbm>>) dst(%dma_wait3A_153 : memref<45x2x128xi32, #tpu.memory_space<vmem>>)
        tpu.yield
      }) : () -> ()
      %dma_start3A_56 = arith.constant 0 : i32
      %dma_start3A_57 = arith.constant 0 : i32
      %dma_start3A_58 = arith.constant 0 : i32
      %dma_start3A_59 = tpu.memref_slice %arg6[%dma_start3A_56, %dma_start3A_57, %dma_start3A_58] : memref<45x2x128xi32, #tpu.memory_space<vmem>> -> memref<1x1x128xi32, #tpu.memory_space<vmem>>
      %dma_start3A_60 = tpu.memref_squeeze %dma_start3A_59 : memref<1x1x128xi32, #tpu.memory_space<vmem>> -> memref<128xi32, #tpu.memory_space<vmem>>
      %dma_start3A_61 = arith.constant 0 : i32
      %dma_start3A_62 = arith.constant 0 : i32
      %dma_start3A_63 = tpu.memref_slice %arg2[%dma_start3A_61, %dma_start3A_62] : memref<10000x128xf32, #tpu.memory_space<hbm>> -> memref<10000x128xf32, #tpu.memory_space<hbm>>
      tpu.enqueue_indirect_dma source(%dma_start3A_63 : memref<10000x128xf32, #tpu.memory_space<hbm>>) target(%arg7 : memref<128x128xf32, #tpu.memory_space<vmem>>) offsets(%dma_start3A_60 : memref<128xi32, #tpu.memory_space<vmem>>) semaphore(%arg11 : memref<!tpu.dma_semaphore, #tpu.memory_space<semaphore_mem>>)
      %scan3A_64 = arith.constant 0 : i32
      %scan3A_65 = arith.constant 0 : i32
      %scan3A_66 = arith.constant 22 : i32
      %scan3A_67 = arith.addi %scan3A_65, %scan3A_66 : i32
      %scan3A_68 = arith.constant 1 : i32
      scf.for %scan3A_122 = %scan3A_65 to %scan3A_67 step %scan3A_68  : i32 {
        %mul3A_123 = arith.constant 2 : i32
        %mul3A_124 = arith.muli %mul3A_123, %scan3A_122 : i32
        %add3A_125 = arith.constant 1 : i32
        %add3A_126 = arith.addi %mul3A_124, %add3A_125 : i32
        %dma_start3A_127 = arith.constant 0 : i32
        %dma_start3A_128 = arith.constant 0 : i32
        %dma_start3A_129 = tpu.memref_slice %arg6[%add3A_126, %dma_start3A_127, %dma_start3A_128] : memref<45x2x128xi32, #tpu.memory_space<vmem>> -> memref<1x1x128xi32, #tpu.memory_space<vmem>>
        %dma_start3A_130 = tpu.memref_squeeze %dma_start3A_129 : memref<1x1x128xi32, #tpu.memory_space<vmem>> -> memref<128xi32, #tpu.memory_space<vmem>>
        %dma_start3A_131 = arith.constant 0 : i32
        %dma_start3A_132 = arith.constant 0 : i32
        %dma_start3A_133 = tpu.memref_slice %arg2[%dma_start3A_131, %dma_start3A_132] : memref<10000x128xf32, #tpu.memory_space<hbm>> -> memref<10000x128xf32, #tpu.memory_space<hbm>>
        tpu.enqueue_indirect_dma source(%dma_start3A_133 : memref<10000x128xf32, #tpu.memory_space<hbm>>) target(%arg8 : memref<128x128xf32, #tpu.memory_space<vmem>>) offsets(%dma_start3A_130 : memref<128xi32, #tpu.memory_space<vmem>>) semaphore(%arg12 : memref<!tpu.dma_semaphore, #tpu.memory_space<semaphore_mem>>)
        %dma_wait3A_134 = arith.constant 0 : i32
        %dma_wait3A_135 = arith.constant 0 : i32
        %dma_wait3A_136 = tpu.memref_slice %arg6[%mul3A_124, %dma_wait3A_134, %dma_wait3A_135] : memref<45x2x128xi32, #tpu.memory_space<vmem>> -> memref<1x1x128xi32, #tpu.memory_space<vmem>>
        %dma_wait3A_137 = tpu.memref_squeeze %dma_wait3A_136 : memref<1x1x128xi32, #tpu.memory_space<vmem>> -> memref<128xi32, #tpu.memory_space<vmem>>
        %dma_wait3A_138 = arith.constant 0 : i32
        %dma_wait3A_139 = arith.constant 0 : i32
        %dma_wait3A_140 = tpu.memref_slice %arg2[%dma_wait3A_138, %dma_wait3A_139] : memref<10000x128xf32, #tpu.memory_space<hbm>> -> memref<10000x128xf32, #tpu.memory_space<hbm>>
        tpu.wait_indirect_dma semaphore(%arg11 : memref<!tpu.dma_semaphore, #tpu.memory_space<semaphore_mem>>) src(%dma_wait3A_140 : memref<10000x128xf32, #tpu.memory_space<hbm>>) dst(%arg7 : memref<128x128xf32, #tpu.memory_space<vmem>>)
        %run_scoped3A_141 = arith.constant 1 : i32
        "tpu.region"() ({
          %run_scoped3A_163 = tpu.sem_alloc : memref<!tpu.dma_semaphore, #tpu.memory_space<semaphore_mem>>
          %dma_start3A_164 = arith.constant 0 : i32
          %dma_start3A_165 = tpu.memref_slice %arg6[%mul3A_124, %run_scoped3A_141, %dma_start3A_164] : memref<45x2x128xi32, #tpu.memory_space<vmem>> -> memref<1x1x128xi32, #tpu.memory_space<vmem>>
          %dma_start3A_166 = tpu.memref_squeeze %dma_start3A_165 : memref<1x1x128xi32, #tpu.memory_space<vmem>> -> memref<128xi32, #tpu.memory_space<vmem>>
          %dma_start3A_167 = arith.constant 0 : i32
          %dma_start3A_168 = arith.constant 0 : i32
          %dma_start3A_169 = tpu.memref_slice %arg10[%dma_start3A_167, %dma_start3A_168] : memref<10008x128xf32, #tpu.memory_space<vmem_shared>> -> memref<10008x128xf32, #tpu.memory_space<vmem_shared>>
          tpu.enqueue_indirect_dma source(%arg7 : memref<128x128xf32, #tpu.memory_space<vmem>>) target(%dma_start3A_169 : memref<10008x128xf32, #tpu.memory_space<vmem_shared>>) offsets(%dma_start3A_166 : memref<128xi32, #tpu.memory_space<vmem>>) semaphore(%run_scoped3A_163 : memref<!tpu.dma_semaphore, #tpu.memory_space<semaphore_mem>>) {add = true}
          %dma_wait3A_170 = arith.constant 0 : i32
          %dma_wait3A_171 = tpu.memref_slice %arg6[%mul3A_124, %run_scoped3A_141, %dma_wait3A_170] : memref<45x2x128xi32, #tpu.memory_space<vmem>> -> memref<1x1x128xi32, #tpu.memory_space<vmem>>
          %dma_wait3A_172 = tpu.memref_squeeze %dma_wait3A_171 : memref<1x1x128xi32, #tpu.memory_space<vmem>> -> memref<128xi32, #tpu.memory_space<vmem>>
          %dma_wait3A_173 = arith.constant 0 : i32
          %dma_wait3A_174 = arith.constant 0 : i32
          %dma_wait3A_175 = tpu.memref_slice %arg10[%dma_wait3A_173, %dma_wait3A_174] : memref<10008x128xf32, #tpu.memory_space<vmem_shared>> -> memref<10008x128xf32, #tpu.memory_space<vmem_shared>>
          tpu.wait_indirect_dma semaphore(%run_scoped3A_163 : memref<!tpu.dma_semaphore, #tpu.memory_space<semaphore_mem>>) src(%arg7 : memref<128x128xf32, #tpu.memory_space<vmem>>) dst(%dma_wait3A_175 : memref<10008x128xf32, #tpu.memory_space<vmem_shared>>)
          tpu.yield
        }) : () -> ()
        %add3A_142 = arith.constant 2 : i32
        %add3A_143 = arith.addi %mul3A_124, %add3A_142 : i32
        %dma_start3A_144 = arith.constant 0 : i32
        %dma_start3A_145 = arith.constant 0 : i32
        %dma_start3A_146 = tpu.memref_slice %arg6[%add3A_143, %dma_start3A_144, %dma_start3A_145] : memref<45x2x128xi32, #tpu.memory_space<vmem>> -> memref<1x1x128xi32, #tpu.memory_space<vmem>>
        %dma_start3A_147 = tpu.memref_squeeze %dma_start3A_146 : memref<1x1x128xi32, #tpu.memory_space<vmem>> -> memref<128xi32, #tpu.memory_space<vmem>>
        %dma_start3A_148 = arith.constant 0 : i32
        %dma_start3A_149 = arith.constant 0 : i32
        %dma_start3A_150 = tpu.memref_slice %arg2[%dma_start3A_148, %dma_start3A_149] : memref<10000x128xf32, #tpu.memory_space<hbm>> -> memref<10000x128xf32, #tpu.memory_space<hbm>>
        tpu.enqueue_indirect_dma source(%dma_start3A_150 : memref<10000x128xf32, #tpu.memory_space<hbm>>) target(%arg7 : memref<128x128xf32, #tpu.memory_space<vmem>>) offsets(%dma_start3A_147 : memref<128xi32, #tpu.memory_space<vmem>>) semaphore(%arg11 : memref<!tpu.dma_semaphore, #tpu.memory_space<semaphore_mem>>)
        %add3A_151 = arith.constant 1 : i32
        %add3A_152 = arith.addi %mul3A_124, %add3A_151 : i32
        %dma_wait3A_153 = arith.constant 0 : i32
        %dma_wait3A_154 = arith.constant 0 : i32
        %dma_wait3A_155 = tpu.memref_slice %arg6[%add3A_152, %dma_wait3A_153, %dma_wait3A_154] : memref<45x2x128xi32, #tpu.memory_space<vmem>> -> memref<1x1x128xi32, #tpu.memory_space<vmem>>
        %dma_wait3A_156 = tpu.memref_squeeze %dma_wait3A_155 : memref<1x1x128xi32, #tpu.memory_space<vmem>> -> memref<128xi32, #tpu.memory_space<vmem>>
        %dma_wait3A_157 = arith.constant 0 : i32
        %dma_wait3A_158 = arith.constant 0 : i32
        %dma_wait3A_159 = tpu.memref_slice %arg2[%dma_wait3A_157, %dma_wait3A_158] : memref<10000x128xf32, #tpu.memory_space<hbm>> -> memref<10000x128xf32, #tpu.memory_space<hbm>>
        tpu.wait_indirect_dma semaphore(%arg12 : memref<!tpu.dma_semaphore, #tpu.memory_space<semaphore_mem>>) src(%dma_wait3A_159 : memref<10000x128xf32, #tpu.memory_space<hbm>>) dst(%arg8 : memref<128x128xf32, #tpu.memory_space<vmem>>)
        %add3A_160 = arith.constant 1 : i32
        %add3A_161 = arith.addi %mul3A_124, %add3A_160 : i32
        %run_scoped3A_162 = arith.constant 1 : i32
        "tpu.region"() ({
          %run_scoped3A_163 = tpu.sem_alloc : memref<!tpu.dma_semaphore, #tpu.memory_space<semaphore_mem>>
          %dma_start3A_164 = arith.constant 0 : i32
          %dma_start3A_165 = tpu.memref_slice %arg6[%add3A_161, %run_scoped3A_162, %dma_start3A_164] : memref<45x2x128xi32, #tpu.memory_space<vmem>> -> memref<1x1x128xi32, #tpu.memory_space<vmem>>
          %dma_start3A_166 = tpu.memref_squeeze %dma_start3A_165 : memref<1x1x128xi32, #tpu.memory_space<vmem>> -> memref<128xi32, #tpu.memory_space<vmem>>
          %dma_start3A_167 = arith.constant 0 : i32
          %dma_start3A_168 = arith.constant 0 : i32
          %dma_start3A_169 = tpu.memref_slice %arg10[%dma_start3A_167, %dma_start3A_168] : memref<10008x128xf32, #tpu.memory_space<vmem_shared>> -> memref<10008x128xf32, #tpu.memory_space<vmem_shared>>
          tpu.enqueue_indirect_dma source(%arg8 : memref<128x128xf32, #tpu.memory_space<vmem>>) target(%dma_start3A_169 : memref<10008x128xf32, #tpu.memory_space<vmem_shared>>) offsets(%dma_start3A_166 : memref<128xi32, #tpu.memory_space<vmem>>) semaphore(%run_scoped3A_163 : memref<!tpu.dma_semaphore, #tpu.memory_space<semaphore_mem>>) {add = true}
          %dma_wait3A_170 = arith.constant 0 : i32
          %dma_wait3A_171 = tpu.memref_slice %arg6[%add3A_161, %run_scoped3A_162, %dma_wait3A_170] : memref<45x2x128xi32, #tpu.memory_space<vmem>> -> memref<1x1x128xi32, #tpu.memory_space<vmem>>
          %dma_wait3A_172 = tpu.memref_squeeze %dma_wait3A_171 : memref<1x1x128xi32, #tpu.memory_space<vmem>> -> memref<128xi32, #tpu.memory_space<vmem>>
          %dma_wait3A_173 = arith.constant 0 : i32
          %dma_wait3A_174 = arith.constant 0 : i32
          %dma_wait3A_175 = tpu.memref_slice %arg10[%dma_wait3A_173, %dma_wait3A_174] : memref<10008x128xf32, #tpu.memory_space<vmem_shared>> -> memref<10008x128xf32, #tpu.memory_space<vmem_shared>>
          tpu.wait_indirect_dma semaphore(%run_scoped3A_163 : memref<!tpu.dma_semaphore, #tpu.memory_space<semaphore_mem>>) src(%arg8 : memref<128x128xf32, #tpu.memory_space<vmem>>) dst(%dma_wait3A_175 : memref<10008x128xf32, #tpu.memory_space<vmem_shared>>)
          tpu.yield
        }) : () -> ()
      }
      %scan3A_69 = arith.constant 22 : i32
      %dma_wait3A_70 = arith.constant 44 : i32
      %dma_wait3A_71 = arith.constant 0 : i32
      %dma_wait3A_72 = arith.constant 0 : i32
      %dma_wait3A_73 = tpu.memref_slice %arg6[%dma_wait3A_70, %dma_wait3A_71, %dma_wait3A_72] : memref<45x2x128xi32, #tpu.memory_space<vmem>> -> memref<1x1x128xi32, #tpu.memory_space<vmem>>
      %dma_wait3A_74 = tpu.memref_squeeze %dma_wait3A_73 : memref<1x1x128xi32, #tpu.memory_space<vmem>> -> memref<128xi32, #tpu.memory_space<vmem>>
      %dma_wait3A_75 = arith.constant 0 : i32
      %dma_wait3A_76 = arith.constant 0 : i32
      %dma_wait3A_77 = tpu.memref_slice %arg2[%dma_wait3A_75, %dma_wait3A_76] : memref<10000x128xf32, #tpu.memory_space<hbm>> -> memref<10000x128xf32, #tpu.memory_space<hbm>>
      tpu.wait_indirect_dma semaphore(%arg11 : memref<!tpu.dma_semaphore, #tpu.memory_space<semaphore_mem>>) src(%dma_wait3A_77 : memref<10000x128xf32, #tpu.memory_space<hbm>>) dst(%arg7 : memref<128x128xf32, #tpu.memory_space<vmem>>)
      %run_scoped3A_78 = arith.constant 44 : i32
      %run_scoped3A_79 = arith.constant 1 : i32
      "tpu.region"() ({
        %run_scoped3A_122 = tpu.sem_alloc : memref<!tpu.dma_semaphore, #tpu.memory_space<semaphore_mem>>
        %dma_start3A_123 = arith.constant 0 : i32
        %dma_start3A_124 = tpu.memref_slice %arg6[%run_scoped3A_78, %run_scoped3A_79, %dma_start3A_123] : memref<45x2x128xi32, #tpu.memory_space<vmem>> -> memref<1x1x128xi32, #tpu.memory_space<vmem>>
        %dma_start3A_125 = tpu.memref_squeeze %dma_start3A_124 : memref<1x1x128xi32, #tpu.memory_space<vmem>> -> memref<128xi32, #tpu.memory_space<vmem>>
        %dma_start3A_126 = arith.constant 0 : i32
        %dma_start3A_127 = arith.constant 0 : i32
        %dma_start3A_128 = tpu.memref_slice %arg10[%dma_start3A_126, %dma_start3A_127] : memref<10008x128xf32, #tpu.memory_space<vmem_shared>> -> memref<10008x128xf32, #tpu.memory_space<vmem_shared>>
        tpu.enqueue_indirect_dma source(%arg7 : memref<128x128xf32, #tpu.memory_space<vmem>>) target(%dma_start3A_128 : memref<10008x128xf32, #tpu.memory_space<vmem_shared>>) offsets(%dma_start3A_125 : memref<128xi32, #tpu.memory_space<vmem>>) semaphore(%run_scoped3A_122 : memref<!tpu.dma_semaphore, #tpu.memory_space<semaphore_mem>>) {add = true}
        %dma_wait3A_129 = arith.constant 0 : i32
        %dma_wait3A_130 = tpu.memref_slice %arg6[%run_scoped3A_78, %run_scoped3A_79, %dma_wait3A_129] : memref<45x2x128xi32, #tpu.memory_space<vmem>> -> memref<1x1x128xi32, #tpu.memory_space<vmem>>
        %dma_wait3A_131 = tpu.memref_squeeze %dma_wait3A_130 : memref<1x1x128xi32, #tpu.memory_space<vmem>> -> memref<128xi32, #tpu.memory_space<vmem>>
        %dma_wait3A_132 = arith.constant 0 : i32
        %dma_wait3A_133 = arith.constant 0 : i32
        %dma_wait3A_134 = tpu.memref_slice %arg10[%dma_wait3A_132, %dma_wait3A_133] : memref<10008x128xf32, #tpu.memory_space<vmem_shared>> -> memref<10008x128xf32, #tpu.memory_space<vmem_shared>>
        tpu.wait_indirect_dma semaphore(%run_scoped3A_122 : memref<!tpu.dma_semaphore, #tpu.memory_space<semaphore_mem>>) src(%arg7 : memref<128x128xf32, #tpu.memory_space<vmem>>) dst(%dma_wait3A_134 : memref<10008x128xf32, #tpu.memory_space<vmem_shared>>)
        tpu.yield
      }) : () -> ()
      "tpu.region"() ({
        %run_scoped3A_122 = tpu.sem_alloc : memref<!tpu.dma_semaphore, #tpu.memory_space<semaphore_mem>>
        %dma_start3A_123 = arith.constant 0 : i32
        %dma_start3A_124 = arith.constant 0 : i32
        %dma_start3A_125 = arith.constant 0 : i32
        %dma_start3A_126 = tpu.memref_slice %arg6[%dma_start3A_123, %dma_start3A_124, %dma_start3A_125] : memref<45x2x128xi32, #tpu.memory_space<vmem>> -> memref<18x2x128xi32, #tpu.memory_space<vmem>>
        %dma_start3A_127 = arith.constant 90 : i32
        %dma_start3A_128 = arith.constant 0 : i32
        %dma_start3A_129 = arith.constant 0 : i32
        %dma_start3A_130 = tpu.memref_slice %arg3[%arg1, %dma_start3A_127, %dma_start3A_128, %dma_start3A_129] : memref<16x108x2x128xi32, #tpu.memory_space<hbm>> -> memref<1x18x2x128xi32, #tpu.memory_space<hbm>>
        %dma_start3A_131 = tpu.memref_squeeze %dma_start3A_130 : memref<1x18x2x128xi32, #tpu.memory_space<hbm>> -> memref<18x2x128xi32, #tpu.memory_space<hbm>>
        %dma_start3A_132 = arith.constant 0 : i32
        %dma_start3A_133 = arith.constant 0 : i32
        %dma_start3A_134 = arith.constant 0 : i32
        %dma_start3A_135 = tpu.memref_slice %arg6[%dma_start3A_132, %dma_start3A_133, %dma_start3A_134] : memref<45x2x128xi32, #tpu.memory_space<vmem>> -> memref<18x2x128xi32, #tpu.memory_space<vmem>>
        %dma_start3A_136 = arith.constant 90 : i32
        %dma_start3A_137 = arith.constant 0 : i32
        %dma_start3A_138 = arith.constant 0 : i32
        %dma_start3A_139 = tpu.memref_slice %arg3[%arg1, %dma_start3A_136, %dma_start3A_137, %dma_start3A_138] : memref<16x108x2x128xi32, #tpu.memory_space<hbm>> -> memref<1x18x2x128xi32, #tpu.memory_space<hbm>>
        %dma_start3A_140 = tpu.memref_squeeze %dma_start3A_139 : memref<1x18x2x128xi32, #tpu.memory_space<hbm>> -> memref<18x2x128xi32, #tpu.memory_space<hbm>>
        tpu.enqueue_dma source(%dma_start3A_140 : memref<18x2x128xi32, #tpu.memory_space<hbm>>) target(%dma_start3A_135 : memref<18x2x128xi32, #tpu.memory_space<vmem>>) target_semaphore(%run_scoped3A_122 : memref<!tpu.dma_semaphore, #tpu.memory_space<semaphore_mem>>)
        %dma_wait3A_141 = arith.constant 0 : i32
        %dma_wait3A_142 = arith.constant 0 : i32
        %dma_wait3A_143 = arith.constant 0 : i32
        %dma_wait3A_144 = tpu.memref_slice %arg6[%dma_wait3A_141, %dma_wait3A_142, %dma_wait3A_143] : memref<45x2x128xi32, #tpu.memory_space<vmem>> -> memref<18x2x128xi32, #tpu.memory_space<vmem>>
        %dma_wait3A_145 = arith.constant 90 : i32
        %dma_wait3A_146 = arith.constant 0 : i32
        %dma_wait3A_147 = arith.constant 0 : i32
        %dma_wait3A_148 = tpu.memref_slice %arg3[%arg1, %dma_wait3A_145, %dma_wait3A_146, %dma_wait3A_147] : memref<16x108x2x128xi32, #tpu.memory_space<hbm>> -> memref<1x18x2x128xi32, #tpu.memory_space<hbm>>
        %dma_wait3A_149 = tpu.memref_squeeze %dma_wait3A_148 : memref<1x18x2x128xi32, #tpu.memory_space<hbm>> -> memref<18x2x128xi32, #tpu.memory_space<hbm>>
        %dma_wait3A_150 = arith.constant 0 : i32
        %dma_wait3A_151 = arith.constant 0 : i32
        %dma_wait3A_152 = arith.constant 0 : i32
        %dma_wait3A_153 = tpu.memref_slice %arg6[%dma_wait3A_150, %dma_wait3A_151, %dma_wait3A_152] : memref<45x2x128xi32, #tpu.memory_space<vmem>> -> memref<18x2x128xi32, #tpu.memory_space<vmem>>
        %dma_wait3A_154 = arith.constant 90 : i32
        %dma_wait3A_155 = arith.constant 0 : i32
        %dma_wait3A_156 = arith.constant 0 : i32
        %dma_wait3A_157 = tpu.memref_slice %arg3[%arg1, %dma_wait3A_154, %dma_wait3A_155, %dma_wait3A_156] : memref<16x108x2x128xi32, #tpu.memory_space<hbm>> -> memref<1x18x2x128xi32, #tpu.memory_space<hbm>>
        %dma_wait3A_158 = tpu.memref_squeeze %dma_wait3A_157 : memref<1x18x2x128xi32, #tpu.memory_space<hbm>> -> memref<18x2x128xi32, #tpu.memory_space<hbm>>
        tpu.wait_dma2 semaphore(%run_scoped3A_122 : memref<!tpu.dma_semaphore, #tpu.memory_space<semaphore_mem>>) src(%dma_wait3A_158 : memref<18x2x128xi32, #tpu.memory_space<hbm>>) dst(%dma_wait3A_153 : memref<18x2x128xi32, #tpu.memory_space<vmem>>)
        tpu.yield
      }) : () -> ()
      %dma_start3A_80 = arith.constant 0 : i32
      %dma_start3A_81 = arith.constant 0 : i32
      %dma_start3A_82 = arith.constant 0 : i32
      %dma_start3A_83 = tpu.memref_slice %arg6[%dma_start3A_80, %dma_start3A_81, %dma_start3A_82] : memref<45x2x128xi32, #tpu.memory_space<vmem>> -> memref<1x1x128xi32, #tpu.memory_space<vmem>>
      %dma_start3A_84 = tpu.memref_squeeze %dma_start3A_83 : memref<1x1x128xi32, #tpu.memory_space<vmem>> -> memref<128xi32, #tpu.memory_space<vmem>>
      %dma_start3A_85 = arith.constant 0 : i32
      %dma_start3A_86 = arith.constant 0 : i32
      %dma_start3A_87 = tpu.memref_slice %arg2[%dma_start3A_85, %dma_start3A_86] : memref<10000x128xf32, #tpu.memory_space<hbm>> -> memref<10000x128xf32, #tpu.memory_space<hbm>>
      tpu.enqueue_indirect_dma source(%dma_start3A_87 : memref<10000x128xf32, #tpu.memory_space<hbm>>) target(%arg7 : memref<128x128xf32, #tpu.memory_space<vmem>>) offsets(%dma_start3A_84 : memref<128xi32, #tpu.memory_space<vmem>>) semaphore(%arg11 : memref<!tpu.dma_semaphore, #tpu.memory_space<semaphore_mem>>)
      %scan3A_88 = arith.constant 0 : i32
      %scan3A_89 = arith.constant 0 : i32
      %scan3A_90 = arith.constant 8 : i32
      %scan3A_91 = arith.addi %scan3A_89, %scan3A_90 : i32
      %scan3A_92 = arith.constant 1 : i32
      scf.for %scan3A_122 = %scan3A_89 to %scan3A_91 step %scan3A_92  : i32 {
        %mul3A_123 = arith.constant 2 : i32
        %mul3A_124 = arith.muli %mul3A_123, %scan3A_122 : i32
        %add3A_125 = arith.constant 1 : i32
        %add3A_126 = arith.addi %mul3A_124, %add3A_125 : i32
        %dma_start3A_127 = arith.constant 0 : i32
        %dma_start3A_128 = arith.constant 0 : i32
        %dma_start3A_129 = tpu.memref_slice %arg6[%add3A_126, %dma_start3A_127, %dma_start3A_128] : memref<45x2x128xi32, #tpu.memory_space<vmem>> -> memref<1x1x128xi32, #tpu.memory_space<vmem>>
        %dma_start3A_130 = tpu.memref_squeeze %dma_start3A_129 : memref<1x1x128xi32, #tpu.memory_space<vmem>> -> memref<128xi32, #tpu.memory_space<vmem>>
        %dma_start3A_131 = arith.constant 0 : i32
        %dma_start3A_132 = arith.constant 0 : i32
        %dma_start3A_133 = tpu.memref_slice %arg2[%dma_start3A_131, %dma_start3A_132] : memref<10000x128xf32, #tpu.memory_space<hbm>> -> memref<10000x128xf32, #tpu.memory_space<hbm>>
        tpu.enqueue_indirect_dma source(%dma_start3A_133 : memref<10000x128xf32, #tpu.memory_space<hbm>>) target(%arg8 : memref<128x128xf32, #tpu.memory_space<vmem>>) offsets(%dma_start3A_130 : memref<128xi32, #tpu.memory_space<vmem>>) semaphore(%arg12 : memref<!tpu.dma_semaphore, #tpu.memory_space<semaphore_mem>>)
        %dma_wait3A_134 = arith.constant 0 : i32
        %dma_wait3A_135 = arith.constant 0 : i32
        %dma_wait3A_136 = tpu.memref_slice %arg6[%mul3A_124, %dma_wait3A_134, %dma_wait3A_135] : memref<45x2x128xi32, #tpu.memory_space<vmem>> -> memref<1x1x128xi32, #tpu.memory_space<vmem>>
        %dma_wait3A_137 = tpu.memref_squeeze %dma_wait3A_136 : memref<1x1x128xi32, #tpu.memory_space<vmem>> -> memref<128xi32, #tpu.memory_space<vmem>>
        %dma_wait3A_138 = arith.constant 0 : i32
        %dma_wait3A_139 = arith.constant 0 : i32
        %dma_wait3A_140 = tpu.memref_slice %arg2[%dma_wait3A_138, %dma_wait3A_139] : memref<10000x128xf32, #tpu.memory_space<hbm>> -> memref<10000x128xf32, #tpu.memory_space<hbm>>
        tpu.wait_indirect_dma semaphore(%arg11 : memref<!tpu.dma_semaphore, #tpu.memory_space<semaphore_mem>>) src(%dma_wait3A_140 : memref<10000x128xf32, #tpu.memory_space<hbm>>) dst(%arg7 : memref<128x128xf32, #tpu.memory_space<vmem>>)
        %run_scoped3A_141 = arith.constant 1 : i32
        "tpu.region"() ({
          %run_scoped3A_163 = tpu.sem_alloc : memref<!tpu.dma_semaphore, #tpu.memory_space<semaphore_mem>>
          %dma_start3A_164 = arith.constant 0 : i32
          %dma_start3A_165 = tpu.memref_slice %arg6[%mul3A_124, %run_scoped3A_141, %dma_start3A_164] : memref<45x2x128xi32, #tpu.memory_space<vmem>> -> memref<1x1x128xi32, #tpu.memory_space<vmem>>
          %dma_start3A_166 = tpu.memref_squeeze %dma_start3A_165 : memref<1x1x128xi32, #tpu.memory_space<vmem>> -> memref<128xi32, #tpu.memory_space<vmem>>
          %dma_start3A_167 = arith.constant 0 : i32
          %dma_start3A_168 = arith.constant 0 : i32
          %dma_start3A_169 = tpu.memref_slice %arg10[%dma_start3A_167, %dma_start3A_168] : memref<10008x128xf32, #tpu.memory_space<vmem_shared>> -> memref<10008x128xf32, #tpu.memory_space<vmem_shared>>
          tpu.enqueue_indirect_dma source(%arg7 : memref<128x128xf32, #tpu.memory_space<vmem>>) target(%dma_start3A_169 : memref<10008x128xf32, #tpu.memory_space<vmem_shared>>) offsets(%dma_start3A_166 : memref<128xi32, #tpu.memory_space<vmem>>) semaphore(%run_scoped3A_163 : memref<!tpu.dma_semaphore, #tpu.memory_space<semaphore_mem>>) {add = true}
          %dma_wait3A_170 = arith.constant 0 : i32
          %dma_wait3A_171 = tpu.memref_slice %arg6[%mul3A_124, %run_scoped3A_141, %dma_wait3A_170] : memref<45x2x128xi32, #tpu.memory_space<vmem>> -> memref<1x1x128xi32, #tpu.memory_space<vmem>>
          %dma_wait3A_172 = tpu.memref_squeeze %dma_wait3A_171 : memref<1x1x128xi32, #tpu.memory_space<vmem>> -> memref<128xi32, #tpu.memory_space<vmem>>
          %dma_wait3A_173 = arith.constant 0 : i32
          %dma_wait3A_174 = arith.constant 0 : i32
          %dma_wait3A_175 = tpu.memref_slice %arg10[%dma_wait3A_173, %dma_wait3A_174] : memref<10008x128xf32, #tpu.memory_space<vmem_shared>> -> memref<10008x128xf32, #tpu.memory_space<vmem_shared>>
          tpu.wait_indirect_dma semaphore(%run_scoped3A_163 : memref<!tpu.dma_semaphore, #tpu.memory_space<semaphore_mem>>) src(%arg7 : memref<128x128xf32, #tpu.memory_space<vmem>>) dst(%dma_wait3A_175 : memref<10008x128xf32, #tpu.memory_space<vmem_shared>>)
          tpu.yield
        }) : () -> ()
        %add3A_142 = arith.constant 2 : i32
        %add3A_143 = arith.addi %mul3A_124, %add3A_142 : i32
        %dma_start3A_144 = arith.constant 0 : i32
        %dma_start3A_145 = arith.constant 0 : i32
        %dma_start3A_146 = tpu.memref_slice %arg6[%add3A_143, %dma_start3A_144, %dma_start3A_145] : memref<45x2x128xi32, #tpu.memory_space<vmem>> -> memref<1x1x128xi32, #tpu.memory_space<vmem>>
        %dma_start3A_147 = tpu.memref_squeeze %dma_start3A_146 : memref<1x1x128xi32, #tpu.memory_space<vmem>> -> memref<128xi32, #tpu.memory_space<vmem>>
        %dma_start3A_148 = arith.constant 0 : i32
        %dma_start3A_149 = arith.constant 0 : i32
        %dma_start3A_150 = tpu.memref_slice %arg2[%dma_start3A_148, %dma_start3A_149] : memref<10000x128xf32, #tpu.memory_space<hbm>> -> memref<10000x128xf32, #tpu.memory_space<hbm>>
        tpu.enqueue_indirect_dma source(%dma_start3A_150 : memref<10000x128xf32, #tpu.memory_space<hbm>>) target(%arg7 : memref<128x128xf32, #tpu.memory_space<vmem>>) offsets(%dma_start3A_147 : memref<128xi32, #tpu.memory_space<vmem>>) semaphore(%arg11 : memref<!tpu.dma_semaphore, #tpu.memory_space<semaphore_mem>>)
        %add3A_151 = arith.constant 1 : i32
        %add3A_152 = arith.addi %mul3A_124, %add3A_151 : i32
        %dma_wait3A_153 = arith.constant 0 : i32
        %dma_wait3A_154 = arith.constant 0 : i32
        %dma_wait3A_155 = tpu.memref_slice %arg6[%add3A_152, %dma_wait3A_153, %dma_wait3A_154] : memref<45x2x128xi32, #tpu.memory_space<vmem>> -> memref<1x1x128xi32, #tpu.memory_space<vmem>>
        %dma_wait3A_156 = tpu.memref_squeeze %dma_wait3A_155 : memref<1x1x128xi32, #tpu.memory_space<vmem>> -> memref<128xi32, #tpu.memory_space<vmem>>
        %dma_wait3A_157 = arith.constant 0 : i32
        %dma_wait3A_158 = arith.constant 0 : i32
        %dma_wait3A_159 = tpu.memref_slice %arg2[%dma_wait3A_157, %dma_wait3A_158] : memref<10000x128xf32, #tpu.memory_space<hbm>> -> memref<10000x128xf32, #tpu.memory_space<hbm>>
        tpu.wait_indirect_dma semaphore(%arg12 : memref<!tpu.dma_semaphore, #tpu.memory_space<semaphore_mem>>) src(%dma_wait3A_159 : memref<10000x128xf32, #tpu.memory_space<hbm>>) dst(%arg8 : memref<128x128xf32, #tpu.memory_space<vmem>>)
        %add3A_160 = arith.constant 1 : i32
        %add3A_161 = arith.addi %mul3A_124, %add3A_160 : i32
        %run_scoped3A_162 = arith.constant 1 : i32
        "tpu.region"() ({
          %run_scoped3A_163 = tpu.sem_alloc : memref<!tpu.dma_semaphore, #tpu.memory_space<semaphore_mem>>
          %dma_start3A_164 = arith.constant 0 : i32
          %dma_start3A_165 = tpu.memref_slice %arg6[%add3A_161, %run_scoped3A_162, %dma_start3A_164] : memref<45x2x128xi32, #tpu.memory_space<vmem>> -> memref<1x1x128xi32, #tpu.memory_space<vmem>>
          %dma_start3A_166 = tpu.memref_squeeze %dma_start3A_165 : memref<1x1x128xi32, #tpu.memory_space<vmem>> -> memref<128xi32, #tpu.memory_space<vmem>>
          %dma_start3A_167 = arith.constant 0 : i32
          %dma_start3A_168 = arith.constant 0 : i32
          %dma_start3A_169 = tpu.memref_slice %arg10[%dma_start3A_167, %dma_start3A_168] : memref<10008x128xf32, #tpu.memory_space<vmem_shared>> -> memref<10008x128xf32, #tpu.memory_space<vmem_shared>>
          tpu.enqueue_indirect_dma source(%arg8 : memref<128x128xf32, #tpu.memory_space<vmem>>) target(%dma_start3A_169 : memref<10008x128xf32, #tpu.memory_space<vmem_shared>>) offsets(%dma_start3A_166 : memref<128xi32, #tpu.memory_space<vmem>>) semaphore(%run_scoped3A_163 : memref<!tpu.dma_semaphore, #tpu.memory_space<semaphore_mem>>) {add = true}
          %dma_wait3A_170 = arith.constant 0 : i32
          %dma_wait3A_171 = tpu.memref_slice %arg6[%add3A_161, %run_scoped3A_162, %dma_wait3A_170] : memref<45x2x128xi32, #tpu.memory_space<vmem>> -> memref<1x1x128xi32, #tpu.memory_space<vmem>>
          %dma_wait3A_172 = tpu.memref_squeeze %dma_wait3A_171 : memref<1x1x128xi32, #tpu.memory_space<vmem>> -> memref<128xi32, #tpu.memory_space<vmem>>
          %dma_wait3A_173 = arith.constant 0 : i32
          %dma_wait3A_174 = arith.constant 0 : i32
          %dma_wait3A_175 = tpu.memref_slice %arg10[%dma_wait3A_173, %dma_wait3A_174] : memref<10008x128xf32, #tpu.memory_space<vmem_shared>> -> memref<10008x128xf32, #tpu.memory_space<vmem_shared>>
          tpu.wait_indirect_dma semaphore(%run_scoped3A_163 : memref<!tpu.dma_semaphore, #tpu.memory_space<semaphore_mem>>) src(%arg8 : memref<128x128xf32, #tpu.memory_space<vmem>>) dst(%dma_wait3A_175 : memref<10008x128xf32, #tpu.memory_space<vmem_shared>>)
          tpu.yield
        }) : () -> ()
      }
      %scan3A_93 = arith.constant 8 : i32
      %dma_start3A_94 = arith.constant 17 : i32
      %dma_start3A_95 = arith.constant 0 : i32
      %dma_start3A_96 = arith.constant 0 : i32
      %dma_start3A_97 = tpu.memref_slice %arg6[%dma_start3A_94, %dma_start3A_95, %dma_start3A_96] : memref<45x2x128xi32, #tpu.memory_space<vmem>> -> memref<1x1x128xi32, #tpu.memory_space<vmem>>
      %dma_start3A_98 = tpu.memref_squeeze %dma_start3A_97 : memref<1x1x128xi32, #tpu.memory_space<vmem>> -> memref<128xi32, #tpu.memory_space<vmem>>
      %dma_start3A_99 = arith.constant 0 : i32
      %dma_start3A_100 = arith.constant 0 : i32
      %dma_start3A_101 = tpu.memref_slice %arg2[%dma_start3A_99, %dma_start3A_100] : memref<10000x128xf32, #tpu.memory_space<hbm>> -> memref<10000x128xf32, #tpu.memory_space<hbm>>
      tpu.enqueue_indirect_dma source(%dma_start3A_101 : memref<10000x128xf32, #tpu.memory_space<hbm>>) target(%arg8 : memref<128x128xf32, #tpu.memory_space<vmem>>) offsets(%dma_start3A_98 : memref<128xi32, #tpu.memory_space<vmem>>) semaphore(%arg12 : memref<!tpu.dma_semaphore, #tpu.memory_space<semaphore_mem>>)
      %dma_wait3A_102 = arith.constant 16 : i32
      %dma_wait3A_103 = arith.constant 0 : i32
      %dma_wait3A_104 = arith.constant 0 : i32
      %dma_wait3A_105 = tpu.memref_slice %arg6[%dma_wait3A_102, %dma_wait3A_103, %dma_wait3A_104] : memref<45x2x128xi32, #tpu.memory_space<vmem>> -> memref<1x1x128xi32, #tpu.memory_space<vmem>>
      %dma_wait3A_106 = tpu.memref_squeeze %dma_wait3A_105 : memref<1x1x128xi32, #tpu.memory_space<vmem>> -> memref<128xi32, #tpu.memory_space<vmem>>
      %dma_wait3A_107 = arith.constant 0 : i32
      %dma_wait3A_108 = arith.constant 0 : i32
      %dma_wait3A_109 = tpu.memref_slice %arg2[%dma_wait3A_107, %dma_wait3A_108] : memref<10000x128xf32, #tpu.memory_space<hbm>> -> memref<10000x128xf32, #tpu.memory_space<hbm>>
      tpu.wait_indirect_dma semaphore(%arg11 : memref<!tpu.dma_semaphore, #tpu.memory_space<semaphore_mem>>) src(%dma_wait3A_109 : memref<10000x128xf32, #tpu.memory_space<hbm>>) dst(%arg7 : memref<128x128xf32, #tpu.memory_space<vmem>>)
      %run_scoped3A_110 = arith.constant 16 : i32
      %run_scoped3A_111 = arith.constant 1 : i32
      "tpu.region"() ({
        %run_scoped3A_122 = tpu.sem_alloc : memref<!tpu.dma_semaphore, #tpu.memory_space<semaphore_mem>>
        %dma_start3A_123 = arith.constant 0 : i32
        %dma_start3A_124 = tpu.memref_slice %arg6[%run_scoped3A_110, %run_scoped3A_111, %dma_start3A_123] : memref<45x2x128xi32, #tpu.memory_space<vmem>> -> memref<1x1x128xi32, #tpu.memory_space<vmem>>
        %dma_start3A_125 = tpu.memref_squeeze %dma_start3A_124 : memref<1x1x128xi32, #tpu.memory_space<vmem>> -> memref<128xi32, #tpu.memory_space<vmem>>
        %dma_start3A_126 = arith.constant 0 : i32
        %dma_start3A_127 = arith.constant 0 : i32
        %dma_start3A_128 = tpu.memref_slice %arg10[%dma_start3A_126, %dma_start3A_127] : memref<10008x128xf32, #tpu.memory_space<vmem_shared>> -> memref<10008x128xf32, #tpu.memory_space<vmem_shared>>
        tpu.enqueue_indirect_dma source(%arg7 : memref<128x128xf32, #tpu.memory_space<vmem>>) target(%dma_start3A_128 : memref<10008x128xf32, #tpu.memory_space<vmem_shared>>) offsets(%dma_start3A_125 : memref<128xi32, #tpu.memory_space<vmem>>) semaphore(%run_scoped3A_122 : memref<!tpu.dma_semaphore, #tpu.memory_space<semaphore_mem>>) {add = true}
        %dma_wait3A_129 = arith.constant 0 : i32
        %dma_wait3A_130 = tpu.memref_slice %arg6[%run_scoped3A_110, %run_scoped3A_111, %dma_wait3A_129] : memref<45x2x128xi32, #tpu.memory_space<vmem>> -> memref<1x1x128xi32, #tpu.memory_space<vmem>>
        %dma_wait3A_131 = tpu.memref_squeeze %dma_wait3A_130 : memref<1x1x128xi32, #tpu.memory_space<vmem>> -> memref<128xi32, #tpu.memory_space<vmem>>
        %dma_wait3A_132 = arith.constant 0 : i32
        %dma_wait3A_133 = arith.constant 0 : i32
        %dma_wait3A_134 = tpu.memref_slice %arg10[%dma_wait3A_132, %dma_wait3A_133] : memref<10008x128xf32, #tpu.memory_space<vmem_shared>> -> memref<10008x128xf32, #tpu.memory_space<vmem_shared>>
        tpu.wait_indirect_dma semaphore(%run_scoped3A_122 : memref<!tpu.dma_semaphore, #tpu.memory_space<semaphore_mem>>) src(%arg7 : memref<128x128xf32, #tpu.memory_space<vmem>>) dst(%dma_wait3A_134 : memref<10008x128xf32, #tpu.memory_space<vmem_shared>>)
        tpu.yield
      }) : () -> ()
      %dma_wait3A_112 = arith.constant 17 : i32
      %dma_wait3A_113 = arith.constant 0 : i32
      %dma_wait3A_114 = arith.constant 0 : i32
      %dma_wait3A_115 = tpu.memref_slice %arg6[%dma_wait3A_112, %dma_wait3A_113, %dma_wait3A_114] : memref<45x2x128xi32, #tpu.memory_space<vmem>> -> memref<1x1x128xi32, #tpu.memory_space<vmem>>
      %dma_wait3A_116 = tpu.memref_squeeze %dma_wait3A_115 : memref<1x1x128xi32, #tpu.memory_space<vmem>> -> memref<128xi32, #tpu.memory_space<vmem>>
      %dma_wait3A_117 = arith.constant 0 : i32
      %dma_wait3A_118 = arith.constant 0 : i32
      %dma_wait3A_119 = tpu.memref_slice %arg2[%dma_wait3A_117, %dma_wait3A_118] : memref<10000x128xf32, #tpu.memory_space<hbm>> -> memref<10000x128xf32, #tpu.memory_space<hbm>>
      tpu.wait_indirect_dma semaphore(%arg12 : memref<!tpu.dma_semaphore, #tpu.memory_space<semaphore_mem>>) src(%dma_wait3A_119 : memref<10000x128xf32, #tpu.memory_space<hbm>>) dst(%arg8 : memref<128x128xf32, #tpu.memory_space<vmem>>)
      %run_scoped3A_120 = arith.constant 17 : i32
      %run_scoped3A_121 = arith.constant 1 : i32
      "tpu.region"() ({
        %run_scoped3A_122 = tpu.sem_alloc : memref<!tpu.dma_semaphore, #tpu.memory_space<semaphore_mem>>
        %dma_start3A_123 = arith.constant 0 : i32
        %dma_start3A_124 = tpu.memref_slice %arg6[%run_scoped3A_120, %run_scoped3A_121, %dma_start3A_123] : memref<45x2x128xi32, #tpu.memory_space<vmem>> -> memref<1x1x128xi32, #tpu.memory_space<vmem>>
        %dma_start3A_125 = tpu.memref_squeeze %dma_start3A_124 : memref<1x1x128xi32, #tpu.memory_space<vmem>> -> memref<128xi32, #tpu.memory_space<vmem>>
        %dma_start3A_126 = arith.constant 0 : i32
        %dma_start3A_127 = arith.constant 0 : i32
        %dma_start3A_128 = tpu.memref_slice %arg10[%dma_start3A_126, %dma_start3A_127] : memref<10008x128xf32, #tpu.memory_space<vmem_shared>> -> memref<10008x128xf32, #tpu.memory_space<vmem_shared>>
        tpu.enqueue_indirect_dma source(%arg8 : memref<128x128xf32, #tpu.memory_space<vmem>>) target(%dma_start3A_128 : memref<10008x128xf32, #tpu.memory_space<vmem_shared>>) offsets(%dma_start3A_125 : memref<128xi32, #tpu.memory_space<vmem>>) semaphore(%run_scoped3A_122 : memref<!tpu.dma_semaphore, #tpu.memory_space<semaphore_mem>>) {add = true}
        %dma_wait3A_129 = arith.constant 0 : i32
        %dma_wait3A_130 = tpu.memref_slice %arg6[%run_scoped3A_120, %run_scoped3A_121, %dma_wait3A_129] : memref<45x2x128xi32, #tpu.memory_space<vmem>> -> memref<1x1x128xi32, #tpu.memory_space<vmem>>
        %dma_wait3A_131 = tpu.memref_squeeze %dma_wait3A_130 : memref<1x1x128xi32, #tpu.memory_space<vmem>> -> memref<128xi32, #tpu.memory_space<vmem>>
        %dma_wait3A_132 = arith.constant 0 : i32
        %dma_wait3A_133 = arith.constant 0 : i32
        %dma_wait3A_134 = tpu.memref_slice %arg10[%dma_wait3A_132, %dma_wait3A_133] : memref<10008x128xf32, #tpu.memory_space<vmem_shared>> -> memref<10008x128xf32, #tpu.memory_space<vmem_shared>>
        tpu.wait_indirect_dma semaphore(%run_scoped3A_122 : memref<!tpu.dma_semaphore, #tpu.memory_space<semaphore_mem>>) src(%arg8 : memref<128x128xf32, #tpu.memory_space<vmem>>) dst(%dma_wait3A_134 : memref<10008x128xf32, #tpu.memory_space<vmem_shared>>)
        tpu.yield
      }) : () -> ()
    } else {
    }
    %eq3A_20 = arith.constant 1 : i32
    %eq3A_21 = arith.cmpi eq, %arg0, %eq3A_20 : i32
    %convert_element_type3A_22 = arith.extui %eq3A_21 : i1 to i32
    %cond3A_23 = arith.constant 0 : i32
    %cond3A_24 = arith.cmpi ne, %convert_element_type3A_22, %cond3A_23 : i32
    scf.if %cond3A_24 {
      "tpu.region"() ({
        %run_scoped3A_135 = tpu.sem_alloc : memref<!tpu.dma_semaphore, #tpu.memory_space<semaphore_mem>>
        %dma_start3A_136 = arith.constant 0 : i32
        %dma_start3A_137 = arith.constant 0 : i32
        %dma_start3A_138 = arith.constant 0 : i32
        %dma_start3A_139 = tpu.memref_slice %arg6[%dma_start3A_136, %dma_start3A_137, %dma_start3A_138] : memref<45x2x128xi32, #tpu.memory_space<vmem>> -> memref<45x2x128xi32, #tpu.memory_space<vmem>>
        %dma_start3A_140 = arith.constant 0 : i32
        %dma_start3A_141 = arith.constant 0 : i32
        %dma_start3A_142 = arith.constant 0 : i32
        %dma_start3A_143 = tpu.memref_slice %arg4[%arg1, %dma_start3A_140, %dma_start3A_141, %dma_start3A_142] : memref<16x49x2x128xi32, #tpu.memory_space<hbm>> -> memref<1x45x2x128xi32, #tpu.memory_space<hbm>>
        %dma_start3A_144 = tpu.memref_squeeze %dma_start3A_143 : memref<1x45x2x128xi32, #tpu.memory_space<hbm>> -> memref<45x2x128xi32, #tpu.memory_space<hbm>>
        %dma_start3A_145 = arith.constant 0 : i32
        %dma_start3A_146 = arith.constant 0 : i32
        %dma_start3A_147 = arith.constant 0 : i32
        %dma_start3A_148 = tpu.memref_slice %arg6[%dma_start3A_145, %dma_start3A_146, %dma_start3A_147] : memref<45x2x128xi32, #tpu.memory_space<vmem>> -> memref<45x2x128xi32, #tpu.memory_space<vmem>>
        %dma_start3A_149 = arith.constant 0 : i32
        %dma_start3A_150 = arith.constant 0 : i32
        %dma_start3A_151 = arith.constant 0 : i32
        %dma_start3A_152 = tpu.memref_slice %arg4[%arg1, %dma_start3A_149, %dma_start3A_150, %dma_start3A_151] : memref<16x49x2x128xi32, #tpu.memory_space<hbm>> -> memref<1x45x2x128xi32, #tpu.memory_space<hbm>>
        %dma_start3A_153 = tpu.memref_squeeze %dma_start3A_152 : memref<1x45x2x128xi32, #tpu.memory_space<hbm>> -> memref<45x2x128xi32, #tpu.memory_space<hbm>>
        tpu.enqueue_dma source(%dma_start3A_153 : memref<45x2x128xi32, #tpu.memory_space<hbm>>) target(%dma_start3A_148 : memref<45x2x128xi32, #tpu.memory_space<vmem>>) target_semaphore(%run_scoped3A_135 : memref<!tpu.dma_semaphore, #tpu.memory_space<semaphore_mem>>)
        %dma_wait3A_154 = arith.constant 0 : i32
        %dma_wait3A_155 = arith.constant 0 : i32
        %dma_wait3A_156 = arith.constant 0 : i32
        %dma_wait3A_157 = tpu.memref_slice %arg6[%dma_wait3A_154, %dma_wait3A_155, %dma_wait3A_156] : memref<45x2x128xi32, #tpu.memory_space<vmem>> -> memref<45x2x128xi32, #tpu.memory_space<vmem>>
        %dma_wait3A_158 = arith.constant 0 : i32
        %dma_wait3A_159 = arith.constant 0 : i32
        %dma_wait3A_160 = arith.constant 0 : i32
        %dma_wait3A_161 = tpu.memref_slice %arg4[%arg1, %dma_wait3A_158, %dma_wait3A_159, %dma_wait3A_160] : memref<16x49x2x128xi32, #tpu.memory_space<hbm>> -> memref<1x45x2x128xi32, #tpu.memory_space<hbm>>
        %dma_wait3A_162 = tpu.memref_squeeze %dma_wait3A_161 : memref<1x45x2x128xi32, #tpu.memory_space<hbm>> -> memref<45x2x128xi32, #tpu.memory_space<hbm>>
        %dma_wait3A_163 = arith.constant 0 : i32
        %dma_wait3A_164 = arith.constant 0 : i32
        %dma_wait3A_165 = arith.constant 0 : i32
        %dma_wait3A_166 = tpu.memref_slice %arg6[%dma_wait3A_163, %dma_wait3A_164, %dma_wait3A_165] : memref<45x2x128xi32, #tpu.memory_space<vmem>> -> memref<45x2x128xi32, #tpu.memory_space<vmem>>
        %dma_wait3A_167 = arith.constant 0 : i32
        %dma_wait3A_168 = arith.constant 0 : i32
        %dma_wait3A_169 = arith.constant 0 : i32
        %dma_wait3A_170 = tpu.memref_slice %arg4[%arg1, %dma_wait3A_167, %dma_wait3A_168, %dma_wait3A_169] : memref<16x49x2x128xi32, #tpu.memory_space<hbm>> -> memref<1x45x2x128xi32, #tpu.memory_space<hbm>>
        %dma_wait3A_171 = tpu.memref_squeeze %dma_wait3A_170 : memref<1x45x2x128xi32, #tpu.memory_space<hbm>> -> memref<45x2x128xi32, #tpu.memory_space<hbm>>
        tpu.wait_dma2 semaphore(%run_scoped3A_135 : memref<!tpu.dma_semaphore, #tpu.memory_space<semaphore_mem>>) src(%dma_wait3A_171 : memref<45x2x128xi32, #tpu.memory_space<hbm>>) dst(%dma_wait3A_166 : memref<45x2x128xi32, #tpu.memory_space<vmem>>)
        tpu.yield
      }) : () -> ()
      %dma_start3A = arith.constant 0 : i32
      %dma_start3A_35 = arith.constant 0 : i32
      %dma_start3A_36 = arith.constant 0 : i32
      %dma_start3A_37 = tpu.memref_slice %arg6[%dma_start3A, %dma_start3A_35, %dma_start3A_36] : memref<45x2x128xi32, #tpu.memory_space<vmem>> -> memref<1x1x128xi32, #tpu.memory_space<vmem>>
      %dma_start3A_38 = tpu.memref_squeeze %dma_start3A_37 : memref<1x1x128xi32, #tpu.memory_space<vmem>> -> memref<128xi32, #tpu.memory_space<vmem>>
      %dma_start3A_39 = arith.constant 0 : i32
      %dma_start3A_40 = arith.constant 0 : i32
      %dma_start3A_41 = tpu.memref_slice %arg2[%dma_start3A_39, %dma_start3A_40] : memref<10000x128xf32, #tpu.memory_space<hbm>> -> memref<10000x128xf32, #tpu.memory_space<hbm>>
      tpu.enqueue_indirect_dma source(%dma_start3A_41 : memref<10000x128xf32, #tpu.memory_space<hbm>>) target(%arg7 : memref<128x128xf32, #tpu.memory_space<vmem>>) offsets(%dma_start3A_38 : memref<128xi32, #tpu.memory_space<vmem>>) semaphore(%arg11 : memref<!tpu.dma_semaphore, #tpu.memory_space<semaphore_mem>>)
      %scan3A_42 = arith.constant 0 : i32
      %scan3A_43 = arith.constant 0 : i32
      %scan3A_44 = arith.constant 22 : i32
      %scan3A_45 = arith.addi %scan3A_43, %scan3A_44 : i32
      %scan3A_46 = arith.constant 1 : i32
      scf.for %scan3A_135 = %scan3A_43 to %scan3A_45 step %scan3A_46  : i32 {
        %mul3A_136 = arith.constant 2 : i32
        %mul3A_137 = arith.muli %mul3A_136, %scan3A_135 : i32
        %add3A_138 = arith.constant 1 : i32
        %add3A_139 = arith.addi %mul3A_137, %add3A_138 : i32
        %dma_start3A_140 = arith.constant 0 : i32
        %dma_start3A_141 = arith.constant 0 : i32
        %dma_start3A_142 = tpu.memref_slice %arg6[%add3A_139, %dma_start3A_140, %dma_start3A_141] : memref<45x2x128xi32, #tpu.memory_space<vmem>> -> memref<1x1x128xi32, #tpu.memory_space<vmem>>
        %dma_start3A_143 = tpu.memref_squeeze %dma_start3A_142 : memref<1x1x128xi32, #tpu.memory_space<vmem>> -> memref<128xi32, #tpu.memory_space<vmem>>
        %dma_start3A_144 = arith.constant 0 : i32
        %dma_start3A_145 = arith.constant 0 : i32
        %dma_start3A_146 = tpu.memref_slice %arg2[%dma_start3A_144, %dma_start3A_145] : memref<10000x128xf32, #tpu.memory_space<hbm>> -> memref<10000x128xf32, #tpu.memory_space<hbm>>
        tpu.enqueue_indirect_dma source(%dma_start3A_146 : memref<10000x128xf32, #tpu.memory_space<hbm>>) target(%arg8 : memref<128x128xf32, #tpu.memory_space<vmem>>) offsets(%dma_start3A_143 : memref<128xi32, #tpu.memory_space<vmem>>) semaphore(%arg12 : memref<!tpu.dma_semaphore, #tpu.memory_space<semaphore_mem>>)
        %dma_wait3A_147 = arith.constant 0 : i32
        %dma_wait3A_148 = arith.constant 0 : i32
        %dma_wait3A_149 = tpu.memref_slice %arg6[%mul3A_137, %dma_wait3A_147, %dma_wait3A_148] : memref<45x2x128xi32, #tpu.memory_space<vmem>> -> memref<1x1x128xi32, #tpu.memory_space<vmem>>
        %dma_wait3A_150 = tpu.memref_squeeze %dma_wait3A_149 : memref<1x1x128xi32, #tpu.memory_space<vmem>> -> memref<128xi32, #tpu.memory_space<vmem>>
        %dma_wait3A_151 = arith.constant 0 : i32
        %dma_wait3A_152 = arith.constant 0 : i32
        %dma_wait3A_153 = tpu.memref_slice %arg2[%dma_wait3A_151, %dma_wait3A_152] : memref<10000x128xf32, #tpu.memory_space<hbm>> -> memref<10000x128xf32, #tpu.memory_space<hbm>>
        tpu.wait_indirect_dma semaphore(%arg11 : memref<!tpu.dma_semaphore, #tpu.memory_space<semaphore_mem>>) src(%dma_wait3A_153 : memref<10000x128xf32, #tpu.memory_space<hbm>>) dst(%arg7 : memref<128x128xf32, #tpu.memory_space<vmem>>)
        %run_scoped3A_154 = arith.constant 1 : i32
        "tpu.region"() ({
          %run_scoped3A_176 = tpu.sem_alloc : memref<!tpu.dma_semaphore, #tpu.memory_space<semaphore_mem>>
          %dma_start3A_177 = arith.constant 0 : i32
          %dma_start3A_178 = tpu.memref_slice %arg6[%mul3A_137, %run_scoped3A_154, %dma_start3A_177] : memref<45x2x128xi32, #tpu.memory_space<vmem>> -> memref<1x1x128xi32, #tpu.memory_space<vmem>>
          %dma_start3A_179 = tpu.memref_squeeze %dma_start3A_178 : memref<1x1x128xi32, #tpu.memory_space<vmem>> -> memref<128xi32, #tpu.memory_space<vmem>>
          %dma_start3A_180 = arith.constant 0 : i32
          %dma_start3A_181 = arith.constant 0 : i32
          %dma_start3A_182 = tpu.memref_slice %arg10[%dma_start3A_180, %dma_start3A_181] : memref<10008x128xf32, #tpu.memory_space<vmem_shared>> -> memref<10008x128xf32, #tpu.memory_space<vmem_shared>>
          tpu.enqueue_indirect_dma source(%arg7 : memref<128x128xf32, #tpu.memory_space<vmem>>) target(%dma_start3A_182 : memref<10008x128xf32, #tpu.memory_space<vmem_shared>>) offsets(%dma_start3A_179 : memref<128xi32, #tpu.memory_space<vmem>>) semaphore(%run_scoped3A_176 : memref<!tpu.dma_semaphore, #tpu.memory_space<semaphore_mem>>) {add = true}
          %dma_wait3A_183 = arith.constant 0 : i32
          %dma_wait3A_184 = tpu.memref_slice %arg6[%mul3A_137, %run_scoped3A_154, %dma_wait3A_183] : memref<45x2x128xi32, #tpu.memory_space<vmem>> -> memref<1x1x128xi32, #tpu.memory_space<vmem>>
          %dma_wait3A_185 = tpu.memref_squeeze %dma_wait3A_184 : memref<1x1x128xi32, #tpu.memory_space<vmem>> -> memref<128xi32, #tpu.memory_space<vmem>>
          %dma_wait3A_186 = arith.constant 0 : i32
          %dma_wait3A_187 = arith.constant 0 : i32
          %dma_wait3A_188 = tpu.memref_slice %arg10[%dma_wait3A_186, %dma_wait3A_187] : memref<10008x128xf32, #tpu.memory_space<vmem_shared>> -> memref<10008x128xf32, #tpu.memory_space<vmem_shared>>
          tpu.wait_indirect_dma semaphore(%run_scoped3A_176 : memref<!tpu.dma_semaphore, #tpu.memory_space<semaphore_mem>>) src(%arg7 : memref<128x128xf32, #tpu.memory_space<vmem>>) dst(%dma_wait3A_188 : memref<10008x128xf32, #tpu.memory_space<vmem_shared>>)
          tpu.yield
        }) : () -> ()
        %add3A_155 = arith.constant 2 : i32
        %add3A_156 = arith.addi %mul3A_137, %add3A_155 : i32
        %dma_start3A_157 = arith.constant 0 : i32
        %dma_start3A_158 = arith.constant 0 : i32
        %dma_start3A_159 = tpu.memref_slice %arg6[%add3A_156, %dma_start3A_157, %dma_start3A_158] : memref<45x2x128xi32, #tpu.memory_space<vmem>> -> memref<1x1x128xi32, #tpu.memory_space<vmem>>
        %dma_start3A_160 = tpu.memref_squeeze %dma_start3A_159 : memref<1x1x128xi32, #tpu.memory_space<vmem>> -> memref<128xi32, #tpu.memory_space<vmem>>
        %dma_start3A_161 = arith.constant 0 : i32
        %dma_start3A_162 = arith.constant 0 : i32
        %dma_start3A_163 = tpu.memref_slice %arg2[%dma_start3A_161, %dma_start3A_162] : memref<10000x128xf32, #tpu.memory_space<hbm>> -> memref<10000x128xf32, #tpu.memory_space<hbm>>
        tpu.enqueue_indirect_dma source(%dma_start3A_163 : memref<10000x128xf32, #tpu.memory_space<hbm>>) target(%arg7 : memref<128x128xf32, #tpu.memory_space<vmem>>) offsets(%dma_start3A_160 : memref<128xi32, #tpu.memory_space<vmem>>) semaphore(%arg11 : memref<!tpu.dma_semaphore, #tpu.memory_space<semaphore_mem>>)
        %add3A_164 = arith.constant 1 : i32
        %add3A_165 = arith.addi %mul3A_137, %add3A_164 : i32
        %dma_wait3A_166 = arith.constant 0 : i32
        %dma_wait3A_167 = arith.constant 0 : i32
        %dma_wait3A_168 = tpu.memref_slice %arg6[%add3A_165, %dma_wait3A_166, %dma_wait3A_167] : memref<45x2x128xi32, #tpu.memory_space<vmem>> -> memref<1x1x128xi32, #tpu.memory_space<vmem>>
        %dma_wait3A_169 = tpu.memref_squeeze %dma_wait3A_168 : memref<1x1x128xi32, #tpu.memory_space<vmem>> -> memref<128xi32, #tpu.memory_space<vmem>>
        %dma_wait3A_170 = arith.constant 0 : i32
        %dma_wait3A_171 = arith.constant 0 : i32
        %dma_wait3A_172 = tpu.memref_slice %arg2[%dma_wait3A_170, %dma_wait3A_171] : memref<10000x128xf32, #tpu.memory_space<hbm>> -> memref<10000x128xf32, #tpu.memory_space<hbm>>
        tpu.wait_indirect_dma semaphore(%arg12 : memref<!tpu.dma_semaphore, #tpu.memory_space<semaphore_mem>>) src(%dma_wait3A_172 : memref<10000x128xf32, #tpu.memory_space<hbm>>) dst(%arg8 : memref<128x128xf32, #tpu.memory_space<vmem>>)
        %add3A_173 = arith.constant 1 : i32
        %add3A_174 = arith.addi %mul3A_137, %add3A_173 : i32
        %run_scoped3A_175 = arith.constant 1 : i32
        "tpu.region"() ({
          %run_scoped3A_176 = tpu.sem_alloc : memref<!tpu.dma_semaphore, #tpu.memory_space<semaphore_mem>>
          %dma_start3A_177 = arith.constant 0 : i32
          %dma_start3A_178 = tpu.memref_slice %arg6[%add3A_174, %run_scoped3A_175, %dma_start3A_177] : memref<45x2x128xi32, #tpu.memory_space<vmem>> -> memref<1x1x128xi32, #tpu.memory_space<vmem>>
          %dma_start3A_179 = tpu.memref_squeeze %dma_start3A_178 : memref<1x1x128xi32, #tpu.memory_space<vmem>> -> memref<128xi32, #tpu.memory_space<vmem>>
          %dma_start3A_180 = arith.constant 0 : i32
          %dma_start3A_181 = arith.constant 0 : i32
          %dma_start3A_182 = tpu.memref_slice %arg10[%dma_start3A_180, %dma_start3A_181] : memref<10008x128xf32, #tpu.memory_space<vmem_shared>> -> memref<10008x128xf32, #tpu.memory_space<vmem_shared>>
          tpu.enqueue_indirect_dma source(%arg8 : memref<128x128xf32, #tpu.memory_space<vmem>>) target(%dma_start3A_182 : memref<10008x128xf32, #tpu.memory_space<vmem_shared>>) offsets(%dma_start3A_179 : memref<128xi32, #tpu.memory_space<vmem>>) semaphore(%run_scoped3A_176 : memref<!tpu.dma_semaphore, #tpu.memory_space<semaphore_mem>>) {add = true}
          %dma_wait3A_183 = arith.constant 0 : i32
          %dma_wait3A_184 = tpu.memref_slice %arg6[%add3A_174, %run_scoped3A_175, %dma_wait3A_183] : memref<45x2x128xi32, #tpu.memory_space<vmem>> -> memref<1x1x128xi32, #tpu.memory_space<vmem>>
          %dma_wait3A_185 = tpu.memref_squeeze %dma_wait3A_184 : memref<1x1x128xi32, #tpu.memory_space<vmem>> -> memref<128xi32, #tpu.memory_space<vmem>>
          %dma_wait3A_186 = arith.constant 0 : i32
          %dma_wait3A_187 = arith.constant 0 : i32
          %dma_wait3A_188 = tpu.memref_slice %arg10[%dma_wait3A_186, %dma_wait3A_187] : memref<10008x128xf32, #tpu.memory_space<vmem_shared>> -> memref<10008x128xf32, #tpu.memory_space<vmem_shared>>
          tpu.wait_indirect_dma semaphore(%run_scoped3A_176 : memref<!tpu.dma_semaphore, #tpu.memory_space<semaphore_mem>>) src(%arg8 : memref<128x128xf32, #tpu.memory_space<vmem>>) dst(%dma_wait3A_188 : memref<10008x128xf32, #tpu.memory_space<vmem_shared>>)
          tpu.yield
        }) : () -> ()
      }
      %scan3A_47 = arith.constant 22 : i32
      %dma_wait3A = arith.constant 44 : i32
      %dma_wait3A_48 = arith.constant 0 : i32
      %dma_wait3A_49 = arith.constant 0 : i32
      %dma_wait3A_50 = tpu.memref_slice %arg6[%dma_wait3A, %dma_wait3A_48, %dma_wait3A_49] : memref<45x2x128xi32, #tpu.memory_space<vmem>> -> memref<1x1x128xi32, #tpu.memory_space<vmem>>
      %dma_wait3A_51 = tpu.memref_squeeze %dma_wait3A_50 : memref<1x1x128xi32, #tpu.memory_space<vmem>> -> memref<128xi32, #tpu.memory_space<vmem>>
      %dma_wait3A_52 = arith.constant 0 : i32
      %dma_wait3A_53 = arith.constant 0 : i32
      %dma_wait3A_54 = tpu.memref_slice %arg2[%dma_wait3A_52, %dma_wait3A_53] : memref<10000x128xf32, #tpu.memory_space<hbm>> -> memref<10000x128xf32, #tpu.memory_space<hbm>>
      tpu.wait_indirect_dma semaphore(%arg11 : memref<!tpu.dma_semaphore, #tpu.memory_space<semaphore_mem>>) src(%dma_wait3A_54 : memref<10000x128xf32, #tpu.memory_space<hbm>>) dst(%arg7 : memref<128x128xf32, #tpu.memory_space<vmem>>)
      %run_scoped3A = arith.constant 44 : i32
      %run_scoped3A_55 = arith.constant 1 : i32
      "tpu.region"() ({
        %run_scoped3A_135 = tpu.sem_alloc : memref<!tpu.dma_semaphore, #tpu.memory_space<semaphore_mem>>
        %dma_start3A_136 = arith.constant 0 : i32
        %dma_start3A_137 = tpu.memref_slice %arg6[%run_scoped3A, %run_scoped3A_55, %dma_start3A_136] : memref<45x2x128xi32, #tpu.memory_space<vmem>> -> memref<1x1x128xi32, #tpu.memory_space<vmem>>
        %dma_start3A_138 = tpu.memref_squeeze %dma_start3A_137 : memref<1x1x128xi32, #tpu.memory_space<vmem>> -> memref<128xi32, #tpu.memory_space<vmem>>
        %dma_start3A_139 = arith.constant 0 : i32
        %dma_start3A_140 = arith.constant 0 : i32
        %dma_start3A_141 = tpu.memref_slice %arg10[%dma_start3A_139, %dma_start3A_140] : memref<10008x128xf32, #tpu.memory_space<vmem_shared>> -> memref<10008x128xf32, #tpu.memory_space<vmem_shared>>
        tpu.enqueue_indirect_dma source(%arg7 : memref<128x128xf32, #tpu.memory_space<vmem>>) target(%dma_start3A_141 : memref<10008x128xf32, #tpu.memory_space<vmem_shared>>) offsets(%dma_start3A_138 : memref<128xi32, #tpu.memory_space<vmem>>) semaphore(%run_scoped3A_135 : memref<!tpu.dma_semaphore, #tpu.memory_space<semaphore_mem>>) {add = true}
        %dma_wait3A_142 = arith.constant 0 : i32
        %dma_wait3A_143 = tpu.memref_slice %arg6[%run_scoped3A, %run_scoped3A_55, %dma_wait3A_142] : memref<45x2x128xi32, #tpu.memory_space<vmem>> -> memref<1x1x128xi32, #tpu.memory_space<vmem>>
        %dma_wait3A_144 = tpu.memref_squeeze %dma_wait3A_143 : memref<1x1x128xi32, #tpu.memory_space<vmem>> -> memref<128xi32, #tpu.memory_space<vmem>>
        %dma_wait3A_145 = arith.constant 0 : i32
        %dma_wait3A_146 = arith.constant 0 : i32
        %dma_wait3A_147 = tpu.memref_slice %arg10[%dma_wait3A_145, %dma_wait3A_146] : memref<10008x128xf32, #tpu.memory_space<vmem_shared>> -> memref<10008x128xf32, #tpu.memory_space<vmem_shared>>
        tpu.wait_indirect_dma semaphore(%run_scoped3A_135 : memref<!tpu.dma_semaphore, #tpu.memory_space<semaphore_mem>>) src(%arg7 : memref<128x128xf32, #tpu.memory_space<vmem>>) dst(%dma_wait3A_147 : memref<10008x128xf32, #tpu.memory_space<vmem_shared>>)
        tpu.yield
      }) : () -> ()
      "tpu.region"() ({
        %run_scoped3A_135 = tpu.sem_alloc : memref<!tpu.dma_semaphore, #tpu.memory_space<semaphore_mem>>
        %dma_start3A_136 = arith.constant 0 : i32
        %dma_start3A_137 = arith.constant 0 : i32
        %dma_start3A_138 = arith.constant 0 : i32
        %dma_start3A_139 = tpu.memref_slice %arg6[%dma_start3A_136, %dma_start3A_137, %dma_start3A_138] : memref<45x2x128xi32, #tpu.memory_space<vmem>> -> memref<4x2x128xi32, #tpu.memory_space<vmem>>
        %dma_start3A_140 = arith.constant 45 : i32
        %dma_start3A_141 = arith.constant 0 : i32
        %dma_start3A_142 = arith.constant 0 : i32
        %dma_start3A_143 = tpu.memref_slice %arg4[%arg1, %dma_start3A_140, %dma_start3A_141, %dma_start3A_142] : memref<16x49x2x128xi32, #tpu.memory_space<hbm>> -> memref<1x4x2x128xi32, #tpu.memory_space<hbm>>
        %dma_start3A_144 = tpu.memref_squeeze %dma_start3A_143 : memref<1x4x2x128xi32, #tpu.memory_space<hbm>> -> memref<4x2x128xi32, #tpu.memory_space<hbm>>
        %dma_start3A_145 = arith.constant 0 : i32
        %dma_start3A_146 = arith.constant 0 : i32
        %dma_start3A_147 = arith.constant 0 : i32
        %dma_start3A_148 = tpu.memref_slice %arg6[%dma_start3A_145, %dma_start3A_146, %dma_start3A_147] : memref<45x2x128xi32, #tpu.memory_space<vmem>> -> memref<4x2x128xi32, #tpu.memory_space<vmem>>
        %dma_start3A_149 = arith.constant 45 : i32
        %dma_start3A_150 = arith.constant 0 : i32
        %dma_start3A_151 = arith.constant 0 : i32
        %dma_start3A_152 = tpu.memref_slice %arg4[%arg1, %dma_start3A_149, %dma_start3A_150, %dma_start3A_151] : memref<16x49x2x128xi32, #tpu.memory_space<hbm>> -> memref<1x4x2x128xi32, #tpu.memory_space<hbm>>
        %dma_start3A_153 = tpu.memref_squeeze %dma_start3A_152 : memref<1x4x2x128xi32, #tpu.memory_space<hbm>> -> memref<4x2x128xi32, #tpu.memory_space<hbm>>
        tpu.enqueue_dma source(%dma_start3A_153 : memref<4x2x128xi32, #tpu.memory_space<hbm>>) target(%dma_start3A_148 : memref<4x2x128xi32, #tpu.memory_space<vmem>>) target_semaphore(%run_scoped3A_135 : memref<!tpu.dma_semaphore, #tpu.memory_space<semaphore_mem>>)
        %dma_wait3A_154 = arith.constant 0 : i32
        %dma_wait3A_155 = arith.constant 0 : i32
        %dma_wait3A_156 = arith.constant 0 : i32
        %dma_wait3A_157 = tpu.memref_slice %arg6[%dma_wait3A_154, %dma_wait3A_155, %dma_wait3A_156] : memref<45x2x128xi32, #tpu.memory_space<vmem>> -> memref<4x2x128xi32, #tpu.memory_space<vmem>>
        %dma_wait3A_158 = arith.constant 45 : i32
        %dma_wait3A_159 = arith.constant 0 : i32
        %dma_wait3A_160 = arith.constant 0 : i32
        %dma_wait3A_161 = tpu.memref_slice %arg4[%arg1, %dma_wait3A_158, %dma_wait3A_159, %dma_wait3A_160] : memref<16x49x2x128xi32, #tpu.memory_space<hbm>> -> memref<1x4x2x128xi32, #tpu.memory_space<hbm>>
        %dma_wait3A_162 = tpu.memref_squeeze %dma_wait3A_161 : memref<1x4x2x128xi32, #tpu.memory_space<hbm>> -> memref<4x2x128xi32, #tpu.memory_space<hbm>>
        %dma_wait3A_163 = arith.constant 0 : i32
        %dma_wait3A_164 = arith.constant 0 : i32
        %dma_wait3A_165 = arith.constant 0 : i32
        %dma_wait3A_166 = tpu.memref_slice %arg6[%dma_wait3A_163, %dma_wait3A_164, %dma_wait3A_165] : memref<45x2x128xi32, #tpu.memory_space<vmem>> -> memref<4x2x128xi32, #tpu.memory_space<vmem>>
        %dma_wait3A_167 = arith.constant 45 : i32
        %dma_wait3A_168 = arith.constant 0 : i32
        %dma_wait3A_169 = arith.constant 0 : i32
        %dma_wait3A_170 = tpu.memref_slice %arg4[%arg1, %dma_wait3A_167, %dma_wait3A_168, %dma_wait3A_169] : memref<16x49x2x128xi32, #tpu.memory_space<hbm>> -> memref<1x4x2x128xi32, #tpu.memory_space<hbm>>
        %dma_wait3A_171 = tpu.memref_squeeze %dma_wait3A_170 : memref<1x4x2x128xi32, #tpu.memory_space<hbm>> -> memref<4x2x128xi32, #tpu.memory_space<hbm>>
        tpu.wait_dma2 semaphore(%run_scoped3A_135 : memref<!tpu.dma_semaphore, #tpu.memory_space<semaphore_mem>>) src(%dma_wait3A_171 : memref<4x2x128xi32, #tpu.memory_space<hbm>>) dst(%dma_wait3A_166 : memref<4x2x128xi32, #tpu.memory_space<vmem>>)
        tpu.yield
      }) : () -> ()
      %dma_start3A_56 = arith.constant 0 : i32
      %dma_start3A_57 = arith.constant 0 : i32
      %dma_start3A_58 = arith.constant 0 : i32
      %dma_start3A_59 = tpu.memref_slice %arg6[%dma_start3A_56, %dma_start3A_57, %dma_start3A_58] : memref<45x2x128xi32, #tpu.memory_space<vmem>> -> memref<1x1x128xi32, #tpu.memory_space<vmem>>
      %dma_start3A_60 = tpu.memref_squeeze %dma_start3A_59 : memref<1x1x128xi32, #tpu.memory_space<vmem>> -> memref<128xi32, #tpu.memory_space<vmem>>
      %dma_start3A_61 = arith.constant 0 : i32
      %dma_start3A_62 = arith.constant 0 : i32
      %dma_start3A_63 = tpu.memref_slice %arg2[%dma_start3A_61, %dma_start3A_62] : memref<10000x128xf32, #tpu.memory_space<hbm>> -> memref<10000x128xf32, #tpu.memory_space<hbm>>
      tpu.enqueue_indirect_dma source(%dma_start3A_63 : memref<10000x128xf32, #tpu.memory_space<hbm>>) target(%arg7 : memref<128x128xf32, #tpu.memory_space<vmem>>) offsets(%dma_start3A_60 : memref<128xi32, #tpu.memory_space<vmem>>) semaphore(%arg11 : memref<!tpu.dma_semaphore, #tpu.memory_space<semaphore_mem>>)
      %scan3A_64 = arith.constant 0 : i32
      %scan3A_65 = arith.constant 0 : i32
      %mul3A_66 = arith.constant 2 : i32
      %mul3A_67 = arith.muli %mul3A_66, %scan3A_65 : i32
      %add3A_68 = arith.constant 1 : i32
      %add3A_69 = arith.addi %mul3A_67, %add3A_68 : i32
      %dma_start3A_70 = arith.constant 0 : i32
      %dma_start3A_71 = arith.constant 0 : i32
      %dma_start3A_72 = tpu.memref_slice %arg6[%add3A_69, %dma_start3A_70, %dma_start3A_71] : memref<45x2x128xi32, #tpu.memory_space<vmem>> -> memref<1x1x128xi32, #tpu.memory_space<vmem>>
      %dma_start3A_73 = tpu.memref_squeeze %dma_start3A_72 : memref<1x1x128xi32, #tpu.memory_space<vmem>> -> memref<128xi32, #tpu.memory_space<vmem>>
      %dma_start3A_74 = arith.constant 0 : i32
      %dma_start3A_75 = arith.constant 0 : i32
      %dma_start3A_76 = tpu.memref_slice %arg2[%dma_start3A_74, %dma_start3A_75] : memref<10000x128xf32, #tpu.memory_space<hbm>> -> memref<10000x128xf32, #tpu.memory_space<hbm>>
      tpu.enqueue_indirect_dma source(%dma_start3A_76 : memref<10000x128xf32, #tpu.memory_space<hbm>>) target(%arg8 : memref<128x128xf32, #tpu.memory_space<vmem>>) offsets(%dma_start3A_73 : memref<128xi32, #tpu.memory_space<vmem>>) semaphore(%arg12 : memref<!tpu.dma_semaphore, #tpu.memory_space<semaphore_mem>>)
      %dma_wait3A_77 = arith.constant 0 : i32
      %dma_wait3A_78 = arith.constant 0 : i32
      %dma_wait3A_79 = tpu.memref_slice %arg6[%mul3A_67, %dma_wait3A_77, %dma_wait3A_78] : memref<45x2x128xi32, #tpu.memory_space<vmem>> -> memref<1x1x128xi32, #tpu.memory_space<vmem>>
      %dma_wait3A_80 = tpu.memref_squeeze %dma_wait3A_79 : memref<1x1x128xi32, #tpu.memory_space<vmem>> -> memref<128xi32, #tpu.memory_space<vmem>>
      %dma_wait3A_81 = arith.constant 0 : i32
      %dma_wait3A_82 = arith.constant 0 : i32
      %dma_wait3A_83 = tpu.memref_slice %arg2[%dma_wait3A_81, %dma_wait3A_82] : memref<10000x128xf32, #tpu.memory_space<hbm>> -> memref<10000x128xf32, #tpu.memory_space<hbm>>
      tpu.wait_indirect_dma semaphore(%arg11 : memref<!tpu.dma_semaphore, #tpu.memory_space<semaphore_mem>>) src(%dma_wait3A_83 : memref<10000x128xf32, #tpu.memory_space<hbm>>) dst(%arg7 : memref<128x128xf32, #tpu.memory_space<vmem>>)
      %run_scoped3A_84 = arith.constant 1 : i32
      "tpu.region"() ({
        %run_scoped3A_135 = tpu.sem_alloc : memref<!tpu.dma_semaphore, #tpu.memory_space<semaphore_mem>>
        %dma_start3A_136 = arith.constant 0 : i32
        %dma_start3A_137 = tpu.memref_slice %arg6[%mul3A_67, %run_scoped3A_84, %dma_start3A_136] : memref<45x2x128xi32, #tpu.memory_space<vmem>> -> memref<1x1x128xi32, #tpu.memory_space<vmem>>
        %dma_start3A_138 = tpu.memref_squeeze %dma_start3A_137 : memref<1x1x128xi32, #tpu.memory_space<vmem>> -> memref<128xi32, #tpu.memory_space<vmem>>
        %dma_start3A_139 = arith.constant 0 : i32
        %dma_start3A_140 = arith.constant 0 : i32
        %dma_start3A_141 = tpu.memref_slice %arg10[%dma_start3A_139, %dma_start3A_140] : memref<10008x128xf32, #tpu.memory_space<vmem_shared>> -> memref<10008x128xf32, #tpu.memory_space<vmem_shared>>
        tpu.enqueue_indirect_dma source(%arg7 : memref<128x128xf32, #tpu.memory_space<vmem>>) target(%dma_start3A_141 : memref<10008x128xf32, #tpu.memory_space<vmem_shared>>) offsets(%dma_start3A_138 : memref<128xi32, #tpu.memory_space<vmem>>) semaphore(%run_scoped3A_135 : memref<!tpu.dma_semaphore, #tpu.memory_space<semaphore_mem>>) {add = true}
        %dma_wait3A_142 = arith.constant 0 : i32
        %dma_wait3A_143 = tpu.memref_slice %arg6[%mul3A_67, %run_scoped3A_84, %dma_wait3A_142] : memref<45x2x128xi32, #tpu.memory_space<vmem>> -> memref<1x1x128xi32, #tpu.memory_space<vmem>>
        %dma_wait3A_144 = tpu.memref_squeeze %dma_wait3A_143 : memref<1x1x128xi32, #tpu.memory_space<vmem>> -> memref<128xi32, #tpu.memory_space<vmem>>
        %dma_wait3A_145 = arith.constant 0 : i32
        %dma_wait3A_146 = arith.constant 0 : i32
        %dma_wait3A_147 = tpu.memref_slice %arg10[%dma_wait3A_145, %dma_wait3A_146] : memref<10008x128xf32, #tpu.memory_space<vmem_shared>> -> memref<10008x128xf32, #tpu.memory_space<vmem_shared>>
        tpu.wait_indirect_dma semaphore(%run_scoped3A_135 : memref<!tpu.dma_semaphore, #tpu.memory_space<semaphore_mem>>) src(%arg7 : memref<128x128xf32, #tpu.memory_space<vmem>>) dst(%dma_wait3A_147 : memref<10008x128xf32, #tpu.memory_space<vmem_shared>>)
        tpu.yield
      }) : () -> ()
      %add3A_85 = arith.constant 2 : i32
      %add3A_86 = arith.addi %mul3A_67, %add3A_85 : i32
      %dma_start3A_87 = arith.constant 0 : i32
      %dma_start3A_88 = arith.constant 0 : i32
      %dma_start3A_89 = tpu.memref_slice %arg6[%add3A_86, %dma_start3A_87, %dma_start3A_88] : memref<45x2x128xi32, #tpu.memory_space<vmem>> -> memref<1x1x128xi32, #tpu.memory_space<vmem>>
      %dma_start3A_90 = tpu.memref_squeeze %dma_start3A_89 : memref<1x1x128xi32, #tpu.memory_space<vmem>> -> memref<128xi32, #tpu.memory_space<vmem>>
      %dma_start3A_91 = arith.constant 0 : i32
      %dma_start3A_92 = arith.constant 0 : i32
      %dma_start3A_93 = tpu.memref_slice %arg2[%dma_start3A_91, %dma_start3A_92] : memref<10000x128xf32, #tpu.memory_space<hbm>> -> memref<10000x128xf32, #tpu.memory_space<hbm>>
      tpu.enqueue_indirect_dma source(%dma_start3A_93 : memref<10000x128xf32, #tpu.memory_space<hbm>>) target(%arg7 : memref<128x128xf32, #tpu.memory_space<vmem>>) offsets(%dma_start3A_90 : memref<128xi32, #tpu.memory_space<vmem>>) semaphore(%arg11 : memref<!tpu.dma_semaphore, #tpu.memory_space<semaphore_mem>>)
      %add3A_94 = arith.constant 1 : i32
      %add3A_95 = arith.addi %mul3A_67, %add3A_94 : i32
      %dma_wait3A_96 = arith.constant 0 : i32
      %dma_wait3A_97 = arith.constant 0 : i32
      %dma_wait3A_98 = tpu.memref_slice %arg6[%add3A_95, %dma_wait3A_96, %dma_wait3A_97] : memref<45x2x128xi32, #tpu.memory_space<vmem>> -> memref<1x1x128xi32, #tpu.memory_space<vmem>>
      %dma_wait3A_99 = tpu.memref_squeeze %dma_wait3A_98 : memref<1x1x128xi32, #tpu.memory_space<vmem>> -> memref<128xi32, #tpu.memory_space<vmem>>
      %dma_wait3A_100 = arith.constant 0 : i32
      %dma_wait3A_101 = arith.constant 0 : i32
      %dma_wait3A_102 = tpu.memref_slice %arg2[%dma_wait3A_100, %dma_wait3A_101] : memref<10000x128xf32, #tpu.memory_space<hbm>> -> memref<10000x128xf32, #tpu.memory_space<hbm>>
      tpu.wait_indirect_dma semaphore(%arg12 : memref<!tpu.dma_semaphore, #tpu.memory_space<semaphore_mem>>) src(%dma_wait3A_102 : memref<10000x128xf32, #tpu.memory_space<hbm>>) dst(%arg8 : memref<128x128xf32, #tpu.memory_space<vmem>>)
      %add3A_103 = arith.constant 1 : i32
      %add3A_104 = arith.addi %mul3A_67, %add3A_103 : i32
      %run_scoped3A_105 = arith.constant 1 : i32
      "tpu.region"() ({
        %run_scoped3A_135 = tpu.sem_alloc : memref<!tpu.dma_semaphore, #tpu.memory_space<semaphore_mem>>
        %dma_start3A_136 = arith.constant 0 : i32
        %dma_start3A_137 = tpu.memref_slice %arg6[%add3A_104, %run_scoped3A_105, %dma_start3A_136] : memref<45x2x128xi32, #tpu.memory_space<vmem>> -> memref<1x1x128xi32, #tpu.memory_space<vmem>>
        %dma_start3A_138 = tpu.memref_squeeze %dma_start3A_137 : memref<1x1x128xi32, #tpu.memory_space<vmem>> -> memref<128xi32, #tpu.memory_space<vmem>>
        %dma_start3A_139 = arith.constant 0 : i32
        %dma_start3A_140 = arith.constant 0 : i32
        %dma_start3A_141 = tpu.memref_slice %arg10[%dma_start3A_139, %dma_start3A_140] : memref<10008x128xf32, #tpu.memory_space<vmem_shared>> -> memref<10008x128xf32, #tpu.memory_space<vmem_shared>>
        tpu.enqueue_indirect_dma source(%arg8 : memref<128x128xf32, #tpu.memory_space<vmem>>) target(%dma_start3A_141 : memref<10008x128xf32, #tpu.memory_space<vmem_shared>>) offsets(%dma_start3A_138 : memref<128xi32, #tpu.memory_space<vmem>>) semaphore(%run_scoped3A_135 : memref<!tpu.dma_semaphore, #tpu.memory_space<semaphore_mem>>) {add = true}
        %dma_wait3A_142 = arith.constant 0 : i32
        %dma_wait3A_143 = tpu.memref_slice %arg6[%add3A_104, %run_scoped3A_105, %dma_wait3A_142] : memref<45x2x128xi32, #tpu.memory_space<vmem>> -> memref<1x1x128xi32, #tpu.memory_space<vmem>>
        %dma_wait3A_144 = tpu.memref_squeeze %dma_wait3A_143 : memref<1x1x128xi32, #tpu.memory_space<vmem>> -> memref<128xi32, #tpu.memory_space<vmem>>
        %dma_wait3A_145 = arith.constant 0 : i32
        %dma_wait3A_146 = arith.constant 0 : i32
        %dma_wait3A_147 = tpu.memref_slice %arg10[%dma_wait3A_145, %dma_wait3A_146] : memref<10008x128xf32, #tpu.memory_space<vmem_shared>> -> memref<10008x128xf32, #tpu.memory_space<vmem_shared>>
        tpu.wait_indirect_dma semaphore(%run_scoped3A_135 : memref<!tpu.dma_semaphore, #tpu.memory_space<semaphore_mem>>) src(%arg8 : memref<128x128xf32, #tpu.memory_space<vmem>>) dst(%dma_wait3A_147 : memref<10008x128xf32, #tpu.memory_space<vmem_shared>>)
        tpu.yield
      }) : () -> ()
      %scan3A_106 = arith.constant 1 : i32
      %dma_start3A_107 = arith.constant 3 : i32
      %dma_start3A_108 = arith.constant 0 : i32
      %dma_start3A_109 = arith.constant 0 : i32
      %dma_start3A_110 = tpu.memref_slice %arg6[%dma_start3A_107, %dma_start3A_108, %dma_start3A_109] : memref<45x2x128xi32, #tpu.memory_space<vmem>> -> memref<1x1x128xi32, #tpu.memory_space<vmem>>
      %dma_start3A_111 = tpu.memref_squeeze %dma_start3A_110 : memref<1x1x128xi32, #tpu.memory_space<vmem>> -> memref<128xi32, #tpu.memory_space<vmem>>
      %dma_start3A_112 = arith.constant 0 : i32
      %dma_start3A_113 = arith.constant 0 : i32
      %dma_start3A_114 = tpu.memref_slice %arg2[%dma_start3A_112, %dma_start3A_113] : memref<10000x128xf32, #tpu.memory_space<hbm>> -> memref<10000x128xf32, #tpu.memory_space<hbm>>
      tpu.enqueue_indirect_dma source(%dma_start3A_114 : memref<10000x128xf32, #tpu.memory_space<hbm>>) target(%arg8 : memref<128x128xf32, #tpu.memory_space<vmem>>) offsets(%dma_start3A_111 : memref<128xi32, #tpu.memory_space<vmem>>) semaphore(%arg12 : memref<!tpu.dma_semaphore, #tpu.memory_space<semaphore_mem>>)
      %dma_wait3A_115 = arith.constant 2 : i32
      %dma_wait3A_116 = arith.constant 0 : i32
      %dma_wait3A_117 = arith.constant 0 : i32
      %dma_wait3A_118 = tpu.memref_slice %arg6[%dma_wait3A_115, %dma_wait3A_116, %dma_wait3A_117] : memref<45x2x128xi32, #tpu.memory_space<vmem>> -> memref<1x1x128xi32, #tpu.memory_space<vmem>>
      %dma_wait3A_119 = tpu.memref_squeeze %dma_wait3A_118 : memref<1x1x128xi32, #tpu.memory_space<vmem>> -> memref<128xi32, #tpu.memory_space<vmem>>
      %dma_wait3A_120 = arith.constant 0 : i32
      %dma_wait3A_121 = arith.constant 0 : i32
      %dma_wait3A_122 = tpu.memref_slice %arg2[%dma_wait3A_120, %dma_wait3A_121] : memref<10000x128xf32, #tpu.memory_space<hbm>> -> memref<10000x128xf32, #tpu.memory_space<hbm>>
      tpu.wait_indirect_dma semaphore(%arg11 : memref<!tpu.dma_semaphore, #tpu.memory_space<semaphore_mem>>) src(%dma_wait3A_122 : memref<10000x128xf32, #tpu.memory_space<hbm>>) dst(%arg7 : memref<128x128xf32, #tpu.memory_space<vmem>>)
      %run_scoped3A_123 = arith.constant 2 : i32
      %run_scoped3A_124 = arith.constant 1 : i32
      "tpu.region"() ({
        %run_scoped3A_135 = tpu.sem_alloc : memref<!tpu.dma_semaphore, #tpu.memory_space<semaphore_mem>>
        %dma_start3A_136 = arith.constant 0 : i32
        %dma_start3A_137 = tpu.memref_slice %arg6[%run_scoped3A_123, %run_scoped3A_124, %dma_start3A_136] : memref<45x2x128xi32, #tpu.memory_space<vmem>> -> memref<1x1x128xi32, #tpu.memory_space<vmem>>
        %dma_start3A_138 = tpu.memref_squeeze %dma_start3A_137 : memref<1x1x128xi32, #tpu.memory_space<vmem>> -> memref<128xi32, #tpu.memory_space<vmem>>
        %dma_start3A_139 = arith.constant 0 : i32
        %dma_start3A_140 = arith.constant 0 : i32
        %dma_start3A_141 = tpu.memref_slice %arg10[%dma_start3A_139, %dma_start3A_140] : memref<10008x128xf32, #tpu.memory_space<vmem_shared>> -> memref<10008x128xf32, #tpu.memory_space<vmem_shared>>
        tpu.enqueue_indirect_dma source(%arg7 : memref<128x128xf32, #tpu.memory_space<vmem>>) target(%dma_start3A_141 : memref<10008x128xf32, #tpu.memory_space<vmem_shared>>) offsets(%dma_start3A_138 : memref<128xi32, #tpu.memory_space<vmem>>) semaphore(%run_scoped3A_135 : memref<!tpu.dma_semaphore, #tpu.memory_space<semaphore_mem>>) {add = true}
        %dma_wait3A_142 = arith.constant 0 : i32
        %dma_wait3A_143 = tpu.memref_slice %arg6[%run_scoped3A_123, %run_scoped3A_124, %dma_wait3A_142] : memref<45x2x128xi32, #tpu.memory_space<vmem>> -> memref<1x1x128xi32, #tpu.memory_space<vmem>>
        %dma_wait3A_144 = tpu.memref_squeeze %dma_wait3A_143 : memref<1x1x128xi32, #tpu.memory_space<vmem>> -> memref<128xi32, #tpu.memory_space<vmem>>
        %dma_wait3A_145 = arith.constant 0 : i32
        %dma_wait3A_146 = arith.constant 0 : i32
        %dma_wait3A_147 = tpu.memref_slice %arg10[%dma_wait3A_145, %dma_wait3A_146] : memref<10008x128xf32, #tpu.memory_space<vmem_shared>> -> memref<10008x128xf32, #tpu.memory_space<vmem_shared>>
        tpu.wait_indirect_dma semaphore(%run_scoped3A_135 : memref<!tpu.dma_semaphore, #tpu.memory_space<semaphore_mem>>) src(%arg7 : memref<128x128xf32, #tpu.memory_space<vmem>>) dst(%dma_wait3A_147 : memref<10008x128xf32, #tpu.memory_space<vmem_shared>>)
        tpu.yield
      }) : () -> ()
      %dma_wait3A_125 = arith.constant 3 : i32
      %dma_wait3A_126 = arith.constant 0 : i32
      %dma_wait3A_127 = arith.constant 0 : i32
      %dma_wait3A_128 = tpu.memref_slice %arg6[%dma_wait3A_125, %dma_wait3A_126, %dma_wait3A_127] : memref<45x2x128xi32, #tpu.memory_space<vmem>> -> memref<1x1x128xi32, #tpu.memory_space<vmem>>
      %dma_wait3A_129 = tpu.memref_squeeze %dma_wait3A_128 : memref<1x1x128xi32, #tpu.memory_space<vmem>> -> memref<128xi32, #tpu.memory_space<vmem>>
      %dma_wait3A_130 = arith.constant 0 : i32
      %dma_wait3A_131 = arith.constant 0 : i32
      %dma_wait3A_132 = tpu.memref_slice %arg2[%dma_wait3A_130, %dma_wait3A_131] : memref<10000x128xf32, #tpu.memory_space<hbm>> -> memref<10000x128xf32, #tpu.memory_space<hbm>>
      tpu.wait_indirect_dma semaphore(%arg12 : memref<!tpu.dma_semaphore, #tpu.memory_space<semaphore_mem>>) src(%dma_wait3A_132 : memref<10000x128xf32, #tpu.memory_space<hbm>>) dst(%arg8 : memref<128x128xf32, #tpu.memory_space<vmem>>)
      %run_scoped3A_133 = arith.constant 3 : i32
      %run_scoped3A_134 = arith.constant 1 : i32
      "tpu.region"() ({
        %run_scoped3A_135 = tpu.sem_alloc : memref<!tpu.dma_semaphore, #tpu.memory_space<semaphore_mem>>
        %dma_start3A_136 = arith.constant 0 : i32
        %dma_start3A_137 = tpu.memref_slice %arg6[%run_scoped3A_133, %run_scoped3A_134, %dma_start3A_136] : memref<45x2x128xi32, #tpu.memory_space<vmem>> -> memref<1x1x128xi32, #tpu.memory_space<vmem>>
        %dma_start3A_138 = tpu.memref_squeeze %dma_start3A_137 : memref<1x1x128xi32, #tpu.memory_space<vmem>> -> memref<128xi32, #tpu.memory_space<vmem>>
        %dma_start3A_139 = arith.constant 0 : i32
        %dma_start3A_140 = arith.constant 0 : i32
        %dma_start3A_141 = tpu.memref_slice %arg10[%dma_start3A_139, %dma_start3A_140] : memref<10008x128xf32, #tpu.memory_space<vmem_shared>> -> memref<10008x128xf32, #tpu.memory_space<vmem_shared>>
        tpu.enqueue_indirect_dma source(%arg8 : memref<128x128xf32, #tpu.memory_space<vmem>>) target(%dma_start3A_141 : memref<10008x128xf32, #tpu.memory_space<vmem_shared>>) offsets(%dma_start3A_138 : memref<128xi32, #tpu.memory_space<vmem>>) semaphore(%run_scoped3A_135 : memref<!tpu.dma_semaphore, #tpu.memory_space<semaphore_mem>>) {add = true}
        %dma_wait3A_142 = arith.constant 0 : i32
        %dma_wait3A_143 = tpu.memref_slice %arg6[%run_scoped3A_133, %run_scoped3A_134, %dma_wait3A_142] : memref<45x2x128xi32, #tpu.memory_space<vmem>> -> memref<1x1x128xi32, #tpu.memory_space<vmem>>
        %dma_wait3A_144 = tpu.memref_squeeze %dma_wait3A_143 : memref<1x1x128xi32, #tpu.memory_space<vmem>> -> memref<128xi32, #tpu.memory_space<vmem>>
        %dma_wait3A_145 = arith.constant 0 : i32
        %dma_wait3A_146 = arith.constant 0 : i32
        %dma_wait3A_147 = tpu.memref_slice %arg10[%dma_wait3A_145, %dma_wait3A_146] : memref<10008x128xf32, #tpu.memory_space<vmem_shared>> -> memref<10008x128xf32, #tpu.memory_space<vmem_shared>>
        tpu.wait_indirect_dma semaphore(%run_scoped3A_135 : memref<!tpu.dma_semaphore, #tpu.memory_space<semaphore_mem>>) src(%arg8 : memref<128x128xf32, #tpu.memory_space<vmem>>) dst(%dma_wait3A_147 : memref<10008x128xf32, #tpu.memory_space<vmem_shared>>)
        tpu.yield
      }) : () -> ()
    } else {
    }
    %barrier3A_25 = arith.constant 0 : index
    tpu.barrier barrier_id(%barrier3A_25)
    %mul3A_26 = arith.constant 624 : i32
    %mul3A_27 = arith.muli %arg1, %mul3A_26 : i32
    %mul3A_28 = arith.constant 624 : i32
    %mul3A_29 = arith.muli %arg1, %mul3A_28 : i32
    "tpu.region"() ({
      %run_scoped3A = tpu.sem_alloc : memref<!tpu.dma_semaphore, #tpu.memory_space<semaphore_mem>>
      %dma_start3A = arith.constant 0 : i32
      %dma_start3A_35 = tpu.memref_slice %arg5[%arg0, %mul3A_29, %dma_start3A] : memref<2x10000x128xf32, #tpu.memory_space<hbm>> -> memref<1x624x128xf32, #tpu.memory_space<hbm>>
      %dma_start3A_36 = tpu.memref_squeeze %dma_start3A_35 : memref<1x624x128xf32, #tpu.memory_space<hbm>> -> memref<624x128xf32, #tpu.memory_space<hbm>>
      %dma_start3A_37 = arith.constant 0 : i32
      %dma_start3A_38 = tpu.memref_slice %arg10[%mul3A_27, %dma_start3A_37] : memref<10008x128xf32, #tpu.memory_space<vmem_shared>> -> memref<624x128xf32, #tpu.memory_space<vmem_shared>>
      tpu.enqueue_dma source(%dma_start3A_38 : memref<624x128xf32, #tpu.memory_space<vmem_shared>>) target(%dma_start3A_36 : memref<624x128xf32, #tpu.memory_space<hbm>>) target_semaphore(%run_scoped3A : memref<!tpu.dma_semaphore, #tpu.memory_space<semaphore_mem>>)
      %dma_wait3A = arith.constant 0 : i32
      %dma_wait3A_39 = tpu.memref_slice %arg5[%arg0, %mul3A_29, %dma_wait3A] : memref<2x10000x128xf32, #tpu.memory_space<hbm>> -> memref<1x624x128xf32, #tpu.memory_space<hbm>>
      %dma_wait3A_40 = tpu.memref_squeeze %dma_wait3A_39 : memref<1x624x128xf32, #tpu.memory_space<hbm>> -> memref<624x128xf32, #tpu.memory_space<hbm>>
      %dma_wait3A_41 = arith.constant 0 : i32
      %dma_wait3A_42 = tpu.memref_slice %arg10[%mul3A_27, %dma_wait3A_41] : memref<10008x128xf32, #tpu.memory_space<vmem_shared>> -> memref<624x128xf32, #tpu.memory_space<vmem_shared>>
      tpu.wait_dma2 semaphore(%run_scoped3A : memref<!tpu.dma_semaphore, #tpu.memory_space<semaphore_mem>>) src(%dma_wait3A_42 : memref<624x128xf32, #tpu.memory_space<vmem_shared>>) dst(%dma_wait3A_40 : memref<624x128xf32, #tpu.memory_space<hbm>>)
      tpu.yield
    }) : () -> ()
    %eq3A_30 = arith.constant 0 : i32
    %eq3A_31 = arith.cmpi eq, %arg1, %eq3A_30 : i32
    %convert_element_type3A_32 = arith.extui %eq3A_31 : i1 to i32
    %cond3A_33 = arith.constant 0 : i32
    %cond3A_34 = arith.cmpi ne, %convert_element_type3A_32, %cond3A_33 : i32
    scf.if %cond3A_34 {
      "tpu.region"() ({
        %run_scoped3A = tpu.sem_alloc : memref<!tpu.dma_semaphore, #tpu.memory_space<semaphore_mem>>
        %dma_start3A = arith.constant 9984 : i32
        %dma_start3A_35 = arith.constant 0 : i32
        %dma_start3A_36 = tpu.memref_slice %arg5[%arg0, %dma_start3A, %dma_start3A_35] : memref<2x10000x128xf32, #tpu.memory_space<hbm>> -> memref<1x16x128xf32, #tpu.memory_space<hbm>>
        %dma_start3A_37 = tpu.memref_squeeze %dma_start3A_36 : memref<1x16x128xf32, #tpu.memory_space<hbm>> -> memref<16x128xf32, #tpu.memory_space<hbm>>
        %dma_start3A_38 = arith.constant 9984 : i32
        %dma_start3A_39 = arith.constant 0 : i32
        %dma_start3A_40 = tpu.memref_slice %arg10[%dma_start3A_38, %dma_start3A_39] : memref<10008x128xf32, #tpu.memory_space<vmem_shared>> -> memref<16x128xf32, #tpu.memory_space<vmem_shared>>
        tpu.enqueue_dma source(%dma_start3A_40 : memref<16x128xf32, #tpu.memory_space<vmem_shared>>) target(%dma_start3A_37 : memref<16x128xf32, #tpu.memory_space<hbm>>) target_semaphore(%run_scoped3A : memref<!tpu.dma_semaphore, #tpu.memory_space<semaphore_mem>>)
        %dma_wait3A = arith.constant 9984 : i32
        %dma_wait3A_41 = arith.constant 0 : i32
        %dma_wait3A_42 = tpu.memref_slice %arg5[%arg0, %dma_wait3A, %dma_wait3A_41] : memref<2x10000x128xf32, #tpu.memory_space<hbm>> -> memref<1x16x128xf32, #tpu.memory_space<hbm>>
        %dma_wait3A_43 = tpu.memref_squeeze %dma_wait3A_42 : memref<1x16x128xf32, #tpu.memory_space<hbm>> -> memref<16x128xf32, #tpu.memory_space<hbm>>
        %dma_wait3A_44 = arith.constant 9984 : i32
        %dma_wait3A_45 = arith.constant 0 : i32
        %dma_wait3A_46 = tpu.memref_slice %arg10[%dma_wait3A_44, %dma_wait3A_45] : memref<10008x128xf32, #tpu.memory_space<vmem_shared>> -> memref<16x128xf32, #tpu.memory_space<vmem_shared>>
        tpu.wait_dma2 semaphore(%run_scoped3A : memref<!tpu.dma_semaphore, #tpu.memory_space<semaphore_mem>>) src(%dma_wait3A_46 : memref<16x128xf32, #tpu.memory_space<vmem_shared>>) dst(%dma_wait3A_43 : memref<16x128xf32, #tpu.memory_space<hbm>>)
        tpu.yield
      }) : () -> ()
    } else {
    }
    return
  }
}

#map = affine_map<(d0, d1) -> (0, 0)>
#map1 = affine_map<(d0, d1) -> (0, 0, 0, 0)>
#map2 = affine_map<(d0, d1) -> (0, 0, 0)>
module attributes {stable_mosaic.version = 14 : i64} {
  func.func @agg(%arg0: i32, %arg1: i32, %arg2: memref<10000x128xf32, #tpu.memory_space<hbm>>, %arg3: memref<16x108x2x128xi32, #tpu.memory_space<hbm>>, %arg4: memref<16x49x2x128xi32, #tpu.memory_space<hbm>>, %arg5: memref<2x10000x128xf32, #tpu.memory_space<hbm>>, %arg6: memref<45x2x128xi32, #tpu.memory_space<vmem>>, %arg7: memref<128x128xf32, #tpu.memory_space<vmem>>, %arg8: memref<128x128xf32, #tpu.memory_space<vmem>>, %arg9: memref<16x128xf32, #tpu.memory_space<vmem>>, %arg10: memref<10008x128xf32, #tpu.memory_space<vmem_shared>>, %arg11: memref<!tpu.dma_semaphore, #tpu.memory_space<semaphore_mem>>, %arg12: memref<!tpu.dma_semaphore, #tpu.memory_space<semaphore_mem>>) attributes {dimension_semantics = [#tpu.dimension_semantics<core_parallel>, #tpu.dimension_semantics<subcore_parallel>], iteration_bounds = array<i64: 2, 16>, scalar_prefetch = 0 : i64, scratch_operands = 7 : i64, tpu.core_type = #tpu.core_type<sc_vector_subcore>, window_params = [{transform_indices = #map}, {transform_indices = #map1}, {transform_indices = #map1}, {transform_indices = #map2}]} {
    %mul3A = arith.constant 16 : i32
    %mul3A_0 = arith.muli %arg0, %mul3A : i32
    %add3A = arith.addi %mul3A_0, %arg1 : i32
    %broadcast_in_dim3A = arith.constant 0.000000e+00 : f32
    %broadcast_in_dim3A_1 = vector.broadcast %broadcast_in_dim3A : f32 to vector<16xf32>
    %scan3A = arith.constant 0 : i32
    %scan3A_2 = arith.constant 0 : i32
    %scan3A_3 = arith.constant 16 : i32
    %scan3A_4 = arith.addi %scan3A_2, %scan3A_3 : i32
    %scan3A_5 = arith.constant 1 : i32
    scf.for %scan3A_35 = %scan3A_2 to %scan3A_4 step %scan3A_5  : i32 {
      %swap3A = arith.index_cast %scan3A_35 : i32 to index
      %swap3A_36 = arith.constant 0 : index
      %swap3A_37 = tpu.vector_load %arg9[%swap3A, %swap3A_36] {strides = array<i32>} : memref<16x128xf32, #tpu.memory_space<vmem>>, vector<1x16xf32>,
      %swap3A_38 = vector.shape_cast %swap3A_37 : vector<1x16xf32> to vector<16xf32>
      %swap3A_39 = vector.shape_cast %broadcast_in_dim3A_1 : vector<16xf32> to vector<1x16xf32>
      tpu.vector_store %arg9[%swap3A, %swap3A_36], %swap3A_39 {strides = array<i32>} : memref<16x128xf32, #tpu.memory_space<vmem>>, vector<1x16xf32>,
      %swap3A_40 = arith.index_cast %scan3A_35 : i32 to index
      %swap3A_41 = arith.constant 16 : index
      %swap3A_42 = tpu.vector_load %arg9[%swap3A_40, %swap3A_41] {strides = array<i32>} : memref<16x128xf32, #tpu.memory_space<vmem>>, vector<1x16xf32>,
      %swap3A_43 = vector.shape_cast %swap3A_42 : vector<1x16xf32> to vector<16xf32>
      %swap3A_44 = vector.shape_cast %broadcast_in_dim3A_1 : vector<16xf32> to vector<1x16xf32>
      tpu.vector_store %arg9[%swap3A_40, %swap3A_41], %swap3A_44 {strides = array<i32>} : memref<16x128xf32, #tpu.memory_space<vmem>>, vector<1x16xf32>,
      %swap3A_45 = arith.index_cast %scan3A_35 : i32 to index
      %swap3A_46 = arith.constant 32 : index
      %swap3A_47 = tpu.vector_load %arg9[%swap3A_45, %swap3A_46] {strides = array<i32>} : memref<16x128xf32, #tpu.memory_space<vmem>>, vector<1x16xf32>,
      %swap3A_48 = vector.shape_cast %swap3A_47 : vector<1x16xf32> to vector<16xf32>
      %swap3A_49 = vector.shape_cast %broadcast_in_dim3A_1 : vector<16xf32> to vector<1x16xf32>
      tpu.vector_store %arg9[%swap3A_45, %swap3A_46], %swap3A_49 {strides = array<i32>} : memref<16x128xf32, #tpu.memory_space<vmem>>, vector<1x16xf32>,
      %swap3A_50 = arith.index_cast %scan3A_35 : i32 to index
      %swap3A_51 = arith.constant 48 : index
      %swap3A_52 = tpu.vector_load %arg9[%swap3A_50, %swap3A_51] {strides = array<i32>} : memref<16x128xf32, #tpu.memory_space<vmem>>, vector<1x16xf32>,
      %swap3A_53 = vector.shape_cast %swap3A_52 : vector<1x16xf32> to vector<16xf32>
      %swap3A_54 = vector.shape_cast %broadcast_in_dim3A_1 : vector<16xf32> to vector<1x16xf32>
      tpu.vector_store %arg9[%swap3A_50, %swap3A_51], %swap3A_54 {strides = array<i32>} : memref<16x128xf32, #tpu.memory_space<vmem>>, vector<1x16xf32>,
      %swap3A_55 = arith.index_cast %scan3A_35 : i32 to index
      %swap3A_56 = arith.constant 64 : index
      %swap3A_57 = tpu.vector_load %arg9[%swap3A_55, %swap3A_56] {strides = array<i32>} : memref<16x128xf32, #tpu.memory_space<vmem>>, vector<1x16xf32>,
      %swap3A_58 = vector.shape_cast %swap3A_57 : vector<1x16xf32> to vector<16xf32>
      %swap3A_59 = vector.shape_cast %broadcast_in_dim3A_1 : vector<16xf32> to vector<1x16xf32>
      tpu.vector_store %arg9[%swap3A_55, %swap3A_56], %swap3A_59 {strides = array<i32>} : memref<16x128xf32, #tpu.memory_space<vmem>>, vector<1x16xf32>,
      %swap3A_60 = arith.index_cast %scan3A_35 : i32 to index
      %swap3A_61 = arith.constant 80 : index
      %swap3A_62 = tpu.vector_load %arg9[%swap3A_60, %swap3A_61] {strides = array<i32>} : memref<16x128xf32, #tpu.memory_space<vmem>>, vector<1x16xf32>,
      %swap3A_63 = vector.shape_cast %swap3A_62 : vector<1x16xf32> to vector<16xf32>
      %swap3A_64 = vector.shape_cast %broadcast_in_dim3A_1 : vector<16xf32> to vector<1x16xf32>
      tpu.vector_store %arg9[%swap3A_60, %swap3A_61], %swap3A_64 {strides = array<i32>} : memref<16x128xf32, #tpu.memory_space<vmem>>, vector<1x16xf32>,
      %swap3A_65 = arith.index_cast %scan3A_35 : i32 to index
      %swap3A_66 = arith.constant 96 : index
      %swap3A_67 = tpu.vector_load %arg9[%swap3A_65, %swap3A_66] {strides = array<i32>} : memref<16x128xf32, #tpu.memory_space<vmem>>, vector<1x16xf32>,
      %swap3A_68 = vector.shape_cast %swap3A_67 : vector<1x16xf32> to vector<16xf32>
      %swap3A_69 = vector.shape_cast %broadcast_in_dim3A_1 : vector<16xf32> to vector<1x16xf32>
      tpu.vector_store %arg9[%swap3A_65, %swap3A_66], %swap3A_69 {strides = array<i32>} : memref<16x128xf32, #tpu.memory_space<vmem>>, vector<1x16xf32>,
      %swap3A_70 = arith.index_cast %scan3A_35 : i32 to index
      %swap3A_71 = arith.constant 112 : index
      %swap3A_72 = tpu.vector_load %arg9[%swap3A_70, %swap3A_71] {strides = array<i32>} : memref<16x128xf32, #tpu.memory_space<vmem>>, vector<1x16xf32>,
      %swap3A_73 = vector.shape_cast %swap3A_72 : vector<1x16xf32> to vector<16xf32>
      %swap3A_74 = vector.shape_cast %broadcast_in_dim3A_1 : vector<16xf32> to vector<1x16xf32>
      tpu.vector_store %arg9[%swap3A_70, %swap3A_71], %swap3A_74 {strides = array<i32>} : memref<16x128xf32, #tpu.memory_space<vmem>>, vector<1x16xf32>,
    }
    %scan3A_6 = arith.constant 16 : i32
    %scan3A_7 = arith.constant 0 : i32
    %scan3A_8 = arith.constant 0 : i32
    %scan3A_9 = arith.constant 39 : i32
    %scan3A_10 = arith.addi %scan3A_8, %scan3A_9 : i32
    %scan3A_11 = arith.constant 1 : i32
    scf.for %scan3A_35 = %scan3A_8 to %scan3A_10 step %scan3A_11  : i32 {
      %mul3A_36 = arith.constant 624 : i32
      %mul3A_37 = arith.muli %arg1, %mul3A_36 : i32
      %mul3A_38 = arith.constant 16 : i32
      %mul3A_39 = arith.muli %scan3A_35, %mul3A_38 : i32
      %add3A_40 = arith.addi %mul3A_37, %mul3A_39 : i32
      "tpu.region"() ({
        %run_scoped3A = tpu.sem_alloc : memref<!tpu.dma_semaphore, #tpu.memory_space<semaphore_mem>>
        %dma_start3A = arith.constant 0 : i32
        %dma_start3A_41 = tpu.memref_slice %arg10[%add3A_40, %dma_start3A] : memref<10008x128xf32, #tpu.memory_space<vmem_shared>> -> memref<16x128xf32, #tpu.memory_space<vmem_shared>>
        %dma_start3A_42 = arith.constant 0 : i32
        %dma_start3A_43 = tpu.memref_slice %arg10[%add3A_40, %dma_start3A_42] : memref<10008x128xf32, #tpu.memory_space<vmem_shared>> -> memref<16x128xf32, #tpu.memory_space<vmem_shared>>
        tpu.enqueue_dma source(%arg9 : memref<16x128xf32, #tpu.memory_space<vmem>>) target(%dma_start3A_43 : memref<16x128xf32, #tpu.memory_space<vmem_shared>>) target_semaphore(%run_scoped3A : memref<!tpu.dma_semaphore, #tpu.memory_space<semaphore_mem>>)
        %dma_wait3A = arith.constant 0 : i32
        %dma_wait3A_44 = tpu.memref_slice %arg10[%add3A_40, %dma_wait3A] : memref<10008x128xf32, #tpu.memory_space<vmem_shared>> -> memref<16x128xf32, #tpu.memory_space<vmem_shared>>
        %dma_wait3A_45 = arith.constant 0 : i32
        %dma_wait3A_46 = tpu.memref_slice %arg10[%add3A_40, %dma_wait3A_45] : memref<10008x128xf32, #tpu.memory_space<vmem_shared>> -> memref<16x128xf32, #tpu.memory_space<vmem_shared>>
        tpu.wait_dma2 semaphore(%run_scoped3A : memref<!tpu.dma_semaphore, #tpu.memory_space<semaphore_mem>>) src(%arg9 : memref<16x128xf32, #tpu.memory_space<vmem>>) dst(%dma_wait3A_46 : memref<16x128xf32, #tpu.memory_space<vmem_shared>>)
        tpu.yield
      }) : () -> ()
    }
    %scan3A_12 = arith.constant 39 : i32
    %eq3A = arith.constant 0 : i32
    %eq3A_13 = arith.cmpi eq, %arg1, %eq3A : i32
    %convert_element_type3A = arith.extui %eq3A_13 : i1 to i32
    %cond3A = arith.constant 0 : i32
    %cond3A_14 = arith.cmpi ne, %convert_element_type3A, %cond3A : i32
    scf.if %cond3A_14 {
      "tpu.region"() ({
        %run_scoped3A = tpu.sem_alloc : memref<!tpu.dma_semaphore, #tpu.memory_space<semaphore_mem>>
        %dma_start3A = arith.constant 0 : i32
        %dma_start3A_35 = arith.constant 0 : i32
        %dma_start3A_36 = tpu.memref_slice %arg9[%dma_start3A, %dma_start3A_35] : memref<16x128xf32, #tpu.memory_space<vmem>> -> memref<16x128xf32, #tpu.memory_space<vmem>>
        %dma_start3A_37 = arith.constant 9984 : i32
        %dma_start3A_38 = arith.constant 0 : i32
        %dma_start3A_39 = tpu.memref_slice %arg10[%dma_start3A_37, %dma_start3A_38] : memref<10008x128xf32, #tpu.memory_space<vmem_shared>> -> memref<16x128xf32, #tpu.memory_space<vmem_shared>>
        %dma_start3A_40 = arith.constant 9984 : i32
        %dma_start3A_41 = arith.constant 0 : i32
        %dma_start3A_42 = tpu.memref_slice %arg10[%dma_start3A_40, %dma_start3A_41] : memref<10008x128xf32, #tpu.memory_space<vmem_shared>> -> memref<16x128xf32, #tpu.memory_space<vmem_shared>>
        %dma_start3A_43 = arith.constant 0 : i32
        %dma_start3A_44 = arith.constant 0 : i32
        %dma_start3A_45 = tpu.memref_slice %arg9[%dma_start3A_43, %dma_start3A_44] : memref<16x128xf32, #tpu.memory_space<vmem>> -> memref<16x128xf32, #tpu.memory_space<vmem>>
        tpu.enqueue_dma source(%dma_start3A_45 : memref<16x128xf32, #tpu.memory_space<vmem>>) target(%dma_start3A_42 : memref<16x128xf32, #tpu.memory_space<vmem_shared>>) target_semaphore(%run_scoped3A : memref<!tpu.dma_semaphore, #tpu.memory_space<semaphore_mem>>)
        %dma_wait3A = arith.constant 0 : i32
        %dma_wait3A_46 = arith.constant 0 : i32
        %dma_wait3A_47 = tpu.memref_slice %arg9[%dma_wait3A, %dma_wait3A_46] : memref<16x128xf32, #tpu.memory_space<vmem>> -> memref<16x128xf32, #tpu.memory_space<vmem>>
        %dma_wait3A_48 = arith.constant 9984 : i32
        %dma_wait3A_49 = arith.constant 0 : i32
        %dma_wait3A_50 = tpu.memref_slice %arg10[%dma_wait3A_48, %dma_wait3A_49] : memref<10008x128xf32, #tpu.memory_space<vmem_shared>> -> memref<16x128xf32, #tpu.memory_space<vmem_shared>>
        %dma_wait3A_51 = arith.constant 9984 : i32
        %dma_wait3A_52 = arith.constant 0 : i32
        %dma_wait3A_53 = tpu.memref_slice %arg10[%dma_wait3A_51, %dma_wait3A_52] : memref<10008x128xf32, #tpu.memory_space<vmem_shared>> -> memref<16x128xf32, #tpu.memory_space<vmem_shared>>
        %dma_wait3A_54 = arith.constant 0 : i32
        %dma_wait3A_55 = arith.constant 0 : i32
        %dma_wait3A_56 = tpu.memref_slice %arg9[%dma_wait3A_54, %dma_wait3A_55] : memref<16x128xf32, #tpu.memory_space<vmem>> -> memref<16x128xf32, #tpu.memory_space<vmem>>
        tpu.wait_dma2 semaphore(%run_scoped3A : memref<!tpu.dma_semaphore, #tpu.memory_space<semaphore_mem>>) src(%dma_wait3A_56 : memref<16x128xf32, #tpu.memory_space<vmem>>) dst(%dma_wait3A_53 : memref<16x128xf32, #tpu.memory_space<vmem_shared>>)
        tpu.yield
      }) : () -> ()
    } else {
    }
    %barrier3A = arith.constant 0 : index
    tpu.barrier barrier_id(%barrier3A)
    %eq3A_15 = arith.constant 0 : i32
    %eq3A_16 = arith.cmpi eq, %arg0, %eq3A_15 : i32
    %convert_element_type3A_17 = arith.extui %eq3A_16 : i1 to i32
    %cond3A_18 = arith.constant 0 : i32
    %cond3A_19 = arith.cmpi ne, %convert_element_type3A_17, %cond3A_18 : i32
    scf.if %cond3A_19 {
      "tpu.region"() ({
        %run_scoped3A_122 = tpu.sem_alloc : memref<!tpu.dma_semaphore, #tpu.memory_space<semaphore_mem>>
        %dma_start3A_123 = arith.constant 0 : i32
        %dma_start3A_124 = arith.constant 0 : i32
        %dma_start3A_125 = arith.constant 0 : i32
        %dma_start3A_126 = tpu.memref_slice %arg6[%dma_start3A_123, %dma_start3A_124, %dma_start3A_125] : memref<45x2x128xi32, #tpu.memory_space<vmem>> -> memref<45x2x128xi32, #tpu.memory_space<vmem>>
        %dma_start3A_127 = arith.constant 0 : i32
        %dma_start3A_128 = arith.constant 0 : i32
        %dma_start3A_129 = arith.constant 0 : i32
        %dma_start3A_130 = tpu.memref_slice %arg3[%arg1, %dma_start3A_127, %dma_start3A_128, %dma_start3A_129] : memref<16x108x2x128xi32, #tpu.memory_space<hbm>> -> memref<1x45x2x128xi32, #tpu.memory_space<hbm>>
        %dma_start3A_131 = tpu.memref_squeeze %dma_start3A_130 : memref<1x45x2x128xi32, #tpu.memory_space<hbm>> -> memref<45x2x128xi32, #tpu.memory_space<hbm>>
        %dma_start3A_132 = arith.constant 0 : i32
        %dma_start3A_133 = arith.constant 0 : i32
        %dma_start3A_134 = arith.constant 0 : i32
        %dma_start3A_135 = tpu.memref_slice %arg6[%dma_start3A_132, %dma_start3A_133, %dma_start3A_134] : memref<45x2x128xi32, #tpu.memory_space<vmem>> -> memref<45x2x128xi32, #tpu.memory_space<vmem>>
        %dma_start3A_136 = arith.constant 0 : i32
        %dma_start3A_137 = arith.constant 0 : i32
        %dma_start3A_138 = arith.constant 0 : i32
        %dma_start3A_139 = tpu.memref_slice %arg3[%arg1, %dma_start3A_136, %dma_start3A_137, %dma_start3A_138] : memref<16x108x2x128xi32, #tpu.memory_space<hbm>> -> memref<1x45x2x128xi32, #tpu.memory_space<hbm>>
        %dma_start3A_140 = tpu.memref_squeeze %dma_start3A_139 : memref<1x45x2x128xi32, #tpu.memory_space<hbm>> -> memref<45x2x128xi32, #tpu.memory_space<hbm>>
        tpu.enqueue_dma source(%dma_start3A_140 : memref<45x2x128xi32, #tpu.memory_space<hbm>>) target(%dma_start3A_135 : memref<45x2x128xi32, #tpu.memory_space<vmem>>) target_semaphore(%run_scoped3A_122 : memref<!tpu.dma_semaphore, #tpu.memory_space<semaphore_mem>>)
        %dma_wait3A_141 = arith.constant 0 : i32
        %dma_wait3A_142 = arith.constant 0 : i32
        %dma_wait3A_143 = arith.constant 0 : i32
        %dma_wait3A_144 = tpu.memref_slice %arg6[%dma_wait3A_141, %dma_wait3A_142, %dma_wait3A_143] : memref<45x2x128xi32, #tpu.memory_space<vmem>> -> memref<45x2x128xi32, #tpu.memory_space<vmem>>
        %dma_wait3A_145 = arith.constant 0 : i32
        %dma_wait3A_146 = arith.constant 0 : i32
        %dma_wait3A_147 = arith.constant 0 : i32
        %dma_wait3A_148 = tpu.memref_slice %arg3[%arg1, %dma_wait3A_145, %dma_wait3A_146, %dma_wait3A_147] : memref<16x108x2x128xi32, #tpu.memory_space<hbm>> -> memref<1x45x2x128xi32, #tpu.memory_space<hbm>>
        %dma_wait3A_149 = tpu.memref_squeeze %dma_wait3A_148 : memref<1x45x2x128xi32, #tpu.memory_space<hbm>> -> memref<45x2x128xi32, #tpu.memory_space<hbm>>
        %dma_wait3A_150 = arith.constant 0 : i32
        %dma_wait3A_151 = arith.constant 0 : i32
        %dma_wait3A_152 = arith.constant 0 : i32
        %dma_wait3A_153 = tpu.memref_slice %arg6[%dma_wait3A_150, %dma_wait3A_151, %dma_wait3A_152] : memref<45x2x128xi32, #tpu.memory_space<vmem>> -> memref<45x2x128xi32, #tpu.memory_space<vmem>>
        %dma_wait3A_154 = arith.constant 0 : i32
        %dma_wait3A_155 = arith.constant 0 : i32
        %dma_wait3A_156 = arith.constant 0 : i32
        %dma_wait3A_157 = tpu.memref_slice %arg3[%arg1, %dma_wait3A_154, %dma_wait3A_155, %dma_wait3A_156] : memref<16x108x2x128xi32, #tpu.memory_space<hbm>> -> memref<1x45x2x128xi32, #tpu.memory_space<hbm>>
        %dma_wait3A_158 = tpu.memref_squeeze %dma_wait3A_157 : memref<1x45x2x128xi32, #tpu.memory_space<hbm>> -> memref<45x2x128xi32, #tpu.memory_space<hbm>>
        tpu.wait_dma2 semaphore(%run_scoped3A_122 : memref<!tpu.dma_semaphore, #tpu.memory_space<semaphore_mem>>) src(%dma_wait3A_158 : memref<45x2x128xi32, #tpu.memory_space<hbm>>) dst(%dma_wait3A_153 : memref<45x2x128xi32, #tpu.memory_space<vmem>>)
        tpu.yield
      }) : () -> ()
      %dma_start3A = arith.constant 0 : i32
      %dma_start3A_35 = arith.constant 0 : i32
      %dma_start3A_36 = arith.constant 0 : i32
      %dma_start3A_37 = tpu.memref_slice %arg6[%dma_start3A, %dma_start3A_35, %dma_start3A_36] : memref<45x2x128xi32, #tpu.memory_space<vmem>> -> memref<1x1x128xi32, #tpu.memory_space<vmem>>
      %dma_start3A_38 = tpu.memref_squeeze %dma_start3A_37 : memref<1x1x128xi32, #tpu.memory_space<vmem>> -> memref<128xi32, #tpu.memory_space<vmem>>
      %dma_start3A_39 = arith.constant 0 : i32
      %dma_start3A_40 = arith.constant 0 : i32
      %dma_start3A_41 = tpu.memref_slice %arg2[%dma_start3A_39, %dma_start3A_40] : memref<10000x128xf32, #tpu.memory_space<hbm>> -> memref<10000x128xf32, #tpu.memory_space<hbm>>
      tpu.enqueue_indirect_dma source(%dma_start3A_41 : memref<10000x128xf32, #tpu.memory_space<hbm>>) target(%arg7 : memref<128x128xf32, #tpu.memory_space<vmem>>) offsets(%dma_start3A_38 : memref<128xi32, #tpu.memory_space<vmem>>) semaphore(%arg11 : memref<!tpu.dma_semaphore, #tpu.memory_space<semaphore_mem>>)
      %scan3A_42 = arith.constant 0 : i32
      %scan3A_43 = arith.constant 0 : i32
      %scan3A_44 = arith.constant 22 : i32
      %scan3A_45 = arith.addi %scan3A_43, %scan3A_44 : i32
      %scan3A_46 = arith.constant 1 : i32
      scf.for %scan3A_122 = %scan3A_43 to %scan3A_45 step %scan3A_46  : i32 {
        %mul3A_123 = arith.constant 2 : i32
        %mul3A_124 = arith.muli %mul3A_123, %scan3A_122 : i32
        %add3A_125 = arith.constant 1 : i32
        %add3A_126 = arith.addi %mul3A_124, %add3A_125 : i32
        %dma_start3A_127 = arith.constant 0 : i32
        %dma_start3A_128 = arith.constant 0 : i32
        %dma_start3A_129 = tpu.memref_slice %arg6[%add3A_126, %dma_start3A_127, %dma_start3A_128] : memref<45x2x128xi32, #tpu.memory_space<vmem>> -> memref<1x1x128xi32, #tpu.memory_space<vmem>>
        %dma_start3A_130 = tpu.memref_squeeze %dma_start3A_129 : memref<1x1x128xi32, #tpu.memory_space<vmem>> -> memref<128xi32, #tpu.memory_space<vmem>>
        %dma_start3A_131 = arith.constant 0 : i32
        %dma_start3A_132 = arith.constant 0 : i32
        %dma_start3A_133 = tpu.memref_slice %arg2[%dma_start3A_131, %dma_start3A_132] : memref<10000x128xf32, #tpu.memory_space<hbm>> -> memref<10000x128xf32, #tpu.memory_space<hbm>>
        tpu.enqueue_indirect_dma source(%dma_start3A_133 : memref<10000x128xf32, #tpu.memory_space<hbm>>) target(%arg8 : memref<128x128xf32, #tpu.memory_space<vmem>>) offsets(%dma_start3A_130 : memref<128xi32, #tpu.memory_space<vmem>>) semaphore(%arg12 : memref<!tpu.dma_semaphore, #tpu.memory_space<semaphore_mem>>)
        %dma_wait3A_134 = arith.constant 0 : i32
        %dma_wait3A_135 = arith.constant 0 : i32
        %dma_wait3A_136 = tpu.memref_slice %arg6[%mul3A_124, %dma_wait3A_134, %dma_wait3A_135] : memref<45x2x128xi32, #tpu.memory_space<vmem>> -> memref<1x1x128xi32, #tpu.memory_space<vmem>>
        %dma_wait3A_137 = tpu.memref_squeeze %dma_wait3A_136 : memref<1x1x128xi32, #tpu.memory_space<vmem>> -> memref<128xi32, #tpu.memory_space<vmem>>
        %dma_wait3A_138 = arith.constant 0 : i32
        %dma_wait3A_139 = arith.constant 0 : i32
        %dma_wait3A_140 = tpu.memref_slice %arg2[%dma_wait3A_138, %dma_wait3A_139] : memref<10000x128xf32, #tpu.memory_space<hbm>> -> memref<10000x128xf32, #tpu.memory_space<hbm>>
        tpu.wait_indirect_dma semaphore(%arg11 : memref<!tpu.dma_semaphore, #tpu.memory_space<semaphore_mem>>) src(%dma_wait3A_140 : memref<10000x128xf32, #tpu.memory_space<hbm>>) dst(%arg7 : memref<128x128xf32, #tpu.memory_space<vmem>>)
        %run_scoped3A_141 = arith.constant 1 : i32
        "tpu.region"() ({
          %run_scoped3A_163 = tpu.sem_alloc : memref<!tpu.dma_semaphore, #tpu.memory_space<semaphore_mem>>
          %dma_start3A_164 = arith.constant 0 : i32
          %dma_start3A_165 = tpu.memref_slice %arg6[%mul3A_124, %run_scoped3A_141, %dma_start3A_164] : memref<45x2x128xi32, #tpu.memory_space<vmem>> -> memref<1x1x128xi32, #tpu.memory_space<vmem>>
          %dma_start3A_166 = tpu.memref_squeeze %dma_start3A_165 : memref<1x1x128xi32, #tpu.memory_space<vmem>> -> memref<128xi32, #tpu.memory_space<vmem>>
          %dma_start3A_167 = arith.constant 0 : i32
          %dma_start3A_168 = arith.constant 0 : i32
          %dma_start3A_169 = tpu.memref_slice %arg10[%dma_start3A_167, %dma_start3A_168] : memref<10008x128xf32, #tpu.memory_space<vmem_shared>> -> memref<10008x128xf32, #tpu.memory_space<vmem_shared>>
          tpu.enqueue_indirect_dma source(%arg7 : memref<128x128xf32, #tpu.memory_space<vmem>>) target(%dma_start3A_169 : memref<10008x128xf32, #tpu.memory_space<vmem_shared>>) offsets(%dma_start3A_166 : memref<128xi32, #tpu.memory_space<vmem>>) semaphore(%run_scoped3A_163 : memref<!tpu.dma_semaphore, #tpu.memory_space<semaphore_mem>>) {add = true}
          %dma_wait3A_170 = arith.constant 0 : i32
          %dma_wait3A_171 = tpu.memref_slice %arg6[%mul3A_124, %run_scoped3A_141, %dma_wait3A_170] : memref<45x2x128xi32, #tpu.memory_space<vmem>> -> memref<1x1x128xi32, #tpu.memory_space<vmem>>
          %dma_wait3A_172 = tpu.memref_squeeze %dma_wait3A_171 : memref<1x1x128xi32, #tpu.memory_space<vmem>> -> memref<128xi32, #tpu.memory_space<vmem>>
          %dma_wait3A_173 = arith.constant 0 : i32
          %dma_wait3A_174 = arith.constant 0 : i32
          %dma_wait3A_175 = tpu.memref_slice %arg10[%dma_wait3A_173, %dma_wait3A_174] : memref<10008x128xf32, #tpu.memory_space<vmem_shared>> -> memref<10008x128xf32, #tpu.memory_space<vmem_shared>>
          tpu.wait_indirect_dma semaphore(%run_scoped3A_163 : memref<!tpu.dma_semaphore, #tpu.memory_space<semaphore_mem>>) src(%arg7 : memref<128x128xf32, #tpu.memory_space<vmem>>) dst(%dma_wait3A_175 : memref<10008x128xf32, #tpu.memory_space<vmem_shared>>)
          tpu.yield
        }) : () -> ()
        %add3A_142 = arith.constant 2 : i32
        %add3A_143 = arith.addi %mul3A_124, %add3A_142 : i32
        %dma_start3A_144 = arith.constant 0 : i32
        %dma_start3A_145 = arith.constant 0 : i32
        %dma_start3A_146 = tpu.memref_slice %arg6[%add3A_143, %dma_start3A_144, %dma_start3A_145] : memref<45x2x128xi32, #tpu.memory_space<vmem>> -> memref<1x1x128xi32, #tpu.memory_space<vmem>>
        %dma_start3A_147 = tpu.memref_squeeze %dma_start3A_146 : memref<1x1x128xi32, #tpu.memory_space<vmem>> -> memref<128xi32, #tpu.memory_space<vmem>>
        %dma_start3A_148 = arith.constant 0 : i32
        %dma_start3A_149 = arith.constant 0 : i32
        %dma_start3A_150 = tpu.memref_slice %arg2[%dma_start3A_148, %dma_start3A_149] : memref<10000x128xf32, #tpu.memory_space<hbm>> -> memref<10000x128xf32, #tpu.memory_space<hbm>>
        tpu.enqueue_indirect_dma source(%dma_start3A_150 : memref<10000x128xf32, #tpu.memory_space<hbm>>) target(%arg7 : memref<128x128xf32, #tpu.memory_space<vmem>>) offsets(%dma_start3A_147 : memref<128xi32, #tpu.memory_space<vmem>>) semaphore(%arg11 : memref<!tpu.dma_semaphore, #tpu.memory_space<semaphore_mem>>)
        %add3A_151 = arith.constant 1 : i32
        %add3A_152 = arith.addi %mul3A_124, %add3A_151 : i32
        %dma_wait3A_153 = arith.constant 0 : i32
        %dma_wait3A_154 = arith.constant 0 : i32
        %dma_wait3A_155 = tpu.memref_slice %arg6[%add3A_152, %dma_wait3A_153, %dma_wait3A_154] : memref<45x2x128xi32, #tpu.memory_space<vmem>> -> memref<1x1x128xi32, #tpu.memory_space<vmem>>
        %dma_wait3A_156 = tpu.memref_squeeze %dma_wait3A_155 : memref<1x1x128xi32, #tpu.memory_space<vmem>> -> memref<128xi32, #tpu.memory_space<vmem>>
        %dma_wait3A_157 = arith.constant 0 : i32
        %dma_wait3A_158 = arith.constant 0 : i32
        %dma_wait3A_159 = tpu.memref_slice %arg2[%dma_wait3A_157, %dma_wait3A_158] : memref<10000x128xf32, #tpu.memory_space<hbm>> -> memref<10000x128xf32, #tpu.memory_space<hbm>>
        tpu.wait_indirect_dma semaphore(%arg12 : memref<!tpu.dma_semaphore, #tpu.memory_space<semaphore_mem>>) src(%dma_wait3A_159 : memref<10000x128xf32, #tpu.memory_space<hbm>>) dst(%arg8 : memref<128x128xf32, #tpu.memory_space<vmem>>)
        %add3A_160 = arith.constant 1 : i32
        %add3A_161 = arith.addi %mul3A_124, %add3A_160 : i32
        %run_scoped3A_162 = arith.constant 1 : i32
        "tpu.region"() ({
          %run_scoped3A_163 = tpu.sem_alloc : memref<!tpu.dma_semaphore, #tpu.memory_space<semaphore_mem>>
          %dma_start3A_164 = arith.constant 0 : i32
          %dma_start3A_165 = tpu.memref_slice %arg6[%add3A_161, %run_scoped3A_162, %dma_start3A_164] : memref<45x2x128xi32, #tpu.memory_space<vmem>> -> memref<1x1x128xi32, #tpu.memory_space<vmem>>
          %dma_start3A_166 = tpu.memref_squeeze %dma_start3A_165 : memref<1x1x128xi32, #tpu.memory_space<vmem>> -> memref<128xi32, #tpu.memory_space<vmem>>
          %dma_start3A_167 = arith.constant 0 : i32
          %dma_start3A_168 = arith.constant 0 : i32
          %dma_start3A_169 = tpu.memref_slice %arg10[%dma_start3A_167, %dma_start3A_168] : memref<10008x128xf32, #tpu.memory_space<vmem_shared>> -> memref<10008x128xf32, #tpu.memory_space<vmem_shared>>
          tpu.enqueue_indirect_dma source(%arg8 : memref<128x128xf32, #tpu.memory_space<vmem>>) target(%dma_start3A_169 : memref<10008x128xf32, #tpu.memory_space<vmem_shared>>) offsets(%dma_start3A_166 : memref<128xi32, #tpu.memory_space<vmem>>) semaphore(%run_scoped3A_163 : memref<!tpu.dma_semaphore, #tpu.memory_space<semaphore_mem>>) {add = true}
          %dma_wait3A_170 = arith.constant 0 : i32
          %dma_wait3A_171 = tpu.memref_slice %arg6[%add3A_161, %run_scoped3A_162, %dma_wait3A_170] : memref<45x2x128xi32, #tpu.memory_space<vmem>> -> memref<1x1x128xi32, #tpu.memory_space<vmem>>
          %dma_wait3A_172 = tpu.memref_squeeze %dma_wait3A_171 : memref<1x1x128xi32, #tpu.memory_space<vmem>> -> memref<128xi32, #tpu.memory_space<vmem>>
          %dma_wait3A_173 = arith.constant 0 : i32
          %dma_wait3A_174 = arith.constant 0 : i32
          %dma_wait3A_175 = tpu.memref_slice %arg10[%dma_wait3A_173, %dma_wait3A_174] : memref<10008x128xf32, #tpu.memory_space<vmem_shared>> -> memref<10008x128xf32, #tpu.memory_space<vmem_shared>>
          tpu.wait_indirect_dma semaphore(%run_scoped3A_163 : memref<!tpu.dma_semaphore, #tpu.memory_space<semaphore_mem>>) src(%arg8 : memref<128x128xf32, #tpu.memory_space<vmem>>) dst(%dma_wait3A_175 : memref<10008x128xf32, #tpu.memory_space<vmem_shared>>)
          tpu.yield
        }) : () -> ()
      }
      %scan3A_47 = arith.constant 22 : i32
      %dma_wait3A = arith.constant 44 : i32
      %dma_wait3A_48 = arith.constant 0 : i32
      %dma_wait3A_49 = arith.constant 0 : i32
      %dma_wait3A_50 = tpu.memref_slice %arg6[%dma_wait3A, %dma_wait3A_48, %dma_wait3A_49] : memref<45x2x128xi32, #tpu.memory_space<vmem>> -> memref<1x1x128xi32, #tpu.memory_space<vmem>>
      %dma_wait3A_51 = tpu.memref_squeeze %dma_wait3A_50 : memref<1x1x128xi32, #tpu.memory_space<vmem>> -> memref<128xi32, #tpu.memory_space<vmem>>
      %dma_wait3A_52 = arith.constant 0 : i32
      %dma_wait3A_53 = arith.constant 0 : i32
      %dma_wait3A_54 = tpu.memref_slice %arg2[%dma_wait3A_52, %dma_wait3A_53] : memref<10000x128xf32, #tpu.memory_space<hbm>> -> memref<10000x128xf32, #tpu.memory_space<hbm>>
      tpu.wait_indirect_dma semaphore(%arg11 : memref<!tpu.dma_semaphore, #tpu.memory_space<semaphore_mem>>) src(%dma_wait3A_54 : memref<10000x128xf32, #tpu.memory_space<hbm>>) dst(%arg7 : memref<128x128xf32, #tpu.memory_space<vmem>>)
      %run_scoped3A = arith.constant 44 : i32
      %run_scoped3A_55 = arith.constant 1 : i32
      "tpu.region"() ({
        %run_scoped3A_122 = tpu.sem_alloc : memref<!tpu.dma_semaphore, #tpu.memory_space<semaphore_mem>>
        %dma_start3A_123 = arith.constant 0 : i32
        %dma_start3A_124 = tpu.memref_slice %arg6[%run_scoped3A, %run_scoped3A_55, %dma_start3A_123] : memref<45x2x128xi32, #tpu.memory_space<vmem>> -> memref<1x1x128xi32, #tpu.memory_space<vmem>>
        %dma_start3A_125 = tpu.memref_squeeze %dma_start3A_124 : memref<1x1x128xi32, #tpu.memory_space<vmem>> -> memref<128xi32, #tpu.memory_space<vmem>>
        %dma_start3A_126 = arith.constant 0 : i32
        %dma_start3A_127 = arith.constant 0 : i32
        %dma_start3A_128 = tpu.memref_slice %arg10[%dma_start3A_126, %dma_start3A_127] : memref<10008x128xf32, #tpu.memory_space<vmem_shared>> -> memref<10008x128xf32, #tpu.memory_space<vmem_shared>>
        tpu.enqueue_indirect_dma source(%arg7 : memref<128x128xf32, #tpu.memory_space<vmem>>) target(%dma_start3A_128 : memref<10008x128xf32, #tpu.memory_space<vmem_shared>>) offsets(%dma_start3A_125 : memref<128xi32, #tpu.memory_space<vmem>>) semaphore(%run_scoped3A_122 : memref<!tpu.dma_semaphore, #tpu.memory_space<semaphore_mem>>) {add = true}
        %dma_wait3A_129 = arith.constant 0 : i32
        %dma_wait3A_130 = tpu.memref_slice %arg6[%run_scoped3A, %run_scoped3A_55, %dma_wait3A_129] : memref<45x2x128xi32, #tpu.memory_space<vmem>> -> memref<1x1x128xi32, #tpu.memory_space<vmem>>
        %dma_wait3A_131 = tpu.memref_squeeze %dma_wait3A_130 : memref<1x1x128xi32, #tpu.memory_space<vmem>> -> memref<128xi32, #tpu.memory_space<vmem>>
        %dma_wait3A_132 = arith.constant 0 : i32
        %dma_wait3A_133 = arith.constant 0 : i32
        %dma_wait3A_134 = tpu.memref_slice %arg10[%dma_wait3A_132, %dma_wait3A_133] : memref<10008x128xf32, #tpu.memory_space<vmem_shared>> -> memref<10008x128xf32, #tpu.memory_space<vmem_shared>>
        tpu.wait_indirect_dma semaphore(%run_scoped3A_122 : memref<!tpu.dma_semaphore, #tpu.memory_space<semaphore_mem>>) src(%arg7 : memref<128x128xf32, #tpu.memory_space<vmem>>) dst(%dma_wait3A_134 : memref<10008x128xf32, #tpu.memory_space<vmem_shared>>)
        tpu.yield
      }) : () -> ()
      "tpu.region"() ({
        %run_scoped3A_122 = tpu.sem_alloc : memref<!tpu.dma_semaphore, #tpu.memory_space<semaphore_mem>>
        %dma_start3A_123 = arith.constant 0 : i32
        %dma_start3A_124 = arith.constant 0 : i32
        %dma_start3A_125 = arith.constant 0 : i32
        %dma_start3A_126 = tpu.memref_slice %arg6[%dma_start3A_123, %dma_start3A_124, %dma_start3A_125] : memref<45x2x128xi32, #tpu.memory_space<vmem>> -> memref<45x2x128xi32, #tpu.memory_space<vmem>>
        %dma_start3A_127 = arith.constant 45 : i32
        %dma_start3A_128 = arith.constant 0 : i32
        %dma_start3A_129 = arith.constant 0 : i32
        %dma_start3A_130 = tpu.memref_slice %arg3[%arg1, %dma_start3A_127, %dma_start3A_128, %dma_start3A_129] : memref<16x108x2x128xi32, #tpu.memory_space<hbm>> -> memref<1x45x2x128xi32, #tpu.memory_space<hbm>>
        %dma_start3A_131 = tpu.memref_squeeze %dma_start3A_130 : memref<1x45x2x128xi32, #tpu.memory_space<hbm>> -> memref<45x2x128xi32, #tpu.memory_space<hbm>>
        %dma_start3A_132 = arith.constant 0 : i32
        %dma_start3A_133 = arith.constant 0 : i32
        %dma_start3A_134 = arith.constant 0 : i32
        %dma_start3A_135 = tpu.memref_slice %arg6[%dma_start3A_132, %dma_start3A_133, %dma_start3A_134] : memref<45x2x128xi32, #tpu.memory_space<vmem>> -> memref<45x2x128xi32, #tpu.memory_space<vmem>>
        %dma_start3A_136 = arith.constant 45 : i32
        %dma_start3A_137 = arith.constant 0 : i32
        %dma_start3A_138 = arith.constant 0 : i32
        %dma_start3A_139 = tpu.memref_slice %arg3[%arg1, %dma_start3A_136, %dma_start3A_137, %dma_start3A_138] : memref<16x108x2x128xi32, #tpu.memory_space<hbm>> -> memref<1x45x2x128xi32, #tpu.memory_space<hbm>>
        %dma_start3A_140 = tpu.memref_squeeze %dma_start3A_139 : memref<1x45x2x128xi32, #tpu.memory_space<hbm>> -> memref<45x2x128xi32, #tpu.memory_space<hbm>>
        tpu.enqueue_dma source(%dma_start3A_140 : memref<45x2x128xi32, #tpu.memory_space<hbm>>) target(%dma_start3A_135 : memref<45x2x128xi32, #tpu.memory_space<vmem>>) target_semaphore(%run_scoped3A_122 : memref<!tpu.dma_semaphore, #tpu.memory_space<semaphore_mem>>)
        %dma_wait3A_141 = arith.constant 0 : i32
        %dma_wait3A_142 = arith.constant 0 : i32
        %dma_wait3A_143 = arith.constant 0 : i32
        %dma_wait3A_144 = tpu.memref_slice %arg6[%dma_wait3A_141, %dma_wait3A_142, %dma_wait3A_143] : memref<45x2x128xi32, #tpu.memory_space<vmem>> -> memref<45x2x128xi32, #tpu.memory_space<vmem>>
        %dma_wait3A_145 = arith.constant 45 : i32
        %dma_wait3A_146 = arith.constant 0 : i32
        %dma_wait3A_147 = arith.constant 0 : i32
        %dma_wait3A_148 = tpu.memref_slice %arg3[%arg1, %dma_wait3A_145, %dma_wait3A_146, %dma_wait3A_147] : memref<16x108x2x128xi32, #tpu.memory_space<hbm>> -> memref<1x45x2x128xi32, #tpu.memory_space<hbm>>
        %dma_wait3A_149 = tpu.memref_squeeze %dma_wait3A_148 : memref<1x45x2x128xi32, #tpu.memory_space<hbm>> -> memref<45x2x128xi32, #tpu.memory_space<hbm>>
        %dma_wait3A_150 = arith.constant 0 : i32
        %dma_wait3A_151 = arith.constant 0 : i32
        %dma_wait3A_152 = arith.constant 0 : i32
        %dma_wait3A_153 = tpu.memref_slice %arg6[%dma_wait3A_150, %dma_wait3A_151, %dma_wait3A_152] : memref<45x2x128xi32, #tpu.memory_space<vmem>> -> memref<45x2x128xi32, #tpu.memory_space<vmem>>
        %dma_wait3A_154 = arith.constant 45 : i32
        %dma_wait3A_155 = arith.constant 0 : i32
        %dma_wait3A_156 = arith.constant 0 : i32
        %dma_wait3A_157 = tpu.memref_slice %arg3[%arg1, %dma_wait3A_154, %dma_wait3A_155, %dma_wait3A_156] : memref<16x108x2x128xi32, #tpu.memory_space<hbm>> -> memref<1x45x2x128xi32, #tpu.memory_space<hbm>>
        %dma_wait3A_158 = tpu.memref_squeeze %dma_wait3A_157 : memref<1x45x2x128xi32, #tpu.memory_space<hbm>> -> memref<45x2x128xi32, #tpu.memory_space<hbm>>
        tpu.wait_dma2 semaphore(%run_scoped3A_122 : memref<!tpu.dma_semaphore, #tpu.memory_space<semaphore_mem>>) src(%dma_wait3A_158 : memref<45x2x128xi32, #tpu.memory_space<hbm>>) dst(%dma_wait3A_153 : memref<45x2x128xi32, #tpu.memory_space<vmem>>)
        tpu.yield
      }) : () -> ()
      %dma_start3A_56 = arith.constant 0 : i32
      %dma_start3A_57 = arith.constant 0 : i32
      %dma_start3A_58 = arith.constant 0 : i32
      %dma_start3A_59 = tpu.memref_slice %arg6[%dma_start3A_56, %dma_start3A_57, %dma_start3A_58] : memref<45x2x128xi32, #tpu.memory_space<vmem>> -> memref<1x1x128xi32, #tpu.memory_space<vmem>>
      %dma_start3A_60 = tpu.memref_squeeze %dma_start3A_59 : memref<1x1x128xi32, #tpu.memory_space<vmem>> -> memref<128xi32, #tpu.memory_space<vmem>>
      %dma_start3A_61 = arith.constant 0 : i32
      %dma_start3A_62 = arith.constant 0 : i32
      %dma_start3A_63 = tpu.memref_slice %arg2[%dma_start3A_61, %dma_start3A_62] : memref<10000x128xf32, #tpu.memory_space<hbm>> -> memref<10000x128xf32, #tpu.memory_space<hbm>>
      tpu.enqueue_indirect_dma source(%dma_start3A_63 : memref<10000x128xf32, #tpu.memory_space<hbm>>) target(%arg7 : memref<128x128xf32, #tpu.memory_space<vmem>>) offsets(%dma_start3A_60 : memref<128xi32, #tpu.memory_space<vmem>>) semaphore(%arg11 : memref<!tpu.dma_semaphore, #tpu.memory_space<semaphore_mem>>)
      %scan3A_64 = arith.constant 0 : i32
      %scan3A_65 = arith.constant 0 : i32
      %scan3A_66 = arith.constant 22 : i32
      %scan3A_67 = arith.addi %scan3A_65, %scan3A_66 : i32
      %scan3A_68 = arith.constant 1 : i32
      scf.for %scan3A_122 = %scan3A_65 to %scan3A_67 step %scan3A_68  : i32 {
        %mul3A_123 = arith.constant 2 : i32
        %mul3A_124 = arith.muli %mul3A_123, %scan3A_122 : i32
        %add3A_125 = arith.constant 1 : i32
        %add3A_126 = arith.addi %mul3A_124, %add3A_125 : i32
        %dma_start3A_127 = arith.constant 0 : i32
        %dma_start3A_128 = arith.constant 0 : i32
        %dma_start3A_129 = tpu.memref_slice %arg6[%add3A_126, %dma_start3A_127, %dma_start3A_128] : memref<45x2x128xi32, #tpu.memory_space<vmem>> -> memref<1x1x128xi32, #tpu.memory_space<vmem>>
        %dma_start3A_130 = tpu.memref_squeeze %dma_start3A_129 : memref<1x1x128xi32, #tpu.memory_space<vmem>> -> memref<128xi32, #tpu.memory_space<vmem>>
        %dma_start3A_131 = arith.constant 0 : i32
        %dma_start3A_132 = arith.constant 0 : i32
        %dma_start3A_133 = tpu.memref_slice %arg2[%dma_start3A_131, %dma_start3A_132] : memref<10000x128xf32, #tpu.memory_space<hbm>> -> memref<10000x128xf32, #tpu.memory_space<hbm>>
        tpu.enqueue_indirect_dma source(%dma_start3A_133 : memref<10000x128xf32, #tpu.memory_space<hbm>>) target(%arg8 : memref<128x128xf32, #tpu.memory_space<vmem>>) offsets(%dma_start3A_130 : memref<128xi32, #tpu.memory_space<vmem>>) semaphore(%arg12 : memref<!tpu.dma_semaphore, #tpu.memory_space<semaphore_mem>>)
        %dma_wait3A_134 = arith.constant 0 : i32
        %dma_wait3A_135 = arith.constant 0 : i32
        %dma_wait3A_136 = tpu.memref_slice %arg6[%mul3A_124, %dma_wait3A_134, %dma_wait3A_135] : memref<45x2x128xi32, #tpu.memory_space<vmem>> -> memref<1x1x128xi32, #tpu.memory_space<vmem>>
        %dma_wait3A_137 = tpu.memref_squeeze %dma_wait3A_136 : memref<1x1x128xi32, #tpu.memory_space<vmem>> -> memref<128xi32, #tpu.memory_space<vmem>>
        %dma_wait3A_138 = arith.constant 0 : i32
        %dma_wait3A_139 = arith.constant 0 : i32
        %dma_wait3A_140 = tpu.memref_slice %arg2[%dma_wait3A_138, %dma_wait3A_139] : memref<10000x128xf32, #tpu.memory_space<hbm>> -> memref<10000x128xf32, #tpu.memory_space<hbm>>
        tpu.wait_indirect_dma semaphore(%arg11 : memref<!tpu.dma_semaphore, #tpu.memory_space<semaphore_mem>>) src(%dma_wait3A_140 : memref<10000x128xf32, #tpu.memory_space<hbm>>) dst(%arg7 : memref<128x128xf32, #tpu.memory_space<vmem>>)
        %run_scoped3A_141 = arith.constant 1 : i32
        "tpu.region"() ({
          %run_scoped3A_163 = tpu.sem_alloc : memref<!tpu.dma_semaphore, #tpu.memory_space<semaphore_mem>>
          %dma_start3A_164 = arith.constant 0 : i32
          %dma_start3A_165 = tpu.memref_slice %arg6[%mul3A_124, %run_scoped3A_141, %dma_start3A_164] : memref<45x2x128xi32, #tpu.memory_space<vmem>> -> memref<1x1x128xi32, #tpu.memory_space<vmem>>
          %dma_start3A_166 = tpu.memref_squeeze %dma_start3A_165 : memref<1x1x128xi32, #tpu.memory_space<vmem>> -> memref<128xi32, #tpu.memory_space<vmem>>
          %dma_start3A_167 = arith.constant 0 : i32
          %dma_start3A_168 = arith.constant 0 : i32
          %dma_start3A_169 = tpu.memref_slice %arg10[%dma_start3A_167, %dma_start3A_168] : memref<10008x128xf32, #tpu.memory_space<vmem_shared>> -> memref<10008x128xf32, #tpu.memory_space<vmem_shared>>
          tpu.enqueue_indirect_dma source(%arg7 : memref<128x128xf32, #tpu.memory_space<vmem>>) target(%dma_start3A_169 : memref<10008x128xf32, #tpu.memory_space<vmem_shared>>) offsets(%dma_start3A_166 : memref<128xi32, #tpu.memory_space<vmem>>) semaphore(%run_scoped3A_163 : memref<!tpu.dma_semaphore, #tpu.memory_space<semaphore_mem>>) {add = true}
          %dma_wait3A_170 = arith.constant 0 : i32
          %dma_wait3A_171 = tpu.memref_slice %arg6[%mul3A_124, %run_scoped3A_141, %dma_wait3A_170] : memref<45x2x128xi32, #tpu.memory_space<vmem>> -> memref<1x1x128xi32, #tpu.memory_space<vmem>>
          %dma_wait3A_172 = tpu.memref_squeeze %dma_wait3A_171 : memref<1x1x128xi32, #tpu.memory_space<vmem>> -> memref<128xi32, #tpu.memory_space<vmem>>
          %dma_wait3A_173 = arith.constant 0 : i32
          %dma_wait3A_174 = arith.constant 0 : i32
          %dma_wait3A_175 = tpu.memref_slice %arg10[%dma_wait3A_173, %dma_wait3A_174] : memref<10008x128xf32, #tpu.memory_space<vmem_shared>> -> memref<10008x128xf32, #tpu.memory_space<vmem_shared>>
          tpu.wait_indirect_dma semaphore(%run_scoped3A_163 : memref<!tpu.dma_semaphore, #tpu.memory_space<semaphore_mem>>) src(%arg7 : memref<128x128xf32, #tpu.memory_space<vmem>>) dst(%dma_wait3A_175 : memref<10008x128xf32, #tpu.memory_space<vmem_shared>>)
          tpu.yield
        }) : () -> ()
        %add3A_142 = arith.constant 2 : i32
        %add3A_143 = arith.addi %mul3A_124, %add3A_142 : i32
        %dma_start3A_144 = arith.constant 0 : i32
        %dma_start3A_145 = arith.constant 0 : i32
        %dma_start3A_146 = tpu.memref_slice %arg6[%add3A_143, %dma_start3A_144, %dma_start3A_145] : memref<45x2x128xi32, #tpu.memory_space<vmem>> -> memref<1x1x128xi32, #tpu.memory_space<vmem>>
        %dma_start3A_147 = tpu.memref_squeeze %dma_start3A_146 : memref<1x1x128xi32, #tpu.memory_space<vmem>> -> memref<128xi32, #tpu.memory_space<vmem>>
        %dma_start3A_148 = arith.constant 0 : i32
        %dma_start3A_149 = arith.constant 0 : i32
        %dma_start3A_150 = tpu.memref_slice %arg2[%dma_start3A_148, %dma_start3A_149] : memref<10000x128xf32, #tpu.memory_space<hbm>> -> memref<10000x128xf32, #tpu.memory_space<hbm>>
        tpu.enqueue_indirect_dma source(%dma_start3A_150 : memref<10000x128xf32, #tpu.memory_space<hbm>>) target(%arg7 : memref<128x128xf32, #tpu.memory_space<vmem>>) offsets(%dma_start3A_147 : memref<128xi32, #tpu.memory_space<vmem>>) semaphore(%arg11 : memref<!tpu.dma_semaphore, #tpu.memory_space<semaphore_mem>>)
        %add3A_151 = arith.constant 1 : i32
        %add3A_152 = arith.addi %mul3A_124, %add3A_151 : i32
        %dma_wait3A_153 = arith.constant 0 : i32
        %dma_wait3A_154 = arith.constant 0 : i32
        %dma_wait3A_155 = tpu.memref_slice %arg6[%add3A_152, %dma_wait3A_153, %dma_wait3A_154] : memref<45x2x128xi32, #tpu.memory_space<vmem>> -> memref<1x1x128xi32, #tpu.memory_space<vmem>>
        %dma_wait3A_156 = tpu.memref_squeeze %dma_wait3A_155 : memref<1x1x128xi32, #tpu.memory_space<vmem>> -> memref<128xi32, #tpu.memory_space<vmem>>
        %dma_wait3A_157 = arith.constant 0 : i32
        %dma_wait3A_158 = arith.constant 0 : i32
        %dma_wait3A_159 = tpu.memref_slice %arg2[%dma_wait3A_157, %dma_wait3A_158] : memref<10000x128xf32, #tpu.memory_space<hbm>> -> memref<10000x128xf32, #tpu.memory_space<hbm>>
        tpu.wait_indirect_dma semaphore(%arg12 : memref<!tpu.dma_semaphore, #tpu.memory_space<semaphore_mem>>) src(%dma_wait3A_159 : memref<10000x128xf32, #tpu.memory_space<hbm>>) dst(%arg8 : memref<128x128xf32, #tpu.memory_space<vmem>>)
        %add3A_160 = arith.constant 1 : i32
        %add3A_161 = arith.addi %mul3A_124, %add3A_160 : i32
        %run_scoped3A_162 = arith.constant 1 : i32
        "tpu.region"() ({
          %run_scoped3A_163 = tpu.sem_alloc : memref<!tpu.dma_semaphore, #tpu.memory_space<semaphore_mem>>
          %dma_start3A_164 = arith.constant 0 : i32
          %dma_start3A_165 = tpu.memref_slice %arg6[%add3A_161, %run_scoped3A_162, %dma_start3A_164] : memref<45x2x128xi32, #tpu.memory_space<vmem>> -> memref<1x1x128xi32, #tpu.memory_space<vmem>>
          %dma_start3A_166 = tpu.memref_squeeze %dma_start3A_165 : memref<1x1x128xi32, #tpu.memory_space<vmem>> -> memref<128xi32, #tpu.memory_space<vmem>>
          %dma_start3A_167 = arith.constant 0 : i32
          %dma_start3A_168 = arith.constant 0 : i32
          %dma_start3A_169 = tpu.memref_slice %arg10[%dma_start3A_167, %dma_start3A_168] : memref<10008x128xf32, #tpu.memory_space<vmem_shared>> -> memref<10008x128xf32, #tpu.memory_space<vmem_shared>>
          tpu.enqueue_indirect_dma source(%arg8 : memref<128x128xf32, #tpu.memory_space<vmem>>) target(%dma_start3A_169 : memref<10008x128xf32, #tpu.memory_space<vmem_shared>>) offsets(%dma_start3A_166 : memref<128xi32, #tpu.memory_space<vmem>>) semaphore(%run_scoped3A_163 : memref<!tpu.dma_semaphore, #tpu.memory_space<semaphore_mem>>) {add = true}
          %dma_wait3A_170 = arith.constant 0 : i32
          %dma_wait3A_171 = tpu.memref_slice %arg6[%add3A_161, %run_scoped3A_162, %dma_wait3A_170] : memref<45x2x128xi32, #tpu.memory_space<vmem>> -> memref<1x1x128xi32, #tpu.memory_space<vmem>>
          %dma_wait3A_172 = tpu.memref_squeeze %dma_wait3A_171 : memref<1x1x128xi32, #tpu.memory_space<vmem>> -> memref<128xi32, #tpu.memory_space<vmem>>
          %dma_wait3A_173 = arith.constant 0 : i32
          %dma_wait3A_174 = arith.constant 0 : i32
          %dma_wait3A_175 = tpu.memref_slice %arg10[%dma_wait3A_173, %dma_wait3A_174] : memref<10008x128xf32, #tpu.memory_space<vmem_shared>> -> memref<10008x128xf32, #tpu.memory_space<vmem_shared>>
          tpu.wait_indirect_dma semaphore(%run_scoped3A_163 : memref<!tpu.dma_semaphore, #tpu.memory_space<semaphore_mem>>) src(%arg8 : memref<128x128xf32, #tpu.memory_space<vmem>>) dst(%dma_wait3A_175 : memref<10008x128xf32, #tpu.memory_space<vmem_shared>>)
          tpu.yield
        }) : () -> ()
      }
      %scan3A_69 = arith.constant 22 : i32
      %dma_wait3A_70 = arith.constant 44 : i32
      %dma_wait3A_71 = arith.constant 0 : i32
      %dma_wait3A_72 = arith.constant 0 : i32
      %dma_wait3A_73 = tpu.memref_slice %arg6[%dma_wait3A_70, %dma_wait3A_71, %dma_wait3A_72] : memref<45x2x128xi32, #tpu.memory_space<vmem>> -> memref<1x1x128xi32, #tpu.memory_space<vmem>>
      %dma_wait3A_74 = tpu.memref_squeeze %dma_wait3A_73 : memref<1x1x128xi32, #tpu.memory_space<vmem>> -> memref<128xi32, #tpu.memory_space<vmem>>
      %dma_wait3A_75 = arith.constant 0 : i32
      %dma_wait3A_76 = arith.constant 0 : i32
      %dma_wait3A_77 = tpu.memref_slice %arg2[%dma_wait3A_75, %dma_wait3A_76] : memref<10000x128xf32, #tpu.memory_space<hbm>> -> memref<10000x128xf32, #tpu.memory_space<hbm>>
      tpu.wait_indirect_dma semaphore(%arg11 : memref<!tpu.dma_semaphore, #tpu.memory_space<semaphore_mem>>) src(%dma_wait3A_77 : memref<10000x128xf32, #tpu.memory_space<hbm>>) dst(%arg7 : memref<128x128xf32, #tpu.memory_space<vmem>>)
      %run_scoped3A_78 = arith.constant 44 : i32
      %run_scoped3A_79 = arith.constant 1 : i32
      "tpu.region"() ({
        %run_scoped3A_122 = tpu.sem_alloc : memref<!tpu.dma_semaphore, #tpu.memory_space<semaphore_mem>>
        %dma_start3A_123 = arith.constant 0 : i32
        %dma_start3A_124 = tpu.memref_slice %arg6[%run_scoped3A_78, %run_scoped3A_79, %dma_start3A_123] : memref<45x2x128xi32, #tpu.memory_space<vmem>> -> memref<1x1x128xi32, #tpu.memory_space<vmem>>
        %dma_start3A_125 = tpu.memref_squeeze %dma_start3A_124 : memref<1x1x128xi32, #tpu.memory_space<vmem>> -> memref<128xi32, #tpu.memory_space<vmem>>
        %dma_start3A_126 = arith.constant 0 : i32
        %dma_start3A_127 = arith.constant 0 : i32
        %dma_start3A_128 = tpu.memref_slice %arg10[%dma_start3A_126, %dma_start3A_127] : memref<10008x128xf32, #tpu.memory_space<vmem_shared>> -> memref<10008x128xf32, #tpu.memory_space<vmem_shared>>
        tpu.enqueue_indirect_dma source(%arg7 : memref<128x128xf32, #tpu.memory_space<vmem>>) target(%dma_start3A_128 : memref<10008x128xf32, #tpu.memory_space<vmem_shared>>) offsets(%dma_start3A_125 : memref<128xi32, #tpu.memory_space<vmem>>) semaphore(%run_scoped3A_122 : memref<!tpu.dma_semaphore, #tpu.memory_space<semaphore_mem>>) {add = true}
        %dma_wait3A_129 = arith.constant 0 : i32
        %dma_wait3A_130 = tpu.memref_slice %arg6[%run_scoped3A_78, %run_scoped3A_79, %dma_wait3A_129] : memref<45x2x128xi32, #tpu.memory_space<vmem>> -> memref<1x1x128xi32, #tpu.memory_space<vmem>>
        %dma_wait3A_131 = tpu.memref_squeeze %dma_wait3A_130 : memref<1x1x128xi32, #tpu.memory_space<vmem>> -> memref<128xi32, #tpu.memory_space<vmem>>
        %dma_wait3A_132 = arith.constant 0 : i32
        %dma_wait3A_133 = arith.constant 0 : i32
        %dma_wait3A_134 = tpu.memref_slice %arg10[%dma_wait3A_132, %dma_wait3A_133] : memref<10008x128xf32, #tpu.memory_space<vmem_shared>> -> memref<10008x128xf32, #tpu.memory_space<vmem_shared>>
        tpu.wait_indirect_dma semaphore(%run_scoped3A_122 : memref<!tpu.dma_semaphore, #tpu.memory_space<semaphore_mem>>) src(%arg7 : memref<128x128xf32, #tpu.memory_space<vmem>>) dst(%dma_wait3A_134 : memref<10008x128xf32, #tpu.memory_space<vmem_shared>>)
        tpu.yield
      }) : () -> ()
      "tpu.region"() ({
        %run_scoped3A_122 = tpu.sem_alloc : memref<!tpu.dma_semaphore, #tpu.memory_space<semaphore_mem>>
        %dma_start3A_123 = arith.constant 0 : i32
        %dma_start3A_124 = arith.constant 0 : i32
        %dma_start3A_125 = arith.constant 0 : i32
        %dma_start3A_126 = tpu.memref_slice %arg6[%dma_start3A_123, %dma_start3A_124, %dma_start3A_125] : memref<45x2x128xi32, #tpu.memory_space<vmem>> -> memref<18x2x128xi32, #tpu.memory_space<vmem>>
        %dma_start3A_127 = arith.constant 90 : i32
        %dma_start3A_128 = arith.constant 0 : i32
        %dma_start3A_129 = arith.constant 0 : i32
        %dma_start3A_130 = tpu.memref_slice %arg3[%arg1, %dma_start3A_127, %dma_start3A_128, %dma_start3A_129] : memref<16x108x2x128xi32, #tpu.memory_space<hbm>> -> memref<1x18x2x128xi32, #tpu.memory_space<hbm>>
        %dma_start3A_131 = tpu.memref_squeeze %dma_start3A_130 : memref<1x18x2x128xi32, #tpu.memory_space<hbm>> -> memref<18x2x128xi32, #tpu.memory_space<hbm>>
        %dma_start3A_132 = arith.constant 0 : i32
        %dma_start3A_133 = arith.constant 0 : i32
        %dma_start3A_134 = arith.constant 0 : i32
        %dma_start3A_135 = tpu.memref_slice %arg6[%dma_start3A_132, %dma_start3A_133, %dma_start3A_134] : memref<45x2x128xi32, #tpu.memory_space<vmem>> -> memref<18x2x128xi32, #tpu.memory_space<vmem>>
        %dma_start3A_136 = arith.constant 90 : i32
        %dma_start3A_137 = arith.constant 0 : i32
        %dma_start3A_138 = arith.constant 0 : i32
        %dma_start3A_139 = tpu.memref_slice %arg3[%arg1, %dma_start3A_136, %dma_start3A_137, %dma_start3A_138] : memref<16x108x2x128xi32, #tpu.memory_space<hbm>> -> memref<1x18x2x128xi32, #tpu.memory_space<hbm>>
        %dma_start3A_140 = tpu.memref_squeeze %dma_start3A_139 : memref<1x18x2x128xi32, #tpu.memory_space<hbm>> -> memref<18x2x128xi32, #tpu.memory_space<hbm>>
        tpu.enqueue_dma source(%dma_start3A_140 : memref<18x2x128xi32, #tpu.memory_space<hbm>>) target(%dma_start3A_135 : memref<18x2x128xi32, #tpu.memory_space<vmem>>) target_semaphore(%run_scoped3A_122 : memref<!tpu.dma_semaphore, #tpu.memory_space<semaphore_mem>>)
        %dma_wait3A_141 = arith.constant 0 : i32
        %dma_wait3A_142 = arith.constant 0 : i32
        %dma_wait3A_143 = arith.constant 0 : i32
        %dma_wait3A_144 = tpu.memref_slice %arg6[%dma_wait3A_141, %dma_wait3A_142, %dma_wait3A_143] : memref<45x2x128xi32, #tpu.memory_space<vmem>> -> memref<18x2x128xi32, #tpu.memory_space<vmem>>
        %dma_wait3A_145 = arith.constant 90 : i32
        %dma_wait3A_146 = arith.constant 0 : i32
        %dma_wait3A_147 = arith.constant 0 : i32
        %dma_wait3A_148 = tpu.memref_slice %arg3[%arg1, %dma_wait3A_145, %dma_wait3A_146, %dma_wait3A_147] : memref<16x108x2x128xi32, #tpu.memory_space<hbm>> -> memref<1x18x2x128xi32, #tpu.memory_space<hbm>>
        %dma_wait3A_149 = tpu.memref_squeeze %dma_wait3A_148 : memref<1x18x2x128xi32, #tpu.memory_space<hbm>> -> memref<18x2x128xi32, #tpu.memory_space<hbm>>
        %dma_wait3A_150 = arith.constant 0 : i32
        %dma_wait3A_151 = arith.constant 0 : i32
        %dma_wait3A_152 = arith.constant 0 : i32
        %dma_wait3A_153 = tpu.memref_slice %arg6[%dma_wait3A_150, %dma_wait3A_151, %dma_wait3A_152] : memref<45x2x128xi32, #tpu.memory_space<vmem>> -> memref<18x2x128xi32, #tpu.memory_space<vmem>>
        %dma_wait3A_154 = arith.constant 90 : i32
        %dma_wait3A_155 = arith.constant 0 : i32
        %dma_wait3A_156 = arith.constant 0 : i32
        %dma_wait3A_157 = tpu.memref_slice %arg3[%arg1, %dma_wait3A_154, %dma_wait3A_155, %dma_wait3A_156] : memref<16x108x2x128xi32, #tpu.memory_space<hbm>> -> memref<1x18x2x128xi32, #tpu.memory_space<hbm>>
        %dma_wait3A_158 = tpu.memref_squeeze %dma_wait3A_157 : memref<1x18x2x128xi32, #tpu.memory_space<hbm>> -> memref<18x2x128xi32, #tpu.memory_space<hbm>>
        tpu.wait_dma2 semaphore(%run_scoped3A_122 : memref<!tpu.dma_semaphore, #tpu.memory_space<semaphore_mem>>) src(%dma_wait3A_158 : memref<18x2x128xi32, #tpu.memory_space<hbm>>) dst(%dma_wait3A_153 : memref<18x2x128xi32, #tpu.memory_space<vmem>>)
        tpu.yield
      }) : () -> ()
      %dma_start3A_80 = arith.constant 0 : i32
      %dma_start3A_81 = arith.constant 0 : i32
      %dma_start3A_82 = arith.constant 0 : i32
      %dma_start3A_83 = tpu.memref_slice %arg6[%dma_start3A_80, %dma_start3A_81, %dma_start3A_82] : memref<45x2x128xi32, #tpu.memory_space<vmem>> -> memref<1x1x128xi32, #tpu.memory_space<vmem>>
      %dma_start3A_84 = tpu.memref_squeeze %dma_start3A_83 : memref<1x1x128xi32, #tpu.memory_space<vmem>> -> memref<128xi32, #tpu.memory_space<vmem>>
      %dma_start3A_85 = arith.constant 0 : i32
      %dma_start3A_86 = arith.constant 0 : i32
      %dma_start3A_87 = tpu.memref_slice %arg2[%dma_start3A_85, %dma_start3A_86] : memref<10000x128xf32, #tpu.memory_space<hbm>> -> memref<10000x128xf32, #tpu.memory_space<hbm>>
      tpu.enqueue_indirect_dma source(%dma_start3A_87 : memref<10000x128xf32, #tpu.memory_space<hbm>>) target(%arg7 : memref<128x128xf32, #tpu.memory_space<vmem>>) offsets(%dma_start3A_84 : memref<128xi32, #tpu.memory_space<vmem>>) semaphore(%arg11 : memref<!tpu.dma_semaphore, #tpu.memory_space<semaphore_mem>>)
      %scan3A_88 = arith.constant 0 : i32
      %scan3A_89 = arith.constant 0 : i32
      %scan3A_90 = arith.constant 8 : i32
      %scan3A_91 = arith.addi %scan3A_89, %scan3A_90 : i32
      %scan3A_92 = arith.constant 1 : i32
      scf.for %scan3A_122 = %scan3A_89 to %scan3A_91 step %scan3A_92  : i32 {
        %mul3A_123 = arith.constant 2 : i32
        %mul3A_124 = arith.muli %mul3A_123, %scan3A_122 : i32
        %add3A_125 = arith.constant 1 : i32
        %add3A_126 = arith.addi %mul3A_124, %add3A_125 : i32
        %dma_start3A_127 = arith.constant 0 : i32
        %dma_start3A_128 = arith.constant 0 : i32
        %dma_start3A_129 = tpu.memref_slice %arg6[%add3A_126, %dma_start3A_127, %dma_start3A_128] : memref<45x2x128xi32, #tpu.memory_space<vmem>> -> memref<1x1x128xi32, #tpu.memory_space<vmem>>
        %dma_start3A_130 = tpu.memref_squeeze %dma_start3A_129 : memref<1x1x128xi32, #tpu.memory_space<vmem>> -> memref<128xi32, #tpu.memory_space<vmem>>
        %dma_start3A_131 = arith.constant 0 : i32
        %dma_start3A_132 = arith.constant 0 : i32
        %dma_start3A_133 = tpu.memref_slice %arg2[%dma_start3A_131, %dma_start3A_132] : memref<10000x128xf32, #tpu.memory_space<hbm>> -> memref<10000x128xf32, #tpu.memory_space<hbm>>
        tpu.enqueue_indirect_dma source(%dma_start3A_133 : memref<10000x128xf32, #tpu.memory_space<hbm>>) target(%arg8 : memref<128x128xf32, #tpu.memory_space<vmem>>) offsets(%dma_start3A_130 : memref<128xi32, #tpu.memory_space<vmem>>) semaphore(%arg12 : memref<!tpu.dma_semaphore, #tpu.memory_space<semaphore_mem>>)
        %dma_wait3A_134 = arith.constant 0 : i32
        %dma_wait3A_135 = arith.constant 0 : i32
        %dma_wait3A_136 = tpu.memref_slice %arg6[%mul3A_124, %dma_wait3A_134, %dma_wait3A_135] : memref<45x2x128xi32, #tpu.memory_space<vmem>> -> memref<1x1x128xi32, #tpu.memory_space<vmem>>
        %dma_wait3A_137 = tpu.memref_squeeze %dma_wait3A_136 : memref<1x1x128xi32, #tpu.memory_space<vmem>> -> memref<128xi32, #tpu.memory_space<vmem>>
        %dma_wait3A_138 = arith.constant 0 : i32
        %dma_wait3A_139 = arith.constant 0 : i32
        %dma_wait3A_140 = tpu.memref_slice %arg2[%dma_wait3A_138, %dma_wait3A_139] : memref<10000x128xf32, #tpu.memory_space<hbm>> -> memref<10000x128xf32, #tpu.memory_space<hbm>>
        tpu.wait_indirect_dma semaphore(%arg11 : memref<!tpu.dma_semaphore, #tpu.memory_space<semaphore_mem>>) src(%dma_wait3A_140 : memref<10000x128xf32, #tpu.memory_space<hbm>>) dst(%arg7 : memref<128x128xf32, #tpu.memory_space<vmem>>)
        %run_scoped3A_141 = arith.constant 1 : i32
        "tpu.region"() ({
          %run_scoped3A_163 = tpu.sem_alloc : memref<!tpu.dma_semaphore, #tpu.memory_space<semaphore_mem>>
          %dma_start3A_164 = arith.constant 0 : i32
          %dma_start3A_165 = tpu.memref_slice %arg6[%mul3A_124, %run_scoped3A_141, %dma_start3A_164] : memref<45x2x128xi32, #tpu.memory_space<vmem>> -> memref<1x1x128xi32, #tpu.memory_space<vmem>>
          %dma_start3A_166 = tpu.memref_squeeze %dma_start3A_165 : memref<1x1x128xi32, #tpu.memory_space<vmem>> -> memref<128xi32, #tpu.memory_space<vmem>>
          %dma_start3A_167 = arith.constant 0 : i32
          %dma_start3A_168 = arith.constant 0 : i32
          %dma_start3A_169 = tpu.memref_slice %arg10[%dma_start3A_167, %dma_start3A_168] : memref<10008x128xf32, #tpu.memory_space<vmem_shared>> -> memref<10008x128xf32, #tpu.memory_space<vmem_shared>>
          tpu.enqueue_indirect_dma source(%arg7 : memref<128x128xf32, #tpu.memory_space<vmem>>) target(%dma_start3A_169 : memref<10008x128xf32, #tpu.memory_space<vmem_shared>>) offsets(%dma_start3A_166 : memref<128xi32, #tpu.memory_space<vmem>>) semaphore(%run_scoped3A_163 : memref<!tpu.dma_semaphore, #tpu.memory_space<semaphore_mem>>) {add = true}
          %dma_wait3A_170 = arith.constant 0 : i32
          %dma_wait3A_171 = tpu.memref_slice %arg6[%mul3A_124, %run_scoped3A_141, %dma_wait3A_170] : memref<45x2x128xi32, #tpu.memory_space<vmem>> -> memref<1x1x128xi32, #tpu.memory_space<vmem>>
          %dma_wait3A_172 = tpu.memref_squeeze %dma_wait3A_171 : memref<1x1x128xi32, #tpu.memory_space<vmem>> -> memref<128xi32, #tpu.memory_space<vmem>>
          %dma_wait3A_173 = arith.constant 0 : i32
          %dma_wait3A_174 = arith.constant 0 : i32
          %dma_wait3A_175 = tpu.memref_slice %arg10[%dma_wait3A_173, %dma_wait3A_174] : memref<10008x128xf32, #tpu.memory_space<vmem_shared>> -> memref<10008x128xf32, #tpu.memory_space<vmem_shared>>
          tpu.wait_indirect_dma semaphore(%run_scoped3A_163 : memref<!tpu.dma_semaphore, #tpu.memory_space<semaphore_mem>>) src(%arg7 : memref<128x128xf32, #tpu.memory_space<vmem>>) dst(%dma_wait3A_175 : memref<10008x128xf32, #tpu.memory_space<vmem_shared>>)
          tpu.yield
        }) : () -> ()
        %add3A_142 = arith.constant 2 : i32
        %add3A_143 = arith.addi %mul3A_124, %add3A_142 : i32
        %dma_start3A_144 = arith.constant 0 : i32
        %dma_start3A_145 = arith.constant 0 : i32
        %dma_start3A_146 = tpu.memref_slice %arg6[%add3A_143, %dma_start3A_144, %dma_start3A_145] : memref<45x2x128xi32, #tpu.memory_space<vmem>> -> memref<1x1x128xi32, #tpu.memory_space<vmem>>
        %dma_start3A_147 = tpu.memref_squeeze %dma_start3A_146 : memref<1x1x128xi32, #tpu.memory_space<vmem>> -> memref<128xi32, #tpu.memory_space<vmem>>
        %dma_start3A_148 = arith.constant 0 : i32
        %dma_start3A_149 = arith.constant 0 : i32
        %dma_start3A_150 = tpu.memref_slice %arg2[%dma_start3A_148, %dma_start3A_149] : memref<10000x128xf32, #tpu.memory_space<hbm>> -> memref<10000x128xf32, #tpu.memory_space<hbm>>
        tpu.enqueue_indirect_dma source(%dma_start3A_150 : memref<10000x128xf32, #tpu.memory_space<hbm>>) target(%arg7 : memref<128x128xf32, #tpu.memory_space<vmem>>) offsets(%dma_start3A_147 : memref<128xi32, #tpu.memory_space<vmem>>) semaphore(%arg11 : memref<!tpu.dma_semaphore, #tpu.memory_space<semaphore_mem>>)
        %add3A_151 = arith.constant 1 : i32
        %add3A_152 = arith.addi %mul3A_124, %add3A_151 : i32
        %dma_wait3A_153 = arith.constant 0 : i32
        %dma_wait3A_154 = arith.constant 0 : i32
        %dma_wait3A_155 = tpu.memref_slice %arg6[%add3A_152, %dma_wait3A_153, %dma_wait3A_154] : memref<45x2x128xi32, #tpu.memory_space<vmem>> -> memref<1x1x128xi32, #tpu.memory_space<vmem>>
        %dma_wait3A_156 = tpu.memref_squeeze %dma_wait3A_155 : memref<1x1x128xi32, #tpu.memory_space<vmem>> -> memref<128xi32, #tpu.memory_space<vmem>>
        %dma_wait3A_157 = arith.constant 0 : i32
        %dma_wait3A_158 = arith.constant 0 : i32
        %dma_wait3A_159 = tpu.memref_slice %arg2[%dma_wait3A_157, %dma_wait3A_158] : memref<10000x128xf32, #tpu.memory_space<hbm>> -> memref<10000x128xf32, #tpu.memory_space<hbm>>
        tpu.wait_indirect_dma semaphore(%arg12 : memref<!tpu.dma_semaphore, #tpu.memory_space<semaphore_mem>>) src(%dma_wait3A_159 : memref<10000x128xf32, #tpu.memory_space<hbm>>) dst(%arg8 : memref<128x128xf32, #tpu.memory_space<vmem>>)
        %add3A_160 = arith.constant 1 : i32
        %add3A_161 = arith.addi %mul3A_124, %add3A_160 : i32
        %run_scoped3A_162 = arith.constant 1 : i32
        "tpu.region"() ({
          %run_scoped3A_163 = tpu.sem_alloc : memref<!tpu.dma_semaphore, #tpu.memory_space<semaphore_mem>>
          %dma_start3A_164 = arith.constant 0 : i32
          %dma_start3A_165 = tpu.memref_slice %arg6[%add3A_161, %run_scoped3A_162, %dma_start3A_164] : memref<45x2x128xi32, #tpu.memory_space<vmem>> -> memref<1x1x128xi32, #tpu.memory_space<vmem>>
          %dma_start3A_166 = tpu.memref_squeeze %dma_start3A_165 : memref<1x1x128xi32, #tpu.memory_space<vmem>> -> memref<128xi32, #tpu.memory_space<vmem>>
          %dma_start3A_167 = arith.constant 0 : i32
          %dma_start3A_168 = arith.constant 0 : i32
          %dma_start3A_169 = tpu.memref_slice %arg10[%dma_start3A_167, %dma_start3A_168] : memref<10008x128xf32, #tpu.memory_space<vmem_shared>> -> memref<10008x128xf32, #tpu.memory_space<vmem_shared>>
          tpu.enqueue_indirect_dma source(%arg8 : memref<128x128xf32, #tpu.memory_space<vmem>>) target(%dma_start3A_169 : memref<10008x128xf32, #tpu.memory_space<vmem_shared>>) offsets(%dma_start3A_166 : memref<128xi32, #tpu.memory_space<vmem>>) semaphore(%run_scoped3A_163 : memref<!tpu.dma_semaphore, #tpu.memory_space<semaphore_mem>>) {add = true}
          %dma_wait3A_170 = arith.constant 0 : i32
          %dma_wait3A_171 = tpu.memref_slice %arg6[%add3A_161, %run_scoped3A_162, %dma_wait3A_170] : memref<45x2x128xi32, #tpu.memory_space<vmem>> -> memref<1x1x128xi32, #tpu.memory_space<vmem>>
          %dma_wait3A_172 = tpu.memref_squeeze %dma_wait3A_171 : memref<1x1x128xi32, #tpu.memory_space<vmem>> -> memref<128xi32, #tpu.memory_space<vmem>>
          %dma_wait3A_173 = arith.constant 0 : i32
          %dma_wait3A_174 = arith.constant 0 : i32
          %dma_wait3A_175 = tpu.memref_slice %arg10[%dma_wait3A_173, %dma_wait3A_174] : memref<10008x128xf32, #tpu.memory_space<vmem_shared>> -> memref<10008x128xf32, #tpu.memory_space<vmem_shared>>
          tpu.wait_indirect_dma semaphore(%run_scoped3A_163 : memref<!tpu.dma_semaphore, #tpu.memory_space<semaphore_mem>>) src(%arg8 : memref<128x128xf32, #tpu.memory_space<vmem>>) dst(%dma_wait3A_175 : memref<10008x128xf32, #tpu.memory_space<vmem_shared>>)
          tpu.yield
        }) : () -> ()
      }
      %scan3A_93 = arith.constant 8 : i32
      %dma_start3A_94 = arith.constant 17 : i32
      %dma_start3A_95 = arith.constant 0 : i32
      %dma_start3A_96 = arith.constant 0 : i32
      %dma_start3A_97 = tpu.memref_slice %arg6[%dma_start3A_94, %dma_start3A_95, %dma_start3A_96] : memref<45x2x128xi32, #tpu.memory_space<vmem>> -> memref<1x1x128xi32, #tpu.memory_space<vmem>>
      %dma_start3A_98 = tpu.memref_squeeze %dma_start3A_97 : memref<1x1x128xi32, #tpu.memory_space<vmem>> -> memref<128xi32, #tpu.memory_space<vmem>>
      %dma_start3A_99 = arith.constant 0 : i32
      %dma_start3A_100 = arith.constant 0 : i32
      %dma_start3A_101 = tpu.memref_slice %arg2[%dma_start3A_99, %dma_start3A_100] : memref<10000x128xf32, #tpu.memory_space<hbm>> -> memref<10000x128xf32, #tpu.memory_space<hbm>>
      tpu.enqueue_indirect_dma source(%dma_start3A_101 : memref<10000x128xf32, #tpu.memory_space<hbm>>) target(%arg8 : memref<128x128xf32, #tpu.memory_space<vmem>>) offsets(%dma_start3A_98 : memref<128xi32, #tpu.memory_space<vmem>>) semaphore(%arg12 : memref<!tpu.dma_semaphore, #tpu.memory_space<semaphore_mem>>)
      %dma_wait3A_102 = arith.constant 16 : i32
      %dma_wait3A_103 = arith.constant 0 : i32
      %dma_wait3A_104 = arith.constant 0 : i32
      %dma_wait3A_105 = tpu.memref_slice %arg6[%dma_wait3A_102, %dma_wait3A_103, %dma_wait3A_104] : memref<45x2x128xi32, #tpu.memory_space<vmem>> -> memref<1x1x128xi32, #tpu.memory_space<vmem>>
      %dma_wait3A_106 = tpu.memref_squeeze %dma_wait3A_105 : memref<1x1x128xi32, #tpu.memory_space<vmem>> -> memref<128xi32, #tpu.memory_space<vmem>>
      %dma_wait3A_107 = arith.constant 0 : i32
      %dma_wait3A_108 = arith.constant 0 : i32
      %dma_wait3A_109 = tpu.memref_slice %arg2[%dma_wait3A_107, %dma_wait3A_108] : memref<10000x128xf32, #tpu.memory_space<hbm>> -> memref<10000x128xf32, #tpu.memory_space<hbm>>
      tpu.wait_indirect_dma semaphore(%arg11 : memref<!tpu.dma_semaphore, #tpu.memory_space<semaphore_mem>>) src(%dma_wait3A_109 : memref<10000x128xf32, #tpu.memory_space<hbm>>) dst(%arg7 : memref<128x128xf32, #tpu.memory_space<vmem>>)
      %run_scoped3A_110 = arith.constant 16 : i32
      %run_scoped3A_111 = arith.constant 1 : i32
      "tpu.region"() ({
        %run_scoped3A_122 = tpu.sem_alloc : memref<!tpu.dma_semaphore, #tpu.memory_space<semaphore_mem>>
        %dma_start3A_123 = arith.constant 0 : i32
        %dma_start3A_124 = tpu.memref_slice %arg6[%run_scoped3A_110, %run_scoped3A_111, %dma_start3A_123] : memref<45x2x128xi32, #tpu.memory_space<vmem>> -> memref<1x1x128xi32, #tpu.memory_space<vmem>>
        %dma_start3A_125 = tpu.memref_squeeze %dma_start3A_124 : memref<1x1x128xi32, #tpu.memory_space<vmem>> -> memref<128xi32, #tpu.memory_space<vmem>>
        %dma_start3A_126 = arith.constant 0 : i32
        %dma_start3A_127 = arith.constant 0 : i32
        %dma_start3A_128 = tpu.memref_slice %arg10[%dma_start3A_126, %dma_start3A_127] : memref<10008x128xf32, #tpu.memory_space<vmem_shared>> -> memref<10008x128xf32, #tpu.memory_space<vmem_shared>>
        tpu.enqueue_indirect_dma source(%arg7 : memref<128x128xf32, #tpu.memory_space<vmem>>) target(%dma_start3A_128 : memref<10008x128xf32, #tpu.memory_space<vmem_shared>>) offsets(%dma_start3A_125 : memref<128xi32, #tpu.memory_space<vmem>>) semaphore(%run_scoped3A_122 : memref<!tpu.dma_semaphore, #tpu.memory_space<semaphore_mem>>) {add = true}
        %dma_wait3A_129 = arith.constant 0 : i32
        %dma_wait3A_130 = tpu.memref_slice %arg6[%run_scoped3A_110, %run_scoped3A_111, %dma_wait3A_129] : memref<45x2x128xi32, #tpu.memory_space<vmem>> -> memref<1x1x128xi32, #tpu.memory_space<vmem>>
        %dma_wait3A_131 = tpu.memref_squeeze %dma_wait3A_130 : memref<1x1x128xi32, #tpu.memory_space<vmem>> -> memref<128xi32, #tpu.memory_space<vmem>>
        %dma_wait3A_132 = arith.constant 0 : i32
        %dma_wait3A_133 = arith.constant 0 : i32
        %dma_wait3A_134 = tpu.memref_slice %arg10[%dma_wait3A_132, %dma_wait3A_133] : memref<10008x128xf32, #tpu.memory_space<vmem_shared>> -> memref<10008x128xf32, #tpu.memory_space<vmem_shared>>
        tpu.wait_indirect_dma semaphore(%run_scoped3A_122 : memref<!tpu.dma_semaphore, #tpu.memory_space<semaphore_mem>>) src(%arg7 : memref<128x128xf32, #tpu.memory_space<vmem>>) dst(%dma_wait3A_134 : memref<10008x128xf32, #tpu.memory_space<vmem_shared>>)
        tpu.yield
      }) : () -> ()
      %dma_wait3A_112 = arith.constant 17 : i32
      %dma_wait3A_113 = arith.constant 0 : i32
      %dma_wait3A_114 = arith.constant 0 : i32
      %dma_wait3A_115 = tpu.memref_slice %arg6[%dma_wait3A_112, %dma_wait3A_113, %dma_wait3A_114] : memref<45x2x128xi32, #tpu.memory_space<vmem>> -> memref<1x1x128xi32, #tpu.memory_space<vmem>>
      %dma_wait3A_116 = tpu.memref_squeeze %dma_wait3A_115 : memref<1x1x128xi32, #tpu.memory_space<vmem>> -> memref<128xi32, #tpu.memory_space<vmem>>
      %dma_wait3A_117 = arith.constant 0 : i32
      %dma_wait3A_118 = arith.constant 0 : i32
      %dma_wait3A_119 = tpu.memref_slice %arg2[%dma_wait3A_117, %dma_wait3A_118] : memref<10000x128xf32, #tpu.memory_space<hbm>> -> memref<10000x128xf32, #tpu.memory_space<hbm>>
      tpu.wait_indirect_dma semaphore(%arg12 : memref<!tpu.dma_semaphore, #tpu.memory_space<semaphore_mem>>) src(%dma_wait3A_119 : memref<10000x128xf32, #tpu.memory_space<hbm>>) dst(%arg8 : memref<128x128xf32, #tpu.memory_space<vmem>>)
      %run_scoped3A_120 = arith.constant 17 : i32
      %run_scoped3A_121 = arith.constant 1 : i32
      "tpu.region"() ({
        %run_scoped3A_122 = tpu.sem_alloc : memref<!tpu.dma_semaphore, #tpu.memory_space<semaphore_mem>>
        %dma_start3A_123 = arith.constant 0 : i32
        %dma_start3A_124 = tpu.memref_slice %arg6[%run_scoped3A_120, %run_scoped3A_121, %dma_start3A_123] : memref<45x2x128xi32, #tpu.memory_space<vmem>> -> memref<1x1x128xi32, #tpu.memory_space<vmem>>
        %dma_start3A_125 = tpu.memref_squeeze %dma_start3A_124 : memref<1x1x128xi32, #tpu.memory_space<vmem>> -> memref<128xi32, #tpu.memory_space<vmem>>
        %dma_start3A_126 = arith.constant 0 : i32
        %dma_start3A_127 = arith.constant 0 : i32
        %dma_start3A_128 = tpu.memref_slice %arg10[%dma_start3A_126, %dma_start3A_127] : memref<10008x128xf32, #tpu.memory_space<vmem_shared>> -> memref<10008x128xf32, #tpu.memory_space<vmem_shared>>
        tpu.enqueue_indirect_dma source(%arg8 : memref<128x128xf32, #tpu.memory_space<vmem>>) target(%dma_start3A_128 : memref<10008x128xf32, #tpu.memory_space<vmem_shared>>) offsets(%dma_start3A_125 : memref<128xi32, #tpu.memory_space<vmem>>) semaphore(%run_scoped3A_122 : memref<!tpu.dma_semaphore, #tpu.memory_space<semaphore_mem>>) {add = true}
        %dma_wait3A_129 = arith.constant 0 : i32
        %dma_wait3A_130 = tpu.memref_slice %arg6[%run_scoped3A_120, %run_scoped3A_121, %dma_wait3A_129] : memref<45x2x128xi32, #tpu.memory_space<vmem>> -> memref<1x1x128xi32, #tpu.memory_space<vmem>>
        %dma_wait3A_131 = tpu.memref_squeeze %dma_wait3A_130 : memref<1x1x128xi32, #tpu.memory_space<vmem>> -> memref<128xi32, #tpu.memory_space<vmem>>
        %dma_wait3A_132 = arith.constant 0 : i32
        %dma_wait3A_133 = arith.constant 0 : i32
        %dma_wait3A_134 = tpu.memref_slice %arg10[%dma_wait3A_132, %dma_wait3A_133] : memref<10008x128xf32, #tpu.memory_space<vmem_shared>> -> memref<10008x128xf32, #tpu.memory_space<vmem_shared>>
        tpu.wait_indirect_dma semaphore(%run_scoped3A_122 : memref<!tpu.dma_semaphore, #tpu.memory_space<semaphore_mem>>) src(%arg8 : memref<128x128xf32, #tpu.memory_space<vmem>>) dst(%dma_wait3A_134 : memref<10008x128xf32, #tpu.memory_space<vmem_shared>>)
        tpu.yield
      }) : () -> ()
    } else {
    }
    %eq3A_20 = arith.constant 1 : i32
    %eq3A_21 = arith.cmpi eq, %arg0, %eq3A_20 : i32
    %convert_element_type3A_22 = arith.extui %eq3A_21 : i1 to i32
    %cond3A_23 = arith.constant 0 : i32
    %cond3A_24 = arith.cmpi ne, %convert_element_type3A_22, %cond3A_23 : i32
    scf.if %cond3A_24 {
      "tpu.region"() ({
        %run_scoped3A_135 = tpu.sem_alloc : memref<!tpu.dma_semaphore, #tpu.memory_space<semaphore_mem>>
        %dma_start3A_136 = arith.constant 0 : i32
        %dma_start3A_137 = arith.constant 0 : i32
        %dma_start3A_138 = arith.constant 0 : i32
        %dma_start3A_139 = tpu.memref_slice %arg6[%dma_start3A_136, %dma_start3A_137, %dma_start3A_138] : memref<45x2x128xi32, #tpu.memory_space<vmem>> -> memref<45x2x128xi32, #tpu.memory_space<vmem>>
        %dma_start3A_140 = arith.constant 0 : i32
        %dma_start3A_141 = arith.constant 0 : i32
        %dma_start3A_142 = arith.constant 0 : i32
        %dma_start3A_143 = tpu.memref_slice %arg4[%arg1, %dma_start3A_140, %dma_start3A_141, %dma_start3A_142] : memref<16x49x2x128xi32, #tpu.memory_space<hbm>> -> memref<1x45x2x128xi32, #tpu.memory_space<hbm>>
        %dma_start3A_144 = tpu.memref_squeeze %dma_start3A_143 : memref<1x45x2x128xi32, #tpu.memory_space<hbm>> -> memref<45x2x128xi32, #tpu.memory_space<hbm>>
        %dma_start3A_145 = arith.constant 0 : i32
        %dma_start3A_146 = arith.constant 0 : i32
        %dma_start3A_147 = arith.constant 0 : i32
        %dma_start3A_148 = tpu.memref_slice %arg6[%dma_start3A_145, %dma_start3A_146, %dma_start3A_147] : memref<45x2x128xi32, #tpu.memory_space<vmem>> -> memref<45x2x128xi32, #tpu.memory_space<vmem>>
        %dma_start3A_149 = arith.constant 0 : i32
        %dma_start3A_150 = arith.constant 0 : i32
        %dma_start3A_151 = arith.constant 0 : i32
        %dma_start3A_152 = tpu.memref_slice %arg4[%arg1, %dma_start3A_149, %dma_start3A_150, %dma_start3A_151] : memref<16x49x2x128xi32, #tpu.memory_space<hbm>> -> memref<1x45x2x128xi32, #tpu.memory_space<hbm>>
        %dma_start3A_153 = tpu.memref_squeeze %dma_start3A_152 : memref<1x45x2x128xi32, #tpu.memory_space<hbm>> -> memref<45x2x128xi32, #tpu.memory_space<hbm>>
        tpu.enqueue_dma source(%dma_start3A_153 : memref<45x2x128xi32, #tpu.memory_space<hbm>>) target(%dma_start3A_148 : memref<45x2x128xi32, #tpu.memory_space<vmem>>) target_semaphore(%run_scoped3A_135 : memref<!tpu.dma_semaphore, #tpu.memory_space<semaphore_mem>>)
        %dma_wait3A_154 = arith.constant 0 : i32
        %dma_wait3A_155 = arith.constant 0 : i32
        %dma_wait3A_156 = arith.constant 0 : i32
        %dma_wait3A_157 = tpu.memref_slice %arg6[%dma_wait3A_154, %dma_wait3A_155, %dma_wait3A_156] : memref<45x2x128xi32, #tpu.memory_space<vmem>> -> memref<45x2x128xi32, #tpu.memory_space<vmem>>
        %dma_wait3A_158 = arith.constant 0 : i32
        %dma_wait3A_159 = arith.constant 0 : i32
        %dma_wait3A_160 = arith.constant 0 : i32
        %dma_wait3A_161 = tpu.memref_slice %arg4[%arg1, %dma_wait3A_158, %dma_wait3A_159, %dma_wait3A_160] : memref<16x49x2x128xi32, #tpu.memory_space<hbm>> -> memref<1x45x2x128xi32, #tpu.memory_space<hbm>>
        %dma_wait3A_162 = tpu.memref_squeeze %dma_wait3A_161 : memref<1x45x2x128xi32, #tpu.memory_space<hbm>> -> memref<45x2x128xi32, #tpu.memory_space<hbm>>
        %dma_wait3A_163 = arith.constant 0 : i32
        %dma_wait3A_164 = arith.constant 0 : i32
        %dma_wait3A_165 = arith.constant 0 : i32
        %dma_wait3A_166 = tpu.memref_slice %arg6[%dma_wait3A_163, %dma_wait3A_164, %dma_wait3A_165] : memref<45x2x128xi32, #tpu.memory_space<vmem>> -> memref<45x2x128xi32, #tpu.memory_space<vmem>>
        %dma_wait3A_167 = arith.constant 0 : i32
        %dma_wait3A_168 = arith.constant 0 : i32
        %dma_wait3A_169 = arith.constant 0 : i32
        %dma_wait3A_170 = tpu.memref_slice %arg4[%arg1, %dma_wait3A_167, %dma_wait3A_168, %dma_wait3A_169] : memref<16x49x2x128xi32, #tpu.memory_space<hbm>> -> memref<1x45x2x128xi32, #tpu.memory_space<hbm>>
        %dma_wait3A_171 = tpu.memref_squeeze %dma_wait3A_170 : memref<1x45x2x128xi32, #tpu.memory_space<hbm>> -> memref<45x2x128xi32, #tpu.memory_space<hbm>>
        tpu.wait_dma2 semaphore(%run_scoped3A_135 : memref<!tpu.dma_semaphore, #tpu.memory_space<semaphore_mem>>) src(%dma_wait3A_171 : memref<45x2x128xi32, #tpu.memory_space<hbm>>) dst(%dma_wait3A_166 : memref<45x2x128xi32, #tpu.memory_space<vmem>>)
        tpu.yield
      }) : () -> ()
      %dma_start3A = arith.constant 0 : i32
      %dma_start3A_35 = arith.constant 0 : i32
      %dma_start3A_36 = arith.constant 0 : i32
      %dma_start3A_37 = tpu.memref_slice %arg6[%dma_start3A, %dma_start3A_35, %dma_start3A_36] : memref<45x2x128xi32, #tpu.memory_space<vmem>> -> memref<1x1x128xi32, #tpu.memory_space<vmem>>
      %dma_start3A_38 = tpu.memref_squeeze %dma_start3A_37 : memref<1x1x128xi32, #tpu.memory_space<vmem>> -> memref<128xi32, #tpu.memory_space<vmem>>
      %dma_start3A_39 = arith.constant 0 : i32
      %dma_start3A_40 = arith.constant 0 : i32
      %dma_start3A_41 = tpu.memref_slice %arg2[%dma_start3A_39, %dma_start3A_40] : memref<10000x128xf32, #tpu.memory_space<hbm>> -> memref<10000x128xf32, #tpu.memory_space<hbm>>
      tpu.enqueue_indirect_dma source(%dma_start3A_41 : memref<10000x128xf32, #tpu.memory_space<hbm>>) target(%arg7 : memref<128x128xf32, #tpu.memory_space<vmem>>) offsets(%dma_start3A_38 : memref<128xi32, #tpu.memory_space<vmem>>) semaphore(%arg11 : memref<!tpu.dma_semaphore, #tpu.memory_space<semaphore_mem>>)
      %scan3A_42 = arith.constant 0 : i32
      %scan3A_43 = arith.constant 0 : i32
      %scan3A_44 = arith.constant 22 : i32
      %scan3A_45 = arith.addi %scan3A_43, %scan3A_44 : i32
      %scan3A_46 = arith.constant 1 : i32
      scf.for %scan3A_135 = %scan3A_43 to %scan3A_45 step %scan3A_46  : i32 {
        %mul3A_136 = arith.constant 2 : i32
        %mul3A_137 = arith.muli %mul3A_136, %scan3A_135 : i32
        %add3A_138 = arith.constant 1 : i32
        %add3A_139 = arith.addi %mul3A_137, %add3A_138 : i32
        %dma_start3A_140 = arith.constant 0 : i32
        %dma_start3A_141 = arith.constant 0 : i32
        %dma_start3A_142 = tpu.memref_slice %arg6[%add3A_139, %dma_start3A_140, %dma_start3A_141] : memref<45x2x128xi32, #tpu.memory_space<vmem>> -> memref<1x1x128xi32, #tpu.memory_space<vmem>>
        %dma_start3A_143 = tpu.memref_squeeze %dma_start3A_142 : memref<1x1x128xi32, #tpu.memory_space<vmem>> -> memref<128xi32, #tpu.memory_space<vmem>>
        %dma_start3A_144 = arith.constant 0 : i32
        %dma_start3A_145 = arith.constant 0 : i32
        %dma_start3A_146 = tpu.memref_slice %arg2[%dma_start3A_144, %dma_start3A_145] : memref<10000x128xf32, #tpu.memory_space<hbm>> -> memref<10000x128xf32, #tpu.memory_space<hbm>>
        tpu.enqueue_indirect_dma source(%dma_start3A_146 : memref<10000x128xf32, #tpu.memory_space<hbm>>) target(%arg8 : memref<128x128xf32, #tpu.memory_space<vmem>>) offsets(%dma_start3A_143 : memref<128xi32, #tpu.memory_space<vmem>>) semaphore(%arg12 : memref<!tpu.dma_semaphore, #tpu.memory_space<semaphore_mem>>)
        %dma_wait3A_147 = arith.constant 0 : i32
        %dma_wait3A_148 = arith.constant 0 : i32
        %dma_wait3A_149 = tpu.memref_slice %arg6[%mul3A_137, %dma_wait3A_147, %dma_wait3A_148] : memref<45x2x128xi32, #tpu.memory_space<vmem>> -> memref<1x1x128xi32, #tpu.memory_space<vmem>>
        %dma_wait3A_150 = tpu.memref_squeeze %dma_wait3A_149 : memref<1x1x128xi32, #tpu.memory_space<vmem>> -> memref<128xi32, #tpu.memory_space<vmem>>
        %dma_wait3A_151 = arith.constant 0 : i32
        %dma_wait3A_152 = arith.constant 0 : i32
        %dma_wait3A_153 = tpu.memref_slice %arg2[%dma_wait3A_151, %dma_wait3A_152] : memref<10000x128xf32, #tpu.memory_space<hbm>> -> memref<10000x128xf32, #tpu.memory_space<hbm>>
        tpu.wait_indirect_dma semaphore(%arg11 : memref<!tpu.dma_semaphore, #tpu.memory_space<semaphore_mem>>) src(%dma_wait3A_153 : memref<10000x128xf32, #tpu.memory_space<hbm>>) dst(%arg7 : memref<128x128xf32, #tpu.memory_space<vmem>>)
        %run_scoped3A_154 = arith.constant 1 : i32
        "tpu.region"() ({
          %run_scoped3A_176 = tpu.sem_alloc : memref<!tpu.dma_semaphore, #tpu.memory_space<semaphore_mem>>
          %dma_start3A_177 = arith.constant 0 : i32
          %dma_start3A_178 = tpu.memref_slice %arg6[%mul3A_137, %run_scoped3A_154, %dma_start3A_177] : memref<45x2x128xi32, #tpu.memory_space<vmem>> -> memref<1x1x128xi32, #tpu.memory_space<vmem>>
          %dma_start3A_179 = tpu.memref_squeeze %dma_start3A_178 : memref<1x1x128xi32, #tpu.memory_space<vmem>> -> memref<128xi32, #tpu.memory_space<vmem>>
          %dma_start3A_180 = arith.constant 0 : i32
          %dma_start3A_181 = arith.constant 0 : i32
          %dma_start3A_182 = tpu.memref_slice %arg10[%dma_start3A_180, %dma_start3A_181] : memref<10008x128xf32, #tpu.memory_space<vmem_shared>> -> memref<10008x128xf32, #tpu.memory_space<vmem_shared>>
          tpu.enqueue_indirect_dma source(%arg7 : memref<128x128xf32, #tpu.memory_space<vmem>>) target(%dma_start3A_182 : memref<10008x128xf32, #tpu.memory_space<vmem_shared>>) offsets(%dma_start3A_179 : memref<128xi32, #tpu.memory_space<vmem>>) semaphore(%run_scoped3A_176 : memref<!tpu.dma_semaphore, #tpu.memory_space<semaphore_mem>>) {add = true}
          %dma_wait3A_183 = arith.constant 0 : i32
          %dma_wait3A_184 = tpu.memref_slice %arg6[%mul3A_137, %run_scoped3A_154, %dma_wait3A_183] : memref<45x2x128xi32, #tpu.memory_space<vmem>> -> memref<1x1x128xi32, #tpu.memory_space<vmem>>
          %dma_wait3A_185 = tpu.memref_squeeze %dma_wait3A_184 : memref<1x1x128xi32, #tpu.memory_space<vmem>> -> memref<128xi32, #tpu.memory_space<vmem>>
          %dma_wait3A_186 = arith.constant 0 : i32
          %dma_wait3A_187 = arith.constant 0 : i32
          %dma_wait3A_188 = tpu.memref_slice %arg10[%dma_wait3A_186, %dma_wait3A_187] : memref<10008x128xf32, #tpu.memory_space<vmem_shared>> -> memref<10008x128xf32, #tpu.memory_space<vmem_shared>>
          tpu.wait_indirect_dma semaphore(%run_scoped3A_176 : memref<!tpu.dma_semaphore, #tpu.memory_space<semaphore_mem>>) src(%arg7 : memref<128x128xf32, #tpu.memory_space<vmem>>) dst(%dma_wait3A_188 : memref<10008x128xf32, #tpu.memory_space<vmem_shared>>)
          tpu.yield
        }) : () -> ()
        %add3A_155 = arith.constant 2 : i32
        %add3A_156 = arith.addi %mul3A_137, %add3A_155 : i32
        %dma_start3A_157 = arith.constant 0 : i32
        %dma_start3A_158 = arith.constant 0 : i32
        %dma_start3A_159 = tpu.memref_slice %arg6[%add3A_156, %dma_start3A_157, %dma_start3A_158] : memref<45x2x128xi32, #tpu.memory_space<vmem>> -> memref<1x1x128xi32, #tpu.memory_space<vmem>>
        %dma_start3A_160 = tpu.memref_squeeze %dma_start3A_159 : memref<1x1x128xi32, #tpu.memory_space<vmem>> -> memref<128xi32, #tpu.memory_space<vmem>>
        %dma_start3A_161 = arith.constant 0 : i32
        %dma_start3A_162 = arith.constant 0 : i32
        %dma_start3A_163 = tpu.memref_slice %arg2[%dma_start3A_161, %dma_start3A_162] : memref<10000x128xf32, #tpu.memory_space<hbm>> -> memref<10000x128xf32, #tpu.memory_space<hbm>>
        tpu.enqueue_indirect_dma source(%dma_start3A_163 : memref<10000x128xf32, #tpu.memory_space<hbm>>) target(%arg7 : memref<128x128xf32, #tpu.memory_space<vmem>>) offsets(%dma_start3A_160 : memref<128xi32, #tpu.memory_space<vmem>>) semaphore(%arg11 : memref<!tpu.dma_semaphore, #tpu.memory_space<semaphore_mem>>)
        %add3A_164 = arith.constant 1 : i32
        %add3A_165 = arith.addi %mul3A_137, %add3A_164 : i32
        %dma_wait3A_166 = arith.constant 0 : i32
        %dma_wait3A_167 = arith.constant 0 : i32
        %dma_wait3A_168 = tpu.memref_slice %arg6[%add3A_165, %dma_wait3A_166, %dma_wait3A_167] : memref<45x2x128xi32, #tpu.memory_space<vmem>> -> memref<1x1x128xi32, #tpu.memory_space<vmem>>
        %dma_wait3A_169 = tpu.memref_squeeze %dma_wait3A_168 : memref<1x1x128xi32, #tpu.memory_space<vmem>> -> memref<128xi32, #tpu.memory_space<vmem>>
        %dma_wait3A_170 = arith.constant 0 : i32
        %dma_wait3A_171 = arith.constant 0 : i32
        %dma_wait3A_172 = tpu.memref_slice %arg2[%dma_wait3A_170, %dma_wait3A_171] : memref<10000x128xf32, #tpu.memory_space<hbm>> -> memref<10000x128xf32, #tpu.memory_space<hbm>>
        tpu.wait_indirect_dma semaphore(%arg12 : memref<!tpu.dma_semaphore, #tpu.memory_space<semaphore_mem>>) src(%dma_wait3A_172 : memref<10000x128xf32, #tpu.memory_space<hbm>>) dst(%arg8 : memref<128x128xf32, #tpu.memory_space<vmem>>)
        %add3A_173 = arith.constant 1 : i32
        %add3A_174 = arith.addi %mul3A_137, %add3A_173 : i32
        %run_scoped3A_175 = arith.constant 1 : i32
        "tpu.region"() ({
          %run_scoped3A_176 = tpu.sem_alloc : memref<!tpu.dma_semaphore, #tpu.memory_space<semaphore_mem>>
          %dma_start3A_177 = arith.constant 0 : i32
          %dma_start3A_178 = tpu.memref_slice %arg6[%add3A_174, %run_scoped3A_175, %dma_start3A_177] : memref<45x2x128xi32, #tpu.memory_space<vmem>> -> memref<1x1x128xi32, #tpu.memory_space<vmem>>
          %dma_start3A_179 = tpu.memref_squeeze %dma_start3A_178 : memref<1x1x128xi32, #tpu.memory_space<vmem>> -> memref<128xi32, #tpu.memory_space<vmem>>
          %dma_start3A_180 = arith.constant 0 : i32
          %dma_start3A_181 = arith.constant 0 : i32
          %dma_start3A_182 = tpu.memref_slice %arg10[%dma_start3A_180, %dma_start3A_181] : memref<10008x128xf32, #tpu.memory_space<vmem_shared>> -> memref<10008x128xf32, #tpu.memory_space<vmem_shared>>
          tpu.enqueue_indirect_dma source(%arg8 : memref<128x128xf32, #tpu.memory_space<vmem>>) target(%dma_start3A_182 : memref<10008x128xf32, #tpu.memory_space<vmem_shared>>) offsets(%dma_start3A_179 : memref<128xi32, #tpu.memory_space<vmem>>) semaphore(%run_scoped3A_176 : memref<!tpu.dma_semaphore, #tpu.memory_space<semaphore_mem>>) {add = true}
          %dma_wait3A_183 = arith.constant 0 : i32
          %dma_wait3A_184 = tpu.memref_slice %arg6[%add3A_174, %run_scoped3A_175, %dma_wait3A_183] : memref<45x2x128xi32, #tpu.memory_space<vmem>> -> memref<1x1x128xi32, #tpu.memory_space<vmem>>
          %dma_wait3A_185 = tpu.memref_squeeze %dma_wait3A_184 : memref<1x1x128xi32, #tpu.memory_space<vmem>> -> memref<128xi32, #tpu.memory_space<vmem>>
          %dma_wait3A_186 = arith.constant 0 : i32
          %dma_wait3A_187 = arith.constant 0 : i32
          %dma_wait3A_188 = tpu.memref_slice %arg10[%dma_wait3A_186, %dma_wait3A_187] : memref<10008x128xf32, #tpu.memory_space<vmem_shared>> -> memref<10008x128xf32, #tpu.memory_space<vmem_shared>>
          tpu.wait_indirect_dma semaphore(%run_scoped3A_176 : memref<!tpu.dma_semaphore, #tpu.memory_space<semaphore_mem>>) src(%arg8 : memref<128x128xf32, #tpu.memory_space<vmem>>) dst(%dma_wait3A_188 : memref<10008x128xf32, #tpu.memory_space<vmem_shared>>)
          tpu.yield
        }) : () -> ()
      }
      %scan3A_47 = arith.constant 22 : i32
      %dma_wait3A = arith.constant 44 : i32
      %dma_wait3A_48 = arith.constant 0 : i32
      %dma_wait3A_49 = arith.constant 0 : i32
      %dma_wait3A_50 = tpu.memref_slice %arg6[%dma_wait3A, %dma_wait3A_48, %dma_wait3A_49] : memref<45x2x128xi32, #tpu.memory_space<vmem>> -> memref<1x1x128xi32, #tpu.memory_space<vmem>>
      %dma_wait3A_51 = tpu.memref_squeeze %dma_wait3A_50 : memref<1x1x128xi32, #tpu.memory_space<vmem>> -> memref<128xi32, #tpu.memory_space<vmem>>
      %dma_wait3A_52 = arith.constant 0 : i32
      %dma_wait3A_53 = arith.constant 0 : i32
      %dma_wait3A_54 = tpu.memref_slice %arg2[%dma_wait3A_52, %dma_wait3A_53] : memref<10000x128xf32, #tpu.memory_space<hbm>> -> memref<10000x128xf32, #tpu.memory_space<hbm>>
      tpu.wait_indirect_dma semaphore(%arg11 : memref<!tpu.dma_semaphore, #tpu.memory_space<semaphore_mem>>) src(%dma_wait3A_54 : memref<10000x128xf32, #tpu.memory_space<hbm>>) dst(%arg7 : memref<128x128xf32, #tpu.memory_space<vmem>>)
      %run_scoped3A = arith.constant 44 : i32
      %run_scoped3A_55 = arith.constant 1 : i32
      "tpu.region"() ({
        %run_scoped3A_135 = tpu.sem_alloc : memref<!tpu.dma_semaphore, #tpu.memory_space<semaphore_mem>>
        %dma_start3A_136 = arith.constant 0 : i32
        %dma_start3A_137 = tpu.memref_slice %arg6[%run_scoped3A, %run_scoped3A_55, %dma_start3A_136] : memref<45x2x128xi32, #tpu.memory_space<vmem>> -> memref<1x1x128xi32, #tpu.memory_space<vmem>>
        %dma_start3A_138 = tpu.memref_squeeze %dma_start3A_137 : memref<1x1x128xi32, #tpu.memory_space<vmem>> -> memref<128xi32, #tpu.memory_space<vmem>>
        %dma_start3A_139 = arith.constant 0 : i32
        %dma_start3A_140 = arith.constant 0 : i32
        %dma_start3A_141 = tpu.memref_slice %arg10[%dma_start3A_139, %dma_start3A_140] : memref<10008x128xf32, #tpu.memory_space<vmem_shared>> -> memref<10008x128xf32, #tpu.memory_space<vmem_shared>>
        tpu.enqueue_indirect_dma source(%arg7 : memref<128x128xf32, #tpu.memory_space<vmem>>) target(%dma_start3A_141 : memref<10008x128xf32, #tpu.memory_space<vmem_shared>>) offsets(%dma_start3A_138 : memref<128xi32, #tpu.memory_space<vmem>>) semaphore(%run_scoped3A_135 : memref<!tpu.dma_semaphore, #tpu.memory_space<semaphore_mem>>) {add = true}
        %dma_wait3A_142 = arith.constant 0 : i32
        %dma_wait3A_143 = tpu.memref_slice %arg6[%run_scoped3A, %run_scoped3A_55, %dma_wait3A_142] : memref<45x2x128xi32, #tpu.memory_space<vmem>> -> memref<1x1x128xi32, #tpu.memory_space<vmem>>
        %dma_wait3A_144 = tpu.memref_squeeze %dma_wait3A_143 : memref<1x1x128xi32, #tpu.memory_space<vmem>> -> memref<128xi32, #tpu.memory_space<vmem>>
        %dma_wait3A_145 = arith.constant 0 : i32
        %dma_wait3A_146 = arith.constant 0 : i32
        %dma_wait3A_147 = tpu.memref_slice %arg10[%dma_wait3A_145, %dma_wait3A_146] : memref<10008x128xf32, #tpu.memory_space<vmem_shared>> -> memref<10008x128xf32, #tpu.memory_space<vmem_shared>>
        tpu.wait_indirect_dma semaphore(%run_scoped3A_135 : memref<!tpu.dma_semaphore, #tpu.memory_space<semaphore_mem>>) src(%arg7 : memref<128x128xf32, #tpu.memory_space<vmem>>) dst(%dma_wait3A_147 : memref<10008x128xf32, #tpu.memory_space<vmem_shared>>)
        tpu.yield
      }) : () -> ()
      "tpu.region"() ({
        %run_scoped3A_135 = tpu.sem_alloc : memref<!tpu.dma_semaphore, #tpu.memory_space<semaphore_mem>>
        %dma_start3A_136 = arith.constant 0 : i32
        %dma_start3A_137 = arith.constant 0 : i32
        %dma_start3A_138 = arith.constant 0 : i32
        %dma_start3A_139 = tpu.memref_slice %arg6[%dma_start3A_136, %dma_start3A_137, %dma_start3A_138] : memref<45x2x128xi32, #tpu.memory_space<vmem>> -> memref<4x2x128xi32, #tpu.memory_space<vmem>>
        %dma_start3A_140 = arith.constant 45 : i32
        %dma_start3A_141 = arith.constant 0 : i32
        %dma_start3A_142 = arith.constant 0 : i32
        %dma_start3A_143 = tpu.memref_slice %arg4[%arg1, %dma_start3A_140, %dma_start3A_141, %dma_start3A_142] : memref<16x49x2x128xi32, #tpu.memory_space<hbm>> -> memref<1x4x2x128xi32, #tpu.memory_space<hbm>>
        %dma_start3A_144 = tpu.memref_squeeze %dma_start3A_143 : memref<1x4x2x128xi32, #tpu.memory_space<hbm>> -> memref<4x2x128xi32, #tpu.memory_space<hbm>>
        %dma_start3A_145 = arith.constant 0 : i32
        %dma_start3A_146 = arith.constant 0 : i32
        %dma_start3A_147 = arith.constant 0 : i32
        %dma_start3A_148 = tpu.memref_slice %arg6[%dma_start3A_145, %dma_start3A_146, %dma_start3A_147] : memref<45x2x128xi32, #tpu.memory_space<vmem>> -> memref<4x2x128xi32, #tpu.memory_space<vmem>>
        %dma_start3A_149 = arith.constant 45 : i32
        %dma_start3A_150 = arith.constant 0 : i32
        %dma_start3A_151 = arith.constant 0 : i32
        %dma_start3A_152 = tpu.memref_slice %arg4[%arg1, %dma_start3A_149, %dma_start3A_150, %dma_start3A_151] : memref<16x49x2x128xi32, #tpu.memory_space<hbm>> -> memref<1x4x2x128xi32, #tpu.memory_space<hbm>>
        %dma_start3A_153 = tpu.memref_squeeze %dma_start3A_152 : memref<1x4x2x128xi32, #tpu.memory_space<hbm>> -> memref<4x2x128xi32, #tpu.memory_space<hbm>>
        tpu.enqueue_dma source(%dma_start3A_153 : memref<4x2x128xi32, #tpu.memory_space<hbm>>) target(%dma_start3A_148 : memref<4x2x128xi32, #tpu.memory_space<vmem>>) target_semaphore(%run_scoped3A_135 : memref<!tpu.dma_semaphore, #tpu.memory_space<semaphore_mem>>)
        %dma_wait3A_154 = arith.constant 0 : i32
        %dma_wait3A_155 = arith.constant 0 : i32
        %dma_wait3A_156 = arith.constant 0 : i32
        %dma_wait3A_157 = tpu.memref_slice %arg6[%dma_wait3A_154, %dma_wait3A_155, %dma_wait3A_156] : memref<45x2x128xi32, #tpu.memory_space<vmem>> -> memref<4x2x128xi32, #tpu.memory_space<vmem>>
        %dma_wait3A_158 = arith.constant 45 : i32
        %dma_wait3A_159 = arith.constant 0 : i32
        %dma_wait3A_160 = arith.constant 0 : i32
        %dma_wait3A_161 = tpu.memref_slice %arg4[%arg1, %dma_wait3A_158, %dma_wait3A_159, %dma_wait3A_160] : memref<16x49x2x128xi32, #tpu.memory_space<hbm>> -> memref<1x4x2x128xi32, #tpu.memory_space<hbm>>
        %dma_wait3A_162 = tpu.memref_squeeze %dma_wait3A_161 : memref<1x4x2x128xi32, #tpu.memory_space<hbm>> -> memref<4x2x128xi32, #tpu.memory_space<hbm>>
        %dma_wait3A_163 = arith.constant 0 : i32
        %dma_wait3A_164 = arith.constant 0 : i32
        %dma_wait3A_165 = arith.constant 0 : i32
        %dma_wait3A_166 = tpu.memref_slice %arg6[%dma_wait3A_163, %dma_wait3A_164, %dma_wait3A_165] : memref<45x2x128xi32, #tpu.memory_space<vmem>> -> memref<4x2x128xi32, #tpu.memory_space<vmem>>
        %dma_wait3A_167 = arith.constant 45 : i32
        %dma_wait3A_168 = arith.constant 0 : i32
        %dma_wait3A_169 = arith.constant 0 : i32
        %dma_wait3A_170 = tpu.memref_slice %arg4[%arg1, %dma_wait3A_167, %dma_wait3A_168, %dma_wait3A_169] : memref<16x49x2x128xi32, #tpu.memory_space<hbm>> -> memref<1x4x2x128xi32, #tpu.memory_space<hbm>>
        %dma_wait3A_171 = tpu.memref_squeeze %dma_wait3A_170 : memref<1x4x2x128xi32, #tpu.memory_space<hbm>> -> memref<4x2x128xi32, #tpu.memory_space<hbm>>
        tpu.wait_dma2 semaphore(%run_scoped3A_135 : memref<!tpu.dma_semaphore, #tpu.memory_space<semaphore_mem>>) src(%dma_wait3A_171 : memref<4x2x128xi32, #tpu.memory_space<hbm>>) dst(%dma_wait3A_166 : memref<4x2x128xi32, #tpu.memory_space<vmem>>)
        tpu.yield
      }) : () -> ()
      %dma_start3A_56 = arith.constant 0 : i32
      %dma_start3A_57 = arith.constant 0 : i32
      %dma_start3A_58 = arith.constant 0 : i32
      %dma_start3A_59 = tpu.memref_slice %arg6[%dma_start3A_56, %dma_start3A_57, %dma_start3A_58] : memref<45x2x128xi32, #tpu.memory_space<vmem>> -> memref<1x1x128xi32, #tpu.memory_space<vmem>>
      %dma_start3A_60 = tpu.memref_squeeze %dma_start3A_59 : memref<1x1x128xi32, #tpu.memory_space<vmem>> -> memref<128xi32, #tpu.memory_space<vmem>>
      %dma_start3A_61 = arith.constant 0 : i32
      %dma_start3A_62 = arith.constant 0 : i32
      %dma_start3A_63 = tpu.memref_slice %arg2[%dma_start3A_61, %dma_start3A_62] : memref<10000x128xf32, #tpu.memory_space<hbm>> -> memref<10000x128xf32, #tpu.memory_space<hbm>>
      tpu.enqueue_indirect_dma source(%dma_start3A_63 : memref<10000x128xf32, #tpu.memory_space<hbm>>) target(%arg7 : memref<128x128xf32, #tpu.memory_space<vmem>>) offsets(%dma_start3A_60 : memref<128xi32, #tpu.memory_space<vmem>>) semaphore(%arg11 : memref<!tpu.dma_semaphore, #tpu.memory_space<semaphore_mem>>)
      %scan3A_64 = arith.constant 0 : i32
      %scan3A_65 = arith.constant 0 : i32
      %mul3A_66 = arith.constant 2 : i32
      %mul3A_67 = arith.muli %mul3A_66, %scan3A_65 : i32
      %add3A_68 = arith.constant 1 : i32
      %add3A_69 = arith.addi %mul3A_67, %add3A_68 : i32
      %dma_start3A_70 = arith.constant 0 : i32
      %dma_start3A_71 = arith.constant 0 : i32
      %dma_start3A_72 = tpu.memref_slice %arg6[%add3A_69, %dma_start3A_70, %dma_start3A_71] : memref<45x2x128xi32, #tpu.memory_space<vmem>> -> memref<1x1x128xi32, #tpu.memory_space<vmem>>
      %dma_start3A_73 = tpu.memref_squeeze %dma_start3A_72 : memref<1x1x128xi32, #tpu.memory_space<vmem>> -> memref<128xi32, #tpu.memory_space<vmem>>
      %dma_start3A_74 = arith.constant 0 : i32
      %dma_start3A_75 = arith.constant 0 : i32
      %dma_start3A_76 = tpu.memref_slice %arg2[%dma_start3A_74, %dma_start3A_75] : memref<10000x128xf32, #tpu.memory_space<hbm>> -> memref<10000x128xf32, #tpu.memory_space<hbm>>
      tpu.enqueue_indirect_dma source(%dma_start3A_76 : memref<10000x128xf32, #tpu.memory_space<hbm>>) target(%arg8 : memref<128x128xf32, #tpu.memory_space<vmem>>) offsets(%dma_start3A_73 : memref<128xi32, #tpu.memory_space<vmem>>) semaphore(%arg12 : memref<!tpu.dma_semaphore, #tpu.memory_space<semaphore_mem>>)
      %dma_wait3A_77 = arith.constant 0 : i32
      %dma_wait3A_78 = arith.constant 0 : i32
      %dma_wait3A_79 = tpu.memref_slice %arg6[%mul3A_67, %dma_wait3A_77, %dma_wait3A_78] : memref<45x2x128xi32, #tpu.memory_space<vmem>> -> memref<1x1x128xi32, #tpu.memory_space<vmem>>
      %dma_wait3A_80 = tpu.memref_squeeze %dma_wait3A_79 : memref<1x1x128xi32, #tpu.memory_space<vmem>> -> memref<128xi32, #tpu.memory_space<vmem>>
      %dma_wait3A_81 = arith.constant 0 : i32
      %dma_wait3A_82 = arith.constant 0 : i32
      %dma_wait3A_83 = tpu.memref_slice %arg2[%dma_wait3A_81, %dma_wait3A_82] : memref<10000x128xf32, #tpu.memory_space<hbm>> -> memref<10000x128xf32, #tpu.memory_space<hbm>>
      tpu.wait_indirect_dma semaphore(%arg11 : memref<!tpu.dma_semaphore, #tpu.memory_space<semaphore_mem>>) src(%dma_wait3A_83 : memref<10000x128xf32, #tpu.memory_space<hbm>>) dst(%arg7 : memref<128x128xf32, #tpu.memory_space<vmem>>)
      %run_scoped3A_84 = arith.constant 1 : i32
      "tpu.region"() ({
        %run_scoped3A_135 = tpu.sem_alloc : memref<!tpu.dma_semaphore, #tpu.memory_space<semaphore_mem>>
        %dma_start3A_136 = arith.constant 0 : i32
        %dma_start3A_137 = tpu.memref_slice %arg6[%mul3A_67, %run_scoped3A_84, %dma_start3A_136] : memref<45x2x128xi32, #tpu.memory_space<vmem>> -> memref<1x1x128xi32, #tpu.memory_space<vmem>>
        %dma_start3A_138 = tpu.memref_squeeze %dma_start3A_137 : memref<1x1x128xi32, #tpu.memory_space<vmem>> -> memref<128xi32, #tpu.memory_space<vmem>>
        %dma_start3A_139 = arith.constant 0 : i32
        %dma_start3A_140 = arith.constant 0 : i32
        %dma_start3A_141 = tpu.memref_slice %arg10[%dma_start3A_139, %dma_start3A_140] : memref<10008x128xf32, #tpu.memory_space<vmem_shared>> -> memref<10008x128xf32, #tpu.memory_space<vmem_shared>>
        tpu.enqueue_indirect_dma source(%arg7 : memref<128x128xf32, #tpu.memory_space<vmem>>) target(%dma_start3A_141 : memref<10008x128xf32, #tpu.memory_space<vmem_shared>>) offsets(%dma_start3A_138 : memref<128xi32, #tpu.memory_space<vmem>>) semaphore(%run_scoped3A_135 : memref<!tpu.dma_semaphore, #tpu.memory_space<semaphore_mem>>) {add = true}
        %dma_wait3A_142 = arith.constant 0 : i32
        %dma_wait3A_143 = tpu.memref_slice %arg6[%mul3A_67, %run_scoped3A_84, %dma_wait3A_142] : memref<45x2x128xi32, #tpu.memory_space<vmem>> -> memref<1x1x128xi32, #tpu.memory_space<vmem>>
        %dma_wait3A_144 = tpu.memref_squeeze %dma_wait3A_143 : memref<1x1x128xi32, #tpu.memory_space<vmem>> -> memref<128xi32, #tpu.memory_space<vmem>>
        %dma_wait3A_145 = arith.constant 0 : i32
        %dma_wait3A_146 = arith.constant 0 : i32
        %dma_wait3A_147 = tpu.memref_slice %arg10[%dma_wait3A_145, %dma_wait3A_146] : memref<10008x128xf32, #tpu.memory_space<vmem_shared>> -> memref<10008x128xf32, #tpu.memory_space<vmem_shared>>
        tpu.wait_indirect_dma semaphore(%run_scoped3A_135 : memref<!tpu.dma_semaphore, #tpu.memory_space<semaphore_mem>>) src(%arg7 : memref<128x128xf32, #tpu.memory_space<vmem>>) dst(%dma_wait3A_147 : memref<10008x128xf32, #tpu.memory_space<vmem_shared>>)
        tpu.yield
      }) : () -> ()
      %add3A_85 = arith.constant 2 : i32
      %add3A_86 = arith.addi %mul3A_67, %add3A_85 : i32
      %dma_start3A_87 = arith.constant 0 : i32
      %dma_start3A_88 = arith.constant 0 : i32
      %dma_start3A_89 = tpu.memref_slice %arg6[%add3A_86, %dma_start3A_87, %dma_start3A_88] : memref<45x2x128xi32, #tpu.memory_space<vmem>> -> memref<1x1x128xi32, #tpu.memory_space<vmem>>
      %dma_start3A_90 = tpu.memref_squeeze %dma_start3A_89 : memref<1x1x128xi32, #tpu.memory_space<vmem>> -> memref<128xi32, #tpu.memory_space<vmem>>
      %dma_start3A_91 = arith.constant 0 : i32
      %dma_start3A_92 = arith.constant 0 : i32
      %dma_start3A_93 = tpu.memref_slice %arg2[%dma_start3A_91, %dma_start3A_92] : memref<10000x128xf32, #tpu.memory_space<hbm>> -> memref<10000x128xf32, #tpu.memory_space<hbm>>
      tpu.enqueue_indirect_dma source(%dma_start3A_93 : memref<10000x128xf32, #tpu.memory_space<hbm>>) target(%arg7 : memref<128x128xf32, #tpu.memory_space<vmem>>) offsets(%dma_start3A_90 : memref<128xi32, #tpu.memory_space<vmem>>) semaphore(%arg11 : memref<!tpu.dma_semaphore, #tpu.memory_space<semaphore_mem>>)
      %add3A_94 = arith.constant 1 : i32
      %add3A_95 = arith.addi %mul3A_67, %add3A_94 : i32
      %dma_wait3A_96 = arith.constant 0 : i32
      %dma_wait3A_97 = arith.constant 0 : i32
      %dma_wait3A_98 = tpu.memref_slice %arg6[%add3A_95, %dma_wait3A_96, %dma_wait3A_97] : memref<45x2x128xi32, #tpu.memory_space<vmem>> -> memref<1x1x128xi32, #tpu.memory_space<vmem>>
      %dma_wait3A_99 = tpu.memref_squeeze %dma_wait3A_98 : memref<1x1x128xi32, #tpu.memory_space<vmem>> -> memref<128xi32, #tpu.memory_space<vmem>>
      %dma_wait3A_100 = arith.constant 0 : i32
      %dma_wait3A_101 = arith.constant 0 : i32
      %dma_wait3A_102 = tpu.memref_slice %arg2[%dma_wait3A_100, %dma_wait3A_101] : memref<10000x128xf32, #tpu.memory_space<hbm>> -> memref<10000x128xf32, #tpu.memory_space<hbm>>
      tpu.wait_indirect_dma semaphore(%arg12 : memref<!tpu.dma_semaphore, #tpu.memory_space<semaphore_mem>>) src(%dma_wait3A_102 : memref<10000x128xf32, #tpu.memory_space<hbm>>) dst(%arg8 : memref<128x128xf32, #tpu.memory_space<vmem>>)
      %add3A_103 = arith.constant 1 : i32
      %add3A_104 = arith.addi %mul3A_67, %add3A_103 : i32
      %run_scoped3A_105 = arith.constant 1 : i32
      "tpu.region"() ({
        %run_scoped3A_135 = tpu.sem_alloc : memref<!tpu.dma_semaphore, #tpu.memory_space<semaphore_mem>>
        %dma_start3A_136 = arith.constant 0 : i32
        %dma_start3A_137 = tpu.memref_slice %arg6[%add3A_104, %run_scoped3A_105, %dma_start3A_136] : memref<45x2x128xi32, #tpu.memory_space<vmem>> -> memref<1x1x128xi32, #tpu.memory_space<vmem>>
        %dma_start3A_138 = tpu.memref_squeeze %dma_start3A_137 : memref<1x1x128xi32, #tpu.memory_space<vmem>> -> memref<128xi32, #tpu.memory_space<vmem>>
        %dma_start3A_139 = arith.constant 0 : i32
        %dma_start3A_140 = arith.constant 0 : i32
        %dma_start3A_141 = tpu.memref_slice %arg10[%dma_start3A_139, %dma_start3A_140] : memref<10008x128xf32, #tpu.memory_space<vmem_shared>> -> memref<10008x128xf32, #tpu.memory_space<vmem_shared>>
        tpu.enqueue_indirect_dma source(%arg8 : memref<128x128xf32, #tpu.memory_space<vmem>>) target(%dma_start3A_141 : memref<10008x128xf32, #tpu.memory_space<vmem_shared>>) offsets(%dma_start3A_138 : memref<128xi32, #tpu.memory_space<vmem>>) semaphore(%run_scoped3A_135 : memref<!tpu.dma_semaphore, #tpu.memory_space<semaphore_mem>>) {add = true}
        %dma_wait3A_142 = arith.constant 0 : i32
        %dma_wait3A_143 = tpu.memref_slice %arg6[%add3A_104, %run_scoped3A_105, %dma_wait3A_142] : memref<45x2x128xi32, #tpu.memory_space<vmem>> -> memref<1x1x128xi32, #tpu.memory_space<vmem>>
        %dma_wait3A_144 = tpu.memref_squeeze %dma_wait3A_143 : memref<1x1x128xi32, #tpu.memory_space<vmem>> -> memref<128xi32, #tpu.memory_space<vmem>>
        %dma_wait3A_145 = arith.constant 0 : i32
        %dma_wait3A_146 = arith.constant 0 : i32
        %dma_wait3A_147 = tpu.memref_slice %arg10[%dma_wait3A_145, %dma_wait3A_146] : memref<10008x128xf32, #tpu.memory_space<vmem_shared>> -> memref<10008x128xf32, #tpu.memory_space<vmem_shared>>
        tpu.wait_indirect_dma semaphore(%run_scoped3A_135 : memref<!tpu.dma_semaphore, #tpu.memory_space<semaphore_mem>>) src(%arg8 : memref<128x128xf32, #tpu.memory_space<vmem>>) dst(%dma_wait3A_147 : memref<10008x128xf32, #tpu.memory_space<vmem_shared>>)
        tpu.yield
      }) : () -> ()
      %scan3A_106 = arith.constant 1 : i32
      %dma_start3A_107 = arith.constant 3 : i32
      %dma_start3A_108 = arith.constant 0 : i32
      %dma_start3A_109 = arith.constant 0 : i32
      %dma_start3A_110 = tpu.memref_slice %arg6[%dma_start3A_107, %dma_start3A_108, %dma_start3A_109] : memref<45x2x128xi32, #tpu.memory_space<vmem>> -> memref<1x1x128xi32, #tpu.memory_space<vmem>>
      %dma_start3A_111 = tpu.memref_squeeze %dma_start3A_110 : memref<1x1x128xi32, #tpu.memory_space<vmem>> -> memref<128xi32, #tpu.memory_space<vmem>>
      %dma_start3A_112 = arith.constant 0 : i32
      %dma_start3A_113 = arith.constant 0 : i32
      %dma_start3A_114 = tpu.memref_slice %arg2[%dma_start3A_112, %dma_start3A_113] : memref<10000x128xf32, #tpu.memory_space<hbm>> -> memref<10000x128xf32, #tpu.memory_space<hbm>>
      tpu.enqueue_indirect_dma source(%dma_start3A_114 : memref<10000x128xf32, #tpu.memory_space<hbm>>) target(%arg8 : memref<128x128xf32, #tpu.memory_space<vmem>>) offsets(%dma_start3A_111 : memref<128xi32, #tpu.memory_space<vmem>>) semaphore(%arg12 : memref<!tpu.dma_semaphore, #tpu.memory_space<semaphore_mem>>)
      %dma_wait3A_115 = arith.constant 2 : i32
      %dma_wait3A_116 = arith.constant 0 : i32
      %dma_wait3A_117 = arith.constant 0 : i32
      %dma_wait3A_118 = tpu.memref_slice %arg6[%dma_wait3A_115, %dma_wait3A_116, %dma_wait3A_117] : memref<45x2x128xi32, #tpu.memory_space<vmem>> -> memref<1x1x128xi32, #tpu.memory_space<vmem>>
      %dma_wait3A_119 = tpu.memref_squeeze %dma_wait3A_118 : memref<1x1x128xi32, #tpu.memory_space<vmem>> -> memref<128xi32, #tpu.memory_space<vmem>>
      %dma_wait3A_120 = arith.constant 0 : i32
      %dma_wait3A_121 = arith.constant 0 : i32
      %dma_wait3A_122 = tpu.memref_slice %arg2[%dma_wait3A_120, %dma_wait3A_121] : memref<10000x128xf32, #tpu.memory_space<hbm>> -> memref<10000x128xf32, #tpu.memory_space<hbm>>
      tpu.wait_indirect_dma semaphore(%arg11 : memref<!tpu.dma_semaphore, #tpu.memory_space<semaphore_mem>>) src(%dma_wait3A_122 : memref<10000x128xf32, #tpu.memory_space<hbm>>) dst(%arg7 : memref<128x128xf32, #tpu.memory_space<vmem>>)
      %run_scoped3A_123 = arith.constant 2 : i32
      %run_scoped3A_124 = arith.constant 1 : i32
      "tpu.region"() ({
        %run_scoped3A_135 = tpu.sem_alloc : memref<!tpu.dma_semaphore, #tpu.memory_space<semaphore_mem>>
        %dma_start3A_136 = arith.constant 0 : i32
        %dma_start3A_137 = tpu.memref_slice %arg6[%run_scoped3A_123, %run_scoped3A_124, %dma_start3A_136] : memref<45x2x128xi32, #tpu.memory_space<vmem>> -> memref<1x1x128xi32, #tpu.memory_space<vmem>>
        %dma_start3A_138 = tpu.memref_squeeze %dma_start3A_137 : memref<1x1x128xi32, #tpu.memory_space<vmem>> -> memref<128xi32, #tpu.memory_space<vmem>>
        %dma_start3A_139 = arith.constant 0 : i32
        %dma_start3A_140 = arith.constant 0 : i32
        %dma_start3A_141 = tpu.memref_slice %arg10[%dma_start3A_139, %dma_start3A_140] : memref<10008x128xf32, #tpu.memory_space<vmem_shared>> -> memref<10008x128xf32, #tpu.memory_space<vmem_shared>>
        tpu.enqueue_indirect_dma source(%arg7 : memref<128x128xf32, #tpu.memory_space<vmem>>) target(%dma_start3A_141 : memref<10008x128xf32, #tpu.memory_space<vmem_shared>>) offsets(%dma_start3A_138 : memref<128xi32, #tpu.memory_space<vmem>>) semaphore(%run_scoped3A_135 : memref<!tpu.dma_semaphore, #tpu.memory_space<semaphore_mem>>) {add = true}
        %dma_wait3A_142 = arith.constant 0 : i32
        %dma_wait3A_143 = tpu.memref_slice %arg6[%run_scoped3A_123, %run_scoped3A_124, %dma_wait3A_142] : memref<45x2x128xi32, #tpu.memory_space<vmem>> -> memref<1x1x128xi32, #tpu.memory_space<vmem>>
        %dma_wait3A_144 = tpu.memref_squeeze %dma_wait3A_143 : memref<1x1x128xi32, #tpu.memory_space<vmem>> -> memref<128xi32, #tpu.memory_space<vmem>>
        %dma_wait3A_145 = arith.constant 0 : i32
        %dma_wait3A_146 = arith.constant 0 : i32
        %dma_wait3A_147 = tpu.memref_slice %arg10[%dma_wait3A_145, %dma_wait3A_146] : memref<10008x128xf32, #tpu.memory_space<vmem_shared>> -> memref<10008x128xf32, #tpu.memory_space<vmem_shared>>
        tpu.wait_indirect_dma semaphore(%run_scoped3A_135 : memref<!tpu.dma_semaphore, #tpu.memory_space<semaphore_mem>>) src(%arg7 : memref<128x128xf32, #tpu.memory_space<vmem>>) dst(%dma_wait3A_147 : memref<10008x128xf32, #tpu.memory_space<vmem_shared>>)
        tpu.yield
      }) : () -> ()
      %dma_wait3A_125 = arith.constant 3 : i32
      %dma_wait3A_126 = arith.constant 0 : i32
      %dma_wait3A_127 = arith.constant 0 : i32
      %dma_wait3A_128 = tpu.memref_slice %arg6[%dma_wait3A_125, %dma_wait3A_126, %dma_wait3A_127] : memref<45x2x128xi32, #tpu.memory_space<vmem>> -> memref<1x1x128xi32, #tpu.memory_space<vmem>>
      %dma_wait3A_129 = tpu.memref_squeeze %dma_wait3A_128 : memref<1x1x128xi32, #tpu.memory_space<vmem>> -> memref<128xi32, #tpu.memory_space<vmem>>
      %dma_wait3A_130 = arith.constant 0 : i32
      %dma_wait3A_131 = arith.constant 0 : i32
      %dma_wait3A_132 = tpu.memref_slice %arg2[%dma_wait3A_130, %dma_wait3A_131] : memref<10000x128xf32, #tpu.memory_space<hbm>> -> memref<10000x128xf32, #tpu.memory_space<hbm>>
      tpu.wait_indirect_dma semaphore(%arg12 : memref<!tpu.dma_semaphore, #tpu.memory_space<semaphore_mem>>) src(%dma_wait3A_132 : memref<10000x128xf32, #tpu.memory_space<hbm>>) dst(%arg8 : memref<128x128xf32, #tpu.memory_space<vmem>>)
      %run_scoped3A_133 = arith.constant 3 : i32
      %run_scoped3A_134 = arith.constant 1 : i32
      "tpu.region"() ({
        %run_scoped3A_135 = tpu.sem_alloc : memref<!tpu.dma_semaphore, #tpu.memory_space<semaphore_mem>>
        %dma_start3A_136 = arith.constant 0 : i32
        %dma_start3A_137 = tpu.memref_slice %arg6[%run_scoped3A_133, %run_scoped3A_134, %dma_start3A_136] : memref<45x2x128xi32, #tpu.memory_space<vmem>> -> memref<1x1x128xi32, #tpu.memory_space<vmem>>
        %dma_start3A_138 = tpu.memref_squeeze %dma_start3A_137 : memref<1x1x128xi32, #tpu.memory_space<vmem>> -> memref<128xi32, #tpu.memory_space<vmem>>
        %dma_start3A_139 = arith.constant 0 : i32
        %dma_start3A_140 = arith.constant 0 : i32
        %dma_start3A_141 = tpu.memref_slice %arg10[%dma_start3A_139, %dma_start3A_140] : memref<10008x128xf32, #tpu.memory_space<vmem_shared>> -> memref<10008x128xf32, #tpu.memory_space<vmem_shared>>
        tpu.enqueue_indirect_dma source(%arg8 : memref<128x128xf32, #tpu.memory_space<vmem>>) target(%dma_start3A_141 : memref<10008x128xf32, #tpu.memory_space<vmem_shared>>) offsets(%dma_start3A_138 : memref<128xi32, #tpu.memory_space<vmem>>) semaphore(%run_scoped3A_135 : memref<!tpu.dma_semaphore, #tpu.memory_space<semaphore_mem>>) {add = true}
        %dma_wait3A_142 = arith.constant 0 : i32
        %dma_wait3A_143 = tpu.memref_slice %arg6[%run_scoped3A_133, %run_scoped3A_134, %dma_wait3A_142] : memref<45x2x128xi32, #tpu.memory_space<vmem>> -> memref<1x1x128xi32, #tpu.memory_space<vmem>>
        %dma_wait3A_144 = tpu.memref_squeeze %dma_wait3A_143 : memref<1x1x128xi32, #tpu.memory_space<vmem>> -> memref<128xi32, #tpu.memory_space<vmem>>
        %dma_wait3A_145 = arith.constant 0 : i32
        %dma_wait3A_146 = arith.constant 0 : i32
        %dma_wait3A_147 = tpu.memref_slice %arg10[%dma_wait3A_145, %dma_wait3A_146] : memref<10008x128xf32, #tpu.memory_space<vmem_shared>> -> memref<10008x128xf32, #tpu.memory_space<vmem_shared>>
        tpu.wait_indirect_dma semaphore(%run_scoped3A_135 : memref<!tpu.dma_semaphore, #tpu.memory_space<semaphore_mem>>) src(%arg8 : memref<128x128xf32, #tpu.memory_space<vmem>>) dst(%dma_wait3A_147 : memref<10008x128xf32, #tpu.memory_space<vmem_shared>>)
        tpu.yield
      }) : () -> ()
    } else {
    }
    %barrier3A_25 = arith.constant 0 : index
    tpu.barrier barrier_id(%barrier3A_25)
    %mul3A_26 = arith.constant 624 : i32
    %mul3A_27 = arith.muli %arg1, %mul3A_26 : i32
    %mul3A_28 = arith.constant 624 : i32
    %mul3A_29 = arith.muli %arg1, %mul3A_28 : i32
    "tpu.region"() ({
      %run_scoped3A = tpu.sem_alloc : memref<!tpu.dma_semaphore, #tpu.memory_space<semaphore_mem>>
      %dma_start3A = arith.constant 0 : i32
      %dma_start3A_35 = tpu.memref_slice %arg5[%arg0, %mul3A_29, %dma_start3A] : memref<2x10000x128xf32, #tpu.memory_space<hbm>> -> memref<1x624x128xf32, #tpu.memory_space<hbm>>
      %dma_start3A_36 = tpu.memref_squeeze %dma_start3A_35 : memref<1x624x128xf32, #tpu.memory_space<hbm>> -> memref<624x128xf32, #tpu.memory_space<hbm>>
      %dma_start3A_37 = arith.constant 0 : i32
      %dma_start3A_38 = tpu.memref_slice %arg10[%mul3A_27, %dma_start3A_37] : memref<10008x128xf32, #tpu.memory_space<vmem_shared>> -> memref<624x128xf32, #tpu.memory_space<vmem_shared>>
      tpu.enqueue_dma source(%dma_start3A_38 : memref<624x128xf32, #tpu.memory_space<vmem_shared>>) target(%dma_start3A_36 : memref<624x128xf32, #tpu.memory_space<hbm>>) target_semaphore(%run_scoped3A : memref<!tpu.dma_semaphore, #tpu.memory_space<semaphore_mem>>)
      %dma_wait3A = arith.constant 0 : i32
      %dma_wait3A_39 = tpu.memref_slice %arg5[%arg0, %mul3A_29, %dma_wait3A] : memref<2x10000x128xf32, #tpu.memory_space<hbm>> -> memref<1x624x128xf32, #tpu.memory_space<hbm>>
      %dma_wait3A_40 = tpu.memref_squeeze %dma_wait3A_39 : memref<1x624x128xf32, #tpu.memory_space<hbm>> -> memref<624x128xf32, #tpu.memory_space<hbm>>
      %dma_wait3A_41 = arith.constant 0 : i32
      %dma_wait3A_42 = tpu.memref_slice %arg10[%mul3A_27, %dma_wait3A_41] : memref<10008x128xf32, #tpu.memory_space<vmem_shared>> -> memref<624x128xf32, #tpu.memory_space<vmem_shared>>
      tpu.wait_dma2 semaphore(%run_scoped3A : memref<!tpu.dma_semaphore, #tpu.memory_space<semaphore_mem>>) src(%dma_wait3A_42 : memref<624x128xf32, #tpu.memory_space<vmem_shared>>) dst(%dma_wait3A_40 : memref<624x128xf32, #tpu.memory_space<hbm>>)
      tpu.yield
    }) : () -> ()
    %eq3A_30 = arith.constant 0 : i32
    %eq3A_31 = arith.cmpi eq, %arg1, %eq3A_30 : i32
    %convert_element_type3A_32 = arith.extui %eq3A_31 : i1 to i32
    %cond3A_33 = arith.constant 0 : i32
    %cond3A_34 = arith.cmpi ne, %convert_element_type3A_32, %cond3A_33 : i32
    scf.if %cond3A_34 {
      "tpu.region"() ({
        %run_scoped3A = tpu.sem_alloc : memref<!tpu.dma_semaphore, #tpu.memory_space<semaphore_mem>>
        %dma_start3A = arith.constant 9984 : i32
        %dma_start3A_35 = arith.constant 0 : i32
        %dma_start3A_36 = tpu.memref_slice %arg5[%arg0, %dma_start3A, %dma_start3A_35] : memref<2x10000x128xf32, #tpu.memory_space<hbm>> -> memref<1x16x128xf32, #tpu.memory_space<hbm>>
        %dma_start3A_37 = tpu.memref_squeeze %dma_start3A_36 : memref<1x16x128xf32, #tpu.memory_space<hbm>> -> memref<16x128xf32, #tpu.memory_space<hbm>>
        %dma_start3A_38 = arith.constant 9984 : i32
        %dma_start3A_39 = arith.constant 0 : i32
        %dma_start3A_40 = tpu.memref_slice %arg10[%dma_start3A_38, %dma_start3A_39] : memref<10008x128xf32, #tpu.memory_space<vmem_shared>> -> memref<16x128xf32, #tpu.memory_space<vmem_shared>>
        tpu.enqueue_dma source(%dma_start3A_40 : memref<16x128xf32, #tpu.memory_space<vmem_shared>>) target(%dma_start3A_37 : memref<16x128xf32, #tpu.memory_space<hbm>>) target_semaphore(%run_scoped3A : memref<!tpu.dma_semaphore, #tpu.memory_space<semaphore_mem>>)
        %dma_wait3A = arith.constant 9984 : i32
        %dma_wait3A_41 = arith.constant 0 : i32
        %dma_wait3A_42 = tpu.memref_slice %arg5[%arg0, %dma_wait3A, %dma_wait3A_41] : memref<2x10000x128xf32, #tpu.memory_space<hbm>> -> memref<1x16x128xf32, #tpu.memory_space<hbm>>
        %dma_wait3A_43 = tpu.memref_squeeze %dma_wait3A_42 : memref<1x16x128xf32, #tpu.memory_space<hbm>> -> memref<16x128xf32, #tpu.memory_space<hbm>>
        %dma_wait3A_44 = arith.constant 9984 : i32
        %dma_wait3A_45 = arith.constant 0 : i32
        %dma_wait3A_46 = tpu.memref_slice %arg10[%dma_wait3A_44, %dma_wait3A_45] : memref<10008x128xf32, #tpu.memory_space<vmem_shared>> -> memref<16x128xf32, #tpu.memory_space<vmem_shared>>
        tpu.wait_dma2 semaphore(%run_scoped3A : memref<!tpu.dma_semaphore, #tpu.memory_space<semaphore_mem>>) src(%dma_wait3A_46 : memref<16x128xf32, #tpu.memory_space<vmem_shared>>) dst(%dma_wait3A_43 : memref<16x128xf32, #tpu.memory_space<hbm>>)
        tpu.yield
      }) : () -> ()
    } else {
    }
    return
  }
}

module attributes {stable_mosaic.version = 14 : i64} {
  func.func @body(%arg0: memref<10000x128xf32, #tpu.memory_space<vmem>>, %arg1: memref<2x10000x128xf32, #tpu.memory_space<vmem>>, %arg2: memref<128x128xf32, #tpu.memory_space<vmem>>, %arg3: memref<1x128xf32, #tpu.memory_space<vmem>>, %arg4: memref<128x128xf32, #tpu.memory_space<vmem>>, %arg5: memref<1x128xf32, #tpu.memory_space<vmem>>, %arg6: memref<1x128xf32, #tpu.memory_space<vmem>>, %arg7: memref<1x128xf32, #tpu.memory_space<vmem>>, %arg8: memref<10000x128xf32, #tpu.memory_space<vmem>>) attributes {dimension_semantics = [], scalar_prefetch = 0 : i64, scratch_operands = 0 : i64, tpu.core_type = #tpu.core_type<tc>} {
    %get3A = arith.constant 0 : index
    %get3A_0 = arith.constant 0 : index
    %get3A_1 = vector.load %arg0[%get3A, %get3A_0] : memref<10000x128xf32, #tpu.memory_space<vmem>>, vector<10000x128xf32>
    %get3A_2 = arith.constant 0 : index
    %get3A_3 = arith.constant 0 : index
    %get3A_4 = arith.constant 0 : index
    %get3A_5 = vector.load %arg1[%get3A_2, %get3A_3, %get3A_4] : memref<2x10000x128xf32, #tpu.memory_space<vmem>>, vector<1x10000x128xf32>
    %get3A_6 = vector.shape_cast %get3A_5 : vector<1x10000x128xf32> to vector<10000x128xf32>
    %add3A = arith.addf %get3A_1, %get3A_6 : vector<10000x128xf32>
    %get3A_7 = arith.constant 1 : index
    %get3A_8 = arith.constant 0 : index
    %get3A_9 = arith.constant 0 : index
    %get3A_10 = vector.load %arg1[%get3A_7, %get3A_8, %get3A_9] : memref<2x10000x128xf32, #tpu.memory_space<vmem>>, vector<1x10000x128xf32>
    %get3A_11 = vector.shape_cast %get3A_10 : vector<1x10000x128xf32> to vector<10000x128xf32>
    %add3A_12 = arith.addf %add3A, %get3A_11 : vector<10000x128xf32>
    %get3A_13 = arith.constant 0 : index
    %get3A_14 = arith.constant 0 : index
    %get3A_15 = vector.load %arg2[%get3A_13, %get3A_14] : memref<128x128xf32, #tpu.memory_space<vmem>>, vector<128x128xf32>
    %dot_general3A = arith.constant dense<0.000000e+00> : vector<10000x128xf32>
    %dot_general3A_16 = tpu.matmul %add3A_12, %get3A_15, %dot_general3A {dimension_numbers = #tpu.dot_dimension_numbers<[1], [0], [0], [1], [0, 0, 1, 1], [], []>, transpose_lhs_hint = false} : vector<10000x128xf32>, vector<128x128xf32>, vector<10000x128xf32> -> vector<10000x128xf32>
    %get3A_17 = arith.constant 0 : index
    %get3A_18 = arith.constant 0 : index
    %get3A_19 = vector.load %arg3[%get3A_17, %get3A_18] : memref<1x128xf32, #tpu.memory_space<vmem>>, vector<1x128xf32>
    %add3A_20 = vector.broadcast %get3A_19 : vector<1x128xf32> to vector<10000x128xf32>
    %add3A_21 = arith.addf %dot_general3A_16, %add3A_20 : vector<10000x128xf32>
    %max3A = arith.constant 0.000000e+00 : f32
    %max3A_22 = vector.broadcast %max3A : f32 to vector<10000x128xf32>
    %max3A_23 = arith.maximumf %add3A_21, %max3A_22 : vector<10000x128xf32>
    %get3A_24 = arith.constant 0 : index
    %get3A_25 = arith.constant 0 : index
    %get3A_26 = vector.load %arg4[%get3A_24, %get3A_25] : memref<128x128xf32, #tpu.memory_space<vmem>>, vector<128x128xf32>
    %dot_general3A_27 = arith.constant dense<0.000000e+00> : vector<10000x128xf32>
    %dot_general3A_28 = tpu.matmul %max3A_23, %get3A_26, %dot_general3A_27 {dimension_numbers = #tpu.dot_dimension_numbers<[1], [0], [0], [1], [0, 0, 1, 1], [], []>, transpose_lhs_hint = false} : vector<10000x128xf32>, vector<128x128xf32>, vector<10000x128xf32> -> vector<10000x128xf32>
    %get3A_29 = arith.constant 0 : index
    %get3A_30 = arith.constant 0 : index
    %get3A_31 = vector.load %arg5[%get3A_29, %get3A_30] : memref<1x128xf32, #tpu.memory_space<vmem>>, vector<1x128xf32>
    %add3A_32 = vector.broadcast %get3A_31 : vector<1x128xf32> to vector<10000x128xf32>
    %add3A_33 = arith.addf %dot_general3A_28, %add3A_32 : vector<10000x128xf32>
    %reduce_sum3A = arith.constant dense<0.000000e+00> : vector<128xf32>
    %reduce_sum3A_34 = vector.multi_reduction <add>, %add3A_33, %reduce_sum3A [0] : vector<10000x128xf32> to vector<128xf32>
    %broadcast_in_dim3A = vector.shape_cast %reduce_sum3A_34 : vector<128xf32> to vector<1x128xf32>
    %div3A = arith.constant 1.000000e+04 : f32
    %div3A_35 = vector.broadcast %div3A : f32 to vector<1x128xf32>
    %div3A_36 = arith.divf %broadcast_in_dim3A, %div3A_35 : vector<1x128xf32>
    %sub3A = vector.broadcast %div3A_36 : vector<1x128xf32> to vector<10000x128xf32>
    %sub3A_37 = arith.subf %add3A_33, %sub3A : vector<10000x128xf32>
    %mul3A = arith.mulf %sub3A_37, %sub3A_37 : vector<10000x128xf32>
    %reduce_sum3A_38 = arith.constant dense<0.000000e+00> : vector<128xf32>
    %reduce_sum3A_39 = vector.multi_reduction <add>, %mul3A, %reduce_sum3A_38 [0] : vector<10000x128xf32> to vector<128xf32>
    %broadcast_in_dim3A_40 = vector.shape_cast %reduce_sum3A_39 : vector<128xf32> to vector<1x128xf32>
    %div3A_41 = arith.constant 1.000000e+04 : f32
    %div3A_42 = vector.broadcast %div3A_41 : f32 to vector<1x128xf32>
    %div3A_43 = arith.divf %broadcast_in_dim3A_40, %div3A_42 : vector<1x128xf32>
    %get3A_44 = arith.constant 0 : index
    %get3A_45 = arith.constant 0 : index
    %get3A_46 = vector.load %arg6[%get3A_44, %get3A_45] : memref<1x128xf32, #tpu.memory_space<vmem>>, vector<1x128xf32>
    %add3A_47 = arith.constant 9.99999974E-6 : f32
    %add3A_48 = vector.broadcast %add3A_47 : f32 to vector<1x128xf32>
    %add3A_49 = arith.addf %div3A_43, %add3A_48 : vector<1x128xf32>
    %rsqrt3A = math.rsqrt %add3A_49 : vector<1x128xf32>
    %mul3A_50 = arith.mulf %get3A_46, %rsqrt3A : vector<1x128xf32>
    %mul3A_51 = vector.broadcast %mul3A_50 : vector<1x128xf32> to vector<10000x128xf32>
    %mul3A_52 = arith.mulf %sub3A_37, %mul3A_51 : vector<10000x128xf32>
    %get3A_53 = arith.constant 0 : index
    %get3A_54 = arith.constant 0 : index
    %get3A_55 = vector.load %arg7[%get3A_53, %get3A_54] : memref<1x128xf32, #tpu.memory_space<vmem>>, vector<1x128xf32>
    %add3A_56 = vector.broadcast %get3A_55 : vector<1x128xf32> to vector<10000x128xf32>
    %add3A_57 = arith.addf %mul3A_52, %add3A_56 : vector<10000x128xf32>
    %max3A_58 = arith.constant 0.000000e+00 : f32
    %max3A_59 = vector.broadcast %max3A_58 : f32 to vector<10000x128xf32>
    %max3A_60 = arith.maximumf %add3A_57, %max3A_59 : vector<10000x128xf32>
    %swap3A = arith.constant 0 : index
    %swap3A_61 = arith.constant 0 : index
    %swap3A_62 = vector.load %arg8[%swap3A, %swap3A_61] : memref<10000x128xf32, #tpu.memory_space<vmem>>, vector<10000x128xf32>
    tpu.vector_store %arg8[%swap3A, %swap3A_61], %max3A_60 {strides = array<i32>} : memref<10000x128xf32, #tpu.memory_space<vmem>>, vector<10000x128xf32>,
    return
  }
}

module attributes {stable_mosaic.version = 14 : i64} {
  func.func @body(%arg0: memref<10000x128xf32, #tpu.memory_space<vmem>>, %arg1: memref<2x10000x128xf32, #tpu.memory_space<vmem>>, %arg2: memref<128x128xf32, #tpu.memory_space<vmem>>, %arg3: memref<1x128xf32, #tpu.memory_space<vmem>>, %arg4: memref<128x128xf32, #tpu.memory_space<vmem>>, %arg5: memref<1x128xf32, #tpu.memory_space<vmem>>, %arg6: memref<1x128xf32, #tpu.memory_space<vmem>>, %arg7: memref<1x128xf32, #tpu.memory_space<vmem>>, %arg8: memref<10000x1xi32, #tpu.memory_space<vmem>>, %arg9: memref<128x64xf32, #tpu.memory_space<vmem>>, %arg10: memref<1x64xf32, #tpu.memory_space<vmem>>, %arg11: memref<64x64xf32, #tpu.memory_space<vmem>>) attributes {dimension_semantics = [], scalar_prefetch = 0 : i64, scratch_operands = 0 : i64, tpu.core_type = #tpu.core_type<tc>} {
    %get3A = arith.constant 0 : index
    %get3A_0 = arith.constant 0 : index
    %get3A_1 = vector.load %arg0[%get3A, %get3A_0] : memref<10000x128xf32, #tpu.memory_space<vmem>>, vector<10000x128xf32>
    %get3A_2 = arith.constant 0 : index
    %get3A_3 = arith.constant 0 : index
    %get3A_4 = arith.constant 0 : index
    %get3A_5 = vector.load %arg1[%get3A_2, %get3A_3, %get3A_4] : memref<2x10000x128xf32, #tpu.memory_space<vmem>>, vector<1x10000x128xf32>
    %get3A_6 = vector.shape_cast %get3A_5 : vector<1x10000x128xf32> to vector<10000x128xf32>
    %add3A = arith.addf %get3A_1, %get3A_6 : vector<10000x128xf32>
    %get3A_7 = arith.constant 1 : index
    %get3A_8 = arith.constant 0 : index
    %get3A_9 = arith.constant 0 : index
    %get3A_10 = vector.load %arg1[%get3A_7, %get3A_8, %get3A_9] : memref<2x10000x128xf32, #tpu.memory_space<vmem>>, vector<1x10000x128xf32>
    %get3A_11 = vector.shape_cast %get3A_10 : vector<1x10000x128xf32> to vector<10000x128xf32>
    %add3A_12 = arith.addf %add3A, %get3A_11 : vector<10000x128xf32>
    %get3A_13 = arith.constant 0 : index
    %get3A_14 = arith.constant 0 : index
    %get3A_15 = vector.load %arg2[%get3A_13, %get3A_14] : memref<128x128xf32, #tpu.memory_space<vmem>>, vector<128x128xf32>
    %dot_general3A = arith.constant dense<0.000000e+00> : vector<10000x128xf32>
    %dot_general3A_16 = tpu.matmul %add3A_12, %get3A_15, %dot_general3A {dimension_numbers = #tpu.dot_dimension_numbers<[1], [0], [0], [1], [0, 0, 1, 1], [], []>, transpose_lhs_hint = false} : vector<10000x128xf32>, vector<128x128xf32>, vector<10000x128xf32> -> vector<10000x128xf32>
    %get3A_17 = arith.constant 0 : index
    %get3A_18 = arith.constant 0 : index
    %get3A_19 = vector.load %arg3[%get3A_17, %get3A_18] : memref<1x128xf32, #tpu.memory_space<vmem>>, vector<1x128xf32>
    %add3A_20 = vector.broadcast %get3A_19 : vector<1x128xf32> to vector<10000x128xf32>
    %add3A_21 = arith.addf %dot_general3A_16, %add3A_20 : vector<10000x128xf32>
    %max3A = arith.constant 0.000000e+00 : f32
    %max3A_22 = vector.broadcast %max3A : f32 to vector<10000x128xf32>
    %max3A_23 = arith.maximumf %add3A_21, %max3A_22 : vector<10000x128xf32>
    %get3A_24 = arith.constant 0 : index
    %get3A_25 = arith.constant 0 : index
    %get3A_26 = vector.load %arg4[%get3A_24, %get3A_25] : memref<128x128xf32, #tpu.memory_space<vmem>>, vector<128x128xf32>
    %dot_general3A_27 = arith.constant dense<0.000000e+00> : vector<10000x128xf32>
    %dot_general3A_28 = tpu.matmul %max3A_23, %get3A_26, %dot_general3A_27 {dimension_numbers = #tpu.dot_dimension_numbers<[1], [0], [0], [1], [0, 0, 1, 1], [], []>, transpose_lhs_hint = false} : vector<10000x128xf32>, vector<128x128xf32>, vector<10000x128xf32> -> vector<10000x128xf32>
    %get3A_29 = arith.constant 0 : index
    %get3A_30 = arith.constant 0 : index
    %get3A_31 = vector.load %arg5[%get3A_29, %get3A_30] : memref<1x128xf32, #tpu.memory_space<vmem>>, vector<1x128xf32>
    %add3A_32 = vector.broadcast %get3A_31 : vector<1x128xf32> to vector<10000x128xf32>
    %add3A_33 = arith.addf %dot_general3A_28, %add3A_32 : vector<10000x128xf32>
    %reduce_sum3A = arith.constant dense<0.000000e+00> : vector<128xf32>
    %reduce_sum3A_34 = vector.multi_reduction <add>, %add3A_33, %reduce_sum3A [0] : vector<10000x128xf32> to vector<128xf32>
    %broadcast_in_dim3A = vector.shape_cast %reduce_sum3A_34 : vector<128xf32> to vector<1x128xf32>
    %div3A = arith.constant 1.000000e+04 : f32
    %div3A_35 = vector.broadcast %div3A : f32 to vector<1x128xf32>
    %div3A_36 = arith.divf %broadcast_in_dim3A, %div3A_35 : vector<1x128xf32>
    %sub3A = vector.broadcast %div3A_36 : vector<1x128xf32> to vector<10000x128xf32>
    %sub3A_37 = arith.subf %add3A_33, %sub3A : vector<10000x128xf32>
    %mul3A = arith.mulf %sub3A_37, %sub3A_37 : vector<10000x128xf32>
    %reduce_sum3A_38 = arith.constant dense<0.000000e+00> : vector<128xf32>
    %reduce_sum3A_39 = vector.multi_reduction <add>, %mul3A, %reduce_sum3A_38 [0] : vector<10000x128xf32> to vector<128xf32>
    %broadcast_in_dim3A_40 = vector.shape_cast %reduce_sum3A_39 : vector<128xf32> to vector<1x128xf32>
    %div3A_41 = arith.constant 1.000000e+04 : f32
    %div3A_42 = vector.broadcast %div3A_41 : f32 to vector<1x128xf32>
    %div3A_43 = arith.divf %broadcast_in_dim3A_40, %div3A_42 : vector<1x128xf32>
    %get3A_44 = arith.constant 0 : index
    %get3A_45 = arith.constant 0 : index
    %get3A_46 = vector.load %arg6[%get3A_44, %get3A_45] : memref<1x128xf32, #tpu.memory_space<vmem>>, vector<1x128xf32>
    %add3A_47 = arith.constant 9.99999974E-6 : f32
    %add3A_48 = vector.broadcast %add3A_47 : f32 to vector<1x128xf32>
    %add3A_49 = arith.addf %div3A_43, %add3A_48 : vector<1x128xf32>
    %rsqrt3A = math.rsqrt %add3A_49 : vector<1x128xf32>
    %mul3A_50 = arith.mulf %get3A_46, %rsqrt3A : vector<1x128xf32>
    %mul3A_51 = vector.broadcast %mul3A_50 : vector<1x128xf32> to vector<10000x128xf32>
    %mul3A_52 = arith.mulf %sub3A_37, %mul3A_51 : vector<10000x128xf32>
    %get3A_53 = arith.constant 0 : index
    %get3A_54 = arith.constant 0 : index
    %get3A_55 = vector.load %arg7[%get3A_53, %get3A_54] : memref<1x128xf32, #tpu.memory_space<vmem>>, vector<1x128xf32>
    %add3A_56 = vector.broadcast %get3A_55 : vector<1x128xf32> to vector<10000x128xf32>
    %add3A_57 = arith.addf %mul3A_52, %add3A_56 : vector<10000x128xf32>
    %max3A_58 = arith.constant 0.000000e+00 : f32
    %max3A_59 = vector.broadcast %max3A_58 : f32 to vector<10000x128xf32>
    %max3A_60 = arith.maximumf %add3A_57, %max3A_59 : vector<10000x128xf32>
    %get3A_61 = arith.constant 0 : index
    %get3A_62 = arith.constant 0 : index
    %get3A_63 = vector.load %arg8[%get3A_61, %get3A_62] : memref<10000x1xi32, #tpu.memory_space<vmem>>, vector<10000x1xi32>
    %iota3A = tpu.iota {dimensions = array<i32: 1>} : vector<1x64xi32>
    %eq3A = vector.broadcast %get3A_63 : vector<10000x1xi32> to vector<10000x64xi32>
    %eq3A_64 = vector.broadcast %iota3A : vector<1x64xi32> to vector<10000x64xi32>
    %eq3A_65 = arith.cmpi eq, %eq3A, %eq3A_64 : vector<10000x64xi32>
    %convert_element_type3A = arith.extui %eq3A_65 : vector<10000x64xi1> to vector<10000x64xi32>
    %convert_element_type3A_66 = arith.sitofp %convert_element_type3A : vector<10000x64xi32> to vector<10000x64xf32>
    %dot_general3A_67 = arith.constant dense<0.000000e+00> : vector<64x128xf32>
    %dot_general3A_68 = tpu.matmul %convert_element_type3A_66, %max3A_60, %dot_general3A_67 {dimension_numbers = #tpu.dot_dimension_numbers<[0], [0], [1], [1], [0, 1, 1, 1], [], []>, transpose_lhs_hint = false} : vector<10000x64xf32>, vector<10000x128xf32>, vector<64x128xf32> -> vector<64x128xf32>
    %reduce_sum3A_69 = arith.constant dense<0.000000e+00> : vector<64xf32>
    %reduce_sum3A_70 = vector.multi_reduction <add>, %convert_element_type3A_66, %reduce_sum3A_69 [0] : vector<10000x64xf32> to vector<64xf32>
    %broadcast_in_dim3A_71 = vector.shape_cast %reduce_sum3A_70 : vector<64xf32> to vector<1x64xf32>
    %max3A_72 = arith.constant 1.000000e+00 : f32
    %max3A_73 = vector.broadcast %max3A_72 : f32 to vector<1x64xf32>
    %max3A_74 = arith.maximumf %broadcast_in_dim3A_71, %max3A_73 : vector<1x64xf32>
    %div3A_75 = arith.constant 1.000000e+00 : f32
    %div3A_76 = vector.broadcast %div3A_75 : f32 to vector<1x64xf32>
    %div3A_77 = arith.divf %div3A_76, %max3A_74 : vector<1x64xf32>
    %transpose3A = tpu.transpose %div3A_77, [1, 0] : vector<1x64xf32> -> vector<64x1xf32>
    %mul3A_78 = vector.broadcast %transpose3A : vector<64x1xf32> to vector<64x128xf32>
    %mul3A_79 = arith.mulf %dot_general3A_68, %mul3A_78 : vector<64x128xf32>
    %get3A_80 = arith.constant 0 : index
    %get3A_81 = arith.constant 0 : index
    %get3A_82 = vector.load %arg9[%get3A_80, %get3A_81] : memref<128x64xf32, #tpu.memory_space<vmem>>, vector<128x64xf32>
    %dot_general3A_83 = arith.constant dense<0.000000e+00> : vector<64x64xf32>
    %dot_general3A_84 = tpu.matmul %mul3A_79, %get3A_82, %dot_general3A_83 {dimension_numbers = #tpu.dot_dimension_numbers<[1], [0], [0], [1], [0, 0, 1, 1], [], []>, transpose_lhs_hint = false} : vector<64x128xf32>, vector<128x64xf32>, vector<64x64xf32> -> vector<64x64xf32>
    %get3A_85 = arith.constant 0 : index
    %get3A_86 = arith.constant 0 : index
    %get3A_87 = vector.load %arg10[%get3A_85, %get3A_86] : memref<1x64xf32, #tpu.memory_space<vmem>>, vector<1x64xf32>
    %add3A_88 = vector.broadcast %get3A_87 : vector<1x64xf32> to vector<64x64xf32>
    %add3A_89 = arith.addf %dot_general3A_84, %add3A_88 : vector<64x64xf32>
    %max3A_90 = arith.constant 0.000000e+00 : f32
    %max3A_91 = vector.broadcast %max3A_90 : f32 to vector<64x64xf32>
    %max3A_92 = arith.maximumf %add3A_89, %max3A_91 : vector<64x64xf32>
    %swap3A = arith.constant 0 : index
    %swap3A_93 = arith.constant 0 : index
    %swap3A_94 = vector.load %arg11[%swap3A, %swap3A_93] : memref<64x64xf32, #tpu.memory_space<vmem>>, vector<64x64xf32>
    tpu.vector_store %arg11[%swap3A, %swap3A_93], %max3A_92 {strides = array<i32>} : memref<64x64xf32, #tpu.memory_space<vmem>>, vector<64x64xf32>,
    return
  }
}

</mosaic_0001>

<sc_bundles>
// kernel: kernel.11.cloned.1.call-start
scs
__scs_entry_jumppad:
0x0: {  	(pc) =	sbr.rel $0x88, $3  }
0x1: {  	(tag) =	ssettag $0x0;
	lr =	simm.s32 $0x1  }
0x2: {  	[smem:$0x3F8A] =	sst lr;
	_ =	strace $0xD0000000  }
0x3: {  	_ = 	snop  }
0x4: {  	_ = 	snop  }
0x5: {  	_ = 	snop  }
0x6: {  	_ = 	snop  }
0x7: {  	_ = 	snop  }
__scs_overlays_trampoline_lowered:
0x8: {  	[smem:$0x3F99] =	sst s0  }
0x9: {  	[smem:$0x3F9A] =	sst s1  }
0xa: {  	[smem:$0x3F9B] =	sst s2  }
0xb: {  	[smem:$0x3F9C] =	sst s3  }
0xc: {  	[smem:$0x3F9D] =	sst s4  }
0xd: {  	[smem:$0x3F9E] =	sst s5  }
0xe: {  	[smem:$0x3F9F] =	sst s6  }
0xf: {  	[smem:$0x3FA0] =	sst s7  }
0x10: {  	[smem:$0x3FA1] =	sst s8  }
0x11: {  	[smem:$0x3FA2] =	sst s9;
	s0 =	simm.s32 @!p0 $0x0  }
0x12: {  	s1 =	sld [smem:$0x3F88];
	s0 =	simm.s32 @p0 $0x1  }
0x13: {  	[smem:$0x3FA3] =	sst s0;
	s0 =	simm.s32 @!p1 $0x0  }
0x14: {  	s2 =	sld [smem:$0x3F87];
	s0 =	simm.s32 @p1 $0x1  }
0x15: {  	[smem:$0x3FA4] =	sst s0;
	s0 =	simm.s32 @!p2 $0x0  }
0x16: {  	s3 =	sld [smem:$0x3FDB];
	s0 =	simm.s32 @p2 $0x1  }
0x17: {  	s4 =	simm.s32 $0x1BF5;
	[smem:$0x3FA6] =	sst s0  }
0x18: {  	s0 =	sld [smem:$0x3F89];
	_ =	swait.ge [sflag:s4], $0x0  }
0x19: {  	s7 =	sld [smem:$0x3F8A]  }
0x1a: {  	s8 =	sadd.s32 $0xFFFFE003, lr  }
0x1b: {  	s9 =	sadd.s32 $0xFFFFFEF7, lr;
	s5 =	simm.s32 $0xFFFFFFFF;
	p2 =	slt.u32 s8, $0xFFFFF086  }
0x1c: {  	p1 =	slt.u32 s9, $0xF7A;
	s5 =	simm.s32 @!p2 $0x0  }
0x1d: {  	s5 =	simm.s32 @p1 $0x1;
	p0 =	seq.s32 s7, s2  }
0x1e: {  	s7 =	smul.u32 @!p0 $0xF7A, s2;
	p2 =	seq.s32 @!p0 s5, $0x0  }
0x1f: {  	s9 =	smul.u32 $0xF7A, s1;
	s8 =	simm.s32 @!p0 $0x1BF5;
	p2 =	por !p2, p0  }
0x20: {  	[sflag:s8] =	ssyncset.s32 @!p0 $0xFFFFF086;
	s6 =	sadd.s32 @!p0 s3, s7;
	s7 =	simm.s32 @!p0 $0x108  }
0x21: {  	s3 =	sadd.s32 s3, s9;
	s6 =	sadd.s32 @!p0 $0x88, s6;
	s7 =	simm.s32 @p2 $0x1082  }
0x22: {  	[simem:s7], [sflag:s8] =	dma.local @!p0 [hbm:s6], $0xF7A  }
0x23: {  	s9 =	sor.u32 $0xD0000000, s2;
	s6 =	simm.s32 $0x108;
	_ =	swait.ge @!p0 [sflag:s8], $0x0  }
0x24: {  	s3 =	sadd.s32 $0x88, s3;
	s6 =	simm.s32 @!p1 $0x1082;
	[sflag:s4] =	ssyncset.s32 $0xFFFFF086  }
0x25: {  	[simem:s6], [sflag:s4] =	dma.local [hbm:s3], $0xF7A  }
0x26: {  	[smem:$0x3F8A] =	sst s1;
	(tag) =	ssettag s2;
	_ =	strace s9  }
0x27: {  	s1 =	sld [smem:$0x3F9A]  }
0x28: {  	s2 =	sld [smem:$0x3F9B]  }
0x29: {  	s4 =	sld [smem:$0x3F9D]  }
0x2a: {  	p0 =	seq.s32 s5, $0x0;
	s5 =	sld [smem:$0x3F9E]  }
0x2b: {  	s6 =	sld [smem:$0x3F9F]  }
0x2c: {  	s7 =	sld [smem:$0x3FA0]  }
0x2d: {  	s3 =	simm.s32 $0x108;
	s8 =	sld [smem:$0x3FA1]  }
0x2e: {  	s3 =	simm.s32 @!p0 $0x1082;
	s9 =	sld [smem:$0x3FA2]  }
0x2f: {  	lr =	sadd.s32 s0, s3;
	s0 =	sld [smem:$0x3F99]  }
0x30: {  	s3 =	sld [smem:$0x3F9C]  }
0x31: {  	[smem:$0x3FA5] =	sst s10  }
0x32: {  	s10 =	sld [smem:$0x3FA3];
	_ =	sdelay $0x3  }
0x33: {  	p0 =	seq.s32 s10, $0x1;
	s10 =	sld [smem:$0x3FA5];
	_ =	sdelay $0x3  }
0x34: {  	[smem:$0x3FA5] =	sst s10  }
0x35: {  	s10 =	sld [smem:$0x3FA4];
	_ =	sdelay $0x3  }
0x36: {  	p1 =	seq.s32 s10, $0x1;
	s10 =	sld [smem:$0x3FA5];
	_ =	sdelay $0x3  }
0x37: {  	[smem:$0x3FA5] =	sst s10  }
0x38: {  	s10 =	sld [smem:$0x3FA6]  }
0x39: {  	_ = 	snop;
	(pc) =	sbr.ind lr, $3  }
0x3a: {  	_ = 	snop  }
0x3b: {  	_ = 	snop  }
0x3c: {  	p2 =	seq.s32 s10, $0x1;
	s10 =	sld [smem:$0x3FA5]  }
0x3d: {  	_ =	shalt  }
0x3e: {  	_ =	shalt  }
0x3f: {  	_ =	shalt  }
0x40: {  	_ =	shalt  }
0x41: {  	_ =	shalt  }
0x42: {  	_ =	shalt  }
0x43: {  	_ =	shalt  }
0x44: {  	_ =	shalt  }
0x45: {  	_ =	shalt  }
0x46: {  	_ =	shalt  }
0x47: {  	_ =	shalt  }
0x48: {  	_ =	shalt  }
0x49: {  	_ =	shalt  }
0x4a: {  	_ =	shalt  }
0x4b: {  	_ =	shalt  }
0x4c: {  	_ =	shalt  }
0x4d: {  	_ =	shalt  }
0x4e: {  	_ =	shalt  }
0x4f: {  	_ =	shalt  }
0x50: {  	_ =	shalt  }
0x51: {  	_ =	shalt  }
0x52: {  	_ =	shalt  }
0x53: {  	_ =	shalt  }
0x54: {  	_ =	shalt  }
0x55: {  	_ =	shalt  }
0x56: {  	_ =	shalt  }
0x57: {  	_ =	shalt  }
0x58: {  	_ =	shalt  }
0x59: {  	_ =	shalt  }
0x5a: {  	_ =	shalt  }
0x5b: {  	_ =	shalt  }
0x5c: {  	_ =	shalt  }
0x5d: {  	_ =	shalt  }
0x5e: {  	_ =	shalt  }
0x5f: {  	_ =	shalt  }
0x60: {  	_ =	shalt  }
0x61: {  	_ =	shalt  }
0x62: {  	_ =	shalt  }
0x63: {  	_ =	shalt  }
0x64: {  	_ =	shalt  }
0x65: {  	_ =	shalt  }
0x66: {  	_ =	shalt  }
0x67: {  	_ =	shalt  }
0x68: {  	_ =	shalt  }
0x69: {  	_ =	shalt  }
0x6a: {  	_ =	shalt  }
0x6b: {  	_ =	shalt  }
0x6c: {  	_ =	shalt  }
0x6d: {  	_ =	shalt  }
0x6e: {  	_ =	shalt  }
0x6f: {  	_ =	shalt  }
0x70: {  	_ =	shalt  }
0x71: {  	_ =	shalt  }
0x72: {  	_ =	shalt  }
0x73: {  	_ =	shalt  }
0x74: {  	_ =	shalt  }
0x75: {  	_ =	shalt  }
0x76: {  	_ =	shalt  }
0x77: {  	_ =	shalt  }
0x78: {  	_ =	shalt  }
0x79: {  	_ =	shalt  }
0x7a: {  	_ =	shalt  }
0x7b: {  	_ =	shalt  }
0x7c: {  	_ =	shalt  }
0x7d: {  	_ =	shalt  }
0x7e: {  	_ =	shalt  }
0x7f: {  	_ =	shalt  }
0x80: {  	_ =	shalt  }
0x81: {  	_ =	shalt  }
0x82: {  	_ =	shalt  }
0x83: {  	_ =	shalt  }
0x84: {  	_ =	shalt  }
0x85: {  	_ =	shalt  }
0x86: {  	_ =	shalt  }
0x87: {  	_ =	shalt  }
.Lfunc_end0:
.L_simem_size_0:
called_computation.1_lowered:
.L_overlay_start_0:
0x88: {  	s2 =	sld [smem:$0x3FD9]  }
0x89: {  	s3 =	sld [smem:$0x3FFE];
	_ =	sdelay $0x1  }
0x8a: {  	s1 =	srdreg.scid  }
0x8b: {  	s0 =	sand.u32 $0x1, s1  }
0x8c: {  	s16 =	sshll.u32 s0, $0xA;
	s2 =	sadd.s32 s3, s2  }
0x8d: {  	s2 =	sadd.s32 s2, s16  }
0x8e: {  	[smem:$0x3FB1] =	sst s2  }
0x8f: {  	_ = 	snop  }
0x90: {  	(tm) =	ssettm $0x1  }
0x91: {  	s17 =	sld [smem:$0x3FFB];
	_ =	sdelay $0x3  }
0x92: {  	_ =	strace s17  }
0x93: {  	s2 =	sld [smem:$0x3FFC];
	_ =	sdelay $0x3  }
0x94: {  	_ =	strace s2  }
0x95: {  	s2 =	sld [smem:$0x3FFD];
	_ =	sdelay $0x3  }
0x96: {  	_ =	strace s2  }
0x97: {  	_ =	strace $0x8FFFFFFF  }
0x98: {  	s18 =	sld [smem:$0x3FDB];
	_ =	sdelay $0x1  }
0x99: {  	s19 =	simm.s32 $_scs_section_size  }
0x9a: {  	s4 =	simm.s32 $_size__tile_overlayer_lowered;
	s5 =	simm.s32 $_tile_overlayer_lowered  }
0x9b: {  	s22 =	simm.s32 $0x1BFF;
	s21 =	sshll.u32 s5, $0x1;
	s2 =	sadd.s32 s19, s18  }
0x9c: {  	s6 =	simm.s32 $0x0;
	s20 =	sshll.u32 s4, $0x1;
	s4 =	sadd.s32 s21, s2  }
0x9d: {  	[timem:s6], [sflag:s22] =	dma.local [hbm:s4], s20  }
0x9e: {  	_ =	swait.ge [sflag:s22], s20  }
0x9f: {  	s3 =	ssub.s32 $0x0, s20;
	[sflag:s22] =	ssyncset.done $0x0  }
0xa0: {  	[sflag:s22] =	ssyncadd.s32 s3;
	_ =	sdelay $0x1  }
0xa1: {  	s23 =	simm.s32 $0x1B8B  }
0xa2: {  	_ =	swait.ge [sflag:s23], $0x1  }
0xa3: {  	[sflag:s23] =	ssyncset.done $0x0  }
0xa4: {  	s25 =	simm.s32 $0x1B8E;
	s24 =	sld [smem:$0x3FFE];
	[sflag:s23] =	ssyncadd.s32 $0xFFFFFFFF  }
0xa5: {  	s26 =	simm.s32 $execute0_lowered;
	[smem:$0x3FD2] =	sst s25  }
0xa6: {  	s4 =	sshll.u32 s26, $0x1;
	_ =	strace $0x80000049;
	[dreg:$0x1] =	wrdreg $0xFFFFFFFF  }
0xa7: {  	s28 =	simm.s32 $_size_execute0_lowered;
	s2 =	sadd.s32 s2, s4;
	[dreg:$0x0] =	wrdreg $0x0  }
0xa8: {  	s4 =	sshll.u32 s28, $0x1;
	[dreg:$0x2] =	wrdreg s2  }
0xa9: {  	[dreg:$0x3] =	wrdreg s4  }
0xaa: {  	[dreg:$0x4] =	wrdreg $0xC0  }
0xab: {  	_ =	task [dreg:s6], $0x5FFFF  }
0xac: {  	[dreg:$0x1] =	wrdreg $0xFFFFFFFF  }
0xad: {  	[dreg:$0x0] =	wrdreg $0x60  }
0xae: {  	[dreg:$0x2] =	wrdreg s24  }
0xaf: {  	[dreg:$0x3] =	wrdreg $0xB5000  }
0xb0: {  	[dreg:$0x4] =	wrdreg $0x9  }
0xb1: {  	_ =	task.clear_ibuf [dreg:s6], $0x5FFFF;
	_ =	strace $0x90000049  }
0xb2: {  	s29 =	simm.s32 $0x9;
	_ =	strace $0x8000004B  }
0xb3: {  	_ =	swait.ge [sflag:s29], $0x1  }
0xb4: {  	[sflag:s29] =	ssyncadd.s32 $0xFFFFFFFF  }
0xb5: {  	_ =	strace $0x9000004B  }
0xb6: {  	_ =	sfence  }
0xb7: {  	s30 =	sld [smem:$0x0];
	_ =	sdelay $0x2  }
0xb8: {  	s31 =	sshll.u32 s1, $0xD;
	s1 =	sshrl.u32 s1, $0x2  }
0xb9: {  	s3 =	sand.u32 $0x4000, s31;
	s1 =	sadd.s32 s1, s30  }
0xba: {  	s0 =	sor.u32 s3, s0;
	s1 =	sshll.u32 s1, $0x11  }
0xbb: {  	s0 =	sor.u32 s1, s0  }
0xbc: {  	s0 =	sadd.s32 $0x8F2B, s0  }
0xbd: {  	[sflag:s0] =	ssyncadd.remote.s32 $0x1  }
0xbe: {  	_ =	sfence.sel $0xFFFF  }
0xbf: {  	[dreg:$0x0] =	wrdreg $0xFFFFFFFF;
	(pc) =	sbr.abs _section_cstart, $3  }
0xc0: {  	[dreg:$0x1] =	wrdreg $0xFFFFFFFF  }
0xc1: {  	_ =	task.clear_ibuf [dreg:s6], $0x2FFFF;
	_ =	strace $0x9FFFFFFF  }
0xc2: {  	(tm) =	ssettm $0x7FFFFFFF  }
0xc3: {  	_ =	shalt  }
tec
execute0_lowered:
.L_overlay_start_1:
0x0: {  	(tag) =	ssettag $0x1  }
0x1: {  	s0 =	rddreg [dreg:$0x0]  }
0x2: {  	s1 =	rddreg [dreg:$0x1]  }
0x3: {  	s2 =	stileid.u32;
	s3 =	simm.s32 $0x0;
	s29 =	srdreg.scid  }
0x4: {  	s16 =	simm.s32 $0x3;
	s17 =	simm.s32 $0x80;
	s18 =	simm.s32 $0x2D00  }
0x5: {  	s19 =	simm.s32 $0x6D00;
	s20 =	simm.s32 $0x1;
	s4 =	smul.u32 $0x6C00, s2  }
0x6: {  	s21 =	simm.s32 $0x2;
	s22 =	simm.s32 $0x2C80;
	s6 =	smul.u32 $0x3100, s2  }
0x7: {  	s23 =	simm.s32 $0x0;
	[smem:$0x7FF] =	sst s3;
	s30 =	smul.u32 $0x4E000, s2  }
0x8: {  	s7 =	sand.u32 $0x1, s29;
	s10 =	smul.u32 $0x13800, s2;
	p1 =	sne.s32 s2, $0x0  }
0x9: {  	_ =	strace $0x8000004A;
	s31 =	ssub.s32 $0x2, s7;
	s12 =	smul.u32 $0x138800, s7  }
0xa: {  	p0 =	seq.s32 s7, $0x1;
	s5 =	sshrl.u32 s4, $0x3;
	s4 =	sadd.s32 $0x18200, s0  }
0xb: {  	s6 =	sshrl.u32 s6, $0x3;
	s8 =	sshrl.u32 s31, $0x1;
	s9 =	sadd.s32 s5, s0  }
0xc: {  	s11 =	sadd.s32 s6, s0;
	s0 =	sadd.s32 $0x3F400, s0;
	s5 =	sshrl.u32 s30, $0x2  }
0xd: {  	s14 =	ssub.s32 s31, s8;
	s6 =	sadd.s32 $0x138000, s1;
	s13 =	sadd.s32 s10, s12  }
.Ltmp0:
0xe: {  	s15 =	sshrl.u32 s12, $0x3;
	s5 =	sadd.s32 s5, s1;
	(pc) =	sbr.rel .LBB2_1-.Ltmp0, $4  }
0xf: {  	s7 =	sadd.s32 $0xAA00, s9;
	s8 =	sadd.s32 $0xAFA0, s9;
	s9 =	sadd.s32 $0xB540, s9  }
0x10: {  	s10 =	sadd.s32 $0x4800, s11;
	s13 =	sshrl.u32 s13, $0x3;
	s11 =	sadd.s32 $0x4DA0, s11  }
0x11: {  	s14 =	smax.u32 s14, $0x1;
	s12 =	sadd.s32 s0, s13;
	s0 =	sadd.s32 s0, s15  }
0x12: {  	v0 =	vimm.f32 $0.0e+00;
	s15 =	simm.s32 $0xAD00;
	s13 =	sadd.s32 $0x27000, s0;
	s0 =	simm.s32 $0xD80  }
.LBB2_10:
0x13: {  	s25 =	sadd.s32 $0x2D00, s24;
	[sflag:s16] =	ssyncadd.s32 $0xFFFFC000  }
0x14: {  	[tilespmem:s19], [sflag:$0x2] =	stream.indirect.gather [hbm4b:s4+s17], $0x80, s25, s17, $0xb8;
	[tilespmem:$0x1EDC0] =	vst v63  }
0x15: {  	_ =	swait.ge [sflag:s20], $0x4000  }
0x16: {  	[sflag:s20] =	ssyncset.done $0x0  }
0x17: {  	s26 =	sadd.s32 $0x2C80, s24;
	[sflag:s20] =	ssyncadd.s32 $0xFFFFC000  }
0x18: {  	[spmem:s1] =	stream.indirect.scatter.add.f32 [tilespmem:s18], [sflag:$0x3], $0x80, s26, s17, $0xb8;
	[tilespmem:$0x1EDC0] =	vst v63  }
0x19: {  	_ =	swait.ge [sflag:s16], $0x4000  }
0x1a: {  	[sflag:s16] =	ssyncset.done $0x0  }
0x1b: {  	s26 =	sadd.s32 $0x2E00, s24;
	[sflag:s16] =	ssyncadd.s32 $0xFFFFC000  }
0x1c: {  	[tilespmem:s18], [sflag:$0x1] =	stream.indirect.gather [hbm4b:s4+s17], $0x80, s26, s17, $0xb8;
	[tilespmem:$0x1EDC0] =	vst v63  }
0x1d: {  	_ =	swait.ge [sflag:s21], $0x4000  }
0x1e: {  	[sflag:s21] =	ssyncset.done $0x0  }
0x1f: {  	s26 =	sadd.s32 $0x2D80, s24;
	[sflag:s21] =	ssyncadd.s32 $0xFFFFC000  }
0x20: {  	[spmem:s1] =	stream.indirect.scatter.add.f32 [tilespmem:s19], [sflag:$0x3], $0x80, s26, s17, $0xb8;
	[tilespmem:$0x1EDC0] =	vst v63  }
0x21: {  	_ =	swait.ge [sflag:s16], $0x4000  }
0x22: {  	[sflag:s16] =	ssyncset.done $0x0  }
0x23: {  	[sflag:s16] =	ssyncadd.s32 $0xFFFFC000  }
0x24: {  	_ =	swait.ge [sflag:s20], $0x4000  }
0x25: {  	[sflag:s20] =	ssyncset.done $0x0  }
0x26: {  	[sflag:s20] =	ssyncadd.s32 $0xFFFFC000  }
0x27: {  	[spmem:s1] =	stream.indirect.scatter.add.f32 [tilespmem:s18], [sflag:$0x3], $0x80, s22, s17, $0xb8;
	[tilespmem:$0x1EDC0] =	vst v63  }
0x28: {  	_ =	swait.ge [sflag:s16], $0x4000  }
0x29: {  	[sflag:s16] =	ssyncset.done $0x0  }
0x2a: {  	[sflag:s16] =	ssyncadd.s32 $0xFFFFC000  }
0x2b: {  	[tilespmem:s3], [sflag:$0x3] =	stream.linear.gather [hbm4b:s9+s3], $0x1200, $0x38;
	[tilespmem:$0x1EDC0] =	vst v63  }
0x2c: {  	_ =	swait.ge [sflag:s16], $0x1200  }
0x2d: {  	[sflag:s16] =	ssyncset.done $0x0  }
0x2e: {  	[sflag:s16] =	ssyncadd.s32 $0xFFFFEE00  }
0x2f: {  	[tilespmem:s18], [sflag:$0x1] =	stream.indirect.gather [hbm4b:s4+s17], $0x80, s3, s17, $0xb8;
	[tilespmem:$0x1EDC0] =	vst v63  }
0x30: {  	s25 =	simm.s32 $0x100  }
0x31: {  	[tilespmem:s19], [sflag:$0x2] =	stream.indirect.gather [hbm4b:s4+s17], $0x80, s25, s17, $0xb8;
	[tilespmem:$0x1EDC0] =	vst v63  }
0x32: {  	_ =	swait.ge [sflag:s20], $0x4000  }
0x33: {  	[sflag:s20] =	ssyncset.done $0x0  }
0x34: {  	[sflag:s20] =	ssyncadd.s32 $0xFFFFC000  }
0x35: {  	[spmem:s1] =	stream.indirect.scatter.add.f32 [tilespmem:s18], [sflag:$0x3], $0x80, s17, s17, $0xb8;
	[tilespmem:$0x1EDC0] =	vst v63  }
0x36: {  	_ =	swait.ge [sflag:s16], $0x4000  }
0x37: {  	[sflag:s16] =	ssyncset.done $0x0  }
0x38: {  	s26 =	simm.s32 $0x200;
	[sflag:s16] =	ssyncadd.s32 $0xFFFFC000  }
0x39: {  	[tilespmem:s18], [sflag:$0x1] =	stream.indirect.gather [hbm4b:s4+s17], $0x80, s26, s17, $0xb8;
	[tilespmem:$0x1EDC0] =	vst v63  }
0x3a: {  	_ =	swait.ge [sflag:s21], $0x4000  }
0x3b: {  	[sflag:s21] =	ssyncset.done $0x0  }
0x3c: {  	s25 =	simm.s32 $0x180;
	[sflag:s21] =	ssyncadd.s32 $0xFFFFC000  }
0x3d: {  	[spmem:s1] =	stream.indirect.scatter.add.f32 [tilespmem:s19], [sflag:$0x3], $0x80, s25, s17, $0xb8;
	[tilespmem:$0x1EDC0] =	vst v63  }
0x3e: {  	_ =	swait.ge [sflag:s16], $0x4000  }
0x3f: {  	[sflag:s16] =	ssyncset.done $0x0  }
0x40: {  	s26 =	simm.s32 $0x300;
	[sflag:s16] =	ssyncadd.s32 $0xFFFFC000  }
0x41: {  	[tilespmem:s19], [sflag:$0x2] =	stream.indirect.gather [hbm4b:s4+s17], $0x80, s26, s17, $0xb8;
	[tilespmem:$0x1EDC0] =	vst v63  }
0x42: {  	_ =	swait.ge [sflag:s20], $0x4000  }
0x43: {  	[sflag:s20] =	ssyncset.done $0x0  }
0x44: {  	s25 =	simm.s32 $0x280;
	[sflag:s20] =	ssyncadd.s32 $0xFFFFC000  }
0x45: {  	[spmem:s1] =	stream.indirect.scatter.add.f32 [tilespmem:s18], [sflag:$0x3], $0x80, s25, s17, $0xb8;
	[tilespmem:$0x1EDC0] =	vst v63  }
0x46: {  	_ =	swait.ge [sflag:s16], $0x4000  }
0x47: {  	[sflag:s16] =	ssyncset.done $0x0  }
0x48: {  	s26 =	simm.s32 $0x400;
	[sflag:s16] =	ssyncadd.s32 $0xFFFFC000  }
0x49: {  	[tilespmem:s18], [sflag:$0x1] =	stream.indirect.gather [hbm4b:s4+s17], $0x80, s26, s17, $0xb8;
	[tilespmem:$0x1EDC0] =	vst v63  }
0x4a: {  	_ =	swait.ge [sflag:s21], $0x4000  }
0x4b: {  	[sflag:s21] =	ssyncset.done $0x0  }
0x4c: {  	s25 =	simm.s32 $0x380;
	[sflag:s21] =	ssyncadd.s32 $0xFFFFC000  }
0x4d: {  	[spmem:s1] =	stream.indirect.scatter.add.f32 [tilespmem:s19], [sflag:$0x3], $0x80, s25, s17, $0xb8;
	[tilespmem:$0x1EDC0] =	vst v63  }
0x4e: {  	_ =	swait.ge [sflag:s16], $0x4000  }
0x4f: {  	[sflag:s16] =	ssyncset.done $0x0  }
0x50: {  	s26 =	simm.s32 $0x500;
	[sflag:s16] =	ssyncadd.s32 $0xFFFFC000  }
0x51: {  	[tilespmem:s19], [sflag:$0x2] =	stream.indirect.gather [hbm4b:s4+s17], $0x80, s26, s17, $0xb8;
	[tilespmem:$0x1EDC0] =	vst v63  }
0x52: {  	_ =	swait.ge [sflag:s20], $0x4000  }
0x53: {  	[sflag:s20] =	ssyncset.done $0x0  }
0x54: {  	s25 =	simm.s32 $0x480;
	[sflag:s20] =	ssyncadd.s32 $0xFFFFC000  }
0x55: {  	[spmem:s1] =	stream.indirect.scatter.add.f32 [tilespmem:s18], [sflag:$0x3], $0x80, s25, s17, $0xb8;
	[tilespmem:$0x1EDC0] =	vst v63  }
0x56: {  	_ =	swait.ge [sflag:s16], $0x4000  }
0x57: {  	[sflag:s16] =	ssyncset.done $0x0  }
0x58: {  	s26 =	simm.s32 $0x600;
	[sflag:s16] =	ssyncadd.s32 $0xFFFFC000  }
0x59: {  	[tilespmem:s18], [sflag:$0x1] =	stream.indirect.gather [hbm4b:s4+s17], $0x80, s26, s17, $0xb8;
	[tilespmem:$0x1EDC0] =	vst v63  }
0x5a: {  	_ =	swait.ge [sflag:s21], $0x4000  }
0x5b: {  	[sflag:s21] =	ssyncset.done $0x0  }
0x5c: {  	s25 =	simm.s32 $0x580;
	[sflag:s21] =	ssyncadd.s32 $0xFFFFC000  }
0x5d: {  	[spmem:s1] =	stream.indirect.scatter.add.f32 [tilespmem:s19], [sflag:$0x3], $0x80, s25, s17, $0xb8;
	[tilespmem:$0x1EDC0] =	vst v63  }
0x5e: {  	_ =	swait.ge [sflag:s16], $0x4000  }
0x5f: {  	[sflag:s16] =	ssyncset.done $0x0  }
0x60: {  	s26 =	simm.s32 $0x700;
	[sflag:s16] =	ssyncadd.s32 $0xFFFFC000  }
0x61: {  	[tilespmem:s19], [sflag:$0x2] =	stream.indirect.gather [hbm4b:s4+s17], $0x80, s26, s17, $0xb8;
	[tilespmem:$0x1EDC0] =	vst v63  }
0x62: {  	_ =	swait.ge [sflag:s20], $0x4000  }
0x63: {  	[sflag:s20] =	ssyncset.done $0x0  }
0x64: {  	s25 =	simm.s32 $0x680;
	[sflag:s20] =	ssyncadd.s32 $0xFFFFC000  }
0x65: {  	[spmem:s1] =	stream.indirect.scatter.add.f32 [tilespmem:s18], [sflag:$0x3], $0x80, s25, s17, $0xb8;
	[tilespmem:$0x1EDC0] =	vst v63  }
0x66: {  	_ =	swait.ge [sflag:s16], $0x4000  }
0x67: {  	[sflag:s16] =	ssyncset.done $0x0  }
0x68: {  	s26 =	simm.s32 $0x800;
	[sflag:s16] =	ssyncadd.s32 $0xFFFFC000  }
0x69: {  	[tilespmem:s18], [sflag:$0x1] =	stream.indirect.gather [hbm4b:s4+s17], $0x80, s26, s17, $0xb8;
	[tilespmem:$0x1EDC0] =	vst v63  }
0x6a: {  	_ =	swait.ge [sflag:s21], $0x4000  }
0x6b: {  	[sflag:s21] =	ssyncset.done $0x0  }
0x6c: {  	s25 =	simm.s32 $0x780;
	[sflag:s21] =	ssyncadd.s32 $0xFFFFC000  }
0x6d: {  	[spmem:s1] =	stream.indirect.scatter.add.f32 [tilespmem:s19], [sflag:$0x3], $0x80, s25, s17, $0xb8;
	[tilespmem:$0x1EDC0] =	vst v63  }
0x6e: {  	_ =	swait.ge [sflag:s16], $0x4000  }
0x6f: {  	[sflag:s16] =	ssyncset.done $0x0  }
0x70: {  	s26 =	simm.s32 $0x900;
	[sflag:s16] =	ssyncadd.s32 $0xFFFFC000  }
0x71: {  	[tilespmem:s19], [sflag:$0x2] =	stream.indirect.gather [hbm4b:s4+s17], $0x80, s26, s17, $0xb8;
	[tilespmem:$0x1EDC0] =	vst v63  }
0x72: {  	_ =	swait.ge [sflag:s20], $0x4000  }
0x73: {  	[sflag:s20] =	ssyncset.done $0x0  }
0x74: {  	s25 =	simm.s32 $0x880;
	[sflag:s20] =	ssyncadd.s32 $0xFFFFC000  }
0x75: {  	[spmem:s1] =	stream.indirect.scatter.add.f32 [tilespmem:s18], [sflag:$0x3], $0x80, s25, s17, $0xb8;
	[tilespmem:$0x1EDC0] =	vst v63  }
0x76: {  	_ =	swait.ge [sflag:s16], $0x4000  }
0x77: {  	[sflag:s16] =	ssyncset.done $0x0  }
0x78: {  	s26 =	simm.s32 $0xA00;
	[sflag:s16] =	ssyncadd.s32 $0xFFFFC000  }
0x79: {  	[tilespmem:s18], [sflag:$0x1] =	stream.indirect.gather [hbm4b:s4+s17], $0x80, s26, s17, $0xb8;
	[tilespmem:$0x1EDC0] =	vst v63  }
0x7a: {  	_ =	swait.ge [sflag:s21], $0x4000  }
0x7b: {  	[sflag:s21] =	ssyncset.done $0x0  }
0x7c: {  	s25 =	simm.s32 $0x980;
	[sflag:s21] =	ssyncadd.s32 $0xFFFFC000  }
0x7d: {  	[spmem:s1] =	stream.indirect.scatter.add.f32 [tilespmem:s19], [sflag:$0x3], $0x80, s25, s17, $0xb8;
	[tilespmem:$0x1EDC0] =	vst v63  }
0x7e: {  	_ =	swait.ge [sflag:s16], $0x4000  }
0x7f: {  	[sflag:s16] =	ssyncset.done $0x0  }
0x80: {  	s26 =	simm.s32 $0xB00;
	[sflag:s16] =	ssyncadd.s32 $0xFFFFC000  }
0x81: {  	[tilespmem:s19], [sflag:$0x2] =	stream.indirect.gather [hbm4b:s4+s17], $0x80, s26, s17, $0xb8;
	[tilespmem:$0x1EDC0] =	vst v63  }
0x82: {  	_ =	swait.ge [sflag:s20], $0x4000  }
0x83: {  	[sflag:s20] =	ssyncset.done $0x0  }
0x84: {  	s25 =	simm.s32 $0xA80;
	[sflag:s20] =	ssyncadd.s32 $0xFFFFC000  }
0x85: {  	[spmem:s1] =	stream.indirect.scatter.add.f32 [tilespmem:s18], [sflag:$0x3], $0x80, s25, s17, $0xb8;
	[tilespmem:$0x1EDC0] =	vst v63  }
0x86: {  	_ =	swait.ge [sflag:s16], $0x4000  }
0x87: {  	[sflag:s16] =	ssyncset.done $0x0  }
0x88: {  	s26 =	simm.s32 $0xC00;
	[sflag:s16] =	ssyncadd.s32 $0xFFFFC000  }
0x89: {  	[tilespmem:s18], [sflag:$0x1] =	stream.indirect.gather [hbm4b:s4+s17], $0x80, s26, s17, $0xb8;
	[tilespmem:$0x1EDC0] =	vst v63  }
0x8a: {  	_ =	swait.ge [sflag:s21], $0x4000  }
0x8b: {  	[sflag:s21] =	ssyncset.done $0x0  }
0x8c: {  	s25 =	simm.s32 $0xB80;
	[sflag:s21] =	ssyncadd.s32 $0xFFFFC000  }
0x8d: {  	[spmem:s1] =	stream.indirect.scatter.add.f32 [tilespmem:s19], [sflag:$0x3], $0x80, s25, s17, $0xb8;
	[tilespmem:$0x1EDC0] =	vst v63  }
0x8e: {  	_ =	swait.ge [sflag:s16], $0x4000  }
0x8f: {  	[sflag:s16] =	ssyncset.done $0x0  }
0x90: {  	s26 =	simm.s32 $0xD00;
	[sflag:s16] =	ssyncadd.s32 $0xFFFFC000  }
0x91: {  	[tilespmem:s19], [sflag:$0x2] =	stream.indirect.gather [hbm4b:s4+s17], $0x80, s26, s17, $0xb8;
	[tilespmem:$0x1EDC0] =	vst v63  }
0x92: {  	_ =	swait.ge [sflag:s20], $0x4000  }
0x93: {  	[sflag:s20] =	ssyncset.done $0x0  }
0x94: {  	s25 =	simm.s32 $0xC80;
	[sflag:s20] =	ssyncadd.s32 $0xFFFFC000  }
0x95: {  	[spmem:s1] =	stream.indirect.scatter.add.f32 [tilespmem:s18], [sflag:$0x3], $0x80, s25, s17, $0xb8;
	[tilespmem:$0x1EDC0] =	vst v63  }
0x96: {  	_ =	swait.ge [sflag:s16], $0x4000  }
0x97: {  	[sflag:s16] =	ssyncset.done $0x0  }
0x98: {  	s26 =	simm.s32 $0xE00;
	[sflag:s16] =	ssyncadd.s32 $0xFFFFC000  }
0x99: {  	[tilespmem:s18], [sflag:$0x1] =	stream.indirect.gather [hbm4b:s4+s17], $0x80, s26, s17, $0xb8;
	[tilespmem:$0x1EDC0] =	vst v63  }
0x9a: {  	_ =	swait.ge [sflag:s21], $0x4000  }
0x9b: {  	[sflag:s21] =	ssyncset.done $0x0  }
0x9c: {  	s29 =	simm.s32 $0xF80;
	[sflag:s21] =	ssyncadd.s32 $0xFFFFC000  }
0x9d: {  	[spmem:s1] =	stream.indirect.scatter.add.f32 [tilespmem:s19], [sflag:$0x3], $0x80, s0, s17, $0xb8;
	[tilespmem:$0x1EDC0] =	vst v63  }
0x9e: {  	s30 =	simm.s32 $0x1000;
	s28 =	simm.s32 $0xE80;
	_ =	swait.ge [sflag:s16], $0x4000  }
0x9f: {  	s31 =	simm.s32 $0xF00;
	s24 =	simm.s32 $0x1180;
	[sflag:s16] =	ssyncset.done $0x0  }
0xa0: {  	s25 =	simm.s32 $0x1080;
	s26 =	simm.s32 $0x1100;
	[sflag:s16] =	ssyncadd.s32 $0xFFFFC000  }
.LBB2_14:
0xa1: {  	[tilespmem:s19], [sflag:$0x2] =	stream.indirect.gather [hbm4b:s4+s17], $0x80, s31, s17, $0xb8;
	[tilespmem:$0x1EDC0] =	vst v63  }
0xa2: {  	_ =	swait.ge [sflag:s20], $0x4000  }
0xa3: {  	[sflag:s20] =	ssyncset.done $0x0  }
0xa4: {  	[sflag:s20] =	ssyncadd.s32 $0xFFFFC000  }
0xa5: {  	[spmem:s1] =	stream.indirect.scatter.add.f32 [tilespmem:s18], [sflag:$0x3], $0x80, s28, s17, $0xb8;
	[tilespmem:$0x1EDC0] =	vst v63  }
0xa6: {  	_ =	swait.ge [sflag:s16], $0x4000  }
0xa7: {  	[sflag:s16] =	ssyncset.done $0x0  }
0xa8: {  	[sflag:s16] =	ssyncadd.s32 $0xFFFFC000  }
0xa9: {  	[tilespmem:s18], [sflag:$0x1] =	stream.indirect.gather [hbm4b:s4+s17], $0x80, s30, s17, $0xb8;
	[tilespmem:$0x1EDC0] =	vst v63  }
0xaa: {  	_ =	swait.ge [sflag:s21], $0x4000  }
0xab: {  	[sflag:s21] =	ssyncset.done $0x0  }
0xac: {  	[sflag:s21] =	ssyncadd.s32 $0xFFFFC000  }
0xad: {  	[spmem:s1] =	stream.indirect.scatter.add.f32 [tilespmem:s19], [sflag:$0x3], $0x80, s29, s17, $0xb8;
	[tilespmem:$0x1EDC0] =	vst v63  }
0xae: {  	_ =	swait.ge [sflag:s16], $0x4000  }
0xaf: {  	[sflag:s16] =	ssyncset.done $0x0  }
0xb0: {  	[sflag:s16] =	ssyncadd.s32 $0xFFFFC000  }
0xb1: {  	[tilespmem:s19], [sflag:$0x2] =	stream.indirect.gather [hbm4b:s4+s17], $0x80, s26, s17, $0xb8;
	[tilespmem:$0x1EDC0] =	vst v63  }
0xb2: {  	_ =	swait.ge [sflag:s20], $0x4000  }
0xb3: {  	[sflag:s20] =	ssyncset.done $0x0  }
0xb4: {  	[sflag:s20] =	ssyncadd.s32 $0xFFFFC000  }
0xb5: {  	[spmem:s1] =	stream.indirect.scatter.add.f32 [tilespmem:s18], [sflag:$0x3], $0x80, s25, s17, $0xb8;
	[tilespmem:$0x1EDC0] =	vst v63  }
0xb6: {  	_ =	swait.ge [sflag:s16], $0x4000  }
0xb7: {  	[sflag:s16] =	ssyncset.done $0x0  }
0xb8: {  	[sflag:s16] =	ssyncadd.s32 $0xFFFFC000  }
0xb9: {  	_ =	swait.ge [sflag:s21], $0x4000  }
0xba: {  	[sflag:s21] =	ssyncset.done $0x0  }
0xbb: {  	[sflag:s21] =	ssyncadd.s32 $0xFFFFC000  }
0xbc: {  	[spmem:s1] =	stream.indirect.scatter.add.f32 [tilespmem:s19], [sflag:$0x3], $0x80, s24, s17, $0xb8;
	[tilespmem:$0x1EDC0] =	vst v63  }
0xbd: {  	_ =	swait.ge [sflag:s16], $0x4000  }
0xbe: {  	[sflag:s16] =	ssyncset.done $0x0  }
0xbf: {  	s30 =	sshll.u32 s2, $0x6;
	[sflag:s16] =	ssyncadd.s32 $0xFFFFC000  }
0xc0: {  	s31 =	sshrl.u32 s5, $0x3;
	s24 =	sor.u32 $0x1C03, s30;
	[bflag:$0x0] =	sbarrier.arrive $0xFFFF  }
0xc1: {  	[hbm:s12], [sflag:s24] =	dma.local [spmem:s31], $0x2700  }
0xc2: {  	_ =	swait.ge [sflag:s16], $0x2700  }
0xc3: {  	s23 =	sadd.s32 $0x1, s23;
	[sflag:s16] =	ssyncset.done $0x0  }
0xc4: {  	p2 =	sne.s32 s23, s14;
	s25 =	sshrl.u32 @!p1 s6, $0x3;
	[sflag:s16] =	ssyncadd.s32 $0xFFFFD900  }
0xc5: {  	[hbm:s13], [sflag:s24] =	dma.local @!p1 [spmem:s25], $0x100  }
.Ltmp1:
0xc6: {  	_ = 	snop;
	(pc) =	sbr.rel @!p2 .LBB2_15-.Ltmp1, $4  }
0xc7: {  	s24 =	simm.s32 @!p1 $0x3  }
0xc8: {  	_ =	swait.ge @!p1 [sflag:s24], $0x100  }
0xc9: {  	[sflag:s24] =	ssyncset.done @!p1 $0x0  }
0xca: {  	[sflag:s24] =	ssyncadd.s32 @!p1 $0xFFFFFF00  }
.LBB2_1:
0xcb: {  	s24 =	simm.s32 $0x0;
	s25 =	simm.s32 $0x200  }
.LBB2_2:
0xcc: {  	p2 =	sne.s32 s25, $0x1E00;
	[tilespmem:s24+$0xAD70] =	vst v0  }
0xcd: {  	[tilespmem:s24+$0xAD00] =	vst v0  }
0xce: {  	[tilespmem:s24+$0xAD10] =	vst v0  }
.Ltmp2:
0xcf: {  	[tilespmem:s24+$0xAD20] =	vst v0;
	(pc) =	sbr.rel @p2 .LBB2_2-.Ltmp2, $4  }
0xd0: {  	[tilespmem:s24+$0xAD30] =	vst v0  }
0xd1: {  	[tilespmem:s24+$0xAD40] =	vst v0  }
0xd2: {  	[tilespmem:s24+$0xAD50] =	vst v0  }
0xd3: {  	[tilespmem:s24+$0xAD60] =	vst v0;
	s24 =	sshra.s32 s25, $0x2;
	s25 =	sadd.s32 $0x200, s25  }
0xd4: {  	[tilespmem:s24+$0xAD70] =	vst v0  }
0xd5: {  	[tilespmem:s24+$0xAD00] =	vst v0  }
0xd6: {  	[tilespmem:s24+$0xAD10] =	vst v0  }
0xd7: {  	[tilespmem:s24+$0xAD20] =	vst v0  }
0xd8: {  	[tilespmem:s24+$0xAD30] =	vst v0  }
0xd9: {  	[tilespmem:s24+$0xAD40] =	vst v0  }
0xda: {  	[tilespmem:s24+$0xAD50] =	vst v0  }
0xdb: {  	[tilespmem:s24+$0xAD60] =	vst v0;
	s31 =	sadd.s32 $0x0, s5  }
0xdc: {  	[spmem:s31] =	stream.linear.scatter [tilespmem:s15], [sflag:$0x3], $0x800, $0x38;
	[tilespmem:$0x1EDC0] =	vst v63  }
0xdd: {  	s24 =	simm.s32 $0x2000;
	_ =	swait.ge [sflag:s16], $0x800  }
.LBB2_4:
0xde: {  	s25 =	sshra.s32 s24, $0x2;
	[sflag:s16] =	ssyncset.done $0x0;
	p2 =	sne.s32 s24, $0x4C000  }
.Ltmp3:
0xdf: {  	s25 =	sadd.s32 s25, s5;
	[sflag:s16] =	ssyncadd.s32 $0xFFFFF800;
	(pc) =	sbr.rel @p2 .LBB2_4-.Ltmp3, $3  }
0xe0: {  	[spmem:s25] =	stream.linear.scatter [tilespmem:s15], [sflag:$0x3], $0x800, $0x38;
	[tilespmem:$0x1EDC0] =	vst v63  }
0xe1: {  	s24 =	sadd.s32 $0x2000, s24;
	_ =	sdelay $0x1  }
0xe2: {  	_ =	swait.ge [sflag:s16], $0x800  }
0xe3: {  	[sflag:s16] =	ssyncset.done $0x0  }
0xe4: {  	s24 =	simm.s32 @!p1 $0xAD00;
	[sflag:s16] =	ssyncadd.s32 $0xFFFFF800  }
0xe5: {  	[spmem:s6] =	stream.linear.scatter @!p1 [tilespmem:s24], [sflag:$0x3], $0x800, $0x38;
	[tilespmem:$0x1EDC0] =	vst v63  }
0xe6: {  	s24 =	simm.s32 @!p1 $0x3  }
.Ltmp4:
0xe7: {  	_ =	swait.ge @!p1 [sflag:s24], $0x800;
	(pc) =	sbr.rel @!p0 .LBB2_6-.Ltmp4, $3  }
0xe8: {  	[sflag:s24] =	ssyncset.done @!p1 $0x0  }
0xe9: {  	[sflag:s24] =	ssyncadd.s32 @!p1 $0xFFFFF800  }
0xea: {  	[bflag:$0x0] =	sbarrier.arrive $0xFFFF;
	_ =	sdelay $0x1  }
0xeb: {  	[tilespmem:s3], [sflag:$0x3] =	stream.linear.gather [hbm4b:s10+s3], $0x2D00, $0x38;
	[tilespmem:$0x1EDC0] =	vst v63  }
0xec: {  	_ =	swait.ge [sflag:s16], $0x2D00  }
0xed: {  	[sflag:s16] =	ssyncset.done $0x0  }
0xee: {  	[sflag:s16] =	ssyncadd.s32 $0xFFFFD300  }
0xef: {  	[tilespmem:s18], [sflag:$0x1] =	stream.indirect.gather [hbm4b:s4+s17], $0x80, s3, s17, $0xb8;
	[tilespmem:$0x1EDC0] =	vst v63  }
0xf0: {  	s24 =	simm.s32 $0x100  }
0xf1: {  	[tilespmem:s19], [sflag:$0x2] =	stream.indirect.gather [hbm4b:s4+s17], $0x80, s24, s17, $0xb8;
	[tilespmem:$0x1EDC0] =	vst v63  }
0xf2: {  	_ =	swait.ge [sflag:s20], $0x4000  }
0xf3: {  	[sflag:s20] =	ssyncset.done $0x0  }
0xf4: {  	s29 =	simm.s32 $0x80;
	[sflag:s20] =	ssyncadd.s32 $0xFFFFC000  }
0xf5: {  	[spmem:s1] =	stream.indirect.scatter.add.f32 [tilespmem:s18], [sflag:$0x3], $0x80, s29, s17, $0xb8;
	[tilespmem:$0x1EDC0] =	vst v63  }
0xf6: {  	_ =	swait.ge [sflag:s16], $0x4000  }
0xf7: {  	[sflag:s16] =	ssyncset.done $0x0  }
0xf8: {  	s30 =	simm.s32 $0x200;
	[sflag:s16] =	ssyncadd.s32 $0xFFFFC000  }
0xf9: {  	[tilespmem:s18], [sflag:$0x1] =	stream.indirect.gather [hbm4b:s4+s17], $0x80, s30, s17, $0xb8;
	[tilespmem:$0x1EDC0] =	vst v63  }
0xfa: {  	_ =	swait.ge [sflag:s21], $0x4000  }
0xfb: {  	[sflag:s21] =	ssyncset.done $0x0  }
0xfc: {  	s31 =	simm.s32 $0x180;
	[sflag:s21] =	ssyncadd.s32 $0xFFFFC000  }
0xfd: {  	[spmem:s1] =	stream.indirect.scatter.add.f32 [tilespmem:s19], [sflag:$0x3], $0x80, s31, s17, $0xb8;
	[tilespmem:$0x1EDC0] =	vst v63  }
0xfe: {  	_ =	swait.ge [sflag:s16], $0x4000  }
0xff: {  	s25 =	simm.s32 $0xFFFF6000;
	s24 =	simm.s32 $0xFFFFD600;
	[sflag:s16] =	ssyncset.done $0x0  }
.LBB2_12:
0x100: {  	s26 =	sadd.s32 $0x2D00, s24  }
0x101: {  	[sflag:s16] =	ssyncadd.s32 $0xFFFFC000;
	s28 =	smov.u32 s25;
	s29 =	sadd.s32 $0x800, s25  }
0x102: {  	[tilespmem:s19], [sflag:$0x2] =	stream.indirect.gather [hbm4b:s4+s17], $0x80, s26, s17, $0xb8;
	[tilespmem:$0x1EDC0] =	vst v63  }
0x103: {  	p2 =	sne.s32 s25, $0xFFFFF800;
	_ =	swait.ge [sflag:s20], $0x4000  }
0x104: {  	[sflag:s20] =	ssyncset.done $0x0  }
0x105: {  	s25 =	sadd.s32 $0x2C80, s24;
	[sflag:s20] =	ssyncadd.s32 $0xFFFFC000  }
0x106: {  	[spmem:s1] =	stream.indirect.scatter.add.f32 [tilespmem:s18], [sflag:$0x3], $0x80, s25, s17, $0xb8;
	[tilespmem:$0x1EDC0] =	vst v63  }
0x107: {  	_ =	swait.ge [sflag:s16], $0x4000  }
0x108: {  	[sflag:s16] =	ssyncset.done $0x0  }
0x109: {  	s25 =	sadd.s32 $0x2E00, s24;
	[sflag:s16] =	ssyncadd.s32 $0xFFFFC000  }
0x10a: {  	[tilespmem:s18], [sflag:$0x1] =	stream.indirect.gather [hbm4b:s4+s17], $0x80, s25, s17, $0xb8;
	[tilespmem:$0x1EDC0] =	vst v63  }
0x10b: {  	_ =	swait.ge [sflag:s21], $0x4000  }
.Ltmp5:
0x10c: {  	[sflag:s21] =	ssyncset.done $0x0;
	(pc) =	sbr.rel @p2 .LBB2_12-.Ltmp5, $4  }
0x10d: {  	s24 =	sadd.s32 $0x2D80, s24;
	[sflag:s21] =	ssyncadd.s32 $0xFFFFC000  }
0x10e: {  	[spmem:s1] =	stream.indirect.scatter.add.f32 [tilespmem:s19], [sflag:$0x3], $0x80, s24, s17, $0xb8;
	[tilespmem:$0x1EDC0] =	vst v63  }
0x10f: {  	_ =	swait.ge [sflag:s16], $0x4000  }
0x110: {  	s25 =	smov.u32 s29;
	s24 =	sshra.s32 s28, $0x2;
	[sflag:s16] =	ssyncset.done $0x0  }
0x111: {  	s25 =	sadd.s32 $0x2D00, s24;
	[sflag:s16] =	ssyncadd.s32 $0xFFFFC000  }
0x112: {  	[tilespmem:s19], [sflag:$0x2] =	stream.indirect.gather [hbm4b:s4+s17], $0x80, s25, s17, $0xb8;
	[tilespmem:$0x1EDC0] =	vst v63  }
0x113: {  	_ =	swait.ge [sflag:s20], $0x4000  }
0x114: {  	[sflag:s20] =	ssyncset.done $0x0  }
0x115: {  	s26 =	sadd.s32 $0x2C80, s24;
	[sflag:s20] =	ssyncadd.s32 $0xFFFFC000  }
0x116: {  	[spmem:s1] =	stream.indirect.scatter.add.f32 [tilespmem:s18], [sflag:$0x3], $0x80, s26, s17, $0xb8;
	[tilespmem:$0x1EDC0] =	vst v63  }
0x117: {  	_ =	swait.ge [sflag:s16], $0x4000  }
0x118: {  	[sflag:s16] =	ssyncset.done $0x0  }
0x119: {  	s26 =	sadd.s32 $0x2E00, s24;
	[sflag:s16] =	ssyncadd.s32 $0xFFFFC000  }
0x11a: {  	[tilespmem:s18], [sflag:$0x1] =	stream.indirect.gather [hbm4b:s4+s17], $0x80, s26, s17, $0xb8;
	[tilespmem:$0x1EDC0] =	vst v63  }
0x11b: {  	_ =	swait.ge [sflag:s21], $0x4000  }
0x11c: {  	[sflag:s21] =	ssyncset.done $0x0  }
0x11d: {  	s26 =	sadd.s32 $0x2D80, s24;
	[sflag:s21] =	ssyncadd.s32 $0xFFFFC000  }
0x11e: {  	[spmem:s1] =	stream.indirect.scatter.add.f32 [tilespmem:s19], [sflag:$0x3], $0x80, s26, s17, $0xb8;
	[tilespmem:$0x1EDC0] =	vst v63  }
0x11f: {  	_ =	swait.ge [sflag:s16], $0x4000  }
0x120: {  	[sflag:s16] =	ssyncset.done $0x0  }
0x121: {  	[sflag:s16] =	ssyncadd.s32 $0xFFFFC000  }
0x122: {  	_ =	swait.ge [sflag:s20], $0x4000  }
0x123: {  	[sflag:s20] =	ssyncset.done $0x0  }
0x124: {  	s28 =	simm.s32 $0x80;
	[sflag:s20] =	ssyncadd.s32 $0xFFFFC000  }
0x125: {  	[spmem:s1] =	stream.indirect.scatter.add.f32 [tilespmem:s18], [sflag:$0x3], $0x80, s22, s28, $0xb8;
	[tilespmem:$0x1EDC0] =	vst v63  }
0x126: {  	_ =	swait.ge [sflag:s16], $0x4000  }
0x127: {  	[sflag:s16] =	ssyncset.done $0x0  }
0x128: {  	[sflag:s16] =	ssyncadd.s32 $0xFFFFC000  }
0x129: {  	[tilespmem:s3], [sflag:$0x3] =	stream.linear.gather [hbm4b:s11+s3], $0x400, $0x38;
	[tilespmem:$0x1EDC0] =	vst v63  }
.Ltmp6:
0x12a: {  	_ = 	snop;
	(pc) =	sbr.rel .LBB2_14-.Ltmp6, $4  }
0x12b: {  	s29 =	simm.s32 $0x180;
	s30 =	simm.s32 $0x200;
	_ =	swait.ge [sflag:s16], $0x400  }
0x12c: {  	s31 =	simm.s32 $0x100;
	s25 =	simm.s32 $0x280;
	[sflag:s16] =	ssyncset.done $0x0  }
0x12d: {  	s24 =	simm.s32 $0x380;
	s26 =	simm.s32 $0x300;
	[sflag:s16] =	ssyncadd.s32 $0xFFFFFC00  }
0x12e: {  	[tilespmem:s18], [sflag:$0x1] =	stream.indirect.gather [hbm4b:s4+s28], $0x80, s3, s28, $0xb8;
	[tilespmem:$0x1EDC0] =	vst v63  }
.LBB2_6:
0x12f: {  	[tilespmem:s3], [sflag:$0x3] =	stream.linear.gather [hbm4b:s7+s3], $0x2D00, $0x38;
	[tilespmem:$0x1EDC0] =	vst v63  }
0x130: {  	_ =	swait.ge [sflag:s16], $0x2D00  }
0x131: {  	[sflag:s16] =	ssyncset.done $0x0  }
0x132: {  	[sflag:s16] =	ssyncadd.s32 $0xFFFFD300  }
0x133: {  	[tilespmem:s18], [sflag:$0x1] =	stream.indirect.gather [hbm4b:s4+s17], $0x80, s3, s17, $0xb8;
	[tilespmem:$0x1EDC0] =	vst v63  }
0x134: {  	s24 =	simm.s32 $0x100  }
0x135: {  	[tilespmem:s19], [sflag:$0x2] =	stream.indirect.gather [hbm4b:s4+s17], $0x80, s24, s17, $0xb8;
	[tilespmem:$0x1EDC0] =	vst v63  }
0x136: {  	_ =	swait.ge [sflag:s20], $0x4000  }
0x137: {  	[sflag:s20] =	ssyncset.done $0x0  }
0x138: {  	s29 =	simm.s32 $0x80;
	[sflag:s20] =	ssyncadd.s32 $0xFFFFC000  }
0x139: {  	[spmem:s1] =	stream.indirect.scatter.add.f32 [tilespmem:s18], [sflag:$0x3], $0x80, s29, s17, $0xb8;
	[tilespmem:$0x1EDC0] =	vst v63  }
0x13a: {  	_ =	swait.ge [sflag:s16], $0x4000  }
0x13b: {  	[sflag:s16] =	ssyncset.done $0x0  }
0x13c: {  	s30 =	simm.s32 $0x200;
	[sflag:s16] =	ssyncadd.s32 $0xFFFFC000  }
0x13d: {  	[tilespmem:s18], [sflag:$0x1] =	stream.indirect.gather [hbm4b:s4+s17], $0x80, s30, s17, $0xb8;
	[tilespmem:$0x1EDC0] =	vst v63  }
0x13e: {  	_ =	swait.ge [sflag:s21], $0x4000  }
0x13f: {  	[sflag:s21] =	ssyncset.done $0x0  }
0x140: {  	s31 =	simm.s32 $0x180;
	[sflag:s21] =	ssyncadd.s32 $0xFFFFC000  }
0x141: {  	[spmem:s1] =	stream.indirect.scatter.add.f32 [tilespmem:s19], [sflag:$0x3], $0x80, s31, s17, $0xb8;
	[tilespmem:$0x1EDC0] =	vst v63  }
0x142: {  	_ =	swait.ge [sflag:s16], $0x4000  }
0x143: {  	s25 =	simm.s32 $0xFFFF6000;
	s24 =	simm.s32 $0xFFFFD600;
	[sflag:s16] =	ssyncset.done $0x0  }
.LBB2_7:
0x144: {  	s26 =	sadd.s32 $0x2D00, s24  }
0x145: {  	[sflag:s16] =	ssyncadd.s32 $0xFFFFC000;
	s28 =	smov.u32 s25;
	s29 =	sadd.s32 $0x800, s25  }
0x146: {  	[tilespmem:s19], [sflag:$0x2] =	stream.indirect.gather [hbm4b:s4+s17], $0x80, s26, s17, $0xb8;
	[tilespmem:$0x1EDC0] =	vst v63  }
0x147: {  	p2 =	sne.s32 s25, $0xFFFFF800;
	_ =	swait.ge [sflag:s20], $0x4000  }
0x148: {  	[sflag:s20] =	ssyncset.done $0x0  }
0x149: {  	s25 =	sadd.s32 $0x2C80, s24;
	[sflag:s20] =	ssyncadd.s32 $0xFFFFC000  }
0x14a: {  	[spmem:s1] =	stream.indirect.scatter.add.f32 [tilespmem:s18], [sflag:$0x3], $0x80, s25, s17, $0xb8;
	[tilespmem:$0x1EDC0] =	vst v63  }
0x14b: {  	_ =	swait.ge [sflag:s16], $0x4000  }
0x14c: {  	[sflag:s16] =	ssyncset.done $0x0  }
0x14d: {  	s25 =	sadd.s32 $0x2E00, s24;
	[sflag:s16] =	ssyncadd.s32 $0xFFFFC000  }
0x14e: {  	[tilespmem:s18], [sflag:$0x1] =	stream.indirect.gather [hbm4b:s4+s17], $0x80, s25, s17, $0xb8;
	[tilespmem:$0x1EDC0] =	vst v63  }
0x14f: {  	_ =	swait.ge [sflag:s21], $0x4000  }
.Ltmp7:
0x150: {  	[sflag:s21] =	ssyncset.done $0x0;
	(pc) =	sbr.rel @p2 .LBB2_7-.Ltmp7, $4  }
0x151: {  	s24 =	sadd.s32 $0x2D80, s24;
	[sflag:s21] =	ssyncadd.s32 $0xFFFFC000  }
0x152: {  	[spmem:s1] =	stream.indirect.scatter.add.f32 [tilespmem:s19], [sflag:$0x3], $0x80, s24, s17, $0xb8;
	[tilespmem:$0x1EDC0] =	vst v63  }
0x153: {  	_ =	swait.ge [sflag:s16], $0x4000  }
0x154: {  	s25 =	smov.u32 s29;
	s24 =	sshra.s32 s28, $0x2;
	[sflag:s16] =	ssyncset.done $0x0  }
0x155: {  	s25 =	sadd.s32 $0x2D00, s24;
	[sflag:s16] =	ssyncadd.s32 $0xFFFFC000  }
0x156: {  	[tilespmem:s19], [sflag:$0x2] =	stream.indirect.gather [hbm4b:s4+s17], $0x80, s25, s17, $0xb8;
	[tilespmem:$0x1EDC0] =	vst v63  }
0x157: {  	_ =	swait.ge [sflag:s20], $0x4000  }
0x158: {  	[sflag:s20] =	ssyncset.done $0x0  }
0x159: {  	s30 =	sadd.s32 $0x2C80, s24;
	[sflag:s20] =	ssyncadd.s32 $0xFFFFC000  }
0x15a: {  	[spmem:s1] =	stream.indirect.scatter.add.f32 [tilespmem:s18], [sflag:$0x3], $0x80, s30, s17, $0xb8;
	[tilespmem:$0x1EDC0] =	vst v63  }
0x15b: {  	_ =	swait.ge [sflag:s16], $0x4000  }
0x15c: {  	[sflag:s16] =	ssyncset.done $0x0  }
0x15d: {  	s31 =	sadd.s32 $0x2E00, s24;
	[sflag:s16] =	ssyncadd.s32 $0xFFFFC000  }
0x15e: {  	[tilespmem:s18], [sflag:$0x1] =	stream.indirect.gather [hbm4b:s4+s17], $0x80, s31, s17, $0xb8;
	[tilespmem:$0x1EDC0] =	vst v63  }
0x15f: {  	_ =	swait.ge [sflag:s21], $0x4000  }
0x160: {  	[sflag:s21] =	ssyncset.done $0x0  }
0x161: {  	s26 =	sadd.s32 $0x2D80, s24;
	[sflag:s21] =	ssyncadd.s32 $0xFFFFC000  }
0x162: {  	[spmem:s1] =	stream.indirect.scatter.add.f32 [tilespmem:s19], [sflag:$0x3], $0x80, s26, s17, $0xb8;
	[tilespmem:$0x1EDC0] =	vst v63  }
0x163: {  	_ =	swait.ge [sflag:s16], $0x4000  }
0x164: {  	[sflag:s16] =	ssyncset.done $0x0  }
0x165: {  	[sflag:s16] =	ssyncadd.s32 $0xFFFFC000  }
0x166: {  	_ =	swait.ge [sflag:s20], $0x4000  }
0x167: {  	[sflag:s20] =	ssyncset.done $0x0  }
0x168: {  	[sflag:s20] =	ssyncadd.s32 $0xFFFFC000  }
0x169: {  	[spmem:s1] =	stream.indirect.scatter.add.f32 [tilespmem:s18], [sflag:$0x3], $0x80, s22, s17, $0xb8;
	[tilespmem:$0x1EDC0] =	vst v63  }
0x16a: {  	_ =	swait.ge [sflag:s16], $0x4000  }
0x16b: {  	[sflag:s16] =	ssyncset.done $0x0  }
0x16c: {  	[sflag:s16] =	ssyncadd.s32 $0xFFFFC000  }
0x16d: {  	[tilespmem:s3], [sflag:$0x3] =	stream.linear.gather [hbm4b:s8+s3], $0x2D00, $0x38;
	[tilespmem:$0x1EDC0] =	vst v63  }
0x16e: {  	_ =	swait.ge [sflag:s16], $0x2D00  }
0x16f: {  	[sflag:s16] =	ssyncset.done $0x0  }
0x170: {  	[sflag:s16] =	ssyncadd.s32 $0xFFFFD300  }
0x171: {  	[tilespmem:s18], [sflag:$0x1] =	stream.indirect.gather [hbm4b:s4+s17], $0x80, s3, s17, $0xb8;
	[tilespmem:$0x1EDC0] =	vst v63  }
0x172: {  	s28 =	simm.s32 $0x100  }
0x173: {  	[tilespmem:s19], [sflag:$0x2] =	stream.indirect.gather [hbm4b:s4+s17], $0x80, s28, s17, $0xb8;
	[tilespmem:$0x1EDC0] =	vst v63  }
0x174: {  	_ =	swait.ge [sflag:s20], $0x4000  }
0x175: {  	[sflag:s20] =	ssyncset.done $0x0  }
0x176: {  	s29 =	simm.s32 $0x80;
	[sflag:s20] =	ssyncadd.s32 $0xFFFFC000  }
0x177: {  	[spmem:s1] =	stream.indirect.scatter.add.f32 [tilespmem:s18], [sflag:$0x3], $0x80, s29, s17, $0xb8;
	[tilespmem:$0x1EDC0] =	vst v63  }
0x178: {  	_ =	swait.ge [sflag:s16], $0x4000  }
0x179: {  	[sflag:s16] =	ssyncset.done $0x0  }
0x17a: {  	s30 =	simm.s32 $0x200;
	[sflag:s16] =	ssyncadd.s32 $0xFFFFC000  }
0x17b: {  	[tilespmem:s18], [sflag:$0x1] =	stream.indirect.gather [hbm4b:s4+s17], $0x80, s30, s17, $0xb8;
	[tilespmem:$0x1EDC0] =	vst v63  }
0x17c: {  	_ =	swait.ge [sflag:s21], $0x4000  }
0x17d: {  	[sflag:s21] =	ssyncset.done $0x0  }
0x17e: {  	s31 =	simm.s32 $0x180;
	[sflag:s21] =	ssyncadd.s32 $0xFFFFC000  }
0x17f: {  	[spmem:s1] =	stream.indirect.scatter.add.f32 [tilespmem:s19], [sflag:$0x3], $0x80, s31, s17, $0xb8;
	[tilespmem:$0x1EDC0] =	vst v63  }
0x180: {  	_ =	swait.ge [sflag:s16], $0x4000  }
0x181: {  	s24 =	simm.s32 $0xFFFFD600;
	s25 =	simm.s32 $0xFFFF6000;
	[sflag:s16] =	ssyncset.done $0x0  }
.LBB2_9:
0x182: {  	s26 =	sadd.s32 $0x2D00, s24  }
0x183: {  	[sflag:s16] =	ssyncadd.s32 $0xFFFFC000;
	s28 =	smov.u32 s25;
	s29 =	sadd.s32 $0x800, s25  }
0x184: {  	[tilespmem:s19], [sflag:$0x2] =	stream.indirect.gather [hbm4b:s4+s17], $0x80, s26, s17, $0xb8;
	[tilespmem:$0x1EDC0] =	vst v63  }
0x185: {  	p2 =	sne.s32 s25, $0xFFFFF800;
	_ =	swait.ge [sflag:s20], $0x4000  }
0x186: {  	[sflag:s20] =	ssyncset.done $0x0  }
0x187: {  	s25 =	sadd.s32 $0x2C80, s24;
	[sflag:s20] =	ssyncadd.s32 $0xFFFFC000  }
0x188: {  	[spmem:s1] =	stream.indirect.scatter.add.f32 [tilespmem:s18], [sflag:$0x3], $0x80, s25, s17, $0xb8;
	[tilespmem:$0x1EDC0] =	vst v63  }
0x189: {  	_ =	swait.ge [sflag:s16], $0x4000  }
0x18a: {  	[sflag:s16] =	ssyncset.done $0x0  }
0x18b: {  	s25 =	sadd.s32 $0x2E00, s24;
	[sflag:s16] =	ssyncadd.s32 $0xFFFFC000  }
0x18c: {  	[tilespmem:s18], [sflag:$0x1] =	stream.indirect.gather [hbm4b:s4+s17], $0x80, s25, s17, $0xb8;
	[tilespmem:$0x1EDC0] =	vst v63  }
0x18d: {  	_ =	swait.ge [sflag:s21], $0x4000  }
.Ltmp8:
0x18e: {  	[sflag:s21] =	ssyncset.done $0x0;
	(pc) =	sbr.rel @p2 .LBB2_9-.Ltmp8, $4  }
0x18f: {  	s24 =	sadd.s32 $0x2D80, s24;
	[sflag:s21] =	ssyncadd.s32 $0xFFFFC000  }
0x190: {  	[spmem:s1] =	stream.indirect.scatter.add.f32 [tilespmem:s19], [sflag:$0x3], $0x80, s24, s17, $0xb8;
	[tilespmem:$0x1EDC0] =	vst v63  }
0x191: {  	_ =	swait.ge [sflag:s16], $0x4000  }
0x192: {  	s25 =	smov.u32 s29;
	s24 =	sshra.s32 s28, $0x2;
	[sflag:s16] =	ssyncset.done $0x0  }
.Ltmp9:
0x193: {  	_ = 	snop;
	(pc) =	sbr.rel .LBB2_10-.Ltmp9, $1  }
0x194: {  	_ =	sdelay $0x3  }
.LBB2_15:
0x195: {  	_ =	sfence.sel $0x180000  }
0x196: {  	[bflag:$0x0] =	sbarrier.arrive $0xFFFF  }
0x197: {  	_ =	strace $0x9000004A  }
0x198: {  	[bflag:$0x2] =	sbarrier.arrive $0xFFFF  }
0x199: {  	s0 =	rddreg [dreg:$0x2]  }
0x19a: {  	s0 =	sadd.s32 @!p1 $0x100000, s0  }
0x19b: {  	[sflag:s0] =	ssyncadd.tile.s32 @!p1 $0x1;
	_ =	shalt  }
.Lfunc_end2:
_tile_overlayer_lowered:
.L_overlay_start_2:
0x19c: {  	(tag) =	ssettag $0x2  }
0x19d: {  	s0 =	rddreg [dreg:$0x0];
	s2 =	stileid.u32  }
0x19e: {  	s1 =	rddreg [dreg:$0x1];
	p0 =	sne.s32 s2, $0x0  }
0x19f: {  	s3 =	rddreg [dreg:$0x2];
	[bflag:$0x3] =	sbarrier.arrive $0xFFFF;
	s2 =	simm.s32 @!p0 $0x1C03  }
0x1a0: {  	[timem:s3], [sflag:s2] =	dma.local @!p0 [hbm:s0], s1  }
0x1a1: {  	s0 =	simm.s32 @!p0 $0x3  }
0x1a2: {  	_ =	swait.ge @!p0 [sflag:s0], s1  }
0x1a3: {  	s1 =	ssub.s32 @!p0 $0x0, s1;
	[sflag:s0] =	ssyncset.done @!p0 $0x0  }
0x1a4: {  	[sflag:s0] =	ssyncadd.s32 @!p0 s1  }
0x1a5: {  	[bflag:$0x3] =	sbarrier.arrive $0xFFFF  }
0x1a6: {  	_ =	shalt  }

// kernel: kernel.14.cloned.1.call-start
scs
__scs_entry_jumppad:
0x0: {  	(pc) =	sbr.rel $0x88, $3  }
0x1: {  	(tag) =	ssettag $0x0;
	lr =	simm.s32 $0x1  }
0x2: {  	[smem:$0x3F8A] =	sst lr;
	_ =	strace $0xD0000000  }
0x3: {  	_ = 	snop  }
0x4: {  	_ = 	snop  }
0x5: {  	_ = 	snop  }
0x6: {  	_ = 	snop  }
0x7: {  	_ = 	snop  }
__scs_overlays_trampoline_lowered:
0x8: {  	[smem:$0x3F99] =	sst s0  }
0x9: {  	[smem:$0x3F9A] =	sst s1  }
0xa: {  	[smem:$0x3F9B] =	sst s2  }
0xb: {  	[smem:$0x3F9C] =	sst s3  }
0xc: {  	[smem:$0x3F9D] =	sst s4  }
0xd: {  	[smem:$0x3F9E] =	sst s5  }
0xe: {  	[smem:$0x3F9F] =	sst s6  }
0xf: {  	[smem:$0x3FA0] =	sst s7  }
0x10: {  	[smem:$0x3FA1] =	sst s8  }
0x11: {  	[smem:$0x3FA2] =	sst s9;
	s0 =	simm.s32 @!p0 $0x0  }
0x12: {  	s1 =	sld [smem:$0x3F88];
	s0 =	simm.s32 @p0 $0x1  }
0x13: {  	[smem:$0x3FA3] =	sst s0;
	s0 =	simm.s32 @!p1 $0x0  }
0x14: {  	s2 =	sld [smem:$0x3F87];
	s0 =	simm.s32 @p1 $0x1  }
0x15: {  	[smem:$0x3FA4] =	sst s0;
	s0 =	simm.s32 @!p2 $0x0  }
0x16: {  	s3 =	sld [smem:$0x3FDB];
	s0 =	simm.s32 @p2 $0x1  }
0x17: {  	s4 =	simm.s32 $0x1BF5;
	[smem:$0x3FA6] =	sst s0  }
0x18: {  	s0 =	sld [smem:$0x3F89];
	_ =	swait.ge [sflag:s4], $0x0  }
0x19: {  	s7 =	sld [smem:$0x3F8A]  }
0x1a: {  	s8 =	sadd.s32 $0xFFFFE003, lr  }
0x1b: {  	s9 =	sadd.s32 $0xFFFFFEF7, lr;
	s5 =	simm.s32 $0xFFFFFFFF;
	p2 =	slt.u32 s8, $0xFFFFF086  }
0x1c: {  	p1 =	slt.u32 s9, $0xF7A;
	s5 =	simm.s32 @!p2 $0x0  }
0x1d: {  	s5 =	simm.s32 @p1 $0x1;
	p0 =	seq.s32 s7, s2  }
0x1e: {  	s7 =	smul.u32 @!p0 $0xF7A, s2;
	p2 =	seq.s32 @!p0 s5, $0x0  }
0x1f: {  	s9 =	smul.u32 $0xF7A, s1;
	s8 =	simm.s32 @!p0 $0x1BF5;
	p2 =	por !p2, p0  }
0x20: {  	[sflag:s8] =	ssyncset.s32 @!p0 $0xFFFFF086;
	s6 =	sadd.s32 @!p0 s3, s7;
	s7 =	simm.s32 @!p0 $0x108  }
0x21: {  	s3 =	sadd.s32 s3, s9;
	s6 =	sadd.s32 @!p0 $0x88, s6;
	s7 =	simm.s32 @p2 $0x1082  }
0x22: {  	[simem:s7], [sflag:s8] =	dma.local @!p0 [hbm:s6], $0xF7A  }
0x23: {  	s9 =	sor.u32 $0xD0000000, s2;
	s6 =	simm.s32 $0x108;
	_ =	swait.ge @!p0 [sflag:s8], $0x0  }
0x24: {  	s3 =	sadd.s32 $0x88, s3;
	s6 =	simm.s32 @!p1 $0x1082;
	[sflag:s4] =	ssyncset.s32 $0xFFFFF086  }
0x25: {  	[simem:s6], [sflag:s4] =	dma.local [hbm:s3], $0xF7A  }
0x26: {  	[smem:$0x3F8A] =	sst s1;
	(tag) =	ssettag s2;
	_ =	strace s9  }
0x27: {  	s1 =	sld [smem:$0x3F9A]  }
0x28: {  	s2 =	sld [smem:$0x3F9B]  }
0x29: {  	s4 =	sld [smem:$0x3F9D]  }
0x2a: {  	p0 =	seq.s32 s5, $0x0;
	s5 =	sld [smem:$0x3F9E]  }
0x2b: {  	s6 =	sld [smem:$0x3F9F]  }
0x2c: {  	s7 =	sld [smem:$0x3FA0]  }
0x2d: {  	s3 =	simm.s32 $0x108;
	s8 =	sld [smem:$0x3FA1]  }
0x2e: {  	s3 =	simm.s32 @!p0 $0x1082;
	s9 =	sld [smem:$0x3FA2]  }
0x2f: {  	lr =	sadd.s32 s0, s3;
	s0 =	sld [smem:$0x3F99]  }
0x30: {  	s3 =	sld [smem:$0x3F9C]  }
0x31: {  	[smem:$0x3FA5] =	sst s10  }
0x32: {  	s10 =	sld [smem:$0x3FA3];
	_ =	sdelay $0x3  }
0x33: {  	p0 =	seq.s32 s10, $0x1;
	s10 =	sld [smem:$0x3FA5];
	_ =	sdelay $0x3  }
0x34: {  	[smem:$0x3FA5] =	sst s10  }
0x35: {  	s10 =	sld [smem:$0x3FA4];
	_ =	sdelay $0x3  }
0x36: {  	p1 =	seq.s32 s10, $0x1;
	s10 =	sld [smem:$0x3FA5];
	_ =	sdelay $0x3  }
0x37: {  	[smem:$0x3FA5] =	sst s10  }
0x38: {  	s10 =	sld [smem:$0x3FA6]  }
0x39: {  	_ = 	snop;
	(pc) =	sbr.ind lr, $3  }
0x3a: {  	_ = 	snop  }
0x3b: {  	_ = 	snop  }
0x3c: {  	p2 =	seq.s32 s10, $0x1;
	s10 =	sld [smem:$0x3FA5]  }
0x3d: {  	_ =	shalt  }
0x3e: {  	_ =	shalt  }
0x3f: {  	_ =	shalt  }
0x40: {  	_ =	shalt  }
0x41: {  	_ =	shalt  }
0x42: {  	_ =	shalt  }
0x43: {  	_ =	shalt  }
0x44: {  	_ =	shalt  }
0x45: {  	_ =	shalt  }
0x46: {  	_ =	shalt  }
0x47: {  	_ =	shalt  }
0x48: {  	_ =	shalt  }
0x49: {  	_ =	shalt  }
0x4a: {  	_ =	shalt  }
0x4b: {  	_ =	shalt  }
0x4c: {  	_ =	shalt  }
0x4d: {  	_ =	shalt  }
0x4e: {  	_ =	shalt  }
0x4f: {  	_ =	shalt  }
0x50: {  	_ =	shalt  }
0x51: {  	_ =	shalt  }
0x52: {  	_ =	shalt  }
0x53: {  	_ =	shalt  }
0x54: {  	_ =	shalt  }
0x55: {  	_ =	shalt  }
0x56: {  	_ =	shalt  }
0x57: {  	_ =	shalt  }
0x58: {  	_ =	shalt  }
0x59: {  	_ =	shalt  }
0x5a: {  	_ =	shalt  }
0x5b: {  	_ =	shalt  }
0x5c: {  	_ =	shalt  }
0x5d: {  	_ =	shalt  }
0x5e: {  	_ =	shalt  }
0x5f: {  	_ =	shalt  }
0x60: {  	_ =	shalt  }
0x61: {  	_ =	shalt  }
0x62: {  	_ =	shalt  }
0x63: {  	_ =	shalt  }
0x64: {  	_ =	shalt  }
0x65: {  	_ =	shalt  }
0x66: {  	_ =	shalt  }
0x67: {  	_ =	shalt  }
0x68: {  	_ =	shalt  }
0x69: {  	_ =	shalt  }
0x6a: {  	_ =	shalt  }
0x6b: {  	_ =	shalt  }
0x6c: {  	_ =	shalt  }
0x6d: {  	_ =	shalt  }
0x6e: {  	_ =	shalt  }
0x6f: {  	_ =	shalt  }
0x70: {  	_ =	shalt  }
0x71: {  	_ =	shalt  }
0x72: {  	_ =	shalt  }
0x73: {  	_ =	shalt  }
0x74: {  	_ =	shalt  }
0x75: {  	_ =	shalt  }
0x76: {  	_ =	shalt  }
0x77: {  	_ =	shalt  }
0x78: {  	_ =	shalt  }
0x79: {  	_ =	shalt  }
0x7a: {  	_ =	shalt  }
0x7b: {  	_ =	shalt  }
0x7c: {  	_ =	shalt  }
0x7d: {  	_ =	shalt  }
0x7e: {  	_ =	shalt  }
0x7f: {  	_ =	shalt  }
0x80: {  	_ =	shalt  }
0x81: {  	_ =	shalt  }
0x82: {  	_ =	shalt  }
0x83: {  	_ =	shalt  }
0x84: {  	_ =	shalt  }
0x85: {  	_ =	shalt  }
0x86: {  	_ =	shalt  }
0x87: {  	_ =	shalt  }
.Lfunc_end0:
.L_simem_size_0:
called_computation.2_lowered:
.L_overlay_start_0:
0x88: {  	s2 =	sld [smem:$0x3FD9]  }
0x89: {  	s3 =	sld [smem:$0x3FFE];
	_ =	sdelay $0x1  }
0x8a: {  	s1 =	srdreg.scid  }
0x8b: {  	s0 =	sand.u32 $0x1, s1  }
0x8c: {  	s16 =	sshll.u32 s0, $0xA;
	s2 =	sadd.s32 s3, s2  }
0x8d: {  	s2 =	sadd.s32 s2, s16  }
0x8e: {  	[smem:$0x3FB1] =	sst s2  }
0x8f: {  	_ = 	snop  }
0x90: {  	(tm) =	ssettm $0x1  }
0x91: {  	s17 =	sld [smem:$0x3FFB];
	_ =	sdelay $0x3  }
0x92: {  	_ =	strace s17  }
0x93: {  	s2 =	sld [smem:$0x3FFC];
	_ =	sdelay $0x3  }
0x94: {  	_ =	strace s2  }
0x95: {  	s2 =	sld [smem:$0x3FFD];
	_ =	sdelay $0x3  }
0x96: {  	_ =	strace s2  }
0x97: {  	_ =	strace $0x8FFFFFFF  }
0x98: {  	s18 =	sld [smem:$0x3FDB];
	_ =	sdelay $0x1  }
0x99: {  	s19 =	simm.s32 $_scs_section_size  }
0x9a: {  	s4 =	simm.s32 $_size__tile_overlayer_lowered;
	s5 =	simm.s32 $_tile_overlayer_lowered  }
0x9b: {  	s22 =	simm.s32 $0x1BFF;
	s21 =	sshll.u32 s5, $0x1;
	s2 =	sadd.s32 s19, s18  }
0x9c: {  	s6 =	simm.s32 $0x0;
	s20 =	sshll.u32 s4, $0x1;
	s4 =	sadd.s32 s21, s2  }
0x9d: {  	[timem:s6], [sflag:s22] =	dma.local [hbm:s4], s20  }
0x9e: {  	_ =	swait.ge [sflag:s22], s20  }
0x9f: {  	s3 =	ssub.s32 $0x0, s20;
	[sflag:s22] =	ssyncset.done $0x0  }
0xa0: {  	[sflag:s22] =	ssyncadd.s32 s3;
	_ =	sdelay $0x1  }
0xa1: {  	s23 =	simm.s32 $0x1B8B  }
0xa2: {  	_ =	swait.ge [sflag:s23], $0x1  }
0xa3: {  	[sflag:s23] =	ssyncset.done $0x0  }
0xa4: {  	s25 =	simm.s32 $0x1B8E;
	s24 =	sld [smem:$0x3FFE];
	[sflag:s23] =	ssyncadd.s32 $0xFFFFFFFF  }
0xa5: {  	s26 =	simm.s32 $execute0_lowered;
	[smem:$0x3FD2] =	sst s25  }
0xa6: {  	s4 =	sshll.u32 s26, $0x1;
	_ =	strace $0x8000004C;
	[dreg:$0x1] =	wrdreg $0xFFFFFFFF  }
0xa7: {  	s28 =	simm.s32 $_size_execute0_lowered;
	s2 =	sadd.s32 s2, s4;
	[dreg:$0x0] =	wrdreg $0x0  }
0xa8: {  	s4 =	sshll.u32 s28, $0x1;
	[dreg:$0x2] =	wrdreg s2  }
0xa9: {  	[dreg:$0x3] =	wrdreg s4  }
0xaa: {  	[dreg:$0x4] =	wrdreg $0xC0  }
0xab: {  	_ =	task [dreg:s6], $0x5FFFF  }
0xac: {  	[dreg:$0x1] =	wrdreg $0xFFFFFFFF  }
0xad: {  	[dreg:$0x0] =	wrdreg $0x60  }
0xae: {  	[dreg:$0x2] =	wrdreg s24  }
0xaf: {  	[dreg:$0x3] =	wrdreg $0xB5000  }
0xb0: {  	[dreg:$0x4] =	wrdreg $0x9  }
0xb1: {  	_ =	task.clear_ibuf [dreg:s6], $0x5FFFF;
	_ =	strace $0x9000004C  }
0xb2: {  	s29 =	simm.s32 $0x9;
	_ =	strace $0x8000004E  }
0xb3: {  	_ =	swait.ge [sflag:s29], $0x1  }
0xb4: {  	[sflag:s29] =	ssyncadd.s32 $0xFFFFFFFF  }
0xb5: {  	_ =	strace $0x9000004E  }
0xb6: {  	_ =	sfence  }
0xb7: {  	s30 =	sld [smem:$0x0];
	_ =	sdelay $0x2  }
0xb8: {  	s31 =	sshll.u32 s1, $0xD;
	s1 =	sshrl.u32 s1, $0x2  }
0xb9: {  	s3 =	sand.u32 $0x4000, s31;
	s1 =	sadd.s32 s1, s30  }
0xba: {  	s0 =	sor.u32 s3, s0;
	s1 =	sshll.u32 s1, $0x11  }
0xbb: {  	s0 =	sor.u32 s1, s0  }
0xbc: {  	s0 =	sadd.s32 $0x8F2B, s0  }
0xbd: {  	[sflag:s0] =	ssyncadd.remote.s32 $0x1  }
0xbe: {  	_ =	sfence.sel $0xFFFF  }
0xbf: {  	[dreg:$0x0] =	wrdreg $0xFFFFFFFF;
	(pc) =	sbr.abs _section_cstart, $3  }
0xc0: {  	[dreg:$0x1] =	wrdreg $0xFFFFFFFF  }
0xc1: {  	_ =	task.clear_ibuf [dreg:s6], $0x2FFFF;
	_ =	strace $0x9FFFFFFF  }
0xc2: {  	(tm) =	ssettm $0x7FFFFFFF  }
0xc3: {  	_ =	shalt  }
tec
execute0_lowered:
.L_overlay_start_1:
0x0: {  	(tag) =	ssettag $0x1  }
0x1: {  	s0 =	rddreg [dreg:$0x0]  }
0x2: {  	s1 =	rddreg [dreg:$0x1]  }
0x3: {  	s2 =	stileid.u32;
	s3 =	simm.s32 $0x0;
	s29 =	srdreg.scid  }
0x4: {  	s16 =	simm.s32 $0x3;
	s17 =	simm.s32 $0x80;
	s18 =	simm.s32 $0x2D00  }
0x5: {  	s19 =	simm.s32 $0x6D00;
	s20 =	simm.s32 $0x1;
	s4 =	smul.u32 $0x6C00, s2  }
0x6: {  	s21 =	simm.s32 $0x2;
	s22 =	simm.s32 $0x2C80;
	s6 =	smul.u32 $0x3100, s2  }
0x7: {  	s23 =	simm.s32 $0x0;
	[smem:$0x7FF] =	sst s3;
	s30 =	smul.u32 $0x4E000, s2  }
0x8: {  	s7 =	sand.u32 $0x1, s29;
	s10 =	smul.u32 $0x13800, s2;
	p1 =	sne.s32 s2, $0x0  }
0x9: {  	_ =	strace $0x8000004D;
	s31 =	ssub.s32 $0x2, s7;
	s12 =	smul.u32 $0x138800, s7  }
0xa: {  	p0 =	seq.s32 s7, $0x1;
	s5 =	sshrl.u32 s4, $0x3;
	s4 =	sadd.s32 $0x18200, s0  }
0xb: {  	s6 =	sshrl.u32 s6, $0x3;
	s8 =	sshrl.u32 s31, $0x1;
	s9 =	sadd.s32 s5, s0  }
0xc: {  	s11 =	sadd.s32 s6, s0;
	s0 =	sadd.s32 $0x3F400, s0;
	s5 =	sshrl.u32 s30, $0x2  }
0xd: {  	s14 =	ssub.s32 s31, s8;
	s6 =	sadd.s32 $0x138000, s1;
	s13 =	sadd.s32 s10, s12  }
.Ltmp0:
0xe: {  	s15 =	sshrl.u32 s12, $0x3;
	s5 =	sadd.s32 s5, s1;
	(pc) =	sbr.rel .LBB2_1-.Ltmp0, $4  }
0xf: {  	s7 =	sadd.s32 $0xAA00, s9;
	s8 =	sadd.s32 $0xAFA0, s9;
	s9 =	sadd.s32 $0xB540, s9  }
0x10: {  	s10 =	sadd.s32 $0x4800, s11;
	s13 =	sshrl.u32 s13, $0x3;
	s11 =	sadd.s32 $0x4DA0, s11  }
0x11: {  	s14 =	smax.u32 s14, $0x1;
	s12 =	sadd.s32 s0, s13;
	s0 =	sadd.s32 s0, s15  }
0x12: {  	v0 =	vimm.f32 $0.0e+00;
	s15 =	simm.s32 $0xAD00;
	s13 =	sadd.s32 $0x27000, s0;
	s0 =	simm.s32 $0xD80  }
.LBB2_10:
0x13: {  	s25 =	sadd.s32 $0x2D00, s24;
	[sflag:s16] =	ssyncadd.s32 $0xFFFFC000  }
0x14: {  	[tilespmem:s19], [sflag:$0x2] =	stream.indirect.gather [hbm4b:s4+s17], $0x80, s25, s17, $0xb8;
	[tilespmem:$0x1EDC0] =	vst v63  }
0x15: {  	_ =	swait.ge [sflag:s20], $0x4000  }
0x16: {  	[sflag:s20] =	ssyncset.done $0x0  }
0x17: {  	s26 =	sadd.s32 $0x2C80, s24;
	[sflag:s20] =	ssyncadd.s32 $0xFFFFC000  }
0x18: {  	[spmem:s1] =	stream.indirect.scatter.add.f32 [tilespmem:s18], [sflag:$0x3], $0x80, s26, s17, $0xb8;
	[tilespmem:$0x1EDC0] =	vst v63  }
0x19: {  	_ =	swait.ge [sflag:s16], $0x4000  }
0x1a: {  	[sflag:s16] =	ssyncset.done $0x0  }
0x1b: {  	s26 =	sadd.s32 $0x2E00, s24;
	[sflag:s16] =	ssyncadd.s32 $0xFFFFC000  }
0x1c: {  	[tilespmem:s18], [sflag:$0x1] =	stream.indirect.gather [hbm4b:s4+s17], $0x80, s26, s17, $0xb8;
	[tilespmem:$0x1EDC0] =	vst v63  }
0x1d: {  	_ =	swait.ge [sflag:s21], $0x4000  }
0x1e: {  	[sflag:s21] =	ssyncset.done $0x0  }
0x1f: {  	s26 =	sadd.s32 $0x2D80, s24;
	[sflag:s21] =	ssyncadd.s32 $0xFFFFC000  }
0x20: {  	[spmem:s1] =	stream.indirect.scatter.add.f32 [tilespmem:s19], [sflag:$0x3], $0x80, s26, s17, $0xb8;
	[tilespmem:$0x1EDC0] =	vst v63  }
0x21: {  	_ =	swait.ge [sflag:s16], $0x4000  }
0x22: {  	[sflag:s16] =	ssyncset.done $0x0  }
0x23: {  	[sflag:s16] =	ssyncadd.s32 $0xFFFFC000  }
0x24: {  	_ =	swait.ge [sflag:s20], $0x4000  }
0x25: {  	[sflag:s20] =	ssyncset.done $0x0  }
0x26: {  	[sflag:s20] =	ssyncadd.s32 $0xFFFFC000  }
0x27: {  	[spmem:s1] =	stream.indirect.scatter.add.f32 [tilespmem:s18], [sflag:$0x3], $0x80, s22, s17, $0xb8;
	[tilespmem:$0x1EDC0] =	vst v63  }
0x28: {  	_ =	swait.ge [sflag:s16], $0x4000  }
0x29: {  	[sflag:s16] =	ssyncset.done $0x0  }
0x2a: {  	[sflag:s16] =	ssyncadd.s32 $0xFFFFC000  }
0x2b: {  	[tilespmem:s3], [sflag:$0x3] =	stream.linear.gather [hbm4b:s9+s3], $0x1200, $0x38;
	[tilespmem:$0x1EDC0] =	vst v63  }
0x2c: {  	_ =	swait.ge [sflag:s16], $0x1200  }
0x2d: {  	[sflag:s16] =	ssyncset.done $0x0  }
0x2e: {  	[sflag:s16] =	ssyncadd.s32 $0xFFFFEE00  }
0x2f: {  	[tilespmem:s18], [sflag:$0x1] =	stream.indirect.gather [hbm4b:s4+s17], $0x80, s3, s17, $0xb8;
	[tilespmem:$0x1EDC0] =	vst v63  }
0x30: {  	s25 =	simm.s32 $0x100  }
0x31: {  	[tilespmem:s19], [sflag:$0x2] =	stream.indirect.gather [hbm4b:s4+s17], $0x80, s25, s17, $0xb8;
	[tilespmem:$0x1EDC0] =	vst v63  }
0x32: {  	_ =	swait.ge [sflag:s20], $0x4000  }
0x33: {  	[sflag:s20] =	ssyncset.done $0x0  }
0x34: {  	[sflag:s20] =	ssyncadd.s32 $0xFFFFC000  }
0x35: {  	[spmem:s1] =	stream.indirect.scatter.add.f32 [tilespmem:s18], [sflag:$0x3], $0x80, s17, s17, $0xb8;
	[tilespmem:$0x1EDC0] =	vst v63  }
0x36: {  	_ =	swait.ge [sflag:s16], $0x4000  }
0x37: {  	[sflag:s16] =	ssyncset.done $0x0  }
0x38: {  	s26 =	simm.s32 $0x200;
	[sflag:s16] =	ssyncadd.s32 $0xFFFFC000  }
0x39: {  	[tilespmem:s18], [sflag:$0x1] =	stream.indirect.gather [hbm4b:s4+s17], $0x80, s26, s17, $0xb8;
	[tilespmem:$0x1EDC0] =	vst v63  }
0x3a: {  	_ =	swait.ge [sflag:s21], $0x4000  }
0x3b: {  	[sflag:s21] =	ssyncset.done $0x0  }
0x3c: {  	s25 =	simm.s32 $0x180;
	[sflag:s21] =	ssyncadd.s32 $0xFFFFC000  }
0x3d: {  	[spmem:s1] =	stream.indirect.scatter.add.f32 [tilespmem:s19], [sflag:$0x3], $0x80, s25, s17, $0xb8;
	[tilespmem:$0x1EDC0] =	vst v63  }
0x3e: {  	_ =	swait.ge [sflag:s16], $0x4000  }
0x3f: {  	[sflag:s16] =	ssyncset.done $0x0  }
0x40: {  	s26 =	simm.s32 $0x300;
	[sflag:s16] =	ssyncadd.s32 $0xFFFFC000  }
0x41: {  	[tilespmem:s19], [sflag:$0x2] =	stream.indirect.gather [hbm4b:s4+s17], $0x80, s26, s17, $0xb8;
	[tilespmem:$0x1EDC0] =	vst v63  }
0x42: {  	_ =	swait.ge [sflag:s20], $0x4000  }
0x43: {  	[sflag:s20] =	ssyncset.done $0x0  }
0x44: {  	s25 =	simm.s32 $0x280;
	[sflag:s20] =	ssyncadd.s32 $0xFFFFC000  }
0x45: {  	[spmem:s1] =	stream.indirect.scatter.add.f32 [tilespmem:s18], [sflag:$0x3], $0x80, s25, s17, $0xb8;
	[tilespmem:$0x1EDC0] =	vst v63  }
0x46: {  	_ =	swait.ge [sflag:s16], $0x4000  }
0x47: {  	[sflag:s16] =	ssyncset.done $0x0  }
0x48: {  	s26 =	simm.s32 $0x400;
	[sflag:s16] =	ssyncadd.s32 $0xFFFFC000  }
0x49: {  	[tilespmem:s18], [sflag:$0x1] =	stream.indirect.gather [hbm4b:s4+s17], $0x80, s26, s17, $0xb8;
	[tilespmem:$0x1EDC0] =	vst v63  }
0x4a: {  	_ =	swait.ge [sflag:s21], $0x4000  }
0x4b: {  	[sflag:s21] =	ssyncset.done $0x0  }
0x4c: {  	s25 =	simm.s32 $0x380;
	[sflag:s21] =	ssyncadd.s32 $0xFFFFC000  }
0x4d: {  	[spmem:s1] =	stream.indirect.scatter.add.f32 [tilespmem:s19], [sflag:$0x3], $0x80, s25, s17, $0xb8;
	[tilespmem:$0x1EDC0] =	vst v63  }
0x4e: {  	_ =	swait.ge [sflag:s16], $0x4000  }
0x4f: {  	[sflag:s16] =	ssyncset.done $0x0  }
0x50: {  	s26 =	simm.s32 $0x500;
	[sflag:s16] =	ssyncadd.s32 $0xFFFFC000  }
0x51: {  	[tilespmem:s19], [sflag:$0x2] =	stream.indirect.gather [hbm4b:s4+s17], $0x80, s26, s17, $0xb8;
	[tilespmem:$0x1EDC0] =	vst v63  }
0x52: {  	_ =	swait.ge [sflag:s20], $0x4000  }
0x53: {  	[sflag:s20] =	ssyncset.done $0x0  }
0x54: {  	s25 =	simm.s32 $0x480;
	[sflag:s20] =	ssyncadd.s32 $0xFFFFC000  }
0x55: {  	[spmem:s1] =	stream.indirect.scatter.add.f32 [tilespmem:s18], [sflag:$0x3], $0x80, s25, s17, $0xb8;
	[tilespmem:$0x1EDC0] =	vst v63  }
0x56: {  	_ =	swait.ge [sflag:s16], $0x4000  }
0x57: {  	[sflag:s16] =	ssyncset.done $0x0  }
0x58: {  	s26 =	simm.s32 $0x600;
	[sflag:s16] =	ssyncadd.s32 $0xFFFFC000  }
0x59: {  	[tilespmem:s18], [sflag:$0x1] =	stream.indirect.gather [hbm4b:s4+s17], $0x80, s26, s17, $0xb8;
	[tilespmem:$0x1EDC0] =	vst v63  }
0x5a: {  	_ =	swait.ge [sflag:s21], $0x4000  }
0x5b: {  	[sflag:s21] =	ssyncset.done $0x0  }
0x5c: {  	s25 =	simm.s32 $0x580;
	[sflag:s21] =	ssyncadd.s32 $0xFFFFC000  }
0x5d: {  	[spmem:s1] =	stream.indirect.scatter.add.f32 [tilespmem:s19], [sflag:$0x3], $0x80, s25, s17, $0xb8;
	[tilespmem:$0x1EDC0] =	vst v63  }
0x5e: {  	_ =	swait.ge [sflag:s16], $0x4000  }
0x5f: {  	[sflag:s16] =	ssyncset.done $0x0  }
0x60: {  	s26 =	simm.s32 $0x700;
	[sflag:s16] =	ssyncadd.s32 $0xFFFFC000  }
0x61: {  	[tilespmem:s19], [sflag:$0x2] =	stream.indirect.gather [hbm4b:s4+s17], $0x80, s26, s17, $0xb8;
	[tilespmem:$0x1EDC0] =	vst v63  }
0x62: {  	_ =	swait.ge [sflag:s20], $0x4000  }
0x63: {  	[sflag:s20] =	ssyncset.done $0x0  }
0x64: {  	s25 =	simm.s32 $0x680;
	[sflag:s20] =	ssyncadd.s32 $0xFFFFC000  }
0x65: {  	[spmem:s1] =	stream.indirect.scatter.add.f32 [tilespmem:s18], [sflag:$0x3], $0x80, s25, s17, $0xb8;
	[tilespmem:$0x1EDC0] =	vst v63  }
0x66: {  	_ =	swait.ge [sflag:s16], $0x4000  }
0x67: {  	[sflag:s16] =	ssyncset.done $0x0  }
0x68: {  	s26 =	simm.s32 $0x800;
	[sflag:s16] =	ssyncadd.s32 $0xFFFFC000  }
0x69: {  	[tilespmem:s18], [sflag:$0x1] =	stream.indirect.gather [hbm4b:s4+s17], $0x80, s26, s17, $0xb8;
	[tilespmem:$0x1EDC0] =	vst v63  }
0x6a: {  	_ =	swait.ge [sflag:s21], $0x4000  }
0x6b: {  	[sflag:s21] =	ssyncset.done $0x0  }
0x6c: {  	s25 =	simm.s32 $0x780;
	[sflag:s21] =	ssyncadd.s32 $0xFFFFC000  }
0x6d: {  	[spmem:s1] =	stream.indirect.scatter.add.f32 [tilespmem:s19], [sflag:$0x3], $0x80, s25, s17, $0xb8;
	[tilespmem:$0x1EDC0] =	vst v63  }
0x6e: {  	_ =	swait.ge [sflag:s16], $0x4000  }
0x6f: {  	[sflag:s16] =	ssyncset.done $0x0  }
0x70: {  	s26 =	simm.s32 $0x900;
	[sflag:s16] =	ssyncadd.s32 $0xFFFFC000  }
0x71: {  	[tilespmem:s19], [sflag:$0x2] =	stream.indirect.gather [hbm4b:s4+s17], $0x80, s26, s17, $0xb8;
	[tilespmem:$0x1EDC0] =	vst v63  }
0x72: {  	_ =	swait.ge [sflag:s20], $0x4000  }
0x73: {  	[sflag:s20] =	ssyncset.done $0x0  }
0x74: {  	s25 =	simm.s32 $0x880;
	[sflag:s20] =	ssyncadd.s32 $0xFFFFC000  }
0x75: {  	[spmem:s1] =	stream.indirect.scatter.add.f32 [tilespmem:s18], [sflag:$0x3], $0x80, s25, s17, $0xb8;
	[tilespmem:$0x1EDC0] =	vst v63  }
0x76: {  	_ =	swait.ge [sflag:s16], $0x4000  }
0x77: {  	[sflag:s16] =	ssyncset.done $0x0  }
0x78: {  	s26 =	simm.s32 $0xA00;
	[sflag:s16] =	ssyncadd.s32 $0xFFFFC000  }
0x79: {  	[tilespmem:s18], [sflag:$0x1] =	stream.indirect.gather [hbm4b:s4+s17], $0x80, s26, s17, $0xb8;
	[tilespmem:$0x1EDC0] =	vst v63  }
0x7a: {  	_ =	swait.ge [sflag:s21], $0x4000  }
0x7b: {  	[sflag:s21] =	ssyncset.done $0x0  }
0x7c: {  	s25 =	simm.s32 $0x980;
	[sflag:s21] =	ssyncadd.s32 $0xFFFFC000  }
0x7d: {  	[spmem:s1] =	stream.indirect.scatter.add.f32 [tilespmem:s19], [sflag:$0x3], $0x80, s25, s17, $0xb8;
	[tilespmem:$0x1EDC0] =	vst v63  }
0x7e: {  	_ =	swait.ge [sflag:s16], $0x4000  }
0x7f: {  	[sflag:s16] =	ssyncset.done $0x0  }
0x80: {  	s26 =	simm.s32 $0xB00;
	[sflag:s16] =	ssyncadd.s32 $0xFFFFC000  }
0x81: {  	[tilespmem:s19], [sflag:$0x2] =	stream.indirect.gather [hbm4b:s4+s17], $0x80, s26, s17, $0xb8;
	[tilespmem:$0x1EDC0] =	vst v63  }
0x82: {  	_ =	swait.ge [sflag:s20], $0x4000  }
0x83: {  	[sflag:s20] =	ssyncset.done $0x0  }
0x84: {  	s25 =	simm.s32 $0xA80;
	[sflag:s20] =	ssyncadd.s32 $0xFFFFC000  }
0x85: {  	[spmem:s1] =	stream.indirect.scatter.add.f32 [tilespmem:s18], [sflag:$0x3], $0x80, s25, s17, $0xb8;
	[tilespmem:$0x1EDC0] =	vst v63  }
0x86: {  	_ =	swait.ge [sflag:s16], $0x4000  }
0x87: {  	[sflag:s16] =	ssyncset.done $0x0  }
0x88: {  	s26 =	simm.s32 $0xC00;
	[sflag:s16] =	ssyncadd.s32 $0xFFFFC000  }
0x89: {  	[tilespmem:s18], [sflag:$0x1] =	stream.indirect.gather [hbm4b:s4+s17], $0x80, s26, s17, $0xb8;
	[tilespmem:$0x1EDC0] =	vst v63  }
0x8a: {  	_ =	swait.ge [sflag:s21], $0x4000  }
0x8b: {  	[sflag:s21] =	ssyncset.done $0x0  }
0x8c: {  	s25 =	simm.s32 $0xB80;
	[sflag:s21] =	ssyncadd.s32 $0xFFFFC000  }
0x8d: {  	[spmem:s1] =	stream.indirect.scatter.add.f32 [tilespmem:s19], [sflag:$0x3], $0x80, s25, s17, $0xb8;
	[tilespmem:$0x1EDC0] =	vst v63  }
0x8e: {  	_ =	swait.ge [sflag:s16], $0x4000  }
0x8f: {  	[sflag:s16] =	ssyncset.done $0x0  }
0x90: {  	s26 =	simm.s32 $0xD00;
	[sflag:s16] =	ssyncadd.s32 $0xFFFFC000  }
0x91: {  	[tilespmem:s19], [sflag:$0x2] =	stream.indirect.gather [hbm4b:s4+s17], $0x80, s26, s17, $0xb8;
	[tilespmem:$0x1EDC0] =	vst v63  }
0x92: {  	_ =	swait.ge [sflag:s20], $0x4000  }
0x93: {  	[sflag:s20] =	ssyncset.done $0x0  }
0x94: {  	s25 =	simm.s32 $0xC80;
	[sflag:s20] =	ssyncadd.s32 $0xFFFFC000  }
0x95: {  	[spmem:s1] =	stream.indirect.scatter.add.f32 [tilespmem:s18], [sflag:$0x3], $0x80, s25, s17, $0xb8;
	[tilespmem:$0x1EDC0] =	vst v63  }
0x96: {  	_ =	swait.ge [sflag:s16], $0x4000  }
0x97: {  	[sflag:s16] =	ssyncset.done $0x0  }
0x98: {  	s26 =	simm.s32 $0xE00;
	[sflag:s16] =	ssyncadd.s32 $0xFFFFC000  }
0x99: {  	[tilespmem:s18], [sflag:$0x1] =	stream.indirect.gather [hbm4b:s4+s17], $0x80, s26, s17, $0xb8;
	[tilespmem:$0x1EDC0] =	vst v63  }
0x9a: {  	_ =	swait.ge [sflag:s21], $0x4000  }
0x9b: {  	[sflag:s21] =	ssyncset.done $0x0  }
0x9c: {  	s29 =	simm.s32 $0xF80;
	[sflag:s21] =	ssyncadd.s32 $0xFFFFC000  }
0x9d: {  	[spmem:s1] =	stream.indirect.scatter.add.f32 [tilespmem:s19], [sflag:$0x3], $0x80, s0, s17, $0xb8;
	[tilespmem:$0x1EDC0] =	vst v63  }
0x9e: {  	s30 =	simm.s32 $0x1000;
	s28 =	simm.s32 $0xE80;
	_ =	swait.ge [sflag:s16], $0x4000  }
0x9f: {  	s31 =	simm.s32 $0xF00;
	s24 =	simm.s32 $0x1180;
	[sflag:s16] =	ssyncset.done $0x0  }
0xa0: {  	s25 =	simm.s32 $0x1080;
	s26 =	simm.s32 $0x1100;
	[sflag:s16] =	ssyncadd.s32 $0xFFFFC000  }
.LBB2_14:
0xa1: {  	[tilespmem:s19], [sflag:$0x2] =	stream.indirect.gather [hbm4b:s4+s17], $0x80, s31, s17, $0xb8;
	[tilespmem:$0x1EDC0] =	vst v63  }
0xa2: {  	_ =	swait.ge [sflag:s20], $0x4000  }
0xa3: {  	[sflag:s20] =	ssyncset.done $0x0  }
0xa4: {  	[sflag:s20] =	ssyncadd.s32 $0xFFFFC000  }
0xa5: {  	[spmem:s1] =	stream.indirect.scatter.add.f32 [tilespmem:s18], [sflag:$0x3], $0x80, s28, s17, $0xb8;
	[tilespmem:$0x1EDC0] =	vst v63  }
0xa6: {  	_ =	swait.ge [sflag:s16], $0x4000  }
0xa7: {  	[sflag:s16] =	ssyncset.done $0x0  }
0xa8: {  	[sflag:s16] =	ssyncadd.s32 $0xFFFFC000  }
0xa9: {  	[tilespmem:s18], [sflag:$0x1] =	stream.indirect.gather [hbm4b:s4+s17], $0x80, s30, s17, $0xb8;
	[tilespmem:$0x1EDC0] =	vst v63  }
0xaa: {  	_ =	swait.ge [sflag:s21], $0x4000  }
0xab: {  	[sflag:s21] =	ssyncset.done $0x0  }
0xac: {  	[sflag:s21] =	ssyncadd.s32 $0xFFFFC000  }
0xad: {  	[spmem:s1] =	stream.indirect.scatter.add.f32 [tilespmem:s19], [sflag:$0x3], $0x80, s29, s17, $0xb8;
	[tilespmem:$0x1EDC0] =	vst v63  }
0xae: {  	_ =	swait.ge [sflag:s16], $0x4000  }
0xaf: {  	[sflag:s16] =	ssyncset.done $0x0  }
0xb0: {  	[sflag:s16] =	ssyncadd.s32 $0xFFFFC000  }
0xb1: {  	[tilespmem:s19], [sflag:$0x2] =	stream.indirect.gather [hbm4b:s4+s17], $0x80, s26, s17, $0xb8;
	[tilespmem:$0x1EDC0] =	vst v63  }
0xb2: {  	_ =	swait.ge [sflag:s20], $0x4000  }
0xb3: {  	[sflag:s20] =	ssyncset.done $0x0  }
0xb4: {  	[sflag:s20] =	ssyncadd.s32 $0xFFFFC000  }
0xb5: {  	[spmem:s1] =	stream.indirect.scatter.add.f32 [tilespmem:s18], [sflag:$0x3], $0x80, s25, s17, $0xb8;
	[tilespmem:$0x1EDC0] =	vst v63  }
0xb6: {  	_ =	swait.ge [sflag:s16], $0x4000  }
0xb7: {  	[sflag:s16] =	ssyncset.done $0x0  }
0xb8: {  	[sflag:s16] =	ssyncadd.s32 $0xFFFFC000  }
0xb9: {  	_ =	swait.ge [sflag:s21], $0x4000  }
0xba: {  	[sflag:s21] =	ssyncset.done $0x0  }
0xbb: {  	[sflag:s21] =	ssyncadd.s32 $0xFFFFC000  }
0xbc: {  	[spmem:s1] =	stream.indirect.scatter.add.f32 [tilespmem:s19], [sflag:$0x3], $0x80, s24, s17, $0xb8;
	[tilespmem:$0x1EDC0] =	vst v63  }
0xbd: {  	_ =	swait.ge [sflag:s16], $0x4000  }
0xbe: {  	[sflag:s16] =	ssyncset.done $0x0  }
0xbf: {  	s30 =	sshll.u32 s2, $0x6;
	[sflag:s16] =	ssyncadd.s32 $0xFFFFC000  }
0xc0: {  	s31 =	sshrl.u32 s5, $0x3;
	s24 =	sor.u32 $0x1C03, s30;
	[bflag:$0x0] =	sbarrier.arrive $0xFFFF  }
0xc1: {  	[hbm:s12], [sflag:s24] =	dma.local [spmem:s31], $0x2700  }
0xc2: {  	_ =	swait.ge [sflag:s16], $0x2700  }
0xc3: {  	s23 =	sadd.s32 $0x1, s23;
	[sflag:s16] =	ssyncset.done $0x0  }
0xc4: {  	p2 =	sne.s32 s23, s14;
	s25 =	sshrl.u32 @!p1 s6, $0x3;
	[sflag:s16] =	ssyncadd.s32 $0xFFFFD900  }
0xc5: {  	[hbm:s13], [sflag:s24] =	dma.local @!p1 [spmem:s25], $0x100  }
.Ltmp1:
0xc6: {  	_ = 	snop;
	(pc) =	sbr.rel @!p2 .LBB2_15-.Ltmp1, $4  }
0xc7: {  	s24 =	simm.s32 @!p1 $0x3  }
0xc8: {  	_ =	swait.ge @!p1 [sflag:s24], $0x100  }
0xc9: {  	[sflag:s24] =	ssyncset.done @!p1 $0x0  }
0xca: {  	[sflag:s24] =	ssyncadd.s32 @!p1 $0xFFFFFF00  }
.LBB2_1:
0xcb: {  	s24 =	simm.s32 $0x0;
	s25 =	simm.s32 $0x200  }
.LBB2_2:
0xcc: {  	p2 =	sne.s32 s25, $0x1E00;
	[tilespmem:s24+$0xAD70] =	vst v0  }
0xcd: {  	[tilespmem:s24+$0xAD00] =	vst v0  }
0xce: {  	[tilespmem:s24+$0xAD10] =	vst v0  }
.Ltmp2:
0xcf: {  	[tilespmem:s24+$0xAD20] =	vst v0;
	(pc) =	sbr.rel @p2 .LBB2_2-.Ltmp2, $4  }
0xd0: {  	[tilespmem:s24+$0xAD30] =	vst v0  }
0xd1: {  	[tilespmem:s24+$0xAD40] =	vst v0  }
0xd2: {  	[tilespmem:s24+$0xAD50] =	vst v0  }
0xd3: {  	[tilespmem:s24+$0xAD60] =	vst v0;
	s24 =	sshra.s32 s25, $0x2;
	s25 =	sadd.s32 $0x200, s25  }
0xd4: {  	[tilespmem:s24+$0xAD70] =	vst v0  }
0xd5: {  	[tilespmem:s24+$0xAD00] =	vst v0  }
0xd6: {  	[tilespmem:s24+$0xAD10] =	vst v0  }
0xd7: {  	[tilespmem:s24+$0xAD20] =	vst v0  }
0xd8: {  	[tilespmem:s24+$0xAD30] =	vst v0  }
0xd9: {  	[tilespmem:s24+$0xAD40] =	vst v0  }
0xda: {  	[tilespmem:s24+$0xAD50] =	vst v0  }
0xdb: {  	[tilespmem:s24+$0xAD60] =	vst v0;
	s31 =	sadd.s32 $0x0, s5  }
0xdc: {  	[spmem:s31] =	stream.linear.scatter [tilespmem:s15], [sflag:$0x3], $0x800, $0x38;
	[tilespmem:$0x1EDC0] =	vst v63  }
0xdd: {  	s24 =	simm.s32 $0x2000;
	_ =	swait.ge [sflag:s16], $0x800  }
.LBB2_4:
0xde: {  	s25 =	sshra.s32 s24, $0x2;
	[sflag:s16] =	ssyncset.done $0x0;
	p2 =	sne.s32 s24, $0x4C000  }
.Ltmp3:
0xdf: {  	s25 =	sadd.s32 s25, s5;
	[sflag:s16] =	ssyncadd.s32 $0xFFFFF800;
	(pc) =	sbr.rel @p2 .LBB2_4-.Ltmp3, $3  }
0xe0: {  	[spmem:s25] =	stream.linear.scatter [tilespmem:s15], [sflag:$0x3], $0x800, $0x38;
	[tilespmem:$0x1EDC0] =	vst v63  }
0xe1: {  	s24 =	sadd.s32 $0x2000, s24;
	_ =	sdelay $0x1  }
0xe2: {  	_ =	swait.ge [sflag:s16], $0x800  }
0xe3: {  	[sflag:s16] =	ssyncset.done $0x0  }
0xe4: {  	s24 =	simm.s32 @!p1 $0xAD00;
	[sflag:s16] =	ssyncadd.s32 $0xFFFFF800  }
0xe5: {  	[spmem:s6] =	stream.linear.scatter @!p1 [tilespmem:s24], [sflag:$0x3], $0x800, $0x38;
	[tilespmem:$0x1EDC0] =	vst v63  }
0xe6: {  	s24 =	simm.s32 @!p1 $0x3  }
.Ltmp4:
0xe7: {  	_ =	swait.ge @!p1 [sflag:s24], $0x800;
	(pc) =	sbr.rel @!p0 .LBB2_6-.Ltmp4, $3  }
0xe8: {  	[sflag:s24] =	ssyncset.done @!p1 $0x0  }
0xe9: {  	[sflag:s24] =	ssyncadd.s32 @!p1 $0xFFFFF800  }
0xea: {  	[bflag:$0x0] =	sbarrier.arrive $0xFFFF;
	_ =	sdelay $0x1  }
0xeb: {  	[tilespmem:s3], [sflag:$0x3] =	stream.linear.gather [hbm4b:s10+s3], $0x2D00, $0x38;
	[tilespmem:$0x1EDC0] =	vst v63  }
0xec: {  	_ =	swait.ge [sflag:s16], $0x2D00  }
0xed: {  	[sflag:s16] =	ssyncset.done $0x0  }
0xee: {  	[sflag:s16] =	ssyncadd.s32 $0xFFFFD300  }
0xef: {  	[tilespmem:s18], [sflag:$0x1] =	stream.indirect.gather [hbm4b:s4+s17], $0x80, s3, s17, $0xb8;
	[tilespmem:$0x1EDC0] =	vst v63  }
0xf0: {  	s24 =	simm.s32 $0x100  }
0xf1: {  	[tilespmem:s19], [sflag:$0x2] =	stream.indirect.gather [hbm4b:s4+s17], $0x80, s24, s17, $0xb8;
	[tilespmem:$0x1EDC0] =	vst v63  }
0xf2: {  	_ =	swait.ge [sflag:s20], $0x4000  }
0xf3: {  	[sflag:s20] =	ssyncset.done $0x0  }
0xf4: {  	s29 =	simm.s32 $0x80;
	[sflag:s20] =	ssyncadd.s32 $0xFFFFC000  }
0xf5: {  	[spmem:s1] =	stream.indirect.scatter.add.f32 [tilespmem:s18], [sflag:$0x3], $0x80, s29, s17, $0xb8;
	[tilespmem:$0x1EDC0] =	vst v63  }
0xf6: {  	_ =	swait.ge [sflag:s16], $0x4000  }
0xf7: {  	[sflag:s16] =	ssyncset.done $0x0  }
0xf8: {  	s30 =	simm.s32 $0x200;
	[sflag:s16] =	ssyncadd.s32 $0xFFFFC000  }
0xf9: {  	[tilespmem:s18], [sflag:$0x1] =	stream.indirect.gather [hbm4b:s4+s17], $0x80, s30, s17, $0xb8;
	[tilespmem:$0x1EDC0] =	vst v63  }
0xfa: {  	_ =	swait.ge [sflag:s21], $0x4000  }
0xfb: {  	[sflag:s21] =	ssyncset.done $0x0  }
0xfc: {  	s31 =	simm.s32 $0x180;
	[sflag:s21] =	ssyncadd.s32 $0xFFFFC000  }
0xfd: {  	[spmem:s1] =	stream.indirect.scatter.add.f32 [tilespmem:s19], [sflag:$0x3], $0x80, s31, s17, $0xb8;
	[tilespmem:$0x1EDC0] =	vst v63  }
0xfe: {  	_ =	swait.ge [sflag:s16], $0x4000  }
0xff: {  	s25 =	simm.s32 $0xFFFF6000;
	s24 =	simm.s32 $0xFFFFD600;
	[sflag:s16] =	ssyncset.done $0x0  }
.LBB2_12:
0x100: {  	s26 =	sadd.s32 $0x2D00, s24  }
0x101: {  	[sflag:s16] =	ssyncadd.s32 $0xFFFFC000;
	s28 =	smov.u32 s25;
	s29 =	sadd.s32 $0x800, s25  }
0x102: {  	[tilespmem:s19], [sflag:$0x2] =	stream.indirect.gather [hbm4b:s4+s17], $0x80, s26, s17, $0xb8;
	[tilespmem:$0x1EDC0] =	vst v63  }
0x103: {  	p2 =	sne.s32 s25, $0xFFFFF800;
	_ =	swait.ge [sflag:s20], $0x4000  }
0x104: {  	[sflag:s20] =	ssyncset.done $0x0  }
0x105: {  	s25 =	sadd.s32 $0x2C80, s24;
	[sflag:s20] =	ssyncadd.s32 $0xFFFFC000  }
0x106: {  	[spmem:s1] =	stream.indirect.scatter.add.f32 [tilespmem:s18], [sflag:$0x3], $0x80, s25, s17, $0xb8;
	[tilespmem:$0x1EDC0] =	vst v63  }
0x107: {  	_ =	swait.ge [sflag:s16], $0x4000  }
0x108: {  	[sflag:s16] =	ssyncset.done $0x0  }
0x109: {  	s25 =	sadd.s32 $0x2E00, s24;
	[sflag:s16] =	ssyncadd.s32 $0xFFFFC000  }
0x10a: {  	[tilespmem:s18], [sflag:$0x1] =	stream.indirect.gather [hbm4b:s4+s17], $0x80, s25, s17, $0xb8;
	[tilespmem:$0x1EDC0] =	vst v63  }
0x10b: {  	_ =	swait.ge [sflag:s21], $0x4000  }
.Ltmp5:
0x10c: {  	[sflag:s21] =	ssyncset.done $0x0;
	(pc) =	sbr.rel @p2 .LBB2_12-.Ltmp5, $4  }
0x10d: {  	s24 =	sadd.s32 $0x2D80, s24;
	[sflag:s21] =	ssyncadd.s32 $0xFFFFC000  }
0x10e: {  	[spmem:s1] =	stream.indirect.scatter.add.f32 [tilespmem:s19], [sflag:$0x3], $0x80, s24, s17, $0xb8;
	[tilespmem:$0x1EDC0] =	vst v63  }
0x10f: {  	_ =	swait.ge [sflag:s16], $0x4000  }
0x110: {  	s25 =	smov.u32 s29;
	s24 =	sshra.s32 s28, $0x2;
	[sflag:s16] =	ssyncset.done $0x0  }
0x111: {  	s25 =	sadd.s32 $0x2D00, s24;
	[sflag:s16] =	ssyncadd.s32 $0xFFFFC000  }
0x112: {  	[tilespmem:s19], [sflag:$0x2] =	stream.indirect.gather [hbm4b:s4+s17], $0x80, s25, s17, $0xb8;
	[tilespmem:$0x1EDC0] =	vst v63  }
0x113: {  	_ =	swait.ge [sflag:s20], $0x4000  }
0x114: {  	[sflag:s20] =	ssyncset.done $0x0  }
0x115: {  	s26 =	sadd.s32 $0x2C80, s24;
	[sflag:s20] =	ssyncadd.s32 $0xFFFFC000  }
0x116: {  	[spmem:s1] =	stream.indirect.scatter.add.f32 [tilespmem:s18], [sflag:$0x3], $0x80, s26, s17, $0xb8;
	[tilespmem:$0x1EDC0] =	vst v63  }
0x117: {  	_ =	swait.ge [sflag:s16], $0x4000  }
0x118: {  	[sflag:s16] =	ssyncset.done $0x0  }
0x119: {  	s26 =	sadd.s32 $0x2E00, s24;
	[sflag:s16] =	ssyncadd.s32 $0xFFFFC000  }
0x11a: {  	[tilespmem:s18], [sflag:$0x1] =	stream.indirect.gather [hbm4b:s4+s17], $0x80, s26, s17, $0xb8;
	[tilespmem:$0x1EDC0] =	vst v63  }
0x11b: {  	_ =	swait.ge [sflag:s21], $0x4000  }
0x11c: {  	[sflag:s21] =	ssyncset.done $0x0  }
0x11d: {  	s26 =	sadd.s32 $0x2D80, s24;
	[sflag:s21] =	ssyncadd.s32 $0xFFFFC000  }
0x11e: {  	[spmem:s1] =	stream.indirect.scatter.add.f32 [tilespmem:s19], [sflag:$0x3], $0x80, s26, s17, $0xb8;
	[tilespmem:$0x1EDC0] =	vst v63  }
0x11f: {  	_ =	swait.ge [sflag:s16], $0x4000  }
0x120: {  	[sflag:s16] =	ssyncset.done $0x0  }
0x121: {  	[sflag:s16] =	ssyncadd.s32 $0xFFFFC000  }
0x122: {  	_ =	swait.ge [sflag:s20], $0x4000  }
0x123: {  	[sflag:s20] =	ssyncset.done $0x0  }
0x124: {  	s28 =	simm.s32 $0x80;
	[sflag:s20] =	ssyncadd.s32 $0xFFFFC000  }
0x125: {  	[spmem:s1] =	stream.indirect.scatter.add.f32 [tilespmem:s18], [sflag:$0x3], $0x80, s22, s28, $0xb8;
	[tilespmem:$0x1EDC0] =	vst v63  }
0x126: {  	_ =	swait.ge [sflag:s16], $0x4000  }
0x127: {  	[sflag:s16] =	ssyncset.done $0x0  }
0x128: {  	[sflag:s16] =	ssyncadd.s32 $0xFFFFC000  }
0x129: {  	[tilespmem:s3], [sflag:$0x3] =	stream.linear.gather [hbm4b:s11+s3], $0x400, $0x38;
	[tilespmem:$0x1EDC0] =	vst v63  }
.Ltmp6:
0x12a: {  	_ = 	snop;
	(pc) =	sbr.rel .LBB2_14-.Ltmp6, $4  }
0x12b: {  	s29 =	simm.s32 $0x180;
	s30 =	simm.s32 $0x200;
	_ =	swait.ge [sflag:s16], $0x400  }
0x12c: {  	s31 =	simm.s32 $0x100;
	s25 =	simm.s32 $0x280;
	[sflag:s16] =	ssyncset.done $0x0  }
0x12d: {  	s24 =	simm.s32 $0x380;
	s26 =	simm.s32 $0x300;
	[sflag:s16] =	ssyncadd.s32 $0xFFFFFC00  }
0x12e: {  	[tilespmem:s18], [sflag:$0x1] =	stream.indirect.gather [hbm4b:s4+s28], $0x80, s3, s28, $0xb8;
	[tilespmem:$0x1EDC0] =	vst v63  }
.LBB2_6:
0x12f: {  	[tilespmem:s3], [sflag:$0x3] =	stream.linear.gather [hbm4b:s7+s3], $0x2D00, $0x38;
	[tilespmem:$0x1EDC0] =	vst v63  }
0x130: {  	_ =	swait.ge [sflag:s16], $0x2D00  }
0x131: {  	[sflag:s16] =	ssyncset.done $0x0  }
0x132: {  	[sflag:s16] =	ssyncadd.s32 $0xFFFFD300  }
0x133: {  	[tilespmem:s18], [sflag:$0x1] =	stream.indirect.gather [hbm4b:s4+s17], $0x80, s3, s17, $0xb8;
	[tilespmem:$0x1EDC0] =	vst v63  }
0x134: {  	s24 =	simm.s32 $0x100  }
0x135: {  	[tilespmem:s19], [sflag:$0x2] =	stream.indirect.gather [hbm4b:s4+s17], $0x80, s24, s17, $0xb8;
	[tilespmem:$0x1EDC0] =	vst v63  }
0x136: {  	_ =	swait.ge [sflag:s20], $0x4000  }
0x137: {  	[sflag:s20] =	ssyncset.done $0x0  }
0x138: {  	s29 =	simm.s32 $0x80;
	[sflag:s20] =	ssyncadd.s32 $0xFFFFC000  }
0x139: {  	[spmem:s1] =	stream.indirect.scatter.add.f32 [tilespmem:s18], [sflag:$0x3], $0x80, s29, s17, $0xb8;
	[tilespmem:$0x1EDC0] =	vst v63  }
0x13a: {  	_ =	swait.ge [sflag:s16], $0x4000  }
0x13b: {  	[sflag:s16] =	ssyncset.done $0x0  }
0x13c: {  	s30 =	simm.s32 $0x200;
	[sflag:s16] =	ssyncadd.s32 $0xFFFFC000  }
0x13d: {  	[tilespmem:s18], [sflag:$0x1] =	stream.indirect.gather [hbm4b:s4+s17], $0x80, s30, s17, $0xb8;
	[tilespmem:$0x1EDC0] =	vst v63  }
0x13e: {  	_ =	swait.ge [sflag:s21], $0x4000  }
0x13f: {  	[sflag:s21] =	ssyncset.done $0x0  }
0x140: {  	s31 =	simm.s32 $0x180;
	[sflag:s21] =	ssyncadd.s32 $0xFFFFC000  }
0x141: {  	[spmem:s1] =	stream.indirect.scatter.add.f32 [tilespmem:s19], [sflag:$0x3], $0x80, s31, s17, $0xb8;
	[tilespmem:$0x1EDC0] =	vst v63  }
0x142: {  	_ =	swait.ge [sflag:s16], $0x4000  }
0x143: {  	s25 =	simm.s32 $0xFFFF6000;
	s24 =	simm.s32 $0xFFFFD600;
	[sflag:s16] =	ssyncset.done $0x0  }
.LBB2_7:
0x144: {  	s26 =	sadd.s32 $0x2D00, s24  }
0x145: {  	[sflag:s16] =	ssyncadd.s32 $0xFFFFC000;
	s28 =	smov.u32 s25;
	s29 =	sadd.s32 $0x800, s25  }
0x146: {  	[tilespmem:s19], [sflag:$0x2] =	stream.indirect.gather [hbm4b:s4+s17], $0x80, s26, s17, $0xb8;
	[tilespmem:$0x1EDC0] =	vst v63  }
0x147: {  	p2 =	sne.s32 s25, $0xFFFFF800;
	_ =	swait.ge [sflag:s20], $0x4000  }
0x148: {  	[sflag:s20] =	ssyncset.done $0x0  }
0x149: {  	s25 =	sadd.s32 $0x2C80, s24;
	[sflag:s20] =	ssyncadd.s32 $0xFFFFC000  }
0x14a: {  	[spmem:s1] =	stream.indirect.scatter.add.f32 [tilespmem:s18], [sflag:$0x3], $0x80, s25, s17, $0xb8;
	[tilespmem:$0x1EDC0] =	vst v63  }
0x14b: {  	_ =	swait.ge [sflag:s16], $0x4000  }
0x14c: {  	[sflag:s16] =	ssyncset.done $0x0  }
0x14d: {  	s25 =	sadd.s32 $0x2E00, s24;
	[sflag:s16] =	ssyncadd.s32 $0xFFFFC000  }
0x14e: {  	[tilespmem:s18], [sflag:$0x1] =	stream.indirect.gather [hbm4b:s4+s17], $0x80, s25, s17, $0xb8;
	[tilespmem:$0x1EDC0] =	vst v63  }
0x14f: {  	_ =	swait.ge [sflag:s21], $0x4000  }
.Ltmp7:
0x150: {  	[sflag:s21] =	ssyncset.done $0x0;
	(pc) =	sbr.rel @p2 .LBB2_7-.Ltmp7, $4  }
0x151: {  	s24 =	sadd.s32 $0x2D80, s24;
	[sflag:s21] =	ssyncadd.s32 $0xFFFFC000  }
0x152: {  	[spmem:s1] =	stream.indirect.scatter.add.f32 [tilespmem:s19], [sflag:$0x3], $0x80, s24, s17, $0xb8;
	[tilespmem:$0x1EDC0] =	vst v63  }
0x153: {  	_ =	swait.ge [sflag:s16], $0x4000  }
0x154: {  	s25 =	smov.u32 s29;
	s24 =	sshra.s32 s28, $0x2;
	[sflag:s16] =	ssyncset.done $0x0  }
0x155: {  	s25 =	sadd.s32 $0x2D00, s24;
	[sflag:s16] =	ssyncadd.s32 $0xFFFFC000  }
0x156: {  	[tilespmem:s19], [sflag:$0x2] =	stream.indirect.gather [hbm4b:s4+s17], $0x80, s25, s17, $0xb8;
	[tilespmem:$0x1EDC0] =	vst v63  }
0x157: {  	_ =	swait.ge [sflag:s20], $0x4000  }
0x158: {  	[sflag:s20] =	ssyncset.done $0x0  }
0x159: {  	s30 =	sadd.s32 $0x2C80, s24;
	[sflag:s20] =	ssyncadd.s32 $0xFFFFC000  }
0x15a: {  	[spmem:s1] =	stream.indirect.scatter.add.f32 [tilespmem:s18], [sflag:$0x3], $0x80, s30, s17, $0xb8;
	[tilespmem:$0x1EDC0] =	vst v63  }
0x15b: {  	_ =	swait.ge [sflag:s16], $0x4000  }
0x15c: {  	[sflag:s16] =	ssyncset.done $0x0  }
0x15d: {  	s31 =	sadd.s32 $0x2E00, s24;
	[sflag:s16] =	ssyncadd.s32 $0xFFFFC000  }
0x15e: {  	[tilespmem:s18], [sflag:$0x1] =	stream.indirect.gather [hbm4b:s4+s17], $0x80, s31, s17, $0xb8;
	[tilespmem:$0x1EDC0] =	vst v63  }
0x15f: {  	_ =	swait.ge [sflag:s21], $0x4000  }
0x160: {  	[sflag:s21] =	ssyncset.done $0x0  }
0x161: {  	s26 =	sadd.s32 $0x2D80, s24;
	[sflag:s21] =	ssyncadd.s32 $0xFFFFC000  }
0x162: {  	[spmem:s1] =	stream.indirect.scatter.add.f32 [tilespmem:s19], [sflag:$0x3], $0x80, s26, s17, $0xb8;
	[tilespmem:$0x1EDC0] =	vst v63  }
0x163: {  	_ =	swait.ge [sflag:s16], $0x4000  }
0x164: {  	[sflag:s16] =	ssyncset.done $0x0  }
0x165: {  	[sflag:s16] =	ssyncadd.s32 $0xFFFFC000  }
0x166: {  	_ =	swait.ge [sflag:s20], $0x4000  }
0x167: {  	[sflag:s20] =	ssyncset.done $0x0  }
0x168: {  	[sflag:s20] =	ssyncadd.s32 $0xFFFFC000  }
0x169: {  	[spmem:s1] =	stream.indirect.scatter.add.f32 [tilespmem:s18], [sflag:$0x3], $0x80, s22, s17, $0xb8;
	[tilespmem:$0x1EDC0] =	vst v63  }
0x16a: {  	_ =	swait.ge [sflag:s16], $0x4000  }
0x16b: {  	[sflag:s16] =	ssyncset.done $0x0  }
0x16c: {  	[sflag:s16] =	ssyncadd.s32 $0xFFFFC000  }
0x16d: {  	[tilespmem:s3], [sflag:$0x3] =	stream.linear.gather [hbm4b:s8+s3], $0x2D00, $0x38;
	[tilespmem:$0x1EDC0] =	vst v63  }
0x16e: {  	_ =	swait.ge [sflag:s16], $0x2D00  }
0x16f: {  	[sflag:s16] =	ssyncset.done $0x0  }
0x170: {  	[sflag:s16] =	ssyncadd.s32 $0xFFFFD300  }
0x171: {  	[tilespmem:s18], [sflag:$0x1] =	stream.indirect.gather [hbm4b:s4+s17], $0x80, s3, s17, $0xb8;
	[tilespmem:$0x1EDC0] =	vst v63  }
0x172: {  	s28 =	simm.s32 $0x100  }
0x173: {  	[tilespmem:s19], [sflag:$0x2] =	stream.indirect.gather [hbm4b:s4+s17], $0x80, s28, s17, $0xb8;
	[tilespmem:$0x1EDC0] =	vst v63  }
0x174: {  	_ =	swait.ge [sflag:s20], $0x4000  }
0x175: {  	[sflag:s20] =	ssyncset.done $0x0  }
0x176: {  	s29 =	simm.s32 $0x80;
	[sflag:s20] =	ssyncadd.s32 $0xFFFFC000  }
0x177: {  	[spmem:s1] =	stream.indirect.scatter.add.f32 [tilespmem:s18], [sflag:$0x3], $0x80, s29, s17, $0xb8;
	[tilespmem:$0x1EDC0] =	vst v63  }
0x178: {  	_ =	swait.ge [sflag:s16], $0x4000  }
0x179: {  	[sflag:s16] =	ssyncset.done $0x0  }
0x17a: {  	s30 =	simm.s32 $0x200;
	[sflag:s16] =	ssyncadd.s32 $0xFFFFC000  }
0x17b: {  	[tilespmem:s18], [sflag:$0x1] =	stream.indirect.gather [hbm4b:s4+s17], $0x80, s30, s17, $0xb8;
	[tilespmem:$0x1EDC0] =	vst v63  }
0x17c: {  	_ =	swait.ge [sflag:s21], $0x4000  }
0x17d: {  	[sflag:s21] =	ssyncset.done $0x0  }
0x17e: {  	s31 =	simm.s32 $0x180;
	[sflag:s21] =	ssyncadd.s32 $0xFFFFC000  }
0x17f: {  	[spmem:s1] =	stream.indirect.scatter.add.f32 [tilespmem:s19], [sflag:$0x3], $0x80, s31, s17, $0xb8;
	[tilespmem:$0x1EDC0] =	vst v63  }
0x180: {  	_ =	swait.ge [sflag:s16], $0x4000  }
0x181: {  	s24 =	simm.s32 $0xFFFFD600;
	s25 =	simm.s32 $0xFFFF6000;
	[sflag:s16] =	ssyncset.done $0x0  }
.LBB2_9:
0x182: {  	s26 =	sadd.s32 $0x2D00, s24  }
0x183: {  	[sflag:s16] =	ssyncadd.s32 $0xFFFFC000;
	s28 =	smov.u32 s25;
	s29 =	sadd.s32 $0x800, s25  }
0x184: {  	[tilespmem:s19], [sflag:$0x2] =	stream.indirect.gather [hbm4b:s4+s17], $0x80, s26, s17, $0xb8;
	[tilespmem:$0x1EDC0] =	vst v63  }
0x185: {  	p2 =	sne.s32 s25, $0xFFFFF800;
	_ =	swait.ge [sflag:s20], $0x4000  }
0x186: {  	[sflag:s20] =	ssyncset.done $0x0  }
0x187: {  	s25 =	sadd.s32 $0x2C80, s24;
	[sflag:s20] =	ssyncadd.s32 $0xFFFFC000  }
0x188: {  	[spmem:s1] =	stream.indirect.scatter.add.f32 [tilespmem:s18], [sflag:$0x3], $0x80, s25, s17, $0xb8;
	[tilespmem:$0x1EDC0] =	vst v63  }
0x189: {  	_ =	swait.ge [sflag:s16], $0x4000  }
0x18a: {  	[sflag:s16] =	ssyncset.done $0x0  }
0x18b: {  	s25 =	sadd.s32 $0x2E00, s24;
	[sflag:s16] =	ssyncadd.s32 $0xFFFFC000  }
0x18c: {  	[tilespmem:s18], [sflag:$0x1] =	stream.indirect.gather [hbm4b:s4+s17], $0x80, s25, s17, $0xb8;
	[tilespmem:$0x1EDC0] =	vst v63  }
0x18d: {  	_ =	swait.ge [sflag:s21], $0x4000  }
.Ltmp8:
0x18e: {  	[sflag:s21] =	ssyncset.done $0x0;
	(pc) =	sbr.rel @p2 .LBB2_9-.Ltmp8, $4  }
0x18f: {  	s24 =	sadd.s32 $0x2D80, s24;
	[sflag:s21] =	ssyncadd.s32 $0xFFFFC000  }
0x190: {  	[spmem:s1] =	stream.indirect.scatter.add.f32 [tilespmem:s19], [sflag:$0x3], $0x80, s24, s17, $0xb8;
	[tilespmem:$0x1EDC0] =	vst v63  }
0x191: {  	_ =	swait.ge [sflag:s16], $0x4000  }
0x192: {  	s25 =	smov.u32 s29;
	s24 =	sshra.s32 s28, $0x2;
	[sflag:s16] =	ssyncset.done $0x0  }
.Ltmp9:
0x193: {  	_ = 	snop;
	(pc) =	sbr.rel .LBB2_10-.Ltmp9, $1  }
0x194: {  	_ =	sdelay $0x3  }
.LBB2_15:
0x195: {  	_ =	sfence.sel $0x180000  }
0x196: {  	[bflag:$0x0] =	sbarrier.arrive $0xFFFF  }
0x197: {  	_ =	strace $0x9000004D  }
0x198: {  	[bflag:$0x2] =	sbarrier.arrive $0xFFFF  }
0x199: {  	s0 =	rddreg [dreg:$0x2]  }
0x19a: {  	s0 =	sadd.s32 @!p1 $0x100000, s0  }
0x19b: {  	[sflag:s0] =	ssyncadd.tile.s32 @!p1 $0x1;
	_ =	shalt  }
.Lfunc_end2:
_tile_overlayer_lowered:
.L_overlay_start_2:
0x19c: {  	(tag) =	ssettag $0x2  }
0x19d: {  	s0 =	rddreg [dreg:$0x0];
	s2 =	stileid.u32  }
0x19e: {  	s1 =	rddreg [dreg:$0x1];
	p0 =	sne.s32 s2, $0x0  }
0x19f: {  	s3 =	rddreg [dreg:$0x2];
	[bflag:$0x3] =	sbarrier.arrive $0xFFFF;
	s2 =	simm.s32 @!p0 $0x1C03  }
0x1a0: {  	[timem:s3], [sflag:s2] =	dma.local @!p0 [hbm:s0], s1  }
0x1a1: {  	s0 =	simm.s32 @!p0 $0x3  }
0x1a2: {  	_ =	swait.ge @!p0 [sflag:s0], s1  }
0x1a3: {  	s1 =	ssub.s32 @!p0 $0x0, s1;
	[sflag:s0] =	ssyncset.done @!p0 $0x0  }
0x1a4: {  	[sflag:s0] =	ssyncadd.s32 @!p0 s1  }
0x1a5: {  	[bflag:$0x3] =	sbarrier.arrive $0xFFFF  }
0x1a6: {  	_ =	shalt  }

// kernel: kernel.8.cloned.1.call-start
scs
__scs_entry_jumppad:
0x0: {  	(pc) =	sbr.rel $0x88, $3  }
0x1: {  	(tag) =	ssettag $0x0;
	lr =	simm.s32 $0x1  }
0x2: {  	[smem:$0x3F8A] =	sst lr;
	_ =	strace $0xD0000000  }
0x3: {  	_ = 	snop  }
0x4: {  	_ = 	snop  }
0x5: {  	_ = 	snop  }
0x6: {  	_ = 	snop  }
0x7: {  	_ = 	snop  }
__scs_overlays_trampoline_lowered:
0x8: {  	[smem:$0x3F99] =	sst s0  }
0x9: {  	[smem:$0x3F9A] =	sst s1  }
0xa: {  	[smem:$0x3F9B] =	sst s2  }
0xb: {  	[smem:$0x3F9C] =	sst s3  }
0xc: {  	[smem:$0x3F9D] =	sst s4  }
0xd: {  	[smem:$0x3F9E] =	sst s5  }
0xe: {  	[smem:$0x3F9F] =	sst s6  }
0xf: {  	[smem:$0x3FA0] =	sst s7  }
0x10: {  	[smem:$0x3FA1] =	sst s8  }
0x11: {  	[smem:$0x3FA2] =	sst s9;
	s0 =	simm.s32 @!p0 $0x0  }
0x12: {  	s1 =	sld [smem:$0x3F88];
	s0 =	simm.s32 @p0 $0x1  }
0x13: {  	[smem:$0x3FA3] =	sst s0;
	s0 =	simm.s32 @!p1 $0x0  }
0x14: {  	s2 =	sld [smem:$0x3F87];
	s0 =	simm.s32 @p1 $0x1  }
0x15: {  	[smem:$0x3FA4] =	sst s0;
	s0 =	simm.s32 @!p2 $0x0  }
0x16: {  	s3 =	sld [smem:$0x3FDB];
	s0 =	simm.s32 @p2 $0x1  }
0x17: {  	s4 =	simm.s32 $0x1BF5;
	[smem:$0x3FA6] =	sst s0  }
0x18: {  	s0 =	sld [smem:$0x3F89];
	_ =	swait.ge [sflag:s4], $0x0  }
0x19: {  	s7 =	sld [smem:$0x3F8A]  }
0x1a: {  	s8 =	sadd.s32 $0xFFFFE003, lr  }
0x1b: {  	s9 =	sadd.s32 $0xFFFFFEF7, lr;
	s5 =	simm.s32 $0xFFFFFFFF;
	p2 =	slt.u32 s8, $0xFFFFF086  }
0x1c: {  	p1 =	slt.u32 s9, $0xF7A;
	s5 =	simm.s32 @!p2 $0x0  }
0x1d: {  	s5 =	simm.s32 @p1 $0x1;
	p0 =	seq.s32 s7, s2  }
0x1e: {  	s7 =	smul.u32 @!p0 $0xF7A, s2;
	p2 =	seq.s32 @!p0 s5, $0x0  }
0x1f: {  	s9 =	smul.u32 $0xF7A, s1;
	s8 =	simm.s32 @!p0 $0x1BF5;
	p2 =	por !p2, p0  }
0x20: {  	[sflag:s8] =	ssyncset.s32 @!p0 $0xFFFFF086;
	s6 =	sadd.s32 @!p0 s3, s7;
	s7 =	simm.s32 @!p0 $0x108  }
0x21: {  	s3 =	sadd.s32 s3, s9;
	s6 =	sadd.s32 @!p0 $0x88, s6;
	s7 =	simm.s32 @p2 $0x1082  }
0x22: {  	[simem:s7], [sflag:s8] =	dma.local @!p0 [hbm:s6], $0xF7A  }
0x23: {  	s9 =	sor.u32 $0xD0000000, s2;
	s6 =	simm.s32 $0x108;
	_ =	swait.ge @!p0 [sflag:s8], $0x0  }
0x24: {  	s3 =	sadd.s32 $0x88, s3;
	s6 =	simm.s32 @!p1 $0x1082;
	[sflag:s4] =	ssyncset.s32 $0xFFFFF086  }
0x25: {  	[simem:s6], [sflag:s4] =	dma.local [hbm:s3], $0xF7A  }
0x26: {  	[smem:$0x3F8A] =	sst s1;
	(tag) =	ssettag s2;
	_ =	strace s9  }
0x27: {  	s1 =	sld [smem:$0x3F9A]  }
0x28: {  	s2 =	sld [smem:$0x3F9B]  }
0x29: {  	s4 =	sld [smem:$0x3F9D]  }
0x2a: {  	p0 =	seq.s32 s5, $0x0;
	s5 =	sld [smem:$0x3F9E]  }
0x2b: {  	s6 =	sld [smem:$0x3F9F]  }
0x2c: {  	s7 =	sld [smem:$0x3FA0]  }
0x2d: {  	s3 =	simm.s32 $0x108;
	s8 =	sld [smem:$0x3FA1]  }
0x2e: {  	s3 =	simm.s32 @!p0 $0x1082;
	s9 =	sld [smem:$0x3FA2]  }
0x2f: {  	lr =	sadd.s32 s0, s3;
	s0 =	sld [smem:$0x3F99]  }
0x30: {  	s3 =	sld [smem:$0x3F9C]  }
0x31: {  	[smem:$0x3FA5] =	sst s10  }
0x32: {  	s10 =	sld [smem:$0x3FA3];
	_ =	sdelay $0x3  }
0x33: {  	p0 =	seq.s32 s10, $0x1;
	s10 =	sld [smem:$0x3FA5];
	_ =	sdelay $0x3  }
0x34: {  	[smem:$0x3FA5] =	sst s10  }
0x35: {  	s10 =	sld [smem:$0x3FA4];
	_ =	sdelay $0x3  }
0x36: {  	p1 =	seq.s32 s10, $0x1;
	s10 =	sld [smem:$0x3FA5];
	_ =	sdelay $0x3  }
0x37: {  	[smem:$0x3FA5] =	sst s10  }
0x38: {  	s10 =	sld [smem:$0x3FA6]  }
0x39: {  	_ = 	snop;
	(pc) =	sbr.ind lr, $3  }
0x3a: {  	_ = 	snop  }
0x3b: {  	_ = 	snop  }
0x3c: {  	p2 =	seq.s32 s10, $0x1;
	s10 =	sld [smem:$0x3FA5]  }
0x3d: {  	_ =	shalt  }
0x3e: {  	_ =	shalt  }
0x3f: {  	_ =	shalt  }
0x40: {  	_ =	shalt  }
0x41: {  	_ =	shalt  }
0x42: {  	_ =	shalt  }
0x43: {  	_ =	shalt  }
0x44: {  	_ =	shalt  }
0x45: {  	_ =	shalt  }
0x46: {  	_ =	shalt  }
0x47: {  	_ =	shalt  }
0x48: {  	_ =	shalt  }
0x49: {  	_ =	shalt  }
0x4a: {  	_ =	shalt  }
0x4b: {  	_ =	shalt  }
0x4c: {  	_ =	shalt  }
0x4d: {  	_ =	shalt  }
0x4e: {  	_ =	shalt  }
0x4f: {  	_ =	shalt  }
0x50: {  	_ =	shalt  }
0x51: {  	_ =	shalt  }
0x52: {  	_ =	shalt  }
0x53: {  	_ =	shalt  }
0x54: {  	_ =	shalt  }
0x55: {  	_ =	shalt  }
0x56: {  	_ =	shalt  }
0x57: {  	_ =	shalt  }
0x58: {  	_ =	shalt  }
0x59: {  	_ =	shalt  }
0x5a: {  	_ =	shalt  }
0x5b: {  	_ =	shalt  }
0x5c: {  	_ =	shalt  }
0x5d: {  	_ =	shalt  }
0x5e: {  	_ =	shalt  }
0x5f: {  	_ =	shalt  }
0x60: {  	_ =	shalt  }
0x61: {  	_ =	shalt  }
0x62: {  	_ =	shalt  }
0x63: {  	_ =	shalt  }
0x64: {  	_ =	shalt  }
0x65: {  	_ =	shalt  }
0x66: {  	_ =	shalt  }
0x67: {  	_ =	shalt  }
0x68: {  	_ =	shalt  }
0x69: {  	_ =	shalt  }
0x6a: {  	_ =	shalt  }
0x6b: {  	_ =	shalt  }
0x6c: {  	_ =	shalt  }
0x6d: {  	_ =	shalt  }
0x6e: {  	_ =	shalt  }
0x6f: {  	_ =	shalt  }
0x70: {  	_ =	shalt  }
0x71: {  	_ =	shalt  }
0x72: {  	_ =	shalt  }
0x73: {  	_ =	shalt  }
0x74: {  	_ =	shalt  }
0x75: {  	_ =	shalt  }
0x76: {  	_ =	shalt  }
0x77: {  	_ =	shalt  }
0x78: {  	_ =	shalt  }
0x79: {  	_ =	shalt  }
0x7a: {  	_ =	shalt  }
0x7b: {  	_ =	shalt  }
0x7c: {  	_ =	shalt  }
0x7d: {  	_ =	shalt  }
0x7e: {  	_ =	shalt  }
0x7f: {  	_ =	shalt  }
0x80: {  	_ =	shalt  }
0x81: {  	_ =	shalt  }
0x82: {  	_ =	shalt  }
0x83: {  	_ =	shalt  }
0x84: {  	_ =	shalt  }
0x85: {  	_ =	shalt  }
0x86: {  	_ =	shalt  }
0x87: {  	_ =	shalt  }
.Lfunc_end0:
.L_simem_size_0:
called_computation_lowered:
.L_overlay_start_0:
0x88: {  	s2 =	sld [smem:$0x3FD9]  }
0x89: {  	s3 =	sld [smem:$0x3FFE];
	_ =	sdelay $0x1  }
0x8a: {  	s1 =	srdreg.scid  }
0x8b: {  	s0 =	sand.u32 $0x1, s1  }
0x8c: {  	s17 =	sshll.u32 s0, $0xA;
	s2 =	sadd.s32 s3, s2  }
0x8d: {  	s2 =	sadd.s32 s2, s17  }
0x8e: {  	[smem:$0x3FB1] =	sst s2  }
0x8f: {  	_ = 	snop  }
0x90: {  	s2 =	sld [smem:$0x3FC9];
	(tm) =	ssettm $0x1  }
0x91: {  	s18 =	sld [smem:$0x3FFB];
	_ =	sdelay $0x3  }
0x92: {  	_ =	strace s18  }
0x93: {  	s3 =	sld [smem:$0x3FFC];
	_ =	sdelay $0x3  }
0x94: {  	_ =	strace s3  }
0x95: {  	s3 =	sld [smem:$0x3FFD];
	_ =	sdelay $0x3  }
0x96: {  	_ =	strace s3  }
0x97: {  	_ =	strace $0x8FFFFFFF  }
0x98: {  	s19 =	sld [smem:$0x3FDB];
	_ =	sdelay $0x1  }
0x99: {  	s4 =	simm.s32 $_scs_section_size  }
0x9a: {  	s5 =	simm.s32 $_size__tile_overlayer_lowered;
	s6 =	simm.s32 $_tile_overlayer_lowered  }
0x9b: {  	s22 =	simm.s32 $0x1BFF;
	s21 =	sshll.u32 s6, $0x1;
	s3 =	sadd.s32 s4, s19  }
0x9c: {  	s7 =	simm.s32 $0x0;
	s20 =	sshll.u32 s5, $0x1;
	s5 =	sadd.s32 s21, s3  }
0x9d: {  	[timem:s7], [sflag:s22] =	dma.local [hbm:s5], s20  }
0x9e: {  	_ =	swait.ge [sflag:s22], s20  }
0x9f: {  	s4 =	ssub.s32 $0x0, s20;
	[sflag:s22] =	ssyncset.done $0x0  }
0xa0: {  	[sflag:s22] =	ssyncadd.s32 s4;
	_ =	sdelay $0x1  }
0xa1: {  	s23 =	simm.s32 $0x1B8B  }
0xa2: {  	_ =	swait.ge [sflag:s23], $0x1  }
0xa3: {  	[sflag:s23] =	ssyncset.done $0x0  }
0xa4: {  	s25 =	simm.s32 $0x1B8E;
	s24 =	sld [smem:$0x3FFE];
	[sflag:s23] =	ssyncadd.s32 $0xFFFFFFFF  }
0xa5: {  	s26 =	simm.s32 $execute0_lowered;
	[smem:$0x3FD2] =	sst s25  }
0xa6: {  	s5 =	sshll.u32 s26, $0x1;
	_ =	strace $0x80000046;
	[dreg:$0x1] =	wrdreg $0xFFFFFFFF  }
0xa7: {  	s28 =	simm.s32 $_size_execute0_lowered;
	s3 =	sadd.s32 s3, s5;
	[dreg:$0x0] =	wrdreg $0x0  }
0xa8: {  	s5 =	sshll.u32 s28, $0x1;
	[dreg:$0x2] =	wrdreg s3  }
0xa9: {  	[dreg:$0x3] =	wrdreg s5  }
0xaa: {  	[dreg:$0x4] =	wrdreg $0xC0  }
0xab: {  	_ =	task [dreg:s7], $0x5FFFF  }
0xac: {  	[dreg:$0x1] =	wrdreg $0xFFFFFFFF  }
0xad: {  	[dreg:$0x0] =	wrdreg $0x60  }
0xae: {  	[dreg:$0x2] =	wrdreg s2  }
0xaf: {  	[dreg:$0x3] =	wrdreg s24  }
0xb0: {  	[dreg:$0x4] =	wrdreg $0xB5000  }
0xb1: {  	[dreg:$0x5] =	wrdreg $0x9  }
0xb2: {  	_ =	task.clear_ibuf [dreg:s7], $0x6FFFF;
	_ =	strace $0x90000046  }
0xb3: {  	s29 =	simm.s32 $0x9;
	_ =	strace $0x80000048  }
0xb4: {  	_ =	swait.ge [sflag:s29], $0x1  }
0xb5: {  	[sflag:s29] =	ssyncadd.s32 $0xFFFFFFFF  }
0xb6: {  	_ =	strace $0x90000048  }
0xb7: {  	_ =	sfence  }
0xb8: {  	s30 =	sld [smem:$0x0];
	_ =	sdelay $0x2  }
0xb9: {  	s31 =	sshll.u32 s1, $0xD;
	s1 =	sshrl.u32 s1, $0x2  }
0xba: {  	s3 =	sand.u32 $0x4000, s31;
	s1 =	sadd.s32 s1, s30  }
0xbb: {  	s0 =	sor.u32 s3, s0;
	s1 =	sshll.u32 s1, $0x11  }
0xbc: {  	s0 =	sor.u32 s1, s0  }
0xbd: {  	s0 =	sadd.s32 $0x8F2B, s0  }
0xbe: {  	[sflag:s0] =	ssyncadd.remote.s32 $0x1  }
0xbf: {  	_ =	sfence.sel $0xFFFF  }
0xc0: {  	[dreg:$0x0] =	wrdreg $0xFFFFFFFF;
	(pc) =	sbr.abs _section_cstart, $3  }
0xc1: {  	[dreg:$0x1] =	wrdreg $0xFFFFFFFF  }
0xc2: {  	_ =	task.clear_ibuf [dreg:s7], $0x2FFFF;
	_ =	strace $0x9FFFFFFF  }
0xc3: {  	(tm) =	ssettm $0x7FFFFFFF  }
tec
execute0_lowered:
.L_overlay_start_1:
0x0: {  	(tag) =	ssettag $0x1  }
0x1: {  	s1 =	rddreg [dreg:$0x0]  }
0x2: {  	s0 =	rddreg [dreg:$0x1]  }
0x3: {  	s2 =	stileid.u32;
	s3 =	rddreg [dreg:$0x2];
	s4 =	simm.s32 $0x0  }
0x4: {  	s29 =	srdreg.scid;
	s16 =	simm.s32 $0x3;
	s17 =	simm.s32 $0x80  }
0x5: {  	s18 =	simm.s32 $0x2D00;
	s19 =	simm.s32 $0x6D00;
	s5 =	smul.u32 $0x6C00, s2  }
0x6: {  	s20 =	simm.s32 $0x1;
	s21 =	simm.s32 $0x2;
	s6 =	smul.u32 $0x3100, s2  }
0x7: {  	s22 =	simm.s32 $0x2C80;
	s23 =	simm.s32 $0x0;
	s30 =	smul.u32 $0x4E000, s2  }
0x8: {  	[smem:$0x7FF] =	sst s4;
	s7 =	sand.u32 $0x1, s29;
	s10 =	smul.u32 $0x13800, s2  }
0x9: {  	p1 =	sne.s32 s2, $0x0;
	_ =	strace $0x80000047;
	s31 =	ssub.s32 $0x2, s7  }
0xa: {  	s12 =	smul.u32 $0x138800, s7;
	p0 =	seq.s32 s7, $0x1;
	s5 =	sshrl.u32 s5, $0x3  }
0xb: {  	s6 =	sshrl.u32 s6, $0x3;
	s8 =	sshrl.u32 s31, $0x1;
	s9 =	sadd.s32 s5, s0  }
0xc: {  	s11 =	sadd.s32 s6, s0;
	s0 =	sadd.s32 $0x18200, s0;
	s5 =	sshrl.u32 s30, $0x2  }
0xd: {  	s14 =	ssub.s32 s31, s8;
	s6 =	sadd.s32 $0x138000, s3;
	s13 =	sadd.s32 s10, s12  }
.Ltmp0:
0xe: {  	s15 =	sshrl.u32 s12, $0x3;
	s5 =	sadd.s32 s5, s3;
	(pc) =	sbr.rel .LBB2_1-.Ltmp0, $4  }
0xf: {  	s7 =	sadd.s32 $0xAA00, s9;
	s8 =	sadd.s32 $0xAFA0, s9;
	s9 =	sadd.s32 $0xB540, s9  }
0x10: {  	s10 =	sadd.s32 $0x4800, s11;
	s13 =	sshrl.u32 s13, $0x3;
	s11 =	sadd.s32 $0x4DA0, s11  }
0x11: {  	s14 =	smax.u32 s14, $0x1;
	s12 =	sadd.s32 s0, s13;
	s0 =	sadd.s32 s0, s15  }
0x12: {  	v0 =	vimm.f32 $0.0e+00;
	s15 =	simm.s32 $0xAD00;
	s13 =	sadd.s32 $0x27000, s0;
	s0 =	simm.s32 $0xD80  }
.LBB2_10:
0x13: {  	s25 =	sadd.s32 $0x2D00, s24;
	[sflag:s16] =	ssyncadd.s32 $0xFFFFC000  }
0x14: {  	[tilespmem:s19], [sflag:$0x2] =	stream.indirect.gather [hbm4b:s1+s17], $0x80, s25, s17, $0xb8;
	[tilespmem:$0x1EDC0] =	vst v63  }
0x15: {  	_ =	swait.ge [sflag:s20], $0x4000  }
0x16: {  	[sflag:s20] =	ssyncset.done $0x0  }
0x17: {  	s26 =	sadd.s32 $0x2C80, s24;
	[sflag:s20] =	ssyncadd.s32 $0xFFFFC000  }
0x18: {  	[spmem:s3] =	stream.indirect.scatter.add.f32 [tilespmem:s18], [sflag:$0x3], $0x80, s26, s17, $0xb8;
	[tilespmem:$0x1EDC0] =	vst v63  }
0x19: {  	_ =	swait.ge [sflag:s16], $0x4000  }
0x1a: {  	[sflag:s16] =	ssyncset.done $0x0  }
0x1b: {  	s26 =	sadd.s32 $0x2E00, s24;
	[sflag:s16] =	ssyncadd.s32 $0xFFFFC000  }
0x1c: {  	[tilespmem:s18], [sflag:$0x1] =	stream.indirect.gather [hbm4b:s1+s17], $0x80, s26, s17, $0xb8;
	[tilespmem:$0x1EDC0] =	vst v63  }
0x1d: {  	_ =	swait.ge [sflag:s21], $0x4000  }
0x1e: {  	[sflag:s21] =	ssyncset.done $0x0  }
0x1f: {  	s26 =	sadd.s32 $0x2D80, s24;
	[sflag:s21] =	ssyncadd.s32 $0xFFFFC000  }
0x20: {  	[spmem:s3] =	stream.indirect.scatter.add.f32 [tilespmem:s19], [sflag:$0x3], $0x80, s26, s17, $0xb8;
	[tilespmem:$0x1EDC0] =	vst v63  }
0x21: {  	_ =	swait.ge [sflag:s16], $0x4000  }
0x22: {  	[sflag:s16] =	ssyncset.done $0x0  }
0x23: {  	[sflag:s16] =	ssyncadd.s32 $0xFFFFC000  }
0x24: {  	_ =	swait.ge [sflag:s20], $0x4000  }
0x25: {  	[sflag:s20] =	ssyncset.done $0x0  }
0x26: {  	[sflag:s20] =	ssyncadd.s32 $0xFFFFC000  }
0x27: {  	[spmem:s3] =	stream.indirect.scatter.add.f32 [tilespmem:s18], [sflag:$0x3], $0x80, s22, s17, $0xb8;
	[tilespmem:$0x1EDC0] =	vst v63  }
0x28: {  	_ =	swait.ge [sflag:s16], $0x4000  }
0x29: {  	[sflag:s16] =	ssyncset.done $0x0  }
0x2a: {  	[sflag:s16] =	ssyncadd.s32 $0xFFFFC000  }
0x2b: {  	[tilespmem:s4], [sflag:$0x3] =	stream.linear.gather [hbm4b:s9+s4], $0x1200, $0x38;
	[tilespmem:$0x1EDC0] =	vst v63  }
0x2c: {  	_ =	swait.ge [sflag:s16], $0x1200  }
0x2d: {  	[sflag:s16] =	ssyncset.done $0x0  }
0x2e: {  	[sflag:s16] =	ssyncadd.s32 $0xFFFFEE00  }
0x2f: {  	[tilespmem:s18], [sflag:$0x1] =	stream.indirect.gather [hbm4b:s1+s17], $0x80, s4, s17, $0xb8;
	[tilespmem:$0x1EDC0] =	vst v63  }
0x30: {  	s25 =	simm.s32 $0x100  }
0x31: {  	[tilespmem:s19], [sflag:$0x2] =	stream.indirect.gather [hbm4b:s1+s17], $0x80, s25, s17, $0xb8;
	[tilespmem:$0x1EDC0] =	vst v63  }
0x32: {  	_ =	swait.ge [sflag:s20], $0x4000  }
0x33: {  	[sflag:s20] =	ssyncset.done $0x0  }
0x34: {  	[sflag:s20] =	ssyncadd.s32 $0xFFFFC000  }
0x35: {  	[spmem:s3] =	stream.indirect.scatter.add.f32 [tilespmem:s18], [sflag:$0x3], $0x80, s17, s17, $0xb8;
	[tilespmem:$0x1EDC0] =	vst v63  }
0x36: {  	_ =	swait.ge [sflag:s16], $0x4000  }
0x37: {  	[sflag:s16] =	ssyncset.done $0x0  }
0x38: {  	s26 =	simm.s32 $0x200;
	[sflag:s16] =	ssyncadd.s32 $0xFFFFC000  }
0x39: {  	[tilespmem:s18], [sflag:$0x1] =	stream.indirect.gather [hbm4b:s1+s17], $0x80, s26, s17, $0xb8;
	[tilespmem:$0x1EDC0] =	vst v63  }
0x3a: {  	_ =	swait.ge [sflag:s21], $0x4000  }
0x3b: {  	[sflag:s21] =	ssyncset.done $0x0  }
0x3c: {  	s25 =	simm.s32 $0x180;
	[sflag:s21] =	ssyncadd.s32 $0xFFFFC000  }
0x3d: {  	[spmem:s3] =	stream.indirect.scatter.add.f32 [tilespmem:s19], [sflag:$0x3], $0x80, s25, s17, $0xb8;
	[tilespmem:$0x1EDC0] =	vst v63  }
0x3e: {  	_ =	swait.ge [sflag:s16], $0x4000  }
0x3f: {  	[sflag:s16] =	ssyncset.done $0x0  }
0x40: {  	s26 =	simm.s32 $0x300;
	[sflag:s16] =	ssyncadd.s32 $0xFFFFC000  }
0x41: {  	[tilespmem:s19], [sflag:$0x2] =	stream.indirect.gather [hbm4b:s1+s17], $0x80, s26, s17, $0xb8;
	[tilespmem:$0x1EDC0] =	vst v63  }
0x42: {  	_ =	swait.ge [sflag:s20], $0x4000  }
0x43: {  	[sflag:s20] =	ssyncset.done $0x0  }
0x44: {  	s25 =	simm.s32 $0x280;
	[sflag:s20] =	ssyncadd.s32 $0xFFFFC000  }
0x45: {  	[spmem:s3] =	stream.indirect.scatter.add.f32 [tilespmem:s18], [sflag:$0x3], $0x80, s25, s17, $0xb8;
	[tilespmem:$0x1EDC0] =	vst v63  }
0x46: {  	_ =	swait.ge [sflag:s16], $0x4000  }
0x47: {  	[sflag:s16] =	ssyncset.done $0x0  }
0x48: {  	s26 =	simm.s32 $0x400;
	[sflag:s16] =	ssyncadd.s32 $0xFFFFC000  }
0x49: {  	[tilespmem:s18], [sflag:$0x1] =	stream.indirect.gather [hbm4b:s1+s17], $0x80, s26, s17, $0xb8;
	[tilespmem:$0x1EDC0] =	vst v63  }
0x4a: {  	_ =	swait.ge [sflag:s21], $0x4000  }
0x4b: {  	[sflag:s21] =	ssyncset.done $0x0  }
0x4c: {  	s25 =	simm.s32 $0x380;
	[sflag:s21] =	ssyncadd.s32 $0xFFFFC000  }
0x4d: {  	[spmem:s3] =	stream.indirect.scatter.add.f32 [tilespmem:s19], [sflag:$0x3], $0x80, s25, s17, $0xb8;
	[tilespmem:$0x1EDC0] =	vst v63  }
0x4e: {  	_ =	swait.ge [sflag:s16], $0x4000  }
0x4f: {  	[sflag:s16] =	ssyncset.done $0x0  }
0x50: {  	s26 =	simm.s32 $0x500;
	[sflag:s16] =	ssyncadd.s32 $0xFFFFC000  }
0x51: {  	[tilespmem:s19], [sflag:$0x2] =	stream.indirect.gather [hbm4b:s1+s17], $0x80, s26, s17, $0xb8;
	[tilespmem:$0x1EDC0] =	vst v63  }
0x52: {  	_ =	swait.ge [sflag:s20], $0x4000  }
0x53: {  	[sflag:s20] =	ssyncset.done $0x0  }
0x54: {  	s25 =	simm.s32 $0x480;
	[sflag:s20] =	ssyncadd.s32 $0xFFFFC000  }
0x55: {  	[spmem:s3] =	stream.indirect.scatter.add.f32 [tilespmem:s18], [sflag:$0x3], $0x80, s25, s17, $0xb8;
	[tilespmem:$0x1EDC0] =	vst v63  }
0x56: {  	_ =	swait.ge [sflag:s16], $0x4000  }
0x57: {  	[sflag:s16] =	ssyncset.done $0x0  }
0x58: {  	s26 =	simm.s32 $0x600;
	[sflag:s16] =	ssyncadd.s32 $0xFFFFC000  }
0x59: {  	[tilespmem:s18], [sflag:$0x1] =	stream.indirect.gather [hbm4b:s1+s17], $0x80, s26, s17, $0xb8;
	[tilespmem:$0x1EDC0] =	vst v63  }
0x5a: {  	_ =	swait.ge [sflag:s21], $0x4000  }
0x5b: {  	[sflag:s21] =	ssyncset.done $0x0  }
0x5c: {  	s25 =	simm.s32 $0x580;
	[sflag:s21] =	ssyncadd.s32 $0xFFFFC000  }
0x5d: {  	[spmem:s3] =	stream.indirect.scatter.add.f32 [tilespmem:s19], [sflag:$0x3], $0x80, s25, s17, $0xb8;
	[tilespmem:$0x1EDC0] =	vst v63  }
0x5e: {  	_ =	swait.ge [sflag:s16], $0x4000  }
0x5f: {  	[sflag:s16] =	ssyncset.done $0x0  }
0x60: {  	s26 =	simm.s32 $0x700;
	[sflag:s16] =	ssyncadd.s32 $0xFFFFC000  }
0x61: {  	[tilespmem:s19], [sflag:$0x2] =	stream.indirect.gather [hbm4b:s1+s17], $0x80, s26, s17, $0xb8;
	[tilespmem:$0x1EDC0] =	vst v63  }
0x62: {  	_ =	swait.ge [sflag:s20], $0x4000  }
0x63: {  	[sflag:s20] =	ssyncset.done $0x0  }
0x64: {  	s25 =	simm.s32 $0x680;
	[sflag:s20] =	ssyncadd.s32 $0xFFFFC000  }
0x65: {  	[spmem:s3] =	stream.indirect.scatter.add.f32 [tilespmem:s18], [sflag:$0x3], $0x80, s25, s17, $0xb8;
	[tilespmem:$0x1EDC0] =	vst v63  }
0x66: {  	_ =	swait.ge [sflag:s16], $0x4000  }
0x67: {  	[sflag:s16] =	ssyncset.done $0x0  }
0x68: {  	s26 =	simm.s32 $0x800;
	[sflag:s16] =	ssyncadd.s32 $0xFFFFC000  }
0x69: {  	[tilespmem:s18], [sflag:$0x1] =	stream.indirect.gather [hbm4b:s1+s17], $0x80, s26, s17, $0xb8;
	[tilespmem:$0x1EDC0] =	vst v63  }
0x6a: {  	_ =	swait.ge [sflag:s21], $0x4000  }
0x6b: {  	[sflag:s21] =	ssyncset.done $0x0  }
0x6c: {  	s25 =	simm.s32 $0x780;
	[sflag:s21] =	ssyncadd.s32 $0xFFFFC000  }
0x6d: {  	[spmem:s3] =	stream.indirect.scatter.add.f32 [tilespmem:s19], [sflag:$0x3], $0x80, s25, s17, $0xb8;
	[tilespmem:$0x1EDC0] =	vst v63  }
0x6e: {  	_ =	swait.ge [sflag:s16], $0x4000  }
0x6f: {  	[sflag:s16] =	ssyncset.done $0x0  }
0x70: {  	s26 =	simm.s32 $0x900;
	[sflag:s16] =	ssyncadd.s32 $0xFFFFC000  }
0x71: {  	[tilespmem:s19], [sflag:$0x2] =	stream.indirect.gather [hbm4b:s1+s17], $0x80, s26, s17, $0xb8;
	[tilespmem:$0x1EDC0] =	vst v63  }
0x72: {  	_ =	swait.ge [sflag:s20], $0x4000  }
0x73: {  	[sflag:s20] =	ssyncset.done $0x0  }
0x74: {  	s25 =	simm.s32 $0x880;
	[sflag:s20] =	ssyncadd.s32 $0xFFFFC000  }
0x75: {  	[spmem:s3] =	stream.indirect.scatter.add.f32 [tilespmem:s18], [sflag:$0x3], $0x80, s25, s17, $0xb8;
	[tilespmem:$0x1EDC0] =	vst v63  }
0x76: {  	_ =	swait.ge [sflag:s16], $0x4000  }
0x77: {  	[sflag:s16] =	ssyncset.done $0x0  }
0x78: {  	s26 =	simm.s32 $0xA00;
	[sflag:s16] =	ssyncadd.s32 $0xFFFFC000  }
0x79: {  	[tilespmem:s18], [sflag:$0x1] =	stream.indirect.gather [hbm4b:s1+s17], $0x80, s26, s17, $0xb8;
	[tilespmem:$0x1EDC0] =	vst v63  }
0x7a: {  	_ =	swait.ge [sflag:s21], $0x4000  }
0x7b: {  	[sflag:s21] =	ssyncset.done $0x0  }
0x7c: {  	s25 =	simm.s32 $0x980;
	[sflag:s21] =	ssyncadd.s32 $0xFFFFC000  }
0x7d: {  	[spmem:s3] =	stream.indirect.scatter.add.f32 [tilespmem:s19], [sflag:$0x3], $0x80, s25, s17, $0xb8;
	[tilespmem:$0x1EDC0] =	vst v63  }
0x7e: {  	_ =	swait.ge [sflag:s16], $0x4000  }
0x7f: {  	[sflag:s16] =	ssyncset.done $0x0  }
0x80: {  	s26 =	simm.s32 $0xB00;
	[sflag:s16] =	ssyncadd.s32 $0xFFFFC000  }
0x81: {  	[tilespmem:s19], [sflag:$0x2] =	stream.indirect.gather [hbm4b:s1+s17], $0x80, s26, s17, $0xb8;
	[tilespmem:$0x1EDC0] =	vst v63  }
0x82: {  	_ =	swait.ge [sflag:s20], $0x4000  }
0x83: {  	[sflag:s20] =	ssyncset.done $0x0  }
0x84: {  	s25 =	simm.s32 $0xA80;
	[sflag:s20] =	ssyncadd.s32 $0xFFFFC000  }
0x85: {  	[spmem:s3] =	stream.indirect.scatter.add.f32 [tilespmem:s18], [sflag:$0x3], $0x80, s25, s17, $0xb8;
	[tilespmem:$0x1EDC0] =	vst v63  }
0x86: {  	_ =	swait.ge [sflag:s16], $0x4000  }
0x87: {  	[sflag:s16] =	ssyncset.done $0x0  }
0x88: {  	s26 =	simm.s32 $0xC00;
	[sflag:s16] =	ssyncadd.s32 $0xFFFFC000  }
0x89: {  	[tilespmem:s18], [sflag:$0x1] =	stream.indirect.gather [hbm4b:s1+s17], $0x80, s26, s17, $0xb8;
	[tilespmem:$0x1EDC0] =	vst v63  }
0x8a: {  	_ =	swait.ge [sflag:s21], $0x4000  }
0x8b: {  	[sflag:s21] =	ssyncset.done $0x0  }
0x8c: {  	s25 =	simm.s32 $0xB80;
	[sflag:s21] =	ssyncadd.s32 $0xFFFFC000  }
0x8d: {  	[spmem:s3] =	stream.indirect.scatter.add.f32 [tilespmem:s19], [sflag:$0x3], $0x80, s25, s17, $0xb8;
	[tilespmem:$0x1EDC0] =	vst v63  }
0x8e: {  	_ =	swait.ge [sflag:s16], $0x4000  }
0x8f: {  	[sflag:s16] =	ssyncset.done $0x0  }
0x90: {  	s26 =	simm.s32 $0xD00;
	[sflag:s16] =	ssyncadd.s32 $0xFFFFC000  }
0x91: {  	[tilespmem:s19], [sflag:$0x2] =	stream.indirect.gather [hbm4b:s1+s17], $0x80, s26, s17, $0xb8;
	[tilespmem:$0x1EDC0] =	vst v63  }
0x92: {  	_ =	swait.ge [sflag:s20], $0x4000  }
0x93: {  	[sflag:s20] =	ssyncset.done $0x0  }
0x94: {  	s25 =	simm.s32 $0xC80;
	[sflag:s20] =	ssyncadd.s32 $0xFFFFC000  }
0x95: {  	[spmem:s3] =	stream.indirect.scatter.add.f32 [tilespmem:s18], [sflag:$0x3], $0x80, s25, s17, $0xb8;
	[tilespmem:$0x1EDC0] =	vst v63  }
0x96: {  	_ =	swait.ge [sflag:s16], $0x4000  }
0x97: {  	[sflag:s16] =	ssyncset.done $0x0  }
0x98: {  	s26 =	simm.s32 $0xE00;
	[sflag:s16] =	ssyncadd.s32 $0xFFFFC000  }
0x99: {  	[tilespmem:s18], [sflag:$0x1] =	stream.indirect.gather [hbm4b:s1+s17], $0x80, s26, s17, $0xb8;
	[tilespmem:$0x1EDC0] =	vst v63  }
0x9a: {  	_ =	swait.ge [sflag:s21], $0x4000  }
0x9b: {  	[sflag:s21] =	ssyncset.done $0x0  }
0x9c: {  	s29 =	simm.s32 $0xF80;
	[sflag:s21] =	ssyncadd.s32 $0xFFFFC000  }
0x9d: {  	[spmem:s3] =	stream.indirect.scatter.add.f32 [tilespmem:s19], [sflag:$0x3], $0x80, s0, s17, $0xb8;
	[tilespmem:$0x1EDC0] =	vst v63  }
0x9e: {  	s30 =	simm.s32 $0x1000;
	s28 =	simm.s32 $0xE80;
	_ =	swait.ge [sflag:s16], $0x4000  }
0x9f: {  	s31 =	simm.s32 $0xF00;
	s24 =	simm.s32 $0x1180;
	[sflag:s16] =	ssyncset.done $0x0  }
0xa0: {  	s25 =	simm.s32 $0x1080;
	s26 =	simm.s32 $0x1100;
	[sflag:s16] =	ssyncadd.s32 $0xFFFFC000  }
.LBB2_14:
0xa1: {  	[tilespmem:s19], [sflag:$0x2] =	stream.indirect.gather [hbm4b:s1+s17], $0x80, s31, s17, $0xb8;
	[tilespmem:$0x1EDC0] =	vst v63  }
0xa2: {  	_ =	swait.ge [sflag:s20], $0x4000  }
0xa3: {  	[sflag:s20] =	ssyncset.done $0x0  }
0xa4: {  	[sflag:s20] =	ssyncadd.s32 $0xFFFFC000  }
0xa5: {  	[spmem:s3] =	stream.indirect.scatter.add.f32 [tilespmem:s18], [sflag:$0x3], $0x80, s28, s17, $0xb8;
	[tilespmem:$0x1EDC0] =	vst v63  }
0xa6: {  	_ =	swait.ge [sflag:s16], $0x4000  }
0xa7: {  	[sflag:s16] =	ssyncset.done $0x0  }
0xa8: {  	[sflag:s16] =	ssyncadd.s32 $0xFFFFC000  }
0xa9: {  	[tilespmem:s18], [sflag:$0x1] =	stream.indirect.gather [hbm4b:s1+s17], $0x80, s30, s17, $0xb8;
	[tilespmem:$0x1EDC0] =	vst v63  }
0xaa: {  	_ =	swait.ge [sflag:s21], $0x4000  }
0xab: {  	[sflag:s21] =	ssyncset.done $0x0  }
0xac: {  	[sflag:s21] =	ssyncadd.s32 $0xFFFFC000  }
0xad: {  	[spmem:s3] =	stream.indirect.scatter.add.f32 [tilespmem:s19], [sflag:$0x3], $0x80, s29, s17, $0xb8;
	[tilespmem:$0x1EDC0] =	vst v63  }
0xae: {  	_ =	swait.ge [sflag:s16], $0x4000  }
0xaf: {  	[sflag:s16] =	ssyncset.done $0x0  }
0xb0: {  	[sflag:s16] =	ssyncadd.s32 $0xFFFFC000  }
0xb1: {  	[tilespmem:s19], [sflag:$0x2] =	stream.indirect.gather [hbm4b:s1+s17], $0x80, s26, s17, $0xb8;
	[tilespmem:$0x1EDC0] =	vst v63  }
0xb2: {  	_ =	swait.ge [sflag:s20], $0x4000  }
0xb3: {  	[sflag:s20] =	ssyncset.done $0x0  }
0xb4: {  	[sflag:s20] =	ssyncadd.s32 $0xFFFFC000  }
0xb5: {  	[spmem:s3] =	stream.indirect.scatter.add.f32 [tilespmem:s18], [sflag:$0x3], $0x80, s25, s17, $0xb8;
	[tilespmem:$0x1EDC0] =	vst v63  }
0xb6: {  	_ =	swait.ge [sflag:s16], $0x4000  }
0xb7: {  	[sflag:s16] =	ssyncset.done $0x0  }
0xb8: {  	[sflag:s16] =	ssyncadd.s32 $0xFFFFC000  }
0xb9: {  	_ =	swait.ge [sflag:s21], $0x4000  }
0xba: {  	[sflag:s21] =	ssyncset.done $0x0  }
0xbb: {  	[sflag:s21] =	ssyncadd.s32 $0xFFFFC000  }
0xbc: {  	[spmem:s3] =	stream.indirect.scatter.add.f32 [tilespmem:s19], [sflag:$0x3], $0x80, s24, s17, $0xb8;
	[tilespmem:$0x1EDC0] =	vst v63  }
0xbd: {  	_ =	swait.ge [sflag:s16], $0x4000  }
0xbe: {  	[sflag:s16] =	ssyncset.done $0x0  }
0xbf: {  	s30 =	sshll.u32 s2, $0x6;
	[sflag:s16] =	ssyncadd.s32 $0xFFFFC000  }
0xc0: {  	s31 =	sshrl.u32 s5, $0x3;
	s24 =	sor.u32 $0x1C03, s30;
	[bflag:$0x0] =	sbarrier.arrive $0xFFFF  }
0xc1: {  	[hbm:s12], [sflag:s24] =	dma.local [spmem:s31], $0x2700  }
0xc2: {  	_ =	swait.ge [sflag:s16], $0x2700  }
0xc3: {  	s23 =	sadd.s32 $0x1, s23;
	[sflag:s16] =	ssyncset.done $0x0  }
0xc4: {  	p2 =	sne.s32 s23, s14;
	s25 =	sshrl.u32 @!p1 s6, $0x3;
	[sflag:s16] =	ssyncadd.s32 $0xFFFFD900  }
0xc5: {  	[hbm:s13], [sflag:s24] =	dma.local @!p1 [spmem:s25], $0x100  }
.Ltmp1:
0xc6: {  	_ = 	snop;
	(pc) =	sbr.rel @!p2 .LBB2_15-.Ltmp1, $4  }
0xc7: {  	s24 =	simm.s32 @!p1 $0x3  }
0xc8: {  	_ =	swait.ge @!p1 [sflag:s24], $0x100  }
0xc9: {  	[sflag:s24] =	ssyncset.done @!p1 $0x0  }
0xca: {  	[sflag:s24] =	ssyncadd.s32 @!p1 $0xFFFFFF00  }
.LBB2_1:
0xcb: {  	s24 =	simm.s32 $0x0;
	s25 =	simm.s32 $0x200  }
.LBB2_2:
0xcc: {  	p2 =	sne.s32 s25, $0x1E00;
	[tilespmem:s24+$0xAD70] =	vst v0  }
0xcd: {  	[tilespmem:s24+$0xAD00] =	vst v0  }
0xce: {  	[tilespmem:s24+$0xAD10] =	vst v0  }
.Ltmp2:
0xcf: {  	[tilespmem:s24+$0xAD20] =	vst v0;
	(pc) =	sbr.rel @p2 .LBB2_2-.Ltmp2, $4  }
0xd0: {  	[tilespmem:s24+$0xAD30] =	vst v0  }
0xd1: {  	[tilespmem:s24+$0xAD40] =	vst v0  }
0xd2: {  	[tilespmem:s24+$0xAD50] =	vst v0  }
0xd3: {  	[tilespmem:s24+$0xAD60] =	vst v0;
	s24 =	sshra.s32 s25, $0x2;
	s25 =	sadd.s32 $0x200, s25  }
0xd4: {  	[tilespmem:s24+$0xAD70] =	vst v0  }
0xd5: {  	[tilespmem:s24+$0xAD00] =	vst v0  }
0xd6: {  	[tilespmem:s24+$0xAD10] =	vst v0  }
0xd7: {  	[tilespmem:s24+$0xAD20] =	vst v0  }
0xd8: {  	[tilespmem:s24+$0xAD30] =	vst v0  }
0xd9: {  	[tilespmem:s24+$0xAD40] =	vst v0  }
0xda: {  	[tilespmem:s24+$0xAD50] =	vst v0  }
0xdb: {  	[tilespmem:s24+$0xAD60] =	vst v0;
	s31 =	sadd.s32 $0x0, s5  }
0xdc: {  	[spmem:s31] =	stream.linear.scatter [tilespmem:s15], [sflag:$0x3], $0x800, $0x38;
	[tilespmem:$0x1EDC0] =	vst v63  }
0xdd: {  	s24 =	simm.s32 $0x2000;
	_ =	swait.ge [sflag:s16], $0x800  }
.LBB2_4:
0xde: {  	s25 =	sshra.s32 s24, $0x2;
	[sflag:s16] =	ssyncset.done $0x0;
	p2 =	sne.s32 s24, $0x4C000  }
.Ltmp3:
0xdf: {  	s25 =	sadd.s32 s25, s5;
	[sflag:s16] =	ssyncadd.s32 $0xFFFFF800;
	(pc) =	sbr.rel @p2 .LBB2_4-.Ltmp3, $3  }
0xe0: {  	[spmem:s25] =	stream.linear.scatter [tilespmem:s15], [sflag:$0x3], $0x800, $0x38;
	[tilespmem:$0x1EDC0] =	vst v63  }
0xe1: {  	s24 =	sadd.s32 $0x2000, s24;
	_ =	sdelay $0x1  }
0xe2: {  	_ =	swait.ge [sflag:s16], $0x800  }
0xe3: {  	[sflag:s16] =	ssyncset.done $0x0  }
0xe4: {  	s24 =	simm.s32 @!p1 $0xAD00;
	[sflag:s16] =	ssyncadd.s32 $0xFFFFF800  }
0xe5: {  	[spmem:s6] =	stream.linear.scatter @!p1 [tilespmem:s24], [sflag:$0x3], $0x800, $0x38;
	[tilespmem:$0x1EDC0] =	vst v63  }
0xe6: {  	s24 =	simm.s32 @!p1 $0x3  }
.Ltmp4:
0xe7: {  	_ =	swait.ge @!p1 [sflag:s24], $0x800;
	(pc) =	sbr.rel @!p0 .LBB2_6-.Ltmp4, $3  }
0xe8: {  	[sflag:s24] =	ssyncset.done @!p1 $0x0  }
0xe9: {  	[sflag:s24] =	ssyncadd.s32 @!p1 $0xFFFFF800  }
0xea: {  	[bflag:$0x0] =	sbarrier.arrive $0xFFFF;
	_ =	sdelay $0x1  }
0xeb: {  	[tilespmem:s4], [sflag:$0x3] =	stream.linear.gather [hbm4b:s10+s4], $0x2D00, $0x38;
	[tilespmem:$0x1EDC0] =	vst v63  }
0xec: {  	_ =	swait.ge [sflag:s16], $0x2D00  }
0xed: {  	[sflag:s16] =	ssyncset.done $0x0  }
0xee: {  	[sflag:s16] =	ssyncadd.s32 $0xFFFFD300  }
0xef: {  	[tilespmem:s18], [sflag:$0x1] =	stream.indirect.gather [hbm4b:s1+s17], $0x80, s4, s17, $0xb8;
	[tilespmem:$0x1EDC0] =	vst v63  }
0xf0: {  	s24 =	simm.s32 $0x100  }
0xf1: {  	[tilespmem:s19], [sflag:$0x2] =	stream.indirect.gather [hbm4b:s1+s17], $0x80, s24, s17, $0xb8;
	[tilespmem:$0x1EDC0] =	vst v63  }
0xf2: {  	_ =	swait.ge [sflag:s20], $0x4000  }
0xf3: {  	[sflag:s20] =	ssyncset.done $0x0  }
0xf4: {  	s29 =	simm.s32 $0x80;
	[sflag:s20] =	ssyncadd.s32 $0xFFFFC000  }
0xf5: {  	[spmem:s3] =	stream.indirect.scatter.add.f32 [tilespmem:s18], [sflag:$0x3], $0x80, s29, s17, $0xb8;
	[tilespmem:$0x1EDC0] =	vst v63  }
0xf6: {  	_ =	swait.ge [sflag:s16], $0x4000  }
0xf7: {  	[sflag:s16] =	ssyncset.done $0x0  }
0xf8: {  	s30 =	simm.s32 $0x200;
	[sflag:s16] =	ssyncadd.s32 $0xFFFFC000  }
0xf9: {  	[tilespmem:s18], [sflag:$0x1] =	stream.indirect.gather [hbm4b:s1+s17], $0x80, s30, s17, $0xb8;
	[tilespmem:$0x1EDC0] =	vst v63  }
0xfa: {  	_ =	swait.ge [sflag:s21], $0x4000  }
0xfb: {  	[sflag:s21] =	ssyncset.done $0x0  }
0xfc: {  	s31 =	simm.s32 $0x180;
	[sflag:s21] =	ssyncadd.s32 $0xFFFFC000  }
0xfd: {  	[spmem:s3] =	stream.indirect.scatter.add.f32 [tilespmem:s19], [sflag:$0x3], $0x80, s31, s17, $0xb8;
	[tilespmem:$0x1EDC0] =	vst v63  }
0xfe: {  	_ =	swait.ge [sflag:s16], $0x4000  }
0xff: {  	s25 =	simm.s32 $0xFFFF6000;
	s24 =	simm.s32 $0xFFFFD600;
	[sflag:s16] =	ssyncset.done $0x0  }
.LBB2_12:
0x100: {  	s26 =	sadd.s32 $0x2D00, s24  }
0x101: {  	[sflag:s16] =	ssyncadd.s32 $0xFFFFC000;
	s28 =	smov.u32 s25;
	s29 =	sadd.s32 $0x800, s25  }
0x102: {  	[tilespmem:s19], [sflag:$0x2] =	stream.indirect.gather [hbm4b:s1+s17], $0x80, s26, s17, $0xb8;
	[tilespmem:$0x1EDC0] =	vst v63  }
0x103: {  	p2 =	sne.s32 s25, $0xFFFFF800;
	_ =	swait.ge [sflag:s20], $0x4000  }
0x104: {  	[sflag:s20] =	ssyncset.done $0x0  }
0x105: {  	s25 =	sadd.s32 $0x2C80, s24;
	[sflag:s20] =	ssyncadd.s32 $0xFFFFC000  }
0x106: {  	[spmem:s3] =	stream.indirect.scatter.add.f32 [tilespmem:s18], [sflag:$0x3], $0x80, s25, s17, $0xb8;
	[tilespmem:$0x1EDC0] =	vst v63  }
0x107: {  	_ =	swait.ge [sflag:s16], $0x4000  }
0x108: {  	[sflag:s16] =	ssyncset.done $0x0  }
0x109: {  	s25 =	sadd.s32 $0x2E00, s24;
	[sflag:s16] =	ssyncadd.s32 $0xFFFFC000  }
0x10a: {  	[tilespmem:s18], [sflag:$0x1] =	stream.indirect.gather [hbm4b:s1+s17], $0x80, s25, s17, $0xb8;
	[tilespmem:$0x1EDC0] =	vst v63  }
0x10b: {  	_ =	swait.ge [sflag:s21], $0x4000  }
.Ltmp5:
0x10c: {  	[sflag:s21] =	ssyncset.done $0x0;
	(pc) =	sbr.rel @p2 .LBB2_12-.Ltmp5, $4  }
0x10d: {  	s24 =	sadd.s32 $0x2D80, s24;
	[sflag:s21] =	ssyncadd.s32 $0xFFFFC000  }
0x10e: {  	[spmem:s3] =	stream.indirect.scatter.add.f32 [tilespmem:s19], [sflag:$0x3], $0x80, s24, s17, $0xb8;
	[tilespmem:$0x1EDC0] =	vst v63  }
0x10f: {  	_ =	swait.ge [sflag:s16], $0x4000  }
0x110: {  	s25 =	smov.u32 s29;
	s24 =	sshra.s32 s28, $0x2;
	[sflag:s16] =	ssyncset.done $0x0  }
0x111: {  	s25 =	sadd.s32 $0x2D00, s24;
	[sflag:s16] =	ssyncadd.s32 $0xFFFFC000  }
0x112: {  	[tilespmem:s19], [sflag:$0x2] =	stream.indirect.gather [hbm4b:s1+s17], $0x80, s25, s17, $0xb8;
	[tilespmem:$0x1EDC0] =	vst v63  }
0x113: {  	_ =	swait.ge [sflag:s20], $0x4000  }
0x114: {  	[sflag:s20] =	ssyncset.done $0x0  }
0x115: {  	s26 =	sadd.s32 $0x2C80, s24;
	[sflag:s20] =	ssyncadd.s32 $0xFFFFC000  }
0x116: {  	[spmem:s3] =	stream.indirect.scatter.add.f32 [tilespmem:s18], [sflag:$0x3], $0x80, s26, s17, $0xb8;
	[tilespmem:$0x1EDC0] =	vst v63  }
0x117: {  	_ =	swait.ge [sflag:s16], $0x4000  }
0x118: {  	[sflag:s16] =	ssyncset.done $0x0  }
0x119: {  	s26 =	sadd.s32 $0x2E00, s24;
	[sflag:s16] =	ssyncadd.s32 $0xFFFFC000  }
0x11a: {  	[tilespmem:s18], [sflag:$0x1] =	stream.indirect.gather [hbm4b:s1+s17], $0x80, s26, s17, $0xb8;
	[tilespmem:$0x1EDC0] =	vst v63  }
0x11b: {  	_ =	swait.ge [sflag:s21], $0x4000  }
0x11c: {  	[sflag:s21] =	ssyncset.done $0x0  }
0x11d: {  	s26 =	sadd.s32 $0x2D80, s24;
	[sflag:s21] =	ssyncadd.s32 $0xFFFFC000  }
0x11e: {  	[spmem:s3] =	stream.indirect.scatter.add.f32 [tilespmem:s19], [sflag:$0x3], $0x80, s26, s17, $0xb8;
	[tilespmem:$0x1EDC0] =	vst v63  }
0x11f: {  	_ =	swait.ge [sflag:s16], $0x4000  }
0x120: {  	[sflag:s16] =	ssyncset.done $0x0  }
0x121: {  	[sflag:s16] =	ssyncadd.s32 $0xFFFFC000  }
0x122: {  	_ =	swait.ge [sflag:s20], $0x4000  }
0x123: {  	[sflag:s20] =	ssyncset.done $0x0  }
0x124: {  	s28 =	simm.s32 $0x80;
	[sflag:s20] =	ssyncadd.s32 $0xFFFFC000  }
0x125: {  	[spmem:s3] =	stream.indirect.scatter.add.f32 [tilespmem:s18], [sflag:$0x3], $0x80, s22, s28, $0xb8;
	[tilespmem:$0x1EDC0] =	vst v63  }
0x126: {  	_ =	swait.ge [sflag:s16], $0x4000  }
0x127: {  	[sflag:s16] =	ssyncset.done $0x0  }
0x128: {  	[sflag:s16] =	ssyncadd.s32 $0xFFFFC000  }
0x129: {  	[tilespmem:s4], [sflag:$0x3] =	stream.linear.gather [hbm4b:s11+s4], $0x400, $0x38;
	[tilespmem:$0x1EDC0] =	vst v63  }
.Ltmp6:
0x12a: {  	_ = 	snop;
	(pc) =	sbr.rel .LBB2_14-.Ltmp6, $4  }
0x12b: {  	s29 =	simm.s32 $0x180;
	s30 =	simm.s32 $0x200;
	_ =	swait.ge [sflag:s16], $0x400  }
0x12c: {  	s31 =	simm.s32 $0x100;
	s25 =	simm.s32 $0x280;
	[sflag:s16] =	ssyncset.done $0x0  }
0x12d: {  	s24 =	simm.s32 $0x380;
	s26 =	simm.s32 $0x300;
	[sflag:s16] =	ssyncadd.s32 $0xFFFFFC00  }
0x12e: {  	[tilespmem:s18], [sflag:$0x1] =	stream.indirect.gather [hbm4b:s1+s28], $0x80, s4, s28, $0xb8;
	[tilespmem:$0x1EDC0] =	vst v63  }
.LBB2_6:
0x12f: {  	[tilespmem:s4], [sflag:$0x3] =	stream.linear.gather [hbm4b:s7+s4], $0x2D00, $0x38;
	[tilespmem:$0x1EDC0] =	vst v63  }
0x130: {  	_ =	swait.ge [sflag:s16], $0x2D00  }
0x131: {  	[sflag:s16] =	ssyncset.done $0x0  }
0x132: {  	[sflag:s16] =	ssyncadd.s32 $0xFFFFD300  }
0x133: {  	[tilespmem:s18], [sflag:$0x1] =	stream.indirect.gather [hbm4b:s1+s17], $0x80, s4, s17, $0xb8;
	[tilespmem:$0x1EDC0] =	vst v63  }
0x134: {  	s24 =	simm.s32 $0x100  }
0x135: {  	[tilespmem:s19], [sflag:$0x2] =	stream.indirect.gather [hbm4b:s1+s17], $0x80, s24, s17, $0xb8;
	[tilespmem:$0x1EDC0] =	vst v63  }
0x136: {  	_ =	swait.ge [sflag:s20], $0x4000  }
0x137: {  	[sflag:s20] =	ssyncset.done $0x0  }
0x138: {  	s29 =	simm.s32 $0x80;
	[sflag:s20] =	ssyncadd.s32 $0xFFFFC000  }
0x139: {  	[spmem:s3] =	stream.indirect.scatter.add.f32 [tilespmem:s18], [sflag:$0x3], $0x80, s29, s17, $0xb8;
	[tilespmem:$0x1EDC0] =	vst v63  }
0x13a: {  	_ =	swait.ge [sflag:s16], $0x4000  }
0x13b: {  	[sflag:s16] =	ssyncset.done $0x0  }
0x13c: {  	s30 =	simm.s32 $0x200;
	[sflag:s16] =	ssyncadd.s32 $0xFFFFC000  }
0x13d: {  	[tilespmem:s18], [sflag:$0x1] =	stream.indirect.gather [hbm4b:s1+s17], $0x80, s30, s17, $0xb8;
	[tilespmem:$0x1EDC0] =	vst v63  }
0x13e: {  	_ =	swait.ge [sflag:s21], $0x4000  }
0x13f: {  	[sflag:s21] =	ssyncset.done $0x0  }
0x140: {  	s31 =	simm.s32 $0x180;
	[sflag:s21] =	ssyncadd.s32 $0xFFFFC000  }
0x141: {  	[spmem:s3] =	stream.indirect.scatter.add.f32 [tilespmem:s19], [sflag:$0x3], $0x80, s31, s17, $0xb8;
	[tilespmem:$0x1EDC0] =	vst v63  }
0x142: {  	_ =	swait.ge [sflag:s16], $0x4000  }
0x143: {  	s25 =	simm.s32 $0xFFFF6000;
	s24 =	simm.s32 $0xFFFFD600;
	[sflag:s16] =	ssyncset.done $0x0  }
.LBB2_7:
0x144: {  	s26 =	sadd.s32 $0x2D00, s24  }
0x145: {  	[sflag:s16] =	ssyncadd.s32 $0xFFFFC000;
	s28 =	smov.u32 s25;
	s29 =	sadd.s32 $0x800, s25  }
0x146: {  	[tilespmem:s19], [sflag:$0x2] =	stream.indirect.gather [hbm4b:s1+s17], $0x80, s26, s17, $0xb8;
	[tilespmem:$0x1EDC0] =	vst v63  }
0x147: {  	p2 =	sne.s32 s25, $0xFFFFF800;
	_ =	swait.ge [sflag:s20], $0x4000  }
0x148: {  	[sflag:s20] =	ssyncset.done $0x0  }
0x149: {  	s25 =	sadd.s32 $0x2C80, s24;
	[sflag:s20] =	ssyncadd.s32 $0xFFFFC000  }
0x14a: {  	[spmem:s3] =	stream.indirect.scatter.add.f32 [tilespmem:s18], [sflag:$0x3], $0x80, s25, s17, $0xb8;
	[tilespmem:$0x1EDC0] =	vst v63  }
0x14b: {  	_ =	swait.ge [sflag:s16], $0x4000  }
0x14c: {  	[sflag:s16] =	ssyncset.done $0x0  }
0x14d: {  	s25 =	sadd.s32 $0x2E00, s24;
	[sflag:s16] =	ssyncadd.s32 $0xFFFFC000  }
0x14e: {  	[tilespmem:s18], [sflag:$0x1] =	stream.indirect.gather [hbm4b:s1+s17], $0x80, s25, s17, $0xb8;
	[tilespmem:$0x1EDC0] =	vst v63  }
0x14f: {  	_ =	swait.ge [sflag:s21], $0x4000  }
.Ltmp7:
0x150: {  	[sflag:s21] =	ssyncset.done $0x0;
	(pc) =	sbr.rel @p2 .LBB2_7-.Ltmp7, $4  }
0x151: {  	s24 =	sadd.s32 $0x2D80, s24;
	[sflag:s21] =	ssyncadd.s32 $0xFFFFC000  }
0x152: {  	[spmem:s3] =	stream.indirect.scatter.add.f32 [tilespmem:s19], [sflag:$0x3], $0x80, s24, s17, $0xb8;
	[tilespmem:$0x1EDC0] =	vst v63  }
0x153: {  	_ =	swait.ge [sflag:s16], $0x4000  }
0x154: {  	s25 =	smov.u32 s29;
	s24 =	sshra.s32 s28, $0x2;
	[sflag:s16] =	ssyncset.done $0x0  }
0x155: {  	s25 =	sadd.s32 $0x2D00, s24;
	[sflag:s16] =	ssyncadd.s32 $0xFFFFC000  }
0x156: {  	[tilespmem:s19], [sflag:$0x2] =	stream.indirect.gather [hbm4b:s1+s17], $0x80, s25, s17, $0xb8;
	[tilespmem:$0x1EDC0] =	vst v63  }
0x157: {  	_ =	swait.ge [sflag:s20], $0x4000  }
0x158: {  	[sflag:s20] =	ssyncset.done $0x0  }
0x159: {  	s30 =	sadd.s32 $0x2C80, s24;
	[sflag:s20] =	ssyncadd.s32 $0xFFFFC000  }
0x15a: {  	[spmem:s3] =	stream.indirect.scatter.add.f32 [tilespmem:s18], [sflag:$0x3], $0x80, s30, s17, $0xb8;
	[tilespmem:$0x1EDC0] =	vst v63  }
0x15b: {  	_ =	swait.ge [sflag:s16], $0x4000  }
0x15c: {  	[sflag:s16] =	ssyncset.done $0x0  }
0x15d: {  	s31 =	sadd.s32 $0x2E00, s24;
	[sflag:s16] =	ssyncadd.s32 $0xFFFFC000  }
0x15e: {  	[tilespmem:s18], [sflag:$0x1] =	stream.indirect.gather [hbm4b:s1+s17], $0x80, s31, s17, $0xb8;
	[tilespmem:$0x1EDC0] =	vst v63  }
0x15f: {  	_ =	swait.ge [sflag:s21], $0x4000  }
0x160: {  	[sflag:s21] =	ssyncset.done $0x0  }
0x161: {  	s26 =	sadd.s32 $0x2D80, s24;
	[sflag:s21] =	ssyncadd.s32 $0xFFFFC000  }
0x162: {  	[spmem:s3] =	stream.indirect.scatter.add.f32 [tilespmem:s19], [sflag:$0x3], $0x80, s26, s17, $0xb8;
	[tilespmem:$0x1EDC0] =	vst v63  }
0x163: {  	_ =	swait.ge [sflag:s16], $0x4000  }
0x164: {  	[sflag:s16] =	ssyncset.done $0x0  }
0x165: {  	[sflag:s16] =	ssyncadd.s32 $0xFFFFC000  }
0x166: {  	_ =	swait.ge [sflag:s20], $0x4000  }
0x167: {  	[sflag:s20] =	ssyncset.done $0x0  }
0x168: {  	[sflag:s20] =	ssyncadd.s32 $0xFFFFC000  }
0x169: {  	[spmem:s3] =	stream.indirect.scatter.add.f32 [tilespmem:s18], [sflag:$0x3], $0x80, s22, s17, $0xb8;
	[tilespmem:$0x1EDC0] =	vst v63  }
0x16a: {  	_ =	swait.ge [sflag:s16], $0x4000  }
0x16b: {  	[sflag:s16] =	ssyncset.done $0x0  }
0x16c: {  	[sflag:s16] =	ssyncadd.s32 $0xFFFFC000  }
0x16d: {  	[tilespmem:s4], [sflag:$0x3] =	stream.linear.gather [hbm4b:s8+s4], $0x2D00, $0x38;
	[tilespmem:$0x1EDC0] =	vst v63  }
0x16e: {  	_ =	swait.ge [sflag:s16], $0x2D00  }
0x16f: {  	[sflag:s16] =	ssyncset.done $0x0  }
0x170: {  	[sflag:s16] =	ssyncadd.s32 $0xFFFFD300  }
0x171: {  	[tilespmem:s18], [sflag:$0x1] =	stream.indirect.gather [hbm4b:s1+s17], $0x80, s4, s17, $0xb8;
	[tilespmem:$0x1EDC0] =	vst v63  }
0x172: {  	s28 =	simm.s32 $0x100  }
0x173: {  	[tilespmem:s19], [sflag:$0x2] =	stream.indirect.gather [hbm4b:s1+s17], $0x80, s28, s17, $0xb8;
	[tilespmem:$0x1EDC0] =	vst v63  }
0x174: {  	_ =	swait.ge [sflag:s20], $0x4000  }
0x175: {  	[sflag:s20] =	ssyncset.done $0x0  }
0x176: {  	s29 =	simm.s32 $0x80;
	[sflag:s20] =	ssyncadd.s32 $0xFFFFC000  }
0x177: {  	[spmem:s3] =	stream.indirect.scatter.add.f32 [tilespmem:s18], [sflag:$0x3], $0x80, s29, s17, $0xb8;
	[tilespmem:$0x1EDC0] =	vst v63  }
0x178: {  	_ =	swait.ge [sflag:s16], $0x4000  }
0x179: {  	[sflag:s16] =	ssyncset.done $0x0  }
0x17a: {  	s30 =	simm.s32 $0x200;
	[sflag:s16] =	ssyncadd.s32 $0xFFFFC000  }
0x17b: {  	[tilespmem:s18], [sflag:$0x1] =	stream.indirect.gather [hbm4b:s1+s17], $0x80, s30, s17, $0xb8;
	[tilespmem:$0x1EDC0] =	vst v63  }
0x17c: {  	_ =	swait.ge [sflag:s21], $0x4000  }
0x17d: {  	[sflag:s21] =	ssyncset.done $0x0  }
0x17e: {  	s31 =	simm.s32 $0x180;
	[sflag:s21] =	ssyncadd.s32 $0xFFFFC000  }
0x17f: {  	[spmem:s3] =	stream.indirect.scatter.add.f32 [tilespmem:s19], [sflag:$0x3], $0x80, s31, s17, $0xb8;
	[tilespmem:$0x1EDC0] =	vst v63  }
0x180: {  	_ =	swait.ge [sflag:s16], $0x4000  }
0x181: {  	s24 =	simm.s32 $0xFFFFD600;
	s25 =	simm.s32 $0xFFFF6000;
	[sflag:s16] =	ssyncset.done $0x0  }
.LBB2_9:
0x182: {  	s26 =	sadd.s32 $0x2D00, s24  }
0x183: {  	[sflag:s16] =	ssyncadd.s32 $0xFFFFC000;
	s28 =	smov.u32 s25;
	s29 =	sadd.s32 $0x800, s25  }
0x184: {  	[tilespmem:s19], [sflag:$0x2] =	stream.indirect.gather [hbm4b:s1+s17], $0x80, s26, s17, $0xb8;
	[tilespmem:$0x1EDC0] =	vst v63  }
0x185: {  	p2 =	sne.s32 s25, $0xFFFFF800;
	_ =	swait.ge [sflag:s20], $0x4000  }
0x186: {  	[sflag:s20] =	ssyncset.done $0x0  }
0x187: {  	s25 =	sadd.s32 $0x2C80, s24;
	[sflag:s20] =	ssyncadd.s32 $0xFFFFC000  }
0x188: {  	[spmem:s3] =	stream.indirect.scatter.add.f32 [tilespmem:s18], [sflag:$0x3], $0x80, s25, s17, $0xb8;
	[tilespmem:$0x1EDC0] =	vst v63  }
0x189: {  	_ =	swait.ge [sflag:s16], $0x4000  }
0x18a: {  	[sflag:s16] =	ssyncset.done $0x0  }
0x18b: {  	s25 =	sadd.s32 $0x2E00, s24;
	[sflag:s16] =	ssyncadd.s32 $0xFFFFC000  }
0x18c: {  	[tilespmem:s18], [sflag:$0x1] =	stream.indirect.gather [hbm4b:s1+s17], $0x80, s25, s17, $0xb8;
	[tilespmem:$0x1EDC0] =	vst v63  }
0x18d: {  	_ =	swait.ge [sflag:s21], $0x4000  }
.Ltmp8:
0x18e: {  	[sflag:s21] =	ssyncset.done $0x0;
	(pc) =	sbr.rel @p2 .LBB2_9-.Ltmp8, $4  }
0x18f: {  	s24 =	sadd.s32 $0x2D80, s24;
	[sflag:s21] =	ssyncadd.s32 $0xFFFFC000  }
0x190: {  	[spmem:s3] =	stream.indirect.scatter.add.f32 [tilespmem:s19], [sflag:$0x3], $0x80, s24, s17, $0xb8;
	[tilespmem:$0x1EDC0] =	vst v63  }
0x191: {  	_ =	swait.ge [sflag:s16], $0x4000  }
0x192: {  	s25 =	smov.u32 s29;
	s24 =	sshra.s32 s28, $0x2;
	[sflag:s16] =	ssyncset.done $0x0  }
.Ltmp9:
0x193: {  	_ = 	snop;
	(pc) =	sbr.rel .LBB2_10-.Ltmp9, $1  }
0x194: {  	_ =	sdelay $0x3  }
.LBB2_15:
0x195: {  	_ =	sfence.sel $0x180000  }
0x196: {  	[bflag:$0x0] =	sbarrier.arrive $0xFFFF  }
0x197: {  	_ =	strace $0x90000047  }
0x198: {  	[bflag:$0x2] =	sbarrier.arrive $0xFFFF  }
0x199: {  	s0 =	rddreg [dreg:$0x3]  }
0x19a: {  	s0 =	sadd.s32 @!p1 $0x100000, s0  }
0x19b: {  	[sflag:s0] =	ssyncadd.tile.s32 @!p1 $0x1;
	_ =	shalt  }
.Lfunc_end2:
_tile_overlayer_lowered:
.L_overlay_start_2:
0x19c: {  	(tag) =	ssettag $0x2  }
0x19d: {  	s0 =	rddreg [dreg:$0x0];
	s2 =	stileid.u32  }
0x19e: {  	s1 =	rddreg [dreg:$0x1];
	p0 =	sne.s32 s2, $0x0  }
0x19f: {  	s3 =	rddreg [dreg:$0x2];
	[bflag:$0x3] =	sbarrier.arrive $0xFFFF;
	s2 =	simm.s32 @!p0 $0x1C03  }
0x1a0: {  	[timem:s3], [sflag:s2] =	dma.local @!p0 [hbm:s0], s1  }
0x1a1: {  	s0 =	simm.s32 @!p0 $0x3  }
0x1a2: {  	_ =	swait.ge @!p0 [sflag:s0], s1  }
0x1a3: {  	s1 =	ssub.s32 @!p0 $0x0, s1;
	[sflag:s0] =	ssyncset.done @!p0 $0x0  }
0x1a4: {  	[sflag:s0] =	ssyncadd.s32 @!p0 s1  }
0x1a5: {  	[bflag:$0x3] =	sbarrier.arrive $0xFFFF  }
0x1a6: {  	_ =	shalt  }

</sc_bundles>
